<compile_context>
chip_gen: v7x
topology: tpu7x:2x2x1
jax: 0.10.2.dev20260603
libtpu: 0.0.44.dev20260713+nightly
codegen_flags: <defaults>
</compile_context>

<pallas_src>
import functools
import math

import jax
import jax.numpy as jnp
from jax import lax
from jax.experimental import pallas as pl
from jax.experimental.pallas import tpu as pltpu
from jax.experimental.pallas import tpu_sc as plsc

LANES = 16

_info = plsc.get_sparse_core_info()
NUM_CORES = _info.num_cores
NUM_SUBCORES = _info.num_subcores
NUM_WORKERS = NUM_CORES * NUM_SUBCORES

CH = 128
NR = 4
PF = 2
NW = 2


def _make_lookup(N, V, D):
    assert N % (NUM_WORKERS * CH) == 0
    per_w = N // NUM_WORKERS
    steps = per_w // CH
    assert steps % NR == 0 and steps >= NR
    scale = math.sqrt(D)
    n_vec = D // LANES
    mesh = plsc.VectorSubcoreMesh(core_axis_name="c", subcore_axis_name="s")

    @functools.partial(
        pl.kernel,
        mesh=mesh,
        compiler_params=pltpu.CompilerParams(
            use_tc_tiling_on_sc=True, needs_layout_passes=False
        ),
        out_type=jax.ShapeDtypeStruct((N // 2, 2 * D), jnp.float32),
        scratch_types=[
            [pltpu.VMEM((CH,), jnp.int32) for _ in range(NR)],
            [pltpu.VMEM((CH,), jnp.int32) for _ in range(NR)],
            [pltpu.VMEM((CH,), jnp.int32) for _ in range(NR)],
            [pltpu.VMEM((CH, 2 * D), jnp.float32) for _ in range(NR)],
            [pltpu.VMEM((CH // 2, 2 * D), jnp.float32) for _ in range(NW)],
            [pltpu.SemaphoreType.DMA for _ in range(NR)],
            [pltpu.SemaphoreType.DMA for _ in range(NW)],
        ],
    )
    def lookup(idx_hbm, lut2_hbm, out_hbm, idxs, hidxs, sels, rows, blks,
               gsem, osem):
        wid = lax.axis_index("s") * NUM_CORES + lax.axis_index("c")
        base = wid * per_w
        iota = lax.iota(jnp.int32, LANES)
        zero = iota * 0

        def stage_idx(k, r):
            pltpu.sync_copy(idx_hbm.at[pl.ds(base + k * CH, CH)], idxs[r])
            for t in range(CH // LANES):
                sl = pl.ds(t * LANES, LANES)
                v = idxs[r][sl]
                hidxs[r][sl] = lax.shift_right_logical(v, 1)
                sels[r][sl] = (v & 1) * D

        def gather_copy(r):
            return pltpu.make_async_copy(lut2_hbm.at[hidxs[r]], rows[r], gsem[r])

        def out_copy(k, c):
            return pltpu.make_async_copy(
                blks[c],
                out_hbm.at[pl.ds(pl.multiple_of((base + k * CH) // 2, 8), CH // 2)],
                osem[c],
            )

        for k0 in range(PF):
            stage_idx(k0, k0)
            gather_copy(k0).start()

        def step(k, r, c, can_pref, need_wait):
            pr = (r + PF) % NR

            @pl.when(can_pref)
            def _():
                stage_idx(k + PF, pr)
                gather_copy(pr).start()

            gather_copy(r).wait()

            @pl.when(need_wait)
            def _():
                out_copy(k - NW, c).wait()

            rb = rows[r]
            sb = sels[r]
            bb = blks[c]

            @plsc.parallel_loop(0, CH // 2, step=1, unroll=4)
            def _(p):
                for ii in range(2):
                    q = 2 * p + ii
                    qv = zero + q
                    off = plsc.load_gather(sb, [qv])
                    for t in range(n_vec):
                        v = plsc.load_gather(rb, [qv, off + (t * LANES + iota)])
                        bb[p, pl.ds(ii * D + t * LANES, LANES)] = v * scale

            out_copy(k, c).start()

        def group_body(g, carry):
            for j in range(NR):
                k = NR * g + j
                can_pref = (g < steps // NR - 1) if j >= NR - PF else jnp.bool_(True)
                need_wait = (g > 0) if j < NW else jnp.bool_(True)
                step(k, j, j % NW, can_pref, need_wait)
            return carry

        lax.fori_loop(0, steps // NR, group_body, 0)
        out_copy(steps - 2, 0).wait()
        out_copy(steps - 1, 1).wait()

    return lookup


def kernel(x, lut):
    B, S = x.shape
    V, D = lut.shape
    idx = x.T.reshape(-1).astype(jnp.int32)
    lut2 = lut.reshape(V // 2, 2 * D)
    out2 = _make_lookup(B * S, V, D)(idx, lut2)
    return out2.reshape(S, B, D).transpose(1, 0, 2)

# --- scband reference (transcript-rebuilt; emitter-appended) ---
"""Pipeline reference for scband-embeddings-62792421868002 (READ-ONLY COPY).

The authoritative reference and input builder live on the scoring server;
editing this copy changes nothing except your own understanding.
"""

import jax, jax.numpy as jnp
import numpy as np
import math

D_MODEL = 64
VOCAB = 1000000

def setup_inputs(seed: int = 0) -> dict:
    key = jax.random.key(seed)
    k1, k2 = jax.random.split(key)
    x = jax.random.randint(k1, (4096, 200), 0, VOCAB, dtype=jnp.int64 if jax.config.jax_enable_x64 else jnp.int32)
    lut = jax.random.normal(k2, (VOCAB, D_MODEL), dtype=jnp.float32)
    return {"x": x, "lut": lut}

def reference(x, lut):
    # Embedding lookup (gather) scaled by sqrt(d_model)
    emb = jnp.take(lut, x, axis=0)  # [B, S, d_model]
    return emb * math.sqrt(D_MODEL)

if __name__ == "__main__":
    import jax
    _d = setup_inputs()
    print(jax.jit(kernel)(*tuple(_d.values())))

</pallas_src>

<mosaic_0001>
#map = affine_map<(d0, d1) -> (0)>
#map1 = affine_map<(d0, d1) -> (0, 0)>
module attributes {stable_mosaic.version = 14 : i64} {
  func.func @lookup(%arg0: i32, %arg1: i32, %arg2: memref<819200xi32, #tpu.memory_space<hbm>>, %arg3: memref<500000x128xf32, #tpu.memory_space<hbm>>, %arg4: memref<409600x128xf32, #tpu.memory_space<hbm>>, %arg5: memref<128xi32, #tpu.memory_space<vmem>>, %arg6: memref<128xi32, #tpu.memory_space<vmem>>, %arg7: memref<128xi32, #tpu.memory_space<vmem>>, %arg8: memref<128xi32, #tpu.memory_space<vmem>>, %arg9: memref<128xi32, #tpu.memory_space<vmem>>, %arg10: memref<128xi32, #tpu.memory_space<vmem>>, %arg11: memref<128xi32, #tpu.memory_space<vmem>>, %arg12: memref<128xi32, #tpu.memory_space<vmem>>, %arg13: memref<128xi32, #tpu.memory_space<vmem>>, %arg14: memref<128xi32, #tpu.memory_space<vmem>>, %arg15: memref<128xi32, #tpu.memory_space<vmem>>, %arg16: memref<128xi32, #tpu.memory_space<vmem>>, %arg17: memref<128x128xf32, #tpu.memory_space<vmem>>, %arg18: memref<128x128xf32, #tpu.memory_space<vmem>>, %arg19: memref<128x128xf32, #tpu.memory_space<vmem>>, %arg20: memref<128x128xf32, #tpu.memory_space<vmem>>, %arg21: memref<64x128xf32, #tpu.memory_space<vmem>>, %arg22: memref<64x128xf32, #tpu.memory_space<vmem>>, %arg23: memref<!tpu.dma_semaphore, #tpu.memory_space<semaphore_mem>>, %arg24: memref<!tpu.dma_semaphore, #tpu.memory_space<semaphore_mem>>, %arg25: memref<!tpu.dma_semaphore, #tpu.memory_space<semaphore_mem>>, %arg26: memref<!tpu.dma_semaphore, #tpu.memory_space<semaphore_mem>>, %arg27: memref<!tpu.dma_semaphore, #tpu.memory_space<semaphore_mem>>, %arg28: memref<!tpu.dma_semaphore, #tpu.memory_space<semaphore_mem>>) attributes {dimension_semantics = [#tpu.dimension_semantics<core_parallel>, #tpu.dimension_semantics<subcore_parallel>], iteration_bounds = array<i64: 2, 16>, scalar_prefetch = 0 : i64, scratch_operands = 24 : i64, tpu.core_type = #tpu.core_type<sc_vector_subcore>, window_params = [{transform_indices = #map}, {transform_indices = #map1}, {transform_indices = #map1}]} {
    %mul3A = arith.constant 2 : i32
    %mul3A_0 = arith.muli %arg1, %mul3A : i32
    %add3A = arith.addi %mul3A_0, %arg0 : i32
    %mul3A_1 = arith.constant 25600 : i32
    %mul3A_2 = arith.muli %add3A, %mul3A_1 : i32
    %iota3A = tpu.iota {dimensions = array<i32: 0>} : vector<16xi32>
    %mul3A_3 = arith.constant 0 : i32
    %mul3A_4 = vector.broadcast %mul3A_3 : i32 to vector<16xi32>
    %mul3A_5 = arith.muli %iota3A, %mul3A_4 : vector<16xi32>
    %add3A_6 = arith.constant 0 : i32
    %add3A_7 = arith.addi %mul3A_2, %add3A_6 : i32
    "tpu.region"() ({
      %run_scoped3A = tpu.sem_alloc : memref<!tpu.dma_semaphore, #tpu.memory_space<semaphore_mem>>
      %dma_start3A_309 = tpu.memref_slice %arg2[%add3A_7] : memref<819200xi32, #tpu.memory_space<hbm>> -> memref<128xi32, #tpu.memory_space<hbm>>
      %dma_start3A_310 = tpu.memref_slice %arg2[%add3A_7] : memref<819200xi32, #tpu.memory_space<hbm>> -> memref<128xi32, #tpu.memory_space<hbm>>
      tpu.enqueue_dma source(%dma_start3A_310 : memref<128xi32, #tpu.memory_space<hbm>>) target(%arg5 : memref<128xi32, #tpu.memory_space<vmem>>) target_semaphore(%run_scoped3A : memref<!tpu.dma_semaphore, #tpu.memory_space<semaphore_mem>>)
      %dma_wait3A_311 = tpu.memref_slice %arg2[%add3A_7] : memref<819200xi32, #tpu.memory_space<hbm>> -> memref<128xi32, #tpu.memory_space<hbm>>
      %dma_wait3A_312 = tpu.memref_slice %arg2[%add3A_7] : memref<819200xi32, #tpu.memory_space<hbm>> -> memref<128xi32, #tpu.memory_space<hbm>>
      tpu.wait_dma2 semaphore(%run_scoped3A : memref<!tpu.dma_semaphore, #tpu.memory_space<semaphore_mem>>) src(%dma_wait3A_312 : memref<128xi32, #tpu.memory_space<hbm>>) dst(%arg5 : memref<128xi32, #tpu.memory_space<vmem>>)
      tpu.yield
    }) : () -> ()
    %get3A = arith.constant 0 : index
    %get3A_8 = tpu.vector_load %arg5[%get3A] {strides = array<i32>} : memref<128xi32, #tpu.memory_space<vmem>>, vector<16xi32>,
    %shift_right_logical3A = arith.constant 1 : i32
    %shift_right_logical3A_9 = vector.broadcast %shift_right_logical3A : i32 to vector<16xi32>
    %shift_right_logical3A_10 = arith.shrui %get3A_8, %shift_right_logical3A_9 : vector<16xi32>
    %swap3A = arith.constant 0 : index
    %swap3A_11 = tpu.vector_load %arg9[%swap3A] {strides = array<i32>} : memref<128xi32, #tpu.memory_space<vmem>>, vector<16xi32>,
    tpu.vector_store %arg9[%swap3A], %shift_right_logical3A_10 {strides = array<i32>} : memref<128xi32, #tpu.memory_space<vmem>>, vector<16xi32>,
    %and3A = arith.constant 1 : i32
    %and3A_12 = vector.broadcast %and3A : i32 to vector<16xi32>
    %and3A_13 = arith.andi %get3A_8, %and3A_12 : vector<16xi32>
    %mul3A_14 = arith.constant 64 : i32
    %mul3A_15 = vector.broadcast %mul3A_14 : i32 to vector<16xi32>
    %mul3A_16 = arith.muli %and3A_13, %mul3A_15 : vector<16xi32>
    %swap3A_17 = arith.constant 0 : index
    %swap3A_18 = tpu.vector_load %arg13[%swap3A_17] {strides = array<i32>} : memref<128xi32, #tpu.memory_space<vmem>>, vector<16xi32>,
    tpu.vector_store %arg13[%swap3A_17], %mul3A_16 {strides = array<i32>} : memref<128xi32, #tpu.memory_space<vmem>>, vector<16xi32>,
    %get3A_19 = arith.constant 16 : index
    %get3A_20 = tpu.vector_load %arg5[%get3A_19] {strides = array<i32>} : memref<128xi32, #tpu.memory_space<vmem>>, vector<16xi32>,
    %shift_right_logical3A_21 = arith.constant 1 : i32
    %shift_right_logical3A_22 = vector.broadcast %shift_right_logical3A_21 : i32 to vector<16xi32>
    %shift_right_logical3A_23 = arith.shrui %get3A_20, %shift_right_logical3A_22 : vector<16xi32>
    %swap3A_24 = arith.constant 16 : index
    %swap3A_25 = tpu.vector_load %arg9[%swap3A_24] {strides = array<i32>} : memref<128xi32, #tpu.memory_space<vmem>>, vector<16xi32>,
    tpu.vector_store %arg9[%swap3A_24], %shift_right_logical3A_23 {strides = array<i32>} : memref<128xi32, #tpu.memory_space<vmem>>, vector<16xi32>,
    %and3A_26 = arith.constant 1 : i32
    %and3A_27 = vector.broadcast %and3A_26 : i32 to vector<16xi32>
    %and3A_28 = arith.andi %get3A_20, %and3A_27 : vector<16xi32>
    %mul3A_29 = arith.constant 64 : i32
    %mul3A_30 = vector.broadcast %mul3A_29 : i32 to vector<16xi32>
    %mul3A_31 = arith.muli %and3A_28, %mul3A_30 : vector<16xi32>
    %swap3A_32 = arith.constant 16 : index
    %swap3A_33 = tpu.vector_load %arg13[%swap3A_32] {strides = array<i32>} : memref<128xi32, #tpu.memory_space<vmem>>, vector<16xi32>,
    tpu.vector_store %arg13[%swap3A_32], %mul3A_31 {strides = array<i32>} : memref<128xi32, #tpu.memory_space<vmem>>, vector<16xi32>,
    %get3A_34 = arith.constant 32 : index
    %get3A_35 = tpu.vector_load %arg5[%get3A_34] {strides = array<i32>} : memref<128xi32, #tpu.memory_space<vmem>>, vector<16xi32>,
    %shift_right_logical3A_36 = arith.constant 1 : i32
    %shift_right_logical3A_37 = vector.broadcast %shift_right_logical3A_36 : i32 to vector<16xi32>
    %shift_right_logical3A_38 = arith.shrui %get3A_35, %shift_right_logical3A_37 : vector<16xi32>
    %swap3A_39 = arith.constant 32 : index
    %swap3A_40 = tpu.vector_load %arg9[%swap3A_39] {strides = array<i32>} : memref<128xi32, #tpu.memory_space<vmem>>, vector<16xi32>,
    tpu.vector_store %arg9[%swap3A_39], %shift_right_logical3A_38 {strides = array<i32>} : memref<128xi32, #tpu.memory_space<vmem>>, vector<16xi32>,
    %and3A_41 = arith.constant 1 : i32
    %and3A_42 = vector.broadcast %and3A_41 : i32 to vector<16xi32>
    %and3A_43 = arith.andi %get3A_35, %and3A_42 : vector<16xi32>
    %mul3A_44 = arith.constant 64 : i32
    %mul3A_45 = vector.broadcast %mul3A_44 : i32 to vector<16xi32>
    %mul3A_46 = arith.muli %and3A_43, %mul3A_45 : vector<16xi32>
    %swap3A_47 = arith.constant 32 : index
    %swap3A_48 = tpu.vector_load %arg13[%swap3A_47] {strides = array<i32>} : memref<128xi32, #tpu.memory_space<vmem>>, vector<16xi32>,
    tpu.vector_store %arg13[%swap3A_47], %mul3A_46 {strides = array<i32>} : memref<128xi32, #tpu.memory_space<vmem>>, vector<16xi32>,
    %get3A_49 = arith.constant 48 : index
    %get3A_50 = tpu.vector_load %arg5[%get3A_49] {strides = array<i32>} : memref<128xi32, #tpu.memory_space<vmem>>, vector<16xi32>,
    %shift_right_logical3A_51 = arith.constant 1 : i32
    %shift_right_logical3A_52 = vector.broadcast %shift_right_logical3A_51 : i32 to vector<16xi32>
    %shift_right_logical3A_53 = arith.shrui %get3A_50, %shift_right_logical3A_52 : vector<16xi32>
    %swap3A_54 = arith.constant 48 : index
    %swap3A_55 = tpu.vector_load %arg9[%swap3A_54] {strides = array<i32>} : memref<128xi32, #tpu.memory_space<vmem>>, vector<16xi32>,
    tpu.vector_store %arg9[%swap3A_54], %shift_right_logical3A_53 {strides = array<i32>} : memref<128xi32, #tpu.memory_space<vmem>>, vector<16xi32>,
    %and3A_56 = arith.constant 1 : i32
    %and3A_57 = vector.broadcast %and3A_56 : i32 to vector<16xi32>
    %and3A_58 = arith.andi %get3A_50, %and3A_57 : vector<16xi32>
    %mul3A_59 = arith.constant 64 : i32
    %mul3A_60 = vector.broadcast %mul3A_59 : i32 to vector<16xi32>
    %mul3A_61 = arith.muli %and3A_58, %mul3A_60 : vector<16xi32>
    %swap3A_62 = arith.constant 48 : index
    %swap3A_63 = tpu.vector_load %arg13[%swap3A_62] {strides = array<i32>} : memref<128xi32, #tpu.memory_space<vmem>>, vector<16xi32>,
    tpu.vector_store %arg13[%swap3A_62], %mul3A_61 {strides = array<i32>} : memref<128xi32, #tpu.memory_space<vmem>>, vector<16xi32>,
    %get3A_64 = arith.constant 64 : index
    %get3A_65 = tpu.vector_load %arg5[%get3A_64] {strides = array<i32>} : memref<128xi32, #tpu.memory_space<vmem>>, vector<16xi32>,
    %shift_right_logical3A_66 = arith.constant 1 : i32
    %shift_right_logical3A_67 = vector.broadcast %shift_right_logical3A_66 : i32 to vector<16xi32>
    %shift_right_logical3A_68 = arith.shrui %get3A_65, %shift_right_logical3A_67 : vector<16xi32>
    %swap3A_69 = arith.constant 64 : index
    %swap3A_70 = tpu.vector_load %arg9[%swap3A_69] {strides = array<i32>} : memref<128xi32, #tpu.memory_space<vmem>>, vector<16xi32>,
    tpu.vector_store %arg9[%swap3A_69], %shift_right_logical3A_68 {strides = array<i32>} : memref<128xi32, #tpu.memory_space<vmem>>, vector<16xi32>,
    %and3A_71 = arith.constant 1 : i32
    %and3A_72 = vector.broadcast %and3A_71 : i32 to vector<16xi32>
    %and3A_73 = arith.andi %get3A_65, %and3A_72 : vector<16xi32>
    %mul3A_74 = arith.constant 64 : i32
    %mul3A_75 = vector.broadcast %mul3A_74 : i32 to vector<16xi32>
    %mul3A_76 = arith.muli %and3A_73, %mul3A_75 : vector<16xi32>
    %swap3A_77 = arith.constant 64 : index
    %swap3A_78 = tpu.vector_load %arg13[%swap3A_77] {strides = array<i32>} : memref<128xi32, #tpu.memory_space<vmem>>, vector<16xi32>,
    tpu.vector_store %arg13[%swap3A_77], %mul3A_76 {strides = array<i32>} : memref<128xi32, #tpu.memory_space<vmem>>, vector<16xi32>,
    %get3A_79 = arith.constant 80 : index
    %get3A_80 = tpu.vector_load %arg5[%get3A_79] {strides = array<i32>} : memref<128xi32, #tpu.memory_space<vmem>>, vector<16xi32>,
    %shift_right_logical3A_81 = arith.constant 1 : i32
    %shift_right_logical3A_82 = vector.broadcast %shift_right_logical3A_81 : i32 to vector<16xi32>
    %shift_right_logical3A_83 = arith.shrui %get3A_80, %shift_right_logical3A_82 : vector<16xi32>
    %swap3A_84 = arith.constant 80 : index
    %swap3A_85 = tpu.vector_load %arg9[%swap3A_84] {strides = array<i32>} : memref<128xi32, #tpu.memory_space<vmem>>, vector<16xi32>,
    tpu.vector_store %arg9[%swap3A_84], %shift_right_logical3A_83 {strides = array<i32>} : memref<128xi32, #tpu.memory_space<vmem>>, vector<16xi32>,
    %and3A_86 = arith.constant 1 : i32
    %and3A_87 = vector.broadcast %and3A_86 : i32 to vector<16xi32>
    %and3A_88 = arith.andi %get3A_80, %and3A_87 : vector<16xi32>
    %mul3A_89 = arith.constant 64 : i32
    %mul3A_90 = vector.broadcast %mul3A_89 : i32 to vector<16xi32>
    %mul3A_91 = arith.muli %and3A_88, %mul3A_90 : vector<16xi32>
    %swap3A_92 = arith.constant 80 : index
    %swap3A_93 = tpu.vector_load %arg13[%swap3A_92] {strides = array<i32>} : memref<128xi32, #tpu.memory_space<vmem>>, vector<16xi32>,
    tpu.vector_store %arg13[%swap3A_92], %mul3A_91 {strides = array<i32>} : memref<128xi32, #tpu.memory_space<vmem>>, vector<16xi32>,
    %get3A_94 = arith.constant 96 : index
    %get3A_95 = tpu.vector_load %arg5[%get3A_94] {strides = array<i32>} : memref<128xi32, #tpu.memory_space<vmem>>, vector<16xi32>,
    %shift_right_logical3A_96 = arith.constant 1 : i32
    %shift_right_logical3A_97 = vector.broadcast %shift_right_logical3A_96 : i32 to vector<16xi32>
    %shift_right_logical3A_98 = arith.shrui %get3A_95, %shift_right_logical3A_97 : vector<16xi32>
    %swap3A_99 = arith.constant 96 : index
    %swap3A_100 = tpu.vector_load %arg9[%swap3A_99] {strides = array<i32>} : memref<128xi32, #tpu.memory_space<vmem>>, vector<16xi32>,
    tpu.vector_store %arg9[%swap3A_99], %shift_right_logical3A_98 {strides = array<i32>} : memref<128xi32, #tpu.memory_space<vmem>>, vector<16xi32>,
    %and3A_101 = arith.constant 1 : i32
    %and3A_102 = vector.broadcast %and3A_101 : i32 to vector<16xi32>
    %and3A_103 = arith.andi %get3A_95, %and3A_102 : vector<16xi32>
    %mul3A_104 = arith.constant 64 : i32
    %mul3A_105 = vector.broadcast %mul3A_104 : i32 to vector<16xi32>
    %mul3A_106 = arith.muli %and3A_103, %mul3A_105 : vector<16xi32>
    %swap3A_107 = arith.constant 96 : index
    %swap3A_108 = tpu.vector_load %arg13[%swap3A_107] {strides = array<i32>} : memref<128xi32, #tpu.memory_space<vmem>>, vector<16xi32>,
    tpu.vector_store %arg13[%swap3A_107], %mul3A_106 {strides = array<i32>} : memref<128xi32, #tpu.memory_space<vmem>>, vector<16xi32>,
    %get3A_109 = arith.constant 112 : index
    %get3A_110 = tpu.vector_load %arg5[%get3A_109] {strides = array<i32>} : memref<128xi32, #tpu.memory_space<vmem>>, vector<16xi32>,
    %shift_right_logical3A_111 = arith.constant 1 : i32
    %shift_right_logical3A_112 = vector.broadcast %shift_right_logical3A_111 : i32 to vector<16xi32>
    %shift_right_logical3A_113 = arith.shrui %get3A_110, %shift_right_logical3A_112 : vector<16xi32>
    %swap3A_114 = arith.constant 112 : index
    %swap3A_115 = tpu.vector_load %arg9[%swap3A_114] {strides = array<i32>} : memref<128xi32, #tpu.memory_space<vmem>>, vector<16xi32>,
    tpu.vector_store %arg9[%swap3A_114], %shift_right_logical3A_113 {strides = array<i32>} : memref<128xi32, #tpu.memory_space<vmem>>, vector<16xi32>,
    %and3A_116 = arith.constant 1 : i32
    %and3A_117 = vector.broadcast %and3A_116 : i32 to vector<16xi32>
    %and3A_118 = arith.andi %get3A_110, %and3A_117 : vector<16xi32>
    %mul3A_119 = arith.constant 64 : i32
    %mul3A_120 = vector.broadcast %mul3A_119 : i32 to vector<16xi32>
    %mul3A_121 = arith.muli %and3A_118, %mul3A_120 : vector<16xi32>
    %swap3A_122 = arith.constant 112 : index
    %swap3A_123 = tpu.vector_load %arg13[%swap3A_122] {strides = array<i32>} : memref<128xi32, #tpu.memory_space<vmem>>, vector<16xi32>,
    tpu.vector_store %arg13[%swap3A_122], %mul3A_121 {strides = array<i32>} : memref<128xi32, #tpu.memory_space<vmem>>, vector<16xi32>,
    %dma_start3A = arith.constant 0 : i32
    %dma_start3A_124 = arith.constant 0 : i32
    %dma_start3A_125 = tpu.memref_slice %arg3[%dma_start3A, %dma_start3A_124] : memref<500000x128xf32, #tpu.memory_space<hbm>> -> memref<500000x128xf32, #tpu.memory_space<hbm>>
    tpu.enqueue_indirect_dma source(%dma_start3A_125 : memref<500000x128xf32, #tpu.memory_space<hbm>>) target(%arg17 : memref<128x128xf32, #tpu.memory_space<vmem>>) offsets(%arg9 : memref<128xi32, #tpu.memory_space<vmem>>) semaphore(%arg23 : memref<!tpu.dma_semaphore, #tpu.memory_space<semaphore_mem>>)
    %add3A_126 = arith.constant 128 : i32
    %add3A_127 = arith.addi %mul3A_2, %add3A_126 : i32
    "tpu.region"() ({
      %run_scoped3A = tpu.sem_alloc : memref<!tpu.dma_semaphore, #tpu.memory_space<semaphore_mem>>
      %dma_start3A_309 = tpu.memref_slice %arg2[%add3A_127] : memref<819200xi32, #tpu.memory_space<hbm>> -> memref<128xi32, #tpu.memory_space<hbm>>
      %dma_start3A_310 = tpu.memref_slice %arg2[%add3A_127] : memref<819200xi32, #tpu.memory_space<hbm>> -> memref<128xi32, #tpu.memory_space<hbm>>
      tpu.enqueue_dma source(%dma_start3A_310 : memref<128xi32, #tpu.memory_space<hbm>>) target(%arg6 : memref<128xi32, #tpu.memory_space<vmem>>) target_semaphore(%run_scoped3A : memref<!tpu.dma_semaphore, #tpu.memory_space<semaphore_mem>>)
      %dma_wait3A_311 = tpu.memref_slice %arg2[%add3A_127] : memref<819200xi32, #tpu.memory_space<hbm>> -> memref<128xi32, #tpu.memory_space<hbm>>
      %dma_wait3A_312 = tpu.memref_slice %arg2[%add3A_127] : memref<819200xi32, #tpu.memory_space<hbm>> -> memref<128xi32, #tpu.memory_space<hbm>>
      tpu.wait_dma2 semaphore(%run_scoped3A : memref<!tpu.dma_semaphore, #tpu.memory_space<semaphore_mem>>) src(%dma_wait3A_312 : memref<128xi32, #tpu.memory_space<hbm>>) dst(%arg6 : memref<128xi32, #tpu.memory_space<vmem>>)
      tpu.yield
    }) : () -> ()
    %get3A_128 = arith.constant 0 : index
    %get3A_129 = tpu.vector_load %arg6[%get3A_128] {strides = array<i32>} : memref<128xi32, #tpu.memory_space<vmem>>, vector<16xi32>,
    %shift_right_logical3A_130 = arith.constant 1 : i32
    %shift_right_logical3A_131 = vector.broadcast %shift_right_logical3A_130 : i32 to vector<16xi32>
    %shift_right_logical3A_132 = arith.shrui %get3A_129, %shift_right_logical3A_131 : vector<16xi32>
    %swap3A_133 = arith.constant 0 : index
    %swap3A_134 = tpu.vector_load %arg10[%swap3A_133] {strides = array<i32>} : memref<128xi32, #tpu.memory_space<vmem>>, vector<16xi32>,
    tpu.vector_store %arg10[%swap3A_133], %shift_right_logical3A_132 {strides = array<i32>} : memref<128xi32, #tpu.memory_space<vmem>>, vector<16xi32>,
    %and3A_135 = arith.constant 1 : i32
    %and3A_136 = vector.broadcast %and3A_135 : i32 to vector<16xi32>
    %and3A_137 = arith.andi %get3A_129, %and3A_136 : vector<16xi32>
    %mul3A_138 = arith.constant 64 : i32
    %mul3A_139 = vector.broadcast %mul3A_138 : i32 to vector<16xi32>
    %mul3A_140 = arith.muli %and3A_137, %mul3A_139 : vector<16xi32>
    %swap3A_141 = arith.constant 0 : index
    %swap3A_142 = tpu.vector_load %arg14[%swap3A_141] {strides = array<i32>} : memref<128xi32, #tpu.memory_space<vmem>>, vector<16xi32>,
    tpu.vector_store %arg14[%swap3A_141], %mul3A_140 {strides = array<i32>} : memref<128xi32, #tpu.memory_space<vmem>>, vector<16xi32>,
    %get3A_143 = arith.constant 16 : index
    %get3A_144 = tpu.vector_load %arg6[%get3A_143] {strides = array<i32>} : memref<128xi32, #tpu.memory_space<vmem>>, vector<16xi32>,
    %shift_right_logical3A_145 = arith.constant 1 : i32
    %shift_right_logical3A_146 = vector.broadcast %shift_right_logical3A_145 : i32 to vector<16xi32>
    %shift_right_logical3A_147 = arith.shrui %get3A_144, %shift_right_logical3A_146 : vector<16xi32>
    %swap3A_148 = arith.constant 16 : index
    %swap3A_149 = tpu.vector_load %arg10[%swap3A_148] {strides = array<i32>} : memref<128xi32, #tpu.memory_space<vmem>>, vector<16xi32>,
    tpu.vector_store %arg10[%swap3A_148], %shift_right_logical3A_147 {strides = array<i32>} : memref<128xi32, #tpu.memory_space<vmem>>, vector<16xi32>,
    %and3A_150 = arith.constant 1 : i32
    %and3A_151 = vector.broadcast %and3A_150 : i32 to vector<16xi32>
    %and3A_152 = arith.andi %get3A_144, %and3A_151 : vector<16xi32>
    %mul3A_153 = arith.constant 64 : i32
    %mul3A_154 = vector.broadcast %mul3A_153 : i32 to vector<16xi32>
    %mul3A_155 = arith.muli %and3A_152, %mul3A_154 : vector<16xi32>
    %swap3A_156 = arith.constant 16 : index
    %swap3A_157 = tpu.vector_load %arg14[%swap3A_156] {strides = array<i32>} : memref<128xi32, #tpu.memory_space<vmem>>, vector<16xi32>,
    tpu.vector_store %arg14[%swap3A_156], %mul3A_155 {strides = array<i32>} : memref<128xi32, #tpu.memory_space<vmem>>, vector<16xi32>,
    %get3A_158 = arith.constant 32 : index
    %get3A_159 = tpu.vector_load %arg6[%get3A_158] {strides = array<i32>} : memref<128xi32, #tpu.memory_space<vmem>>, vector<16xi32>,
    %shift_right_logical3A_160 = arith.constant 1 : i32
    %shift_right_logical3A_161 = vector.broadcast %shift_right_logical3A_160 : i32 to vector<16xi32>
    %shift_right_logical3A_162 = arith.shrui %get3A_159, %shift_right_logical3A_161 : vector<16xi32>
    %swap3A_163 = arith.constant 32 : index
    %swap3A_164 = tpu.vector_load %arg10[%swap3A_163] {strides = array<i32>} : memref<128xi32, #tpu.memory_space<vmem>>, vector<16xi32>,
    tpu.vector_store %arg10[%swap3A_163], %shift_right_logical3A_162 {strides = array<i32>} : memref<128xi32, #tpu.memory_space<vmem>>, vector<16xi32>,
    %and3A_165 = arith.constant 1 : i32
    %and3A_166 = vector.broadcast %and3A_165 : i32 to vector<16xi32>
    %and3A_167 = arith.andi %get3A_159, %and3A_166 : vector<16xi32>
    %mul3A_168 = arith.constant 64 : i32
    %mul3A_169 = vector.broadcast %mul3A_168 : i32 to vector<16xi32>
    %mul3A_170 = arith.muli %and3A_167, %mul3A_169 : vector<16xi32>
    %swap3A_171 = arith.constant 32 : index
    %swap3A_172 = tpu.vector_load %arg14[%swap3A_171] {strides = array<i32>} : memref<128xi32, #tpu.memory_space<vmem>>, vector<16xi32>,
    tpu.vector_store %arg14[%swap3A_171], %mul3A_170 {strides = array<i32>} : memref<128xi32, #tpu.memory_space<vmem>>, vector<16xi32>,
    %get3A_173 = arith.constant 48 : index
    %get3A_174 = tpu.vector_load %arg6[%get3A_173] {strides = array<i32>} : memref<128xi32, #tpu.memory_space<vmem>>, vector<16xi32>,
    %shift_right_logical3A_175 = arith.constant 1 : i32
    %shift_right_logical3A_176 = vector.broadcast %shift_right_logical3A_175 : i32 to vector<16xi32>
    %shift_right_logical3A_177 = arith.shrui %get3A_174, %shift_right_logical3A_176 : vector<16xi32>
    %swap3A_178 = arith.constant 48 : index
    %swap3A_179 = tpu.vector_load %arg10[%swap3A_178] {strides = array<i32>} : memref<128xi32, #tpu.memory_space<vmem>>, vector<16xi32>,
    tpu.vector_store %arg10[%swap3A_178], %shift_right_logical3A_177 {strides = array<i32>} : memref<128xi32, #tpu.memory_space<vmem>>, vector<16xi32>,
    %and3A_180 = arith.constant 1 : i32
    %and3A_181 = vector.broadcast %and3A_180 : i32 to vector<16xi32>
    %and3A_182 = arith.andi %get3A_174, %and3A_181 : vector<16xi32>
    %mul3A_183 = arith.constant 64 : i32
    %mul3A_184 = vector.broadcast %mul3A_183 : i32 to vector<16xi32>
    %mul3A_185 = arith.muli %and3A_182, %mul3A_184 : vector<16xi32>
    %swap3A_186 = arith.constant 48 : index
    %swap3A_187 = tpu.vector_load %arg14[%swap3A_186] {strides = array<i32>} : memref<128xi32, #tpu.memory_space<vmem>>, vector<16xi32>,
    tpu.vector_store %arg14[%swap3A_186], %mul3A_185 {strides = array<i32>} : memref<128xi32, #tpu.memory_space<vmem>>, vector<16xi32>,
    %get3A_188 = arith.constant 64 : index
    %get3A_189 = tpu.vector_load %arg6[%get3A_188] {strides = array<i32>} : memref<128xi32, #tpu.memory_space<vmem>>, vector<16xi32>,
    %shift_right_logical3A_190 = arith.constant 1 : i32
    %shift_right_logical3A_191 = vector.broadcast %shift_right_logical3A_190 : i32 to vector<16xi32>
    %shift_right_logical3A_192 = arith.shrui %get3A_189, %shift_right_logical3A_191 : vector<16xi32>
    %swap3A_193 = arith.constant 64 : index
    %swap3A_194 = tpu.vector_load %arg10[%swap3A_193] {strides = array<i32>} : memref<128xi32, #tpu.memory_space<vmem>>, vector<16xi32>,
    tpu.vector_store %arg10[%swap3A_193], %shift_right_logical3A_192 {strides = array<i32>} : memref<128xi32, #tpu.memory_space<vmem>>, vector<16xi32>,
    %and3A_195 = arith.constant 1 : i32
    %and3A_196 = vector.broadcast %and3A_195 : i32 to vector<16xi32>
    %and3A_197 = arith.andi %get3A_189, %and3A_196 : vector<16xi32>
    %mul3A_198 = arith.constant 64 : i32
    %mul3A_199 = vector.broadcast %mul3A_198 : i32 to vector<16xi32>
    %mul3A_200 = arith.muli %and3A_197, %mul3A_199 : vector<16xi32>
    %swap3A_201 = arith.constant 64 : index
    %swap3A_202 = tpu.vector_load %arg14[%swap3A_201] {strides = array<i32>} : memref<128xi32, #tpu.memory_space<vmem>>, vector<16xi32>,
    tpu.vector_store %arg14[%swap3A_201], %mul3A_200 {strides = array<i32>} : memref<128xi32, #tpu.memory_space<vmem>>, vector<16xi32>,
    %get3A_203 = arith.constant 80 : index
    %get3A_204 = tpu.vector_load %arg6[%get3A_203] {strides = array<i32>} : memref<128xi32, #tpu.memory_space<vmem>>, vector<16xi32>,
    %shift_right_logical3A_205 = arith.constant 1 : i32
    %shift_right_logical3A_206 = vector.broadcast %shift_right_logical3A_205 : i32 to vector<16xi32>
    %shift_right_logical3A_207 = arith.shrui %get3A_204, %shift_right_logical3A_206 : vector<16xi32>
    %swap3A_208 = arith.constant 80 : index
    %swap3A_209 = tpu.vector_load %arg10[%swap3A_208] {strides = array<i32>} : memref<128xi32, #tpu.memory_space<vmem>>, vector<16xi32>,
    tpu.vector_store %arg10[%swap3A_208], %shift_right_logical3A_207 {strides = array<i32>} : memref<128xi32, #tpu.memory_space<vmem>>, vector<16xi32>,
    %and3A_210 = arith.constant 1 : i32
    %and3A_211 = vector.broadcast %and3A_210 : i32 to vector<16xi32>
    %and3A_212 = arith.andi %get3A_204, %and3A_211 : vector<16xi32>
    %mul3A_213 = arith.constant 64 : i32
    %mul3A_214 = vector.broadcast %mul3A_213 : i32 to vector<16xi32>
    %mul3A_215 = arith.muli %and3A_212, %mul3A_214 : vector<16xi32>
    %swap3A_216 = arith.constant 80 : index
    %swap3A_217 = tpu.vector_load %arg14[%swap3A_216] {strides = array<i32>} : memref<128xi32, #tpu.memory_space<vmem>>, vector<16xi32>,
    tpu.vector_store %arg14[%swap3A_216], %mul3A_215 {strides = array<i32>} : memref<128xi32, #tpu.memory_space<vmem>>, vector<16xi32>,
    %get3A_218 = arith.constant 96 : index
    %get3A_219 = tpu.vector_load %arg6[%get3A_218] {strides = array<i32>} : memref<128xi32, #tpu.memory_space<vmem>>, vector<16xi32>,
    %shift_right_logical3A_220 = arith.constant 1 : i32
    %shift_right_logical3A_221 = vector.broadcast %shift_right_logical3A_220 : i32 to vector<16xi32>
    %shift_right_logical3A_222 = arith.shrui %get3A_219, %shift_right_logical3A_221 : vector<16xi32>
    %swap3A_223 = arith.constant 96 : index
    %swap3A_224 = tpu.vector_load %arg10[%swap3A_223] {strides = array<i32>} : memref<128xi32, #tpu.memory_space<vmem>>, vector<16xi32>,
    tpu.vector_store %arg10[%swap3A_223], %shift_right_logical3A_222 {strides = array<i32>} : memref<128xi32, #tpu.memory_space<vmem>>, vector<16xi32>,
    %and3A_225 = arith.constant 1 : i32
    %and3A_226 = vector.broadcast %and3A_225 : i32 to vector<16xi32>
    %and3A_227 = arith.andi %get3A_219, %and3A_226 : vector<16xi32>
    %mul3A_228 = arith.constant 64 : i32
    %mul3A_229 = vector.broadcast %mul3A_228 : i32 to vector<16xi32>
    %mul3A_230 = arith.muli %and3A_227, %mul3A_229 : vector<16xi32>
    %swap3A_231 = arith.constant 96 : index
    %swap3A_232 = tpu.vector_load %arg14[%swap3A_231] {strides = array<i32>} : memref<128xi32, #tpu.memory_space<vmem>>, vector<16xi32>,
    tpu.vector_store %arg14[%swap3A_231], %mul3A_230 {strides = array<i32>} : memref<128xi32, #tpu.memory_space<vmem>>, vector<16xi32>,
    %get3A_233 = arith.constant 112 : index
    %get3A_234 = tpu.vector_load %arg6[%get3A_233] {strides = array<i32>} : memref<128xi32, #tpu.memory_space<vmem>>, vector<16xi32>,
    %shift_right_logical3A_235 = arith.constant 1 : i32
    %shift_right_logical3A_236 = vector.broadcast %shift_right_logical3A_235 : i32 to vector<16xi32>
    %shift_right_logical3A_237 = arith.shrui %get3A_234, %shift_right_logical3A_236 : vector<16xi32>
    %swap3A_238 = arith.constant 112 : index
    %swap3A_239 = tpu.vector_load %arg10[%swap3A_238] {strides = array<i32>} : memref<128xi32, #tpu.memory_space<vmem>>, vector<16xi32>,
    tpu.vector_store %arg10[%swap3A_238], %shift_right_logical3A_237 {strides = array<i32>} : memref<128xi32, #tpu.memory_space<vmem>>, vector<16xi32>,
    %and3A_240 = arith.constant 1 : i32
    %and3A_241 = vector.broadcast %and3A_240 : i32 to vector<16xi32>
    %and3A_242 = arith.andi %get3A_234, %and3A_241 : vector<16xi32>
    %mul3A_243 = arith.constant 64 : i32
    %mul3A_244 = vector.broadcast %mul3A_243 : i32 to vector<16xi32>
    %mul3A_245 = arith.muli %and3A_242, %mul3A_244 : vector<16xi32>
    %swap3A_246 = arith.constant 112 : index
    %swap3A_247 = tpu.vector_load %arg14[%swap3A_246] {strides = array<i32>} : memref<128xi32, #tpu.memory_space<vmem>>, vector<16xi32>,
    tpu.vector_store %arg14[%swap3A_246], %mul3A_245 {strides = array<i32>} : memref<128xi32, #tpu.memory_space<vmem>>, vector<16xi32>,
    %dma_start3A_248 = arith.constant 0 : i32
    %dma_start3A_249 = arith.constant 0 : i32
    %dma_start3A_250 = tpu.memref_slice %arg3[%dma_start3A_248, %dma_start3A_249] : memref<500000x128xf32, #tpu.memory_space<hbm>> -> memref<500000x128xf32, #tpu.memory_space<hbm>>
    tpu.enqueue_indirect_dma source(%dma_start3A_250 : memref<500000x128xf32, #tpu.memory_space<hbm>>) target(%arg18 : memref<128x128xf32, #tpu.memory_space<vmem>>) offsets(%arg10 : memref<128xi32, #tpu.memory_space<vmem>>) semaphore(%arg24 : memref<!tpu.dma_semaphore, #tpu.memory_space<semaphore_mem>>)
    %scan3A = arith.constant 0 : i32
    %scan3A_251 = arith.constant 0 : i32
    %scan3A_252 = arith.constant 50 : i32
    %scan3A_253 = arith.addi %scan3A_251, %scan3A_252 : i32
    %scan3A_254 = arith.constant 1 : i32
    scf.for %scan3A_309 = %scan3A_251 to %scan3A_253 step %scan3A_254  : i32 {
      %mul3A_310 = arith.constant 4 : i32
      %mul3A_311 = arith.muli %mul3A_310, %scan3A_309 : i32
      %add3A_312 = arith.constant 0 : i32
      %add3A_313 = arith.addi %mul3A_311, %add3A_312 : i32
      %gt3A = arith.constant 0 : i32
      %gt3A_314 = arith.cmpi sgt, %scan3A_309, %gt3A : i32
      %cond3A = arith.constant 1 : i32
      %add3A_315 = arith.constant 2 : i32
      %add3A_316 = arith.addi %add3A_313, %add3A_315 : i32
      %mul3A_317 = arith.constant 128 : i32
      %mul3A_318 = arith.muli %add3A_316, %mul3A_317 : i32
      %add3A_319 = arith.addi %mul3A_2, %mul3A_318 : i32
      "tpu.region"() ({
        %run_scoped3A = tpu.sem_alloc : memref<!tpu.dma_semaphore, #tpu.memory_space<semaphore_mem>>
        %dma_start3A_821 = tpu.memref_slice %arg2[%add3A_319] : memref<819200xi32, #tpu.memory_space<hbm>> -> memref<128xi32, #tpu.memory_space<hbm>>
        %dma_start3A_822 = tpu.memref_slice %arg2[%add3A_319] : memref<819200xi32, #tpu.memory_space<hbm>> -> memref<128xi32, #tpu.memory_space<hbm>>
        tpu.enqueue_dma source(%dma_start3A_822 : memref<128xi32, #tpu.memory_space<hbm>>) target(%arg7 : memref<128xi32, #tpu.memory_space<vmem>>) target_semaphore(%run_scoped3A : memref<!tpu.dma_semaphore, #tpu.memory_space<semaphore_mem>>)
        %dma_wait3A_823 = tpu.memref_slice %arg2[%add3A_319] : memref<819200xi32, #tpu.memory_space<hbm>> -> memref<128xi32, #tpu.memory_space<hbm>>
        %dma_wait3A_824 = tpu.memref_slice %arg2[%add3A_319] : memref<819200xi32, #tpu.memory_space<hbm>> -> memref<128xi32, #tpu.memory_space<hbm>>
        tpu.wait_dma2 semaphore(%run_scoped3A : memref<!tpu.dma_semaphore, #tpu.memory_space<semaphore_mem>>) src(%dma_wait3A_824 : memref<128xi32, #tpu.memory_space<hbm>>) dst(%arg7 : memref<128xi32, #tpu.memory_space<vmem>>)
        tpu.yield
      }) : () -> ()
      %get3A_320 = arith.constant 0 : index
      %get3A_321 = tpu.vector_load %arg7[%get3A_320] {strides = array<i32>} : memref<128xi32, #tpu.memory_space<vmem>>, vector<16xi32>,
      %shift_right_logical3A_322 = arith.constant 1 : i32
      %shift_right_logical3A_323 = vector.broadcast %shift_right_logical3A_322 : i32 to vector<16xi32>
      %shift_right_logical3A_324 = arith.shrui %get3A_321, %shift_right_logical3A_323 : vector<16xi32>
      %swap3A_325 = arith.constant 0 : index
      %swap3A_326 = tpu.vector_load %arg11[%swap3A_325] {strides = array<i32>} : memref<128xi32, #tpu.memory_space<vmem>>, vector<16xi32>,
      tpu.vector_store %arg11[%swap3A_325], %shift_right_logical3A_324 {strides = array<i32>} : memref<128xi32, #tpu.memory_space<vmem>>, vector<16xi32>,
      %and3A_327 = arith.constant 1 : i32
      %and3A_328 = vector.broadcast %and3A_327 : i32 to vector<16xi32>
      %and3A_329 = arith.andi %get3A_321, %and3A_328 : vector<16xi32>
      %mul3A_330 = arith.constant 64 : i32
      %mul3A_331 = vector.broadcast %mul3A_330 : i32 to vector<16xi32>
      %mul3A_332 = arith.muli %and3A_329, %mul3A_331 : vector<16xi32>
      %swap3A_333 = arith.constant 0 : index
      %swap3A_334 = tpu.vector_load %arg15[%swap3A_333] {strides = array<i32>} : memref<128xi32, #tpu.memory_space<vmem>>, vector<16xi32>,
      tpu.vector_store %arg15[%swap3A_333], %mul3A_332 {strides = array<i32>} : memref<128xi32, #tpu.memory_space<vmem>>, vector<16xi32>,
      %get3A_335 = arith.constant 16 : index
      %get3A_336 = tpu.vector_load %arg7[%get3A_335] {strides = array<i32>} : memref<128xi32, #tpu.memory_space<vmem>>, vector<16xi32>,
      %shift_right_logical3A_337 = arith.constant 1 : i32
      %shift_right_logical3A_338 = vector.broadcast %shift_right_logical3A_337 : i32 to vector<16xi32>
      %shift_right_logical3A_339 = arith.shrui %get3A_336, %shift_right_logical3A_338 : vector<16xi32>
      %swap3A_340 = arith.constant 16 : index
      %swap3A_341 = tpu.vector_load %arg11[%swap3A_340] {strides = array<i32>} : memref<128xi32, #tpu.memory_space<vmem>>, vector<16xi32>,
      tpu.vector_store %arg11[%swap3A_340], %shift_right_logical3A_339 {strides = array<i32>} : memref<128xi32, #tpu.memory_space<vmem>>, vector<16xi32>,
      %and3A_342 = arith.constant 1 : i32
      %and3A_343 = vector.broadcast %and3A_342 : i32 to vector<16xi32>
      %and3A_344 = arith.andi %get3A_336, %and3A_343 : vector<16xi32>
      %mul3A_345 = arith.constant 64 : i32
      %mul3A_346 = vector.broadcast %mul3A_345 : i32 to vector<16xi32>
      %mul3A_347 = arith.muli %and3A_344, %mul3A_346 : vector<16xi32>
      %swap3A_348 = arith.constant 16 : index
      %swap3A_349 = tpu.vector_load %arg15[%swap3A_348] {strides = array<i32>} : memref<128xi32, #tpu.memory_space<vmem>>, vector<16xi32>,
      tpu.vector_store %arg15[%swap3A_348], %mul3A_347 {strides = array<i32>} : memref<128xi32, #tpu.memory_space<vmem>>, vector<16xi32>,
      %get3A_350 = arith.constant 32 : index
      %get3A_351 = tpu.vector_load %arg7[%get3A_350] {strides = array<i32>} : memref<128xi32, #tpu.memory_space<vmem>>, vector<16xi32>,
      %shift_right_logical3A_352 = arith.constant 1 : i32
      %shift_right_logical3A_353 = vector.broadcast %shift_right_logical3A_352 : i32 to vector<16xi32>
      %shift_right_logical3A_354 = arith.shrui %get3A_351, %shift_right_logical3A_353 : vector<16xi32>
      %swap3A_355 = arith.constant 32 : index
      %swap3A_356 = tpu.vector_load %arg11[%swap3A_355] {strides = array<i32>} : memref<128xi32, #tpu.memory_space<vmem>>, vector<16xi32>,
      tpu.vector_store %arg11[%swap3A_355], %shift_right_logical3A_354 {strides = array<i32>} : memref<128xi32, #tpu.memory_space<vmem>>, vector<16xi32>,
      %and3A_357 = arith.constant 1 : i32
      %and3A_358 = vector.broadcast %and3A_357 : i32 to vector<16xi32>
      %and3A_359 = arith.andi %get3A_351, %and3A_358 : vector<16xi32>
      %mul3A_360 = arith.constant 64 : i32
      %mul3A_361 = vector.broadcast %mul3A_360 : i32 to vector<16xi32>
      %mul3A_362 = arith.muli %and3A_359, %mul3A_361 : vector<16xi32>
      %swap3A_363 = arith.constant 32 : index
      %swap3A_364 = tpu.vector_load %arg15[%swap3A_363] {strides = array<i32>} : memref<128xi32, #tpu.memory_space<vmem>>, vector<16xi32>,
      tpu.vector_store %arg15[%swap3A_363], %mul3A_362 {strides = array<i32>} : memref<128xi32, #tpu.memory_space<vmem>>, vector<16xi32>,
      %get3A_365 = arith.constant 48 : index
      %get3A_366 = tpu.vector_load %arg7[%get3A_365] {strides = array<i32>} : memref<128xi32, #tpu.memory_space<vmem>>, vector<16xi32>,
      %shift_right_logical3A_367 = arith.constant 1 : i32
      %shift_right_logical3A_368 = vector.broadcast %shift_right_logical3A_367 : i32 to vector<16xi32>
      %shift_right_logical3A_369 = arith.shrui %get3A_366, %shift_right_logical3A_368 : vector<16xi32>
      %swap3A_370 = arith.constant 48 : index
      %swap3A_371 = tpu.vector_load %arg11[%swap3A_370] {strides = array<i32>} : memref<128xi32, #tpu.memory_space<vmem>>, vector<16xi32>,
      tpu.vector_store %arg11[%swap3A_370], %shift_right_logical3A_369 {strides = array<i32>} : memref<128xi32, #tpu.memory_space<vmem>>, vector<16xi32>,
      %and3A_372 = arith.constant 1 : i32
      %and3A_373 = vector.broadcast %and3A_372 : i32 to vector<16xi32>
      %and3A_374 = arith.andi %get3A_366, %and3A_373 : vector<16xi32>
      %mul3A_375 = arith.constant 64 : i32
      %mul3A_376 = vector.broadcast %mul3A_375 : i32 to vector<16xi32>
      %mul3A_377 = arith.muli %and3A_374, %mul3A_376 : vector<16xi32>
      %swap3A_378 = arith.constant 48 : index
      %swap3A_379 = tpu.vector_load %arg15[%swap3A_378] {strides = array<i32>} : memref<128xi32, #tpu.memory_space<vmem>>, vector<16xi32>,
      tpu.vector_store %arg15[%swap3A_378], %mul3A_377 {strides = array<i32>} : memref<128xi32, #tpu.memory_space<vmem>>, vector<16xi32>,
      %get3A_380 = arith.constant 64 : index
      %get3A_381 = tpu.vector_load %arg7[%get3A_380] {strides = array<i32>} : memref<128xi32, #tpu.memory_space<vmem>>, vector<16xi32>,
      %shift_right_logical3A_382 = arith.constant 1 : i32
      %shift_right_logical3A_383 = vector.broadcast %shift_right_logical3A_382 : i32 to vector<16xi32>
      %shift_right_logical3A_384 = arith.shrui %get3A_381, %shift_right_logical3A_383 : vector<16xi32>
      %swap3A_385 = arith.constant 64 : index
      %swap3A_386 = tpu.vector_load %arg11[%swap3A_385] {strides = array<i32>} : memref<128xi32, #tpu.memory_space<vmem>>, vector<16xi32>,
      tpu.vector_store %arg11[%swap3A_385], %shift_right_logical3A_384 {strides = array<i32>} : memref<128xi32, #tpu.memory_space<vmem>>, vector<16xi32>,
      %and3A_387 = arith.constant 1 : i32
      %and3A_388 = vector.broadcast %and3A_387 : i32 to vector<16xi32>
      %and3A_389 = arith.andi %get3A_381, %and3A_388 : vector<16xi32>
      %mul3A_390 = arith.constant 64 : i32
      %mul3A_391 = vector.broadcast %mul3A_390 : i32 to vector<16xi32>
      %mul3A_392 = arith.muli %and3A_389, %mul3A_391 : vector<16xi32>
      %swap3A_393 = arith.constant 64 : index
      %swap3A_394 = tpu.vector_load %arg15[%swap3A_393] {strides = array<i32>} : memref<128xi32, #tpu.memory_space<vmem>>, vector<16xi32>,
      tpu.vector_store %arg15[%swap3A_393], %mul3A_392 {strides = array<i32>} : memref<128xi32, #tpu.memory_space<vmem>>, vector<16xi32>,
      %get3A_395 = arith.constant 80 : index
      %get3A_396 = tpu.vector_load %arg7[%get3A_395] {strides = array<i32>} : memref<128xi32, #tpu.memory_space<vmem>>, vector<16xi32>,
      %shift_right_logical3A_397 = arith.constant 1 : i32
      %shift_right_logical3A_398 = vector.broadcast %shift_right_logical3A_397 : i32 to vector<16xi32>
      %shift_right_logical3A_399 = arith.shrui %get3A_396, %shift_right_logical3A_398 : vector<16xi32>
      %swap3A_400 = arith.constant 80 : index
      %swap3A_401 = tpu.vector_load %arg11[%swap3A_400] {strides = array<i32>} : memref<128xi32, #tpu.memory_space<vmem>>, vector<16xi32>,
      tpu.vector_store %arg11[%swap3A_400], %shift_right_logical3A_399 {strides = array<i32>} : memref<128xi32, #tpu.memory_space<vmem>>, vector<16xi32>,
      %and3A_402 = arith.constant 1 : i32
      %and3A_403 = vector.broadcast %and3A_402 : i32 to vector<16xi32>
      %and3A_404 = arith.andi %get3A_396, %and3A_403 : vector<16xi32>
      %mul3A_405 = arith.constant 64 : i32
      %mul3A_406 = vector.broadcast %mul3A_405 : i32 to vector<16xi32>
      %mul3A_407 = arith.muli %and3A_404, %mul3A_406 : vector<16xi32>
      %swap3A_408 = arith.constant 80 : index
      %swap3A_409 = tpu.vector_load %arg15[%swap3A_408] {strides = array<i32>} : memref<128xi32, #tpu.memory_space<vmem>>, vector<16xi32>,
      tpu.vector_store %arg15[%swap3A_408], %mul3A_407 {strides = array<i32>} : memref<128xi32, #tpu.memory_space<vmem>>, vector<16xi32>,
      %get3A_410 = arith.constant 96 : index
      %get3A_411 = tpu.vector_load %arg7[%get3A_410] {strides = array<i32>} : memref<128xi32, #tpu.memory_space<vmem>>, vector<16xi32>,
      %shift_right_logical3A_412 = arith.constant 1 : i32
      %shift_right_logical3A_413 = vector.broadcast %shift_right_logical3A_412 : i32 to vector<16xi32>
      %shift_right_logical3A_414 = arith.shrui %get3A_411, %shift_right_logical3A_413 : vector<16xi32>
      %swap3A_415 = arith.constant 96 : index
      %swap3A_416 = tpu.vector_load %arg11[%swap3A_415] {strides = array<i32>} : memref<128xi32, #tpu.memory_space<vmem>>, vector<16xi32>,
      tpu.vector_store %arg11[%swap3A_415], %shift_right_logical3A_414 {strides = array<i32>} : memref<128xi32, #tpu.memory_space<vmem>>, vector<16xi32>,
      %and3A_417 = arith.constant 1 : i32
      %and3A_418 = vector.broadcast %and3A_417 : i32 to vector<16xi32>
      %and3A_419 = arith.andi %get3A_411, %and3A_418 : vector<16xi32>
      %mul3A_420 = arith.constant 64 : i32
      %mul3A_421 = vector.broadcast %mul3A_420 : i32 to vector<16xi32>
      %mul3A_422 = arith.muli %and3A_419, %mul3A_421 : vector<16xi32>
      %swap3A_423 = arith.constant 96 : index
      %swap3A_424 = tpu.vector_load %arg15[%swap3A_423] {strides = array<i32>} : memref<128xi32, #tpu.memory_space<vmem>>, vector<16xi32>,
      tpu.vector_store %arg15[%swap3A_423], %mul3A_422 {strides = array<i32>} : memref<128xi32, #tpu.memory_space<vmem>>, vector<16xi32>,
      %get3A_425 = arith.constant 112 : index
      %get3A_426 = tpu.vector_load %arg7[%get3A_425] {strides = array<i32>} : memref<128xi32, #tpu.memory_space<vmem>>, vector<16xi32>,
      %shift_right_logical3A_427 = arith.constant 1 : i32
      %shift_right_logical3A_428 = vector.broadcast %shift_right_logical3A_427 : i32 to vector<16xi32>
      %shift_right_logical3A_429 = arith.shrui %get3A_426, %shift_right_logical3A_428 : vector<16xi32>
      %swap3A_430 = arith.constant 112 : index
      %swap3A_431 = tpu.vector_load %arg11[%swap3A_430] {strides = array<i32>} : memref<128xi32, #tpu.memory_space<vmem>>, vector<16xi32>,
      tpu.vector_store %arg11[%swap3A_430], %shift_right_logical3A_429 {strides = array<i32>} : memref<128xi32, #tpu.memory_space<vmem>>, vector<16xi32>,
      %and3A_432 = arith.constant 1 : i32
      %and3A_433 = vector.broadcast %and3A_432 : i32 to vector<16xi32>
      %and3A_434 = arith.andi %get3A_426, %and3A_433 : vector<16xi32>
      %mul3A_435 = arith.constant 64 : i32
      %mul3A_436 = vector.broadcast %mul3A_435 : i32 to vector<16xi32>
      %mul3A_437 = arith.muli %and3A_434, %mul3A_436 : vector<16xi32>
      %swap3A_438 = arith.constant 112 : index
      %swap3A_439 = tpu.vector_load %arg15[%swap3A_438] {strides = array<i32>} : memref<128xi32, #tpu.memory_space<vmem>>, vector<16xi32>,
      tpu.vector_store %arg15[%swap3A_438], %mul3A_437 {strides = array<i32>} : memref<128xi32, #tpu.memory_space<vmem>>, vector<16xi32>,
      %dma_start3A_440 = arith.constant 0 : i32
      %dma_start3A_441 = arith.constant 0 : i32
      %dma_start3A_442 = tpu.memref_slice %arg3[%dma_start3A_440, %dma_start3A_441] : memref<500000x128xf32, #tpu.memory_space<hbm>> -> memref<500000x128xf32, #tpu.memory_space<hbm>>
      tpu.enqueue_indirect_dma source(%dma_start3A_442 : memref<500000x128xf32, #tpu.memory_space<hbm>>) target(%arg19 : memref<128x128xf32, #tpu.memory_space<vmem>>) offsets(%arg11 : memref<128xi32, #tpu.memory_space<vmem>>) semaphore(%arg25 : memref<!tpu.dma_semaphore, #tpu.memory_space<semaphore_mem>>)
      %dma_wait3A_443 = arith.constant 0 : i32
      %dma_wait3A_444 = arith.constant 0 : i32
      %dma_wait3A_445 = tpu.memref_slice %arg3[%dma_wait3A_443, %dma_wait3A_444] : memref<500000x128xf32, #tpu.memory_space<hbm>> -> memref<500000x128xf32, #tpu.memory_space<hbm>>
      tpu.wait_indirect_dma semaphore(%arg23 : memref<!tpu.dma_semaphore, #tpu.memory_space<semaphore_mem>>) src(%dma_wait3A_445 : memref<500000x128xf32, #tpu.memory_space<hbm>>) dst(%arg17 : memref<128x128xf32, #tpu.memory_space<vmem>>)
      %convert_element_type3A = arith.extui %gt3A_314 : i1 to i32
      %cond3A_446 = arith.constant 0 : i32
      %cond3A_447 = arith.cmpi ne, %convert_element_type3A, %cond3A_446 : i32
      scf.if %cond3A_447 {
        %sub3A_821 = arith.constant 2 : i32
        %sub3A_822 = arith.subi %add3A_313, %sub3A_821 : i32
        %mul3A_823 = arith.constant 128 : i32
        %mul3A_824 = arith.muli %sub3A_822, %mul3A_823 : i32
        %add3A_825 = arith.addi %mul3A_2, %mul3A_824 : i32
        %jit3A_826 = arith.constant 2 : i32
        %div3A_827 = arith.divsi %add3A_825, %jit3A_826 : i32
        %sign3A_828 = arith.constant 0 : i32
        %sign3A_829 = arith.cmpi sgt, %add3A_825, %sign3A_828 : i32
        %sign3A_830 = arith.extui %sign3A_829 : i1 to i32
        %sign3A_831 = arith.constant 0 : i32
        %sign3A_832 = arith.cmpi slt, %add3A_825, %sign3A_831 : i32
        %sign3A_833 = arith.extui %sign3A_832 : i1 to i32
        %sign3A_834 = arith.subi %sign3A_830, %sign3A_833 : i32
        %sign3A_835 = arith.constant 0 : i32
        %sign3A_836 = arith.cmpi sgt, %jit3A_826, %sign3A_835 : i32
        %sign3A_837 = arith.extui %sign3A_836 : i1 to i32
        %sign3A_838 = arith.constant 0 : i32
        %sign3A_839 = arith.cmpi slt, %jit3A_826, %sign3A_838 : i32
        %sign3A_840 = arith.extui %sign3A_839 : i1 to i32
        %sign3A_841 = arith.subi %sign3A_837, %sign3A_840 : i32
        %ne3A_842 = arith.cmpi ne, %sign3A_834, %sign3A_841 : i32
        %rem3A_843 = arith.remsi %add3A_825, %jit3A_826 : i32
        %ne3A_844 = arith.constant 0 : i32
        %ne3A_845 = arith.cmpi ne, %rem3A_843, %ne3A_844 : i32
        %and3A_846 = arith.andi %ne3A_842, %ne3A_845 : i1
        %sub3A_847 = arith.constant 1 : i32
        %sub3A_848 = arith.subi %div3A_827, %sub3A_847 : i32
        %select_n3A_849 = arith.select %and3A_846, %sub3A_848, %div3A_827 : i32
        %multiple_of3A_850 = tpu.assume_multiple %select_n3A_849, 8 : i32
        %dma_wait3A_851 = arith.constant 0 : i32
        %dma_wait3A_852 = tpu.memref_slice %arg4[%multiple_of3A_850, %dma_wait3A_851] : memref<409600x128xf32, #tpu.memory_space<hbm>> -> memref<64x128xf32, #tpu.memory_space<hbm>>
        %dma_wait3A_853 = arith.constant 0 : i32
        %dma_wait3A_854 = tpu.memref_slice %arg4[%multiple_of3A_850, %dma_wait3A_853] : memref<409600x128xf32, #tpu.memory_space<hbm>> -> memref<64x128xf32, #tpu.memory_space<hbm>>
        tpu.wait_dma2 semaphore(%arg27 : memref<!tpu.dma_semaphore, #tpu.memory_space<semaphore_mem>>) src(%arg21 : memref<64x128xf32, #tpu.memory_space<vmem>>) dst(%dma_wait3A_854 : memref<64x128xf32, #tpu.memory_space<hbm>>)
      } else {
      }
      %parallel_loop3A = arith.constant 0 : i32
      %parallel_loop3A_448 = arith.constant 64 : i32
      %parallel_loop3A_449 = arith.constant 1 : i32
      scf.for %parallel_loop3A_821 = %parallel_loop3A to %parallel_loop3A_448 step %parallel_loop3A_449  : i32 {
        %parallel_loop3A_822 = arith.constant 2 : i32
        %parallel_loop3A_823 = arith.muli %parallel_loop3A_822, %parallel_loop3A_821 : i32
        %parallel_loop3A_824 = arith.constant 0 : i32
        %parallel_loop3A_825 = arith.addi %parallel_loop3A_823, %parallel_loop3A_824 : i32
        %parallel_loop3A_826 = vector.broadcast %parallel_loop3A_825 : i32 to vector<16xi32>
        %parallel_loop3A_827 = arith.addi %mul3A_5, %parallel_loop3A_826 : vector<16xi32>
        %parallel_loop3A_828 = tpu.vector_load_idx %arg13[%parallel_loop3A_827] : memref<128xi32, #tpu.memory_space<vmem>>[vector<16xi32>], vector<16xi32>,
        %parallel_loop3A_829 = arith.constant 0 : i32
        %parallel_loop3A_830 = vector.broadcast %parallel_loop3A_829 : i32 to vector<16xi32>
        %parallel_loop3A_831 = arith.addi %parallel_loop3A_830, %iota3A : vector<16xi32>
        %parallel_loop3A_832 = arith.addi %parallel_loop3A_828, %parallel_loop3A_831 : vector<16xi32>
        %parallel_loop3A_833 = tpu.vector_load_idx %arg17[%parallel_loop3A_827, %parallel_loop3A_832] : memref<128x128xf32, #tpu.memory_space<vmem>>[vector<16xi32>, vector<16xi32>], vector<16xf32>,
        %parallel_loop3A_834 = arith.constant 8.000000e+00 : f32
        %parallel_loop3A_835 = vector.broadcast %parallel_loop3A_834 : f32 to vector<16xf32>
        %parallel_loop3A_836 = arith.mulf %parallel_loop3A_833, %parallel_loop3A_835 : vector<16xf32>
        %parallel_loop3A_837 = arith.index_cast %parallel_loop3A_821 : i32 to index
        %parallel_loop3A_838 = arith.constant 0 : index
        %parallel_loop3A_839 = tpu.vector_load %arg21[%parallel_loop3A_837, %parallel_loop3A_838] {strides = array<i32>} : memref<64x128xf32, #tpu.memory_space<vmem>>, vector<16xf32>,
        tpu.vector_store %arg21[%parallel_loop3A_837, %parallel_loop3A_838], %parallel_loop3A_836 {strides = array<i32>} : memref<64x128xf32, #tpu.memory_space<vmem>>, vector<16xf32>,
        %parallel_loop3A_840 = arith.constant 16 : i32
        %parallel_loop3A_841 = vector.broadcast %parallel_loop3A_840 : i32 to vector<16xi32>
        %parallel_loop3A_842 = arith.addi %parallel_loop3A_841, %iota3A : vector<16xi32>
        %parallel_loop3A_843 = arith.addi %parallel_loop3A_828, %parallel_loop3A_842 : vector<16xi32>
        %parallel_loop3A_844 = tpu.vector_load_idx %arg17[%parallel_loop3A_827, %parallel_loop3A_843] : memref<128x128xf32, #tpu.memory_space<vmem>>[vector<16xi32>, vector<16xi32>], vector<16xf32>,
        %parallel_loop3A_845 = arith.constant 8.000000e+00 : f32
        %parallel_loop3A_846 = vector.broadcast %parallel_loop3A_845 : f32 to vector<16xf32>
        %parallel_loop3A_847 = arith.mulf %parallel_loop3A_844, %parallel_loop3A_846 : vector<16xf32>
        %parallel_loop3A_848 = arith.index_cast %parallel_loop3A_821 : i32 to index
        %parallel_loop3A_849 = arith.constant 16 : index
        %parallel_loop3A_850 = tpu.vector_load %arg21[%parallel_loop3A_848, %parallel_loop3A_849] {strides = array<i32>} : memref<64x128xf32, #tpu.memory_space<vmem>>, vector<16xf32>,
        tpu.vector_store %arg21[%parallel_loop3A_848, %parallel_loop3A_849], %parallel_loop3A_847 {strides = array<i32>} : memref<64x128xf32, #tpu.memory_space<vmem>>, vector<16xf32>,
        %parallel_loop3A_851 = arith.constant 32 : i32
        %parallel_loop3A_852 = vector.broadcast %parallel_loop3A_851 : i32 to vector<16xi32>
        %parallel_loop3A_853 = arith.addi %parallel_loop3A_852, %iota3A : vector<16xi32>
        %parallel_loop3A_854 = arith.addi %parallel_loop3A_828, %parallel_loop3A_853 : vector<16xi32>
        %parallel_loop3A_855 = tpu.vector_load_idx %arg17[%parallel_loop3A_827, %parallel_loop3A_854] : memref<128x128xf32, #tpu.memory_space<vmem>>[vector<16xi32>, vector<16xi32>], vector<16xf32>,
        %parallel_loop3A_856 = arith.constant 8.000000e+00 : f32
        %parallel_loop3A_857 = vector.broadcast %parallel_loop3A_856 : f32 to vector<16xf32>
        %parallel_loop3A_858 = arith.mulf %parallel_loop3A_855, %parallel_loop3A_857 : vector<16xf32>
        %parallel_loop3A_859 = arith.index_cast %parallel_loop3A_821 : i32 to index
        %parallel_loop3A_860 = arith.constant 32 : index
        %parallel_loop3A_861 = tpu.vector_load %arg21[%parallel_loop3A_859, %parallel_loop3A_860] {strides = array<i32>} : memref<64x128xf32, #tpu.memory_space<vmem>>, vector<16xf32>,
        tpu.vector_store %arg21[%parallel_loop3A_859, %parallel_loop3A_860], %parallel_loop3A_858 {strides = array<i32>} : memref<64x128xf32, #tpu.memory_space<vmem>>, vector<16xf32>,
        %parallel_loop3A_862 = arith.constant 48 : i32
        %parallel_loop3A_863 = vector.broadcast %parallel_loop3A_862 : i32 to vector<16xi32>
        %parallel_loop3A_864 = arith.addi %parallel_loop3A_863, %iota3A : vector<16xi32>
        %parallel_loop3A_865 = arith.addi %parallel_loop3A_828, %parallel_loop3A_864 : vector<16xi32>
        %parallel_loop3A_866 = tpu.vector_load_idx %arg17[%parallel_loop3A_827, %parallel_loop3A_865] : memref<128x128xf32, #tpu.memory_space<vmem>>[vector<16xi32>, vector<16xi32>], vector<16xf32>,
        %parallel_loop3A_867 = arith.constant 8.000000e+00 : f32
        %parallel_loop3A_868 = vector.broadcast %parallel_loop3A_867 : f32 to vector<16xf32>
        %parallel_loop3A_869 = arith.mulf %parallel_loop3A_866, %parallel_loop3A_868 : vector<16xf32>
        %parallel_loop3A_870 = arith.index_cast %parallel_loop3A_821 : i32 to index
        %parallel_loop3A_871 = arith.constant 48 : index
        %parallel_loop3A_872 = tpu.vector_load %arg21[%parallel_loop3A_870, %parallel_loop3A_871] {strides = array<i32>} : memref<64x128xf32, #tpu.memory_space<vmem>>, vector<16xf32>,
        tpu.vector_store %arg21[%parallel_loop3A_870, %parallel_loop3A_871], %parallel_loop3A_869 {strides = array<i32>} : memref<64x128xf32, #tpu.memory_space<vmem>>, vector<16xf32>,
        %parallel_loop3A_873 = arith.constant 2 : i32
        %parallel_loop3A_874 = arith.muli %parallel_loop3A_873, %parallel_loop3A_821 : i32
        %parallel_loop3A_875 = arith.constant 1 : i32
        %parallel_loop3A_876 = arith.addi %parallel_loop3A_874, %parallel_loop3A_875 : i32
        %parallel_loop3A_877 = vector.broadcast %parallel_loop3A_876 : i32 to vector<16xi32>
        %parallel_loop3A_878 = arith.addi %mul3A_5, %parallel_loop3A_877 : vector<16xi32>
        %parallel_loop3A_879 = tpu.vector_load_idx %arg13[%parallel_loop3A_878] : memref<128xi32, #tpu.memory_space<vmem>>[vector<16xi32>], vector<16xi32>,
        %parallel_loop3A_880 = arith.constant 0 : i32
        %parallel_loop3A_881 = vector.broadcast %parallel_loop3A_880 : i32 to vector<16xi32>
        %parallel_loop3A_882 = arith.addi %parallel_loop3A_881, %iota3A : vector<16xi32>
        %parallel_loop3A_883 = arith.addi %parallel_loop3A_879, %parallel_loop3A_882 : vector<16xi32>
        %parallel_loop3A_884 = tpu.vector_load_idx %arg17[%parallel_loop3A_878, %parallel_loop3A_883] : memref<128x128xf32, #tpu.memory_space<vmem>>[vector<16xi32>, vector<16xi32>], vector<16xf32>,
        %parallel_loop3A_885 = arith.constant 8.000000e+00 : f32
        %parallel_loop3A_886 = vector.broadcast %parallel_loop3A_885 : f32 to vector<16xf32>
        %parallel_loop3A_887 = arith.mulf %parallel_loop3A_884, %parallel_loop3A_886 : vector<16xf32>
        %parallel_loop3A_888 = arith.index_cast %parallel_loop3A_821 : i32 to index
        %parallel_loop3A_889 = arith.constant 64 : index
        %parallel_loop3A_890 = tpu.vector_load %arg21[%parallel_loop3A_888, %parallel_loop3A_889] {strides = array<i32>} : memref<64x128xf32, #tpu.memory_space<vmem>>, vector<16xf32>,
        tpu.vector_store %arg21[%parallel_loop3A_888, %parallel_loop3A_889], %parallel_loop3A_887 {strides = array<i32>} : memref<64x128xf32, #tpu.memory_space<vmem>>, vector<16xf32>,
        %parallel_loop3A_891 = arith.constant 16 : i32
        %parallel_loop3A_892 = vector.broadcast %parallel_loop3A_891 : i32 to vector<16xi32>
        %parallel_loop3A_893 = arith.addi %parallel_loop3A_892, %iota3A : vector<16xi32>
        %parallel_loop3A_894 = arith.addi %parallel_loop3A_879, %parallel_loop3A_893 : vector<16xi32>
        %parallel_loop3A_895 = tpu.vector_load_idx %arg17[%parallel_loop3A_878, %parallel_loop3A_894] : memref<128x128xf32, #tpu.memory_space<vmem>>[vector<16xi32>, vector<16xi32>], vector<16xf32>,
        %parallel_loop3A_896 = arith.constant 8.000000e+00 : f32
        %parallel_loop3A_897 = vector.broadcast %parallel_loop3A_896 : f32 to vector<16xf32>
        %parallel_loop3A_898 = arith.mulf %parallel_loop3A_895, %parallel_loop3A_897 : vector<16xf32>
        %parallel_loop3A_899 = arith.index_cast %parallel_loop3A_821 : i32 to index
        %parallel_loop3A_900 = arith.constant 80 : index
        %parallel_loop3A_901 = tpu.vector_load %arg21[%parallel_loop3A_899, %parallel_loop3A_900] {strides = array<i32>} : memref<64x128xf32, #tpu.memory_space<vmem>>, vector<16xf32>,
        tpu.vector_store %arg21[%parallel_loop3A_899, %parallel_loop3A_900], %parallel_loop3A_898 {strides = array<i32>} : memref<64x128xf32, #tpu.memory_space<vmem>>, vector<16xf32>,
        %parallel_loop3A_902 = arith.constant 32 : i32
        %parallel_loop3A_903 = vector.broadcast %parallel_loop3A_902 : i32 to vector<16xi32>
        %parallel_loop3A_904 = arith.addi %parallel_loop3A_903, %iota3A : vector<16xi32>
        %parallel_loop3A_905 = arith.addi %parallel_loop3A_879, %parallel_loop3A_904 : vector<16xi32>
        %parallel_loop3A_906 = tpu.vector_load_idx %arg17[%parallel_loop3A_878, %parallel_loop3A_905] : memref<128x128xf32, #tpu.memory_space<vmem>>[vector<16xi32>, vector<16xi32>], vector<16xf32>,
        %parallel_loop3A_907 = arith.constant 8.000000e+00 : f32
        %parallel_loop3A_908 = vector.broadcast %parallel_loop3A_907 : f32 to vector<16xf32>
        %parallel_loop3A_909 = arith.mulf %parallel_loop3A_906, %parallel_loop3A_908 : vector<16xf32>
        %parallel_loop3A_910 = arith.index_cast %parallel_loop3A_821 : i32 to index
        %parallel_loop3A_911 = arith.constant 96 : index
        %parallel_loop3A_912 = tpu.vector_load %arg21[%parallel_loop3A_910, %parallel_loop3A_911] {strides = array<i32>} : memref<64x128xf32, #tpu.memory_space<vmem>>, vector<16xf32>,
        tpu.vector_store %arg21[%parallel_loop3A_910, %parallel_loop3A_911], %parallel_loop3A_909 {strides = array<i32>} : memref<64x128xf32, #tpu.memory_space<vmem>>, vector<16xf32>,
        %parallel_loop3A_913 = arith.constant 48 : i32
        %parallel_loop3A_914 = vector.broadcast %parallel_loop3A_913 : i32 to vector<16xi32>
        %parallel_loop3A_915 = arith.addi %parallel_loop3A_914, %iota3A : vector<16xi32>
        %parallel_loop3A_916 = arith.addi %parallel_loop3A_879, %parallel_loop3A_915 : vector<16xi32>
        %parallel_loop3A_917 = tpu.vector_load_idx %arg17[%parallel_loop3A_878, %parallel_loop3A_916] : memref<128x128xf32, #tpu.memory_space<vmem>>[vector<16xi32>, vector<16xi32>], vector<16xf32>,
        %parallel_loop3A_918 = arith.constant 8.000000e+00 : f32
        %parallel_loop3A_919 = vector.broadcast %parallel_loop3A_918 : f32 to vector<16xf32>
        %parallel_loop3A_920 = arith.mulf %parallel_loop3A_917, %parallel_loop3A_919 : vector<16xf32>
        %parallel_loop3A_921 = arith.index_cast %parallel_loop3A_821 : i32 to index
        %parallel_loop3A_922 = arith.constant 112 : index
        %parallel_loop3A_923 = tpu.vector_load %arg21[%parallel_loop3A_921, %parallel_loop3A_922] {strides = array<i32>} : memref<64x128xf32, #tpu.memory_space<vmem>>, vector<16xf32>,
        tpu.vector_store %arg21[%parallel_loop3A_921, %parallel_loop3A_922], %parallel_loop3A_920 {strides = array<i32>} : memref<64x128xf32, #tpu.memory_space<vmem>>, vector<16xf32>,
      } {sc.loop_unroll_factor = 4 : i64, sc.parallel_access}
      %mul3A_450 = arith.constant 128 : i32
      %mul3A_451 = arith.muli %add3A_313, %mul3A_450 : i32
      %add3A_452 = arith.addi %mul3A_2, %mul3A_451 : i32
      %jit3A_453 = arith.constant 2 : i32
      %div3A_454 = arith.divsi %add3A_452, %jit3A_453 : i32
      %sign3A_455 = arith.constant 0 : i32
      %sign3A_456 = arith.cmpi sgt, %add3A_452, %sign3A_455 : i32
      %sign3A_457 = arith.extui %sign3A_456 : i1 to i32
      %sign3A_458 = arith.constant 0 : i32
      %sign3A_459 = arith.cmpi slt, %add3A_452, %sign3A_458 : i32
      %sign3A_460 = arith.extui %sign3A_459 : i1 to i32
      %sign3A_461 = arith.subi %sign3A_457, %sign3A_460 : i32
      %sign3A_462 = arith.constant 0 : i32
      %sign3A_463 = arith.cmpi sgt, %jit3A_453, %sign3A_462 : i32
      %sign3A_464 = arith.extui %sign3A_463 : i1 to i32
      %sign3A_465 = arith.constant 0 : i32
      %sign3A_466 = arith.cmpi slt, %jit3A_453, %sign3A_465 : i32
      %sign3A_467 = arith.extui %sign3A_466 : i1 to i32
      %sign3A_468 = arith.subi %sign3A_464, %sign3A_467 : i32
      %ne3A_469 = arith.cmpi ne, %sign3A_461, %sign3A_468 : i32
      %rem3A_470 = arith.remsi %add3A_452, %jit3A_453 : i32
      %ne3A_471 = arith.constant 0 : i32
      %ne3A_472 = arith.cmpi ne, %rem3A_470, %ne3A_471 : i32
      %and3A_473 = arith.andi %ne3A_469, %ne3A_472 : i1
      %sub3A_474 = arith.constant 1 : i32
      %sub3A_475 = arith.subi %div3A_454, %sub3A_474 : i32
      %select_n3A_476 = arith.select %and3A_473, %sub3A_475, %div3A_454 : i32
      %multiple_of3A_477 = tpu.assume_multiple %select_n3A_476, 8 : i32
      %dma_start3A_478 = arith.constant 0 : i32
      %dma_start3A_479 = tpu.memref_slice %arg4[%multiple_of3A_477, %dma_start3A_478] : memref<409600x128xf32, #tpu.memory_space<hbm>> -> memref<64x128xf32, #tpu.memory_space<hbm>>
      %dma_start3A_480 = arith.constant 0 : i32
      %dma_start3A_481 = tpu.memref_slice %arg4[%multiple_of3A_477, %dma_start3A_480] : memref<409600x128xf32, #tpu.memory_space<hbm>> -> memref<64x128xf32, #tpu.memory_space<hbm>>
      tpu.enqueue_dma source(%arg21 : memref<64x128xf32, #tpu.memory_space<vmem>>) target(%dma_start3A_481 : memref<64x128xf32, #tpu.memory_space<hbm>>) target_semaphore(%arg27 : memref<!tpu.dma_semaphore, #tpu.memory_space<semaphore_mem>>)
      %mul3A_482 = arith.constant 4 : i32
      %mul3A_483 = arith.muli %mul3A_482, %scan3A_309 : i32
      %add3A_484 = arith.constant 1 : i32
      %add3A_485 = arith.addi %mul3A_483, %add3A_484 : i32
      %gt3A_486 = arith.constant 0 : i32
      %gt3A_487 = arith.cmpi sgt, %scan3A_309, %gt3A_486 : i32
      %cond3A_488 = arith.constant 1 : i32
      %add3A_489 = arith.constant 2 : i32
      %add3A_490 = arith.addi %add3A_485, %add3A_489 : i32
      %mul3A_491 = arith.constant 128 : i32
      %mul3A_492 = arith.muli %add3A_490, %mul3A_491 : i32
      %add3A_493 = arith.addi %mul3A_2, %mul3A_492 : i32
      "tpu.region"() ({
        %run_scoped3A = tpu.sem_alloc : memref<!tpu.dma_semaphore, #tpu.memory_space<semaphore_mem>>
        %dma_start3A_821 = tpu.memref_slice %arg2[%add3A_493] : memref<819200xi32, #tpu.memory_space<hbm>> -> memref<128xi32, #tpu.memory_space<hbm>>
        %dma_start3A_822 = tpu.memref_slice %arg2[%add3A_493] : memref<819200xi32, #tpu.memory_space<hbm>> -> memref<128xi32, #tpu.memory_space<hbm>>
        tpu.enqueue_dma source(%dma_start3A_822 : memref<128xi32, #tpu.memory_space<hbm>>) target(%arg8 : memref<128xi32, #tpu.memory_space<vmem>>) target_semaphore(%run_scoped3A : memref<!tpu.dma_semaphore, #tpu.memory_space<semaphore_mem>>)
        %dma_wait3A_823 = tpu.memref_slice %arg2[%add3A_493] : memref<819200xi32, #tpu.memory_space<hbm>> -> memref<128xi32, #tpu.memory_space<hbm>>
        %dma_wait3A_824 = tpu.memref_slice %arg2[%add3A_493] : memref<819200xi32, #tpu.memory_space<hbm>> -> memref<128xi32, #tpu.memory_space<hbm>>
        tpu.wait_dma2 semaphore(%run_scoped3A : memref<!tpu.dma_semaphore, #tpu.memory_space<semaphore_mem>>) src(%dma_wait3A_824 : memref<128xi32, #tpu.memory_space<hbm>>) dst(%arg8 : memref<128xi32, #tpu.memory_space<vmem>>)
        tpu.yield
      }) : () -> ()
      %get3A_494 = arith.constant 0 : index
      %get3A_495 = tpu.vector_load %arg8[%get3A_494] {strides = array<i32>} : memref<128xi32, #tpu.memory_space<vmem>>, vector<16xi32>,
      %shift_right_logical3A_496 = arith.constant 1 : i32
      %shift_right_logical3A_497 = vector.broadcast %shift_right_logical3A_496 : i32 to vector<16xi32>
      %shift_right_logical3A_498 = arith.shrui %get3A_495, %shift_right_logical3A_497 : vector<16xi32>
      %swap3A_499 = arith.constant 0 : index
      %swap3A_500 = tpu.vector_load %arg12[%swap3A_499] {strides = array<i32>} : memref<128xi32, #tpu.memory_space<vmem>>, vector<16xi32>,
      tpu.vector_store %arg12[%swap3A_499], %shift_right_logical3A_498 {strides = array<i32>} : memref<128xi32, #tpu.memory_space<vmem>>, vector<16xi32>,
      %and3A_501 = arith.constant 1 : i32
      %and3A_502 = vector.broadcast %and3A_501 : i32 to vector<16xi32>
      %and3A_503 = arith.andi %get3A_495, %and3A_502 : vector<16xi32>
      %mul3A_504 = arith.constant 64 : i32
      %mul3A_505 = vector.broadcast %mul3A_504 : i32 to vector<16xi32>
      %mul3A_506 = arith.muli %and3A_503, %mul3A_505 : vector<16xi32>
      %swap3A_507 = arith.constant 0 : index
      %swap3A_508 = tpu.vector_load %arg16[%swap3A_507] {strides = array<i32>} : memref<128xi32, #tpu.memory_space<vmem>>, vector<16xi32>,
      tpu.vector_store %arg16[%swap3A_507], %mul3A_506 {strides = array<i32>} : memref<128xi32, #tpu.memory_space<vmem>>, vector<16xi32>,
      %get3A_509 = arith.constant 16 : index
      %get3A_510 = tpu.vector_load %arg8[%get3A_509] {strides = array<i32>} : memref<128xi32, #tpu.memory_space<vmem>>, vector<16xi32>,
      %shift_right_logical3A_511 = arith.constant 1 : i32
      %shift_right_logical3A_512 = vector.broadcast %shift_right_logical3A_511 : i32 to vector<16xi32>
      %shift_right_logical3A_513 = arith.shrui %get3A_510, %shift_right_logical3A_512 : vector<16xi32>
      %swap3A_514 = arith.constant 16 : index
      %swap3A_515 = tpu.vector_load %arg12[%swap3A_514] {strides = array<i32>} : memref<128xi32, #tpu.memory_space<vmem>>, vector<16xi32>,
      tpu.vector_store %arg12[%swap3A_514], %shift_right_logical3A_513 {strides = array<i32>} : memref<128xi32, #tpu.memory_space<vmem>>, vector<16xi32>,
      %and3A_516 = arith.constant 1 : i32
      %and3A_517 = vector.broadcast %and3A_516 : i32 to vector<16xi32>
      %and3A_518 = arith.andi %get3A_510, %and3A_517 : vector<16xi32>
      %mul3A_519 = arith.constant 64 : i32
      %mul3A_520 = vector.broadcast %mul3A_519 : i32 to vector<16xi32>
      %mul3A_521 = arith.muli %and3A_518, %mul3A_520 : vector<16xi32>
      %swap3A_522 = arith.constant 16 : index
      %swap3A_523 = tpu.vector_load %arg16[%swap3A_522] {strides = array<i32>} : memref<128xi32, #tpu.memory_space<vmem>>, vector<16xi32>,
      tpu.vector_store %arg16[%swap3A_522], %mul3A_521 {strides = array<i32>} : memref<128xi32, #tpu.memory_space<vmem>>, vector<16xi32>,
      %get3A_524 = arith.constant 32 : index
      %get3A_525 = tpu.vector_load %arg8[%get3A_524] {strides = array<i32>} : memref<128xi32, #tpu.memory_space<vmem>>, vector<16xi32>,
      %shift_right_logical3A_526 = arith.constant 1 : i32
      %shift_right_logical3A_527 = vector.broadcast %shift_right_logical3A_526 : i32 to vector<16xi32>
      %shift_right_logical3A_528 = arith.shrui %get3A_525, %shift_right_logical3A_527 : vector<16xi32>
      %swap3A_529 = arith.constant 32 : index
      %swap3A_530 = tpu.vector_load %arg12[%swap3A_529] {strides = array<i32>} : memref<128xi32, #tpu.memory_space<vmem>>, vector<16xi32>,
      tpu.vector_store %arg12[%swap3A_529], %shift_right_logical3A_528 {strides = array<i32>} : memref<128xi32, #tpu.memory_space<vmem>>, vector<16xi32>,
      %and3A_531 = arith.constant 1 : i32
      %and3A_532 = vector.broadcast %and3A_531 : i32 to vector<16xi32>
      %and3A_533 = arith.andi %get3A_525, %and3A_532 : vector<16xi32>
      %mul3A_534 = arith.constant 64 : i32
      %mul3A_535 = vector.broadcast %mul3A_534 : i32 to vector<16xi32>
      %mul3A_536 = arith.muli %and3A_533, %mul3A_535 : vector<16xi32>
      %swap3A_537 = arith.constant 32 : index
      %swap3A_538 = tpu.vector_load %arg16[%swap3A_537] {strides = array<i32>} : memref<128xi32, #tpu.memory_space<vmem>>, vector<16xi32>,
      tpu.vector_store %arg16[%swap3A_537], %mul3A_536 {strides = array<i32>} : memref<128xi32, #tpu.memory_space<vmem>>, vector<16xi32>,
      %get3A_539 = arith.constant 48 : index
      %get3A_540 = tpu.vector_load %arg8[%get3A_539] {strides = array<i32>} : memref<128xi32, #tpu.memory_space<vmem>>, vector<16xi32>,
      %shift_right_logical3A_541 = arith.constant 1 : i32
      %shift_right_logical3A_542 = vector.broadcast %shift_right_logical3A_541 : i32 to vector<16xi32>
      %shift_right_logical3A_543 = arith.shrui %get3A_540, %shift_right_logical3A_542 : vector<16xi32>
      %swap3A_544 = arith.constant 48 : index
      %swap3A_545 = tpu.vector_load %arg12[%swap3A_544] {strides = array<i32>} : memref<128xi32, #tpu.memory_space<vmem>>, vector<16xi32>,
      tpu.vector_store %arg12[%swap3A_544], %shift_right_logical3A_543 {strides = array<i32>} : memref<128xi32, #tpu.memory_space<vmem>>, vector<16xi32>,
      %and3A_546 = arith.constant 1 : i32
      %and3A_547 = vector.broadcast %and3A_546 : i32 to vector<16xi32>
      %and3A_548 = arith.andi %get3A_540, %and3A_547 : vector<16xi32>
      %mul3A_549 = arith.constant 64 : i32
      %mul3A_550 = vector.broadcast %mul3A_549 : i32 to vector<16xi32>
      %mul3A_551 = arith.muli %and3A_548, %mul3A_550 : vector<16xi32>
      %swap3A_552 = arith.constant 48 : index
      %swap3A_553 = tpu.vector_load %arg16[%swap3A_552] {strides = array<i32>} : memref<128xi32, #tpu.memory_space<vmem>>, vector<16xi32>,
      tpu.vector_store %arg16[%swap3A_552], %mul3A_551 {strides = array<i32>} : memref<128xi32, #tpu.memory_space<vmem>>, vector<16xi32>,
      %get3A_554 = arith.constant 64 : index
      %get3A_555 = tpu.vector_load %arg8[%get3A_554] {strides = array<i32>} : memref<128xi32, #tpu.memory_space<vmem>>, vector<16xi32>,
      %shift_right_logical3A_556 = arith.constant 1 : i32
      %shift_right_logical3A_557 = vector.broadcast %shift_right_logical3A_556 : i32 to vector<16xi32>
      %shift_right_logical3A_558 = arith.shrui %get3A_555, %shift_right_logical3A_557 : vector<16xi32>
      %swap3A_559 = arith.constant 64 : index
      %swap3A_560 = tpu.vector_load %arg12[%swap3A_559] {strides = array<i32>} : memref<128xi32, #tpu.memory_space<vmem>>, vector<16xi32>,
      tpu.vector_store %arg12[%swap3A_559], %shift_right_logical3A_558 {strides = array<i32>} : memref<128xi32, #tpu.memory_space<vmem>>, vector<16xi32>,
      %and3A_561 = arith.constant 1 : i32
      %and3A_562 = vector.broadcast %and3A_561 : i32 to vector<16xi32>
      %and3A_563 = arith.andi %get3A_555, %and3A_562 : vector<16xi32>
      %mul3A_564 = arith.constant 64 : i32
      %mul3A_565 = vector.broadcast %mul3A_564 : i32 to vector<16xi32>
      %mul3A_566 = arith.muli %and3A_563, %mul3A_565 : vector<16xi32>
      %swap3A_567 = arith.constant 64 : index
      %swap3A_568 = tpu.vector_load %arg16[%swap3A_567] {strides = array<i32>} : memref<128xi32, #tpu.memory_space<vmem>>, vector<16xi32>,
      tpu.vector_store %arg16[%swap3A_567], %mul3A_566 {strides = array<i32>} : memref<128xi32, #tpu.memory_space<vmem>>, vector<16xi32>,
      %get3A_569 = arith.constant 80 : index
      %get3A_570 = tpu.vector_load %arg8[%get3A_569] {strides = array<i32>} : memref<128xi32, #tpu.memory_space<vmem>>, vector<16xi32>,
      %shift_right_logical3A_571 = arith.constant 1 : i32
      %shift_right_logical3A_572 = vector.broadcast %shift_right_logical3A_571 : i32 to vector<16xi32>
      %shift_right_logical3A_573 = arith.shrui %get3A_570, %shift_right_logical3A_572 : vector<16xi32>
      %swap3A_574 = arith.constant 80 : index
      %swap3A_575 = tpu.vector_load %arg12[%swap3A_574] {strides = array<i32>} : memref<128xi32, #tpu.memory_space<vmem>>, vector<16xi32>,
      tpu.vector_store %arg12[%swap3A_574], %shift_right_logical3A_573 {strides = array<i32>} : memref<128xi32, #tpu.memory_space<vmem>>, vector<16xi32>,
      %and3A_576 = arith.constant 1 : i32
      %and3A_577 = vector.broadcast %and3A_576 : i32 to vector<16xi32>
      %and3A_578 = arith.andi %get3A_570, %and3A_577 : vector<16xi32>
      %mul3A_579 = arith.constant 64 : i32
      %mul3A_580 = vector.broadcast %mul3A_579 : i32 to vector<16xi32>
      %mul3A_581 = arith.muli %and3A_578, %mul3A_580 : vector<16xi32>
      %swap3A_582 = arith.constant 80 : index
      %swap3A_583 = tpu.vector_load %arg16[%swap3A_582] {strides = array<i32>} : memref<128xi32, #tpu.memory_space<vmem>>, vector<16xi32>,
      tpu.vector_store %arg16[%swap3A_582], %mul3A_581 {strides = array<i32>} : memref<128xi32, #tpu.memory_space<vmem>>, vector<16xi32>,
      %get3A_584 = arith.constant 96 : index
      %get3A_585 = tpu.vector_load %arg8[%get3A_584] {strides = array<i32>} : memref<128xi32, #tpu.memory_space<vmem>>, vector<16xi32>,
      %shift_right_logical3A_586 = arith.constant 1 : i32
      %shift_right_logical3A_587 = vector.broadcast %shift_right_logical3A_586 : i32 to vector<16xi32>
      %shift_right_logical3A_588 = arith.shrui %get3A_585, %shift_right_logical3A_587 : vector<16xi32>
      %swap3A_589 = arith.constant 96 : index
      %swap3A_590 = tpu.vector_load %arg12[%swap3A_589] {strides = array<i32>} : memref<128xi32, #tpu.memory_space<vmem>>, vector<16xi32>,
      tpu.vector_store %arg12[%swap3A_589], %shift_right_logical3A_588 {strides = array<i32>} : memref<128xi32, #tpu.memory_space<vmem>>, vector<16xi32>,
      %and3A_591 = arith.constant 1 : i32
      %and3A_592 = vector.broadcast %and3A_591 : i32 to vector<16xi32>
      %and3A_593 = arith.andi %get3A_585, %and3A_592 : vector<16xi32>
      %mul3A_594 = arith.constant 64 : i32
      %mul3A_595 = vector.broadcast %mul3A_594 : i32 to vector<16xi32>
      %mul3A_596 = arith.muli %and3A_593, %mul3A_595 : vector<16xi32>
      %swap3A_597 = arith.constant 96 : index
      %swap3A_598 = tpu.vector_load %arg16[%swap3A_597] {strides = array<i32>} : memref<128xi32, #tpu.memory_space<vmem>>, vector<16xi32>,
      tpu.vector_store %arg16[%swap3A_597], %mul3A_596 {strides = array<i32>} : memref<128xi32, #tpu.memory_space<vmem>>, vector<16xi32>,
      %get3A_599 = arith.constant 112 : index
      %get3A_600 = tpu.vector_load %arg8[%get3A_599] {strides = array<i32>} : memref<128xi32, #tpu.memory_space<vmem>>, vector<16xi32>,
      %shift_right_logical3A_601 = arith.constant 1 : i32
      %shift_right_logical3A_602 = vector.broadcast %shift_right_logical3A_601 : i32 to vector<16xi32>
      %shift_right_logical3A_603 = arith.shrui %get3A_600, %shift_right_logical3A_602 : vector<16xi32>
      %swap3A_604 = arith.constant 112 : index
      %swap3A_605 = tpu.vector_load %arg12[%swap3A_604] {strides = array<i32>} : memref<128xi32, #tpu.memory_space<vmem>>, vector<16xi32>,
      tpu.vector_store %arg12[%swap3A_604], %shift_right_logical3A_603 {strides = array<i32>} : memref<128xi32, #tpu.memory_space<vmem>>, vector<16xi32>,
      %and3A_606 = arith.constant 1 : i32
      %and3A_607 = vector.broadcast %and3A_606 : i32 to vector<16xi32>
      %and3A_608 = arith.andi %get3A_600, %and3A_607 : vector<16xi32>
      %mul3A_609 = arith.constant 64 : i32
      %mul3A_610 = vector.broadcast %mul3A_609 : i32 to vector<16xi32>
      %mul3A_611 = arith.muli %and3A_608, %mul3A_610 : vector<16xi32>
      %swap3A_612 = arith.constant 112 : index
      %swap3A_613 = tpu.vector_load %arg16[%swap3A_612] {strides = array<i32>} : memref<128xi32, #tpu.memory_space<vmem>>, vector<16xi32>,
      tpu.vector_store %arg16[%swap3A_612], %mul3A_611 {strides = array<i32>} : memref<128xi32, #tpu.memory_space<vmem>>, vector<16xi32>,
      %dma_start3A_614 = arith.constant 0 : i32
      %dma_start3A_615 = arith.constant 0 : i32
      %dma_start3A_616 = tpu.memref_slice %arg3[%dma_start3A_614, %dma_start3A_615] : memref<500000x128xf32, #tpu.memory_space<hbm>> -> memref<500000x128xf32, #tpu.memory_space<hbm>>
      tpu.enqueue_indirect_dma source(%dma_start3A_616 : memref<500000x128xf32, #tpu.memory_space<hbm>>) target(%arg20 : memref<128x128xf32, #tpu.memory_space<vmem>>) offsets(%arg12 : memref<128xi32, #tpu.memory_space<vmem>>) semaphore(%arg26 : memref<!tpu.dma_semaphore, #tpu.memory_space<semaphore_mem>>)
      %dma_wait3A_617 = arith.constant 0 : i32
      %dma_wait3A_618 = arith.constant 0 : i32
      %dma_wait3A_619 = tpu.memref_slice %arg3[%dma_wait3A_617, %dma_wait3A_618] : memref<500000x128xf32, #tpu.memory_space<hbm>> -> memref<500000x128xf32, #tpu.memory_space<hbm>>
      tpu.wait_indirect_dma semaphore(%arg24 : memref<!tpu.dma_semaphore, #tpu.memory_space<semaphore_mem>>) src(%dma_wait3A_619 : memref<500000x128xf32, #tpu.memory_space<hbm>>) dst(%arg18 : memref<128x128xf32, #tpu.memory_space<vmem>>)
      %convert_element_type3A_620 = arith.extui %gt3A_487 : i1 to i32
      %cond3A_621 = arith.constant 0 : i32
      %cond3A_622 = arith.cmpi ne, %convert_element_type3A_620, %cond3A_621 : i32
      scf.if %cond3A_622 {
        %sub3A_821 = arith.constant 2 : i32
        %sub3A_822 = arith.subi %add3A_485, %sub3A_821 : i32
        %mul3A_823 = arith.constant 128 : i32
        %mul3A_824 = arith.muli %sub3A_822, %mul3A_823 : i32
        %add3A_825 = arith.addi %mul3A_2, %mul3A_824 : i32
        %jit3A_826 = arith.constant 2 : i32
        %div3A_827 = arith.divsi %add3A_825, %jit3A_826 : i32
        %sign3A_828 = arith.constant 0 : i32
        %sign3A_829 = arith.cmpi sgt, %add3A_825, %sign3A_828 : i32
        %sign3A_830 = arith.extui %sign3A_829 : i1 to i32
        %sign3A_831 = arith.constant 0 : i32
        %sign3A_832 = arith.cmpi slt, %add3A_825, %sign3A_831 : i32
        %sign3A_833 = arith.extui %sign3A_832 : i1 to i32
        %sign3A_834 = arith.subi %sign3A_830, %sign3A_833 : i32
        %sign3A_835 = arith.constant 0 : i32
        %sign3A_836 = arith.cmpi sgt, %jit3A_826, %sign3A_835 : i32
        %sign3A_837 = arith.extui %sign3A_836 : i1 to i32
        %sign3A_838 = arith.constant 0 : i32
        %sign3A_839 = arith.cmpi slt, %jit3A_826, %sign3A_838 : i32
        %sign3A_840 = arith.extui %sign3A_839 : i1 to i32
        %sign3A_841 = arith.subi %sign3A_837, %sign3A_840 : i32
        %ne3A_842 = arith.cmpi ne, %sign3A_834, %sign3A_841 : i32
        %rem3A_843 = arith.remsi %add3A_825, %jit3A_826 : i32
        %ne3A_844 = arith.constant 0 : i32
        %ne3A_845 = arith.cmpi ne, %rem3A_843, %ne3A_844 : i32
        %and3A_846 = arith.andi %ne3A_842, %ne3A_845 : i1
        %sub3A_847 = arith.constant 1 : i32
        %sub3A_848 = arith.subi %div3A_827, %sub3A_847 : i32
        %select_n3A_849 = arith.select %and3A_846, %sub3A_848, %div3A_827 : i32
        %multiple_of3A_850 = tpu.assume_multiple %select_n3A_849, 8 : i32
        %dma_wait3A_851 = arith.constant 0 : i32
        %dma_wait3A_852 = tpu.memref_slice %arg4[%multiple_of3A_850, %dma_wait3A_851] : memref<409600x128xf32, #tpu.memory_space<hbm>> -> memref<64x128xf32, #tpu.memory_space<hbm>>
        %dma_wait3A_853 = arith.constant 0 : i32
        %dma_wait3A_854 = tpu.memref_slice %arg4[%multiple_of3A_850, %dma_wait3A_853] : memref<409600x128xf32, #tpu.memory_space<hbm>> -> memref<64x128xf32, #tpu.memory_space<hbm>>
        tpu.wait_dma2 semaphore(%arg28 : memref<!tpu.dma_semaphore, #tpu.memory_space<semaphore_mem>>) src(%arg22 : memref<64x128xf32, #tpu.memory_space<vmem>>) dst(%dma_wait3A_854 : memref<64x128xf32, #tpu.memory_space<hbm>>)
      } else {
      }
      %parallel_loop3A_623 = arith.constant 0 : i32
      %parallel_loop3A_624 = arith.constant 64 : i32
      %parallel_loop3A_625 = arith.constant 1 : i32
      scf.for %parallel_loop3A_821 = %parallel_loop3A_623 to %parallel_loop3A_624 step %parallel_loop3A_625  : i32 {
        %parallel_loop3A_822 = arith.constant 2 : i32
        %parallel_loop3A_823 = arith.muli %parallel_loop3A_822, %parallel_loop3A_821 : i32
        %parallel_loop3A_824 = arith.constant 0 : i32
        %parallel_loop3A_825 = arith.addi %parallel_loop3A_823, %parallel_loop3A_824 : i32
        %parallel_loop3A_826 = vector.broadcast %parallel_loop3A_825 : i32 to vector<16xi32>
        %parallel_loop3A_827 = arith.addi %mul3A_5, %parallel_loop3A_826 : vector<16xi32>
        %parallel_loop3A_828 = tpu.vector_load_idx %arg14[%parallel_loop3A_827] : memref<128xi32, #tpu.memory_space<vmem>>[vector<16xi32>], vector<16xi32>,
        %parallel_loop3A_829 = arith.constant 0 : i32
        %parallel_loop3A_830 = vector.broadcast %parallel_loop3A_829 : i32 to vector<16xi32>
        %parallel_loop3A_831 = arith.addi %parallel_loop3A_830, %iota3A : vector<16xi32>
        %parallel_loop3A_832 = arith.addi %parallel_loop3A_828, %parallel_loop3A_831 : vector<16xi32>
        %parallel_loop3A_833 = tpu.vector_load_idx %arg18[%parallel_loop3A_827, %parallel_loop3A_832] : memref<128x128xf32, #tpu.memory_space<vmem>>[vector<16xi32>, vector<16xi32>], vector<16xf32>,
        %parallel_loop3A_834 = arith.constant 8.000000e+00 : f32
        %parallel_loop3A_835 = vector.broadcast %parallel_loop3A_834 : f32 to vector<16xf32>
        %parallel_loop3A_836 = arith.mulf %parallel_loop3A_833, %parallel_loop3A_835 : vector<16xf32>
        %parallel_loop3A_837 = arith.index_cast %parallel_loop3A_821 : i32 to index
        %parallel_loop3A_838 = arith.constant 0 : index
        %parallel_loop3A_839 = tpu.vector_load %arg22[%parallel_loop3A_837, %parallel_loop3A_838] {strides = array<i32>} : memref<64x128xf32, #tpu.memory_space<vmem>>, vector<16xf32>,
        tpu.vector_store %arg22[%parallel_loop3A_837, %parallel_loop3A_838], %parallel_loop3A_836 {strides = array<i32>} : memref<64x128xf32, #tpu.memory_space<vmem>>, vector<16xf32>,
        %parallel_loop3A_840 = arith.constant 16 : i32
        %parallel_loop3A_841 = vector.broadcast %parallel_loop3A_840 : i32 to vector<16xi32>
        %parallel_loop3A_842 = arith.addi %parallel_loop3A_841, %iota3A : vector<16xi32>
        %parallel_loop3A_843 = arith.addi %parallel_loop3A_828, %parallel_loop3A_842 : vector<16xi32>
        %parallel_loop3A_844 = tpu.vector_load_idx %arg18[%parallel_loop3A_827, %parallel_loop3A_843] : memref<128x128xf32, #tpu.memory_space<vmem>>[vector<16xi32>, vector<16xi32>], vector<16xf32>,
        %parallel_loop3A_845 = arith.constant 8.000000e+00 : f32
        %parallel_loop3A_846 = vector.broadcast %parallel_loop3A_845 : f32 to vector<16xf32>
        %parallel_loop3A_847 = arith.mulf %parallel_loop3A_844, %parallel_loop3A_846 : vector<16xf32>
        %parallel_loop3A_848 = arith.index_cast %parallel_loop3A_821 : i32 to index
        %parallel_loop3A_849 = arith.constant 16 : index
        %parallel_loop3A_850 = tpu.vector_load %arg22[%parallel_loop3A_848, %parallel_loop3A_849] {strides = array<i32>} : memref<64x128xf32, #tpu.memory_space<vmem>>, vector<16xf32>,
        tpu.vector_store %arg22[%parallel_loop3A_848, %parallel_loop3A_849], %parallel_loop3A_847 {strides = array<i32>} : memref<64x128xf32, #tpu.memory_space<vmem>>, vector<16xf32>,
        %parallel_loop3A_851 = arith.constant 32 : i32
        %parallel_loop3A_852 = vector.broadcast %parallel_loop3A_851 : i32 to vector<16xi32>
        %parallel_loop3A_853 = arith.addi %parallel_loop3A_852, %iota3A : vector<16xi32>
        %parallel_loop3A_854 = arith.addi %parallel_loop3A_828, %parallel_loop3A_853 : vector<16xi32>
        %parallel_loop3A_855 = tpu.vector_load_idx %arg18[%parallel_loop3A_827, %parallel_loop3A_854] : memref<128x128xf32, #tpu.memory_space<vmem>>[vector<16xi32>, vector<16xi32>], vector<16xf32>,
        %parallel_loop3A_856 = arith.constant 8.000000e+00 : f32
        %parallel_loop3A_857 = vector.broadcast %parallel_loop3A_856 : f32 to vector<16xf32>
        %parallel_loop3A_858 = arith.mulf %parallel_loop3A_855, %parallel_loop3A_857 : vector<16xf32>
        %parallel_loop3A_859 = arith.index_cast %parallel_loop3A_821 : i32 to index
        %parallel_loop3A_860 = arith.constant 32 : index
        %parallel_loop3A_861 = tpu.vector_load %arg22[%parallel_loop3A_859, %parallel_loop3A_860] {strides = array<i32>} : memref<64x128xf32, #tpu.memory_space<vmem>>, vector<16xf32>,
        tpu.vector_store %arg22[%parallel_loop3A_859, %parallel_loop3A_860], %parallel_loop3A_858 {strides = array<i32>} : memref<64x128xf32, #tpu.memory_space<vmem>>, vector<16xf32>,
        %parallel_loop3A_862 = arith.constant 48 : i32
        %parallel_loop3A_863 = vector.broadcast %parallel_loop3A_862 : i32 to vector<16xi32>
        %parallel_loop3A_864 = arith.addi %parallel_loop3A_863, %iota3A : vector<16xi32>
        %parallel_loop3A_865 = arith.addi %parallel_loop3A_828, %parallel_loop3A_864 : vector<16xi32>
        %parallel_loop3A_866 = tpu.vector_load_idx %arg18[%parallel_loop3A_827, %parallel_loop3A_865] : memref<128x128xf32, #tpu.memory_space<vmem>>[vector<16xi32>, vector<16xi32>], vector<16xf32>,
        %parallel_loop3A_867 = arith.constant 8.000000e+00 : f32
        %parallel_loop3A_868 = vector.broadcast %parallel_loop3A_867 : f32 to vector<16xf32>
        %parallel_loop3A_869 = arith.mulf %parallel_loop3A_866, %parallel_loop3A_868 : vector<16xf32>
        %parallel_loop3A_870 = arith.index_cast %parallel_loop3A_821 : i32 to index
        %parallel_loop3A_871 = arith.constant 48 : index
        %parallel_loop3A_872 = tpu.vector_load %arg22[%parallel_loop3A_870, %parallel_loop3A_871] {strides = array<i32>} : memref<64x128xf32, #tpu.memory_space<vmem>>, vector<16xf32>,
        tpu.vector_store %arg22[%parallel_loop3A_870, %parallel_loop3A_871], %parallel_loop3A_869 {strides = array<i32>} : memref<64x128xf32, #tpu.memory_space<vmem>>, vector<16xf32>,
        %parallel_loop3A_873 = arith.constant 2 : i32
        %parallel_loop3A_874 = arith.muli %parallel_loop3A_873, %parallel_loop3A_821 : i32
        %parallel_loop3A_875 = arith.constant 1 : i32
        %parallel_loop3A_876 = arith.addi %parallel_loop3A_874, %parallel_loop3A_875 : i32
        %parallel_loop3A_877 = vector.broadcast %parallel_loop3A_876 : i32 to vector<16xi32>
        %parallel_loop3A_878 = arith.addi %mul3A_5, %parallel_loop3A_877 : vector<16xi32>
        %parallel_loop3A_879 = tpu.vector_load_idx %arg14[%parallel_loop3A_878] : memref<128xi32, #tpu.memory_space<vmem>>[vector<16xi32>], vector<16xi32>,
        %parallel_loop3A_880 = arith.constant 0 : i32
        %parallel_loop3A_881 = vector.broadcast %parallel_loop3A_880 : i32 to vector<16xi32>
        %parallel_loop3A_882 = arith.addi %parallel_loop3A_881, %iota3A : vector<16xi32>
        %parallel_loop3A_883 = arith.addi %parallel_loop3A_879, %parallel_loop3A_882 : vector<16xi32>
        %parallel_loop3A_884 = tpu.vector_load_idx %arg18[%parallel_loop3A_878, %parallel_loop3A_883] : memref<128x128xf32, #tpu.memory_space<vmem>>[vector<16xi32>, vector<16xi32>], vector<16xf32>,
        %parallel_loop3A_885 = arith.constant 8.000000e+00 : f32
        %parallel_loop3A_886 = vector.broadcast %parallel_loop3A_885 : f32 to vector<16xf32>
        %parallel_loop3A_887 = arith.mulf %parallel_loop3A_884, %parallel_loop3A_886 : vector<16xf32>
        %parallel_loop3A_888 = arith.index_cast %parallel_loop3A_821 : i32 to index
        %parallel_loop3A_889 = arith.constant 64 : index
        %parallel_loop3A_890 = tpu.vector_load %arg22[%parallel_loop3A_888, %parallel_loop3A_889] {strides = array<i32>} : memref<64x128xf32, #tpu.memory_space<vmem>>, vector<16xf32>,
        tpu.vector_store %arg22[%parallel_loop3A_888, %parallel_loop3A_889], %parallel_loop3A_887 {strides = array<i32>} : memref<64x128xf32, #tpu.memory_space<vmem>>, vector<16xf32>,
        %parallel_loop3A_891 = arith.constant 16 : i32
        %parallel_loop3A_892 = vector.broadcast %parallel_loop3A_891 : i32 to vector<16xi32>
        %parallel_loop3A_893 = arith.addi %parallel_loop3A_892, %iota3A : vector<16xi32>
        %parallel_loop3A_894 = arith.addi %parallel_loop3A_879, %parallel_loop3A_893 : vector<16xi32>
        %parallel_loop3A_895 = tpu.vector_load_idx %arg18[%parallel_loop3A_878, %parallel_loop3A_894] : memref<128x128xf32, #tpu.memory_space<vmem>>[vector<16xi32>, vector<16xi32>], vector<16xf32>,
        %parallel_loop3A_896 = arith.constant 8.000000e+00 : f32
        %parallel_loop3A_897 = vector.broadcast %parallel_loop3A_896 : f32 to vector<16xf32>
        %parallel_loop3A_898 = arith.mulf %parallel_loop3A_895, %parallel_loop3A_897 : vector<16xf32>
        %parallel_loop3A_899 = arith.index_cast %parallel_loop3A_821 : i32 to index
        %parallel_loop3A_900 = arith.constant 80 : index
        %parallel_loop3A_901 = tpu.vector_load %arg22[%parallel_loop3A_899, %parallel_loop3A_900] {strides = array<i32>} : memref<64x128xf32, #tpu.memory_space<vmem>>, vector<16xf32>,
        tpu.vector_store %arg22[%parallel_loop3A_899, %parallel_loop3A_900], %parallel_loop3A_898 {strides = array<i32>} : memref<64x128xf32, #tpu.memory_space<vmem>>, vector<16xf32>,
        %parallel_loop3A_902 = arith.constant 32 : i32
        %parallel_loop3A_903 = vector.broadcast %parallel_loop3A_902 : i32 to vector<16xi32>
        %parallel_loop3A_904 = arith.addi %parallel_loop3A_903, %iota3A : vector<16xi32>
        %parallel_loop3A_905 = arith.addi %parallel_loop3A_879, %parallel_loop3A_904 : vector<16xi32>
        %parallel_loop3A_906 = tpu.vector_load_idx %arg18[%parallel_loop3A_878, %parallel_loop3A_905] : memref<128x128xf32, #tpu.memory_space<vmem>>[vector<16xi32>, vector<16xi32>], vector<16xf32>,
        %parallel_loop3A_907 = arith.constant 8.000000e+00 : f32
        %parallel_loop3A_908 = vector.broadcast %parallel_loop3A_907 : f32 to vector<16xf32>
        %parallel_loop3A_909 = arith.mulf %parallel_loop3A_906, %parallel_loop3A_908 : vector<16xf32>
        %parallel_loop3A_910 = arith.index_cast %parallel_loop3A_821 : i32 to index
        %parallel_loop3A_911 = arith.constant 96 : index
        %parallel_loop3A_912 = tpu.vector_load %arg22[%parallel_loop3A_910, %parallel_loop3A_911] {strides = array<i32>} : memref<64x128xf32, #tpu.memory_space<vmem>>, vector<16xf32>,
        tpu.vector_store %arg22[%parallel_loop3A_910, %parallel_loop3A_911], %parallel_loop3A_909 {strides = array<i32>} : memref<64x128xf32, #tpu.memory_space<vmem>>, vector<16xf32>,
        %parallel_loop3A_913 = arith.constant 48 : i32
        %parallel_loop3A_914 = vector.broadcast %parallel_loop3A_913 : i32 to vector<16xi32>
        %parallel_loop3A_915 = arith.addi %parallel_loop3A_914, %iota3A : vector<16xi32>
        %parallel_loop3A_916 = arith.addi %parallel_loop3A_879, %parallel_loop3A_915 : vector<16xi32>
        %parallel_loop3A_917 = tpu.vector_load_idx %arg18[%parallel_loop3A_878, %parallel_loop3A_916] : memref<128x128xf32, #tpu.memory_space<vmem>>[vector<16xi32>, vector<16xi32>], vector<16xf32>,
        %parallel_loop3A_918 = arith.constant 8.000000e+00 : f32
        %parallel_loop3A_919 = vector.broadcast %parallel_loop3A_918 : f32 to vector<16xf32>
        %parallel_loop3A_920 = arith.mulf %parallel_loop3A_917, %parallel_loop3A_919 : vector<16xf32>
        %parallel_loop3A_921 = arith.index_cast %parallel_loop3A_821 : i32 to index
        %parallel_loop3A_922 = arith.constant 112 : index
        %parallel_loop3A_923 = tpu.vector_load %arg22[%parallel_loop3A_921, %parallel_loop3A_922] {strides = array<i32>} : memref<64x128xf32, #tpu.memory_space<vmem>>, vector<16xf32>,
        tpu.vector_store %arg22[%parallel_loop3A_921, %parallel_loop3A_922], %parallel_loop3A_920 {strides = array<i32>} : memref<64x128xf32, #tpu.memory_space<vmem>>, vector<16xf32>,
      } {sc.loop_unroll_factor = 4 : i64, sc.parallel_access}
      %mul3A_626 = arith.constant 128 : i32
      %mul3A_627 = arith.muli %add3A_485, %mul3A_626 : i32
      %add3A_628 = arith.addi %mul3A_2, %mul3A_627 : i32
      %jit3A_629 = arith.constant 2 : i32
      %div3A_630 = arith.divsi %add3A_628, %jit3A_629 : i32
      %sign3A_631 = arith.constant 0 : i32
      %sign3A_632 = arith.cmpi sgt, %add3A_628, %sign3A_631 : i32
      %sign3A_633 = arith.extui %sign3A_632 : i1 to i32
      %sign3A_634 = arith.constant 0 : i32
      %sign3A_635 = arith.cmpi slt, %add3A_628, %sign3A_634 : i32
      %sign3A_636 = arith.extui %sign3A_635 : i1 to i32
      %sign3A_637 = arith.subi %sign3A_633, %sign3A_636 : i32
      %sign3A_638 = arith.constant 0 : i32
      %sign3A_639 = arith.cmpi sgt, %jit3A_629, %sign3A_638 : i32
      %sign3A_640 = arith.extui %sign3A_639 : i1 to i32
      %sign3A_641 = arith.constant 0 : i32
      %sign3A_642 = arith.cmpi slt, %jit3A_629, %sign3A_641 : i32
      %sign3A_643 = arith.extui %sign3A_642 : i1 to i32
      %sign3A_644 = arith.subi %sign3A_640, %sign3A_643 : i32
      %ne3A_645 = arith.cmpi ne, %sign3A_637, %sign3A_644 : i32
      %rem3A_646 = arith.remsi %add3A_628, %jit3A_629 : i32
      %ne3A_647 = arith.constant 0 : i32
      %ne3A_648 = arith.cmpi ne, %rem3A_646, %ne3A_647 : i32
      %and3A_649 = arith.andi %ne3A_645, %ne3A_648 : i1
      %sub3A_650 = arith.constant 1 : i32
      %sub3A_651 = arith.subi %div3A_630, %sub3A_650 : i32
      %select_n3A_652 = arith.select %and3A_649, %sub3A_651, %div3A_630 : i32
      %multiple_of3A_653 = tpu.assume_multiple %select_n3A_652, 8 : i32
      %dma_start3A_654 = arith.constant 0 : i32
      %dma_start3A_655 = tpu.memref_slice %arg4[%multiple_of3A_653, %dma_start3A_654] : memref<409600x128xf32, #tpu.memory_space<hbm>> -> memref<64x128xf32, #tpu.memory_space<hbm>>
      %dma_start3A_656 = arith.constant 0 : i32
      %dma_start3A_657 = tpu.memref_slice %arg4[%multiple_of3A_653, %dma_start3A_656] : memref<409600x128xf32, #tpu.memory_space<hbm>> -> memref<64x128xf32, #tpu.memory_space<hbm>>
      tpu.enqueue_dma source(%arg22 : memref<64x128xf32, #tpu.memory_space<vmem>>) target(%dma_start3A_657 : memref<64x128xf32, #tpu.memory_space<hbm>>) target_semaphore(%arg28 : memref<!tpu.dma_semaphore, #tpu.memory_space<semaphore_mem>>)
      %mul3A_658 = arith.constant 4 : i32
      %mul3A_659 = arith.muli %mul3A_658, %scan3A_309 : i32
      %add3A_660 = arith.constant 2 : i32
      %add3A_661 = arith.addi %mul3A_659, %add3A_660 : i32
      %lt3A = arith.constant 49 : i32
      %lt3A_662 = arith.cmpi slt, %scan3A_309, %lt3A : i32
      %convert_element_type3A_663 = arith.extui %lt3A_662 : i1 to i32
      %cond3A_664 = arith.constant 0 : i32
      %cond3A_665 = arith.cmpi ne, %convert_element_type3A_663, %cond3A_664 : i32
      scf.if %cond3A_665 {
        %add3A_821 = arith.constant 2 : i32
        %add3A_822 = arith.addi %add3A_661, %add3A_821 : i32
        %mul3A_823 = arith.constant 128 : i32
        %mul3A_824 = arith.muli %add3A_822, %mul3A_823 : i32
        %add3A_825 = arith.addi %mul3A_2, %mul3A_824 : i32
        "tpu.region"() ({
          %run_scoped3A = tpu.sem_alloc : memref<!tpu.dma_semaphore, #tpu.memory_space<semaphore_mem>>
          %dma_start3A_949 = tpu.memref_slice %arg2[%add3A_825] : memref<819200xi32, #tpu.memory_space<hbm>> -> memref<128xi32, #tpu.memory_space<hbm>>
          %dma_start3A_950 = tpu.memref_slice %arg2[%add3A_825] : memref<819200xi32, #tpu.memory_space<hbm>> -> memref<128xi32, #tpu.memory_space<hbm>>
          tpu.enqueue_dma source(%dma_start3A_950 : memref<128xi32, #tpu.memory_space<hbm>>) target(%arg5 : memref<128xi32, #tpu.memory_space<vmem>>) target_semaphore(%run_scoped3A : memref<!tpu.dma_semaphore, #tpu.memory_space<semaphore_mem>>)
          %dma_wait3A_951 = tpu.memref_slice %arg2[%add3A_825] : memref<819200xi32, #tpu.memory_space<hbm>> -> memref<128xi32, #tpu.memory_space<hbm>>
          %dma_wait3A_952 = tpu.memref_slice %arg2[%add3A_825] : memref<819200xi32, #tpu.memory_space<hbm>> -> memref<128xi32, #tpu.memory_space<hbm>>
          tpu.wait_dma2 semaphore(%run_scoped3A : memref<!tpu.dma_semaphore, #tpu.memory_space<semaphore_mem>>) src(%dma_wait3A_952 : memref<128xi32, #tpu.memory_space<hbm>>) dst(%arg5 : memref<128xi32, #tpu.memory_space<vmem>>)
          tpu.yield
        }) : () -> ()
        %get3A_826 = arith.constant 0 : index
        %get3A_827 = tpu.vector_load %arg5[%get3A_826] {strides = array<i32>} : memref<128xi32, #tpu.memory_space<vmem>>, vector<16xi32>,
        %shift_right_logical3A_828 = arith.constant 1 : i32
        %shift_right_logical3A_829 = vector.broadcast %shift_right_logical3A_828 : i32 to vector<16xi32>
        %shift_right_logical3A_830 = arith.shrui %get3A_827, %shift_right_logical3A_829 : vector<16xi32>
        %swap3A_831 = arith.constant 0 : index
        %swap3A_832 = tpu.vector_load %arg9[%swap3A_831] {strides = array<i32>} : memref<128xi32, #tpu.memory_space<vmem>>, vector<16xi32>,
        tpu.vector_store %arg9[%swap3A_831], %shift_right_logical3A_830 {strides = array<i32>} : memref<128xi32, #tpu.memory_space<vmem>>, vector<16xi32>,
        %and3A_833 = arith.constant 1 : i32
        %and3A_834 = vector.broadcast %and3A_833 : i32 to vector<16xi32>
        %and3A_835 = arith.andi %get3A_827, %and3A_834 : vector<16xi32>
        %mul3A_836 = arith.constant 64 : i32
        %mul3A_837 = vector.broadcast %mul3A_836 : i32 to vector<16xi32>
        %mul3A_838 = arith.muli %and3A_835, %mul3A_837 : vector<16xi32>
        %swap3A_839 = arith.constant 0 : index
        %swap3A_840 = tpu.vector_load %arg13[%swap3A_839] {strides = array<i32>} : memref<128xi32, #tpu.memory_space<vmem>>, vector<16xi32>,
        tpu.vector_store %arg13[%swap3A_839], %mul3A_838 {strides = array<i32>} : memref<128xi32, #tpu.memory_space<vmem>>, vector<16xi32>,
        %get3A_841 = arith.constant 16 : index
        %get3A_842 = tpu.vector_load %arg5[%get3A_841] {strides = array<i32>} : memref<128xi32, #tpu.memory_space<vmem>>, vector<16xi32>,
        %shift_right_logical3A_843 = arith.constant 1 : i32
        %shift_right_logical3A_844 = vector.broadcast %shift_right_logical3A_843 : i32 to vector<16xi32>
        %shift_right_logical3A_845 = arith.shrui %get3A_842, %shift_right_logical3A_844 : vector<16xi32>
        %swap3A_846 = arith.constant 16 : index
        %swap3A_847 = tpu.vector_load %arg9[%swap3A_846] {strides = array<i32>} : memref<128xi32, #tpu.memory_space<vmem>>, vector<16xi32>,
        tpu.vector_store %arg9[%swap3A_846], %shift_right_logical3A_845 {strides = array<i32>} : memref<128xi32, #tpu.memory_space<vmem>>, vector<16xi32>,
        %and3A_848 = arith.constant 1 : i32
        %and3A_849 = vector.broadcast %and3A_848 : i32 to vector<16xi32>
        %and3A_850 = arith.andi %get3A_842, %and3A_849 : vector<16xi32>
        %mul3A_851 = arith.constant 64 : i32
        %mul3A_852 = vector.broadcast %mul3A_851 : i32 to vector<16xi32>
        %mul3A_853 = arith.muli %and3A_850, %mul3A_852 : vector<16xi32>
        %swap3A_854 = arith.constant 16 : index
        %swap3A_855 = tpu.vector_load %arg13[%swap3A_854] {strides = array<i32>} : memref<128xi32, #tpu.memory_space<vmem>>, vector<16xi32>,
        tpu.vector_store %arg13[%swap3A_854], %mul3A_853 {strides = array<i32>} : memref<128xi32, #tpu.memory_space<vmem>>, vector<16xi32>,
        %get3A_856 = arith.constant 32 : index
        %get3A_857 = tpu.vector_load %arg5[%get3A_856] {strides = array<i32>} : memref<128xi32, #tpu.memory_space<vmem>>, vector<16xi32>,
        %shift_right_logical3A_858 = arith.constant 1 : i32
        %shift_right_logical3A_859 = vector.broadcast %shift_right_logical3A_858 : i32 to vector<16xi32>
        %shift_right_logical3A_860 = arith.shrui %get3A_857, %shift_right_logical3A_859 : vector<16xi32>
        %swap3A_861 = arith.constant 32 : index
        %swap3A_862 = tpu.vector_load %arg9[%swap3A_861] {strides = array<i32>} : memref<128xi32, #tpu.memory_space<vmem>>, vector<16xi32>,
        tpu.vector_store %arg9[%swap3A_861], %shift_right_logical3A_860 {strides = array<i32>} : memref<128xi32, #tpu.memory_space<vmem>>, vector<16xi32>,
        %and3A_863 = arith.constant 1 : i32
        %and3A_864 = vector.broadcast %and3A_863 : i32 to vector<16xi32>
        %and3A_865 = arith.andi %get3A_857, %and3A_864 : vector<16xi32>
        %mul3A_866 = arith.constant 64 : i32
        %mul3A_867 = vector.broadcast %mul3A_866 : i32 to vector<16xi32>
        %mul3A_868 = arith.muli %and3A_865, %mul3A_867 : vector<16xi32>
        %swap3A_869 = arith.constant 32 : index
        %swap3A_870 = tpu.vector_load %arg13[%swap3A_869] {strides = array<i32>} : memref<128xi32, #tpu.memory_space<vmem>>, vector<16xi32>,
        tpu.vector_store %arg13[%swap3A_869], %mul3A_868 {strides = array<i32>} : memref<128xi32, #tpu.memory_space<vmem>>, vector<16xi32>,
        %get3A_871 = arith.constant 48 : index
        %get3A_872 = tpu.vector_load %arg5[%get3A_871] {strides = array<i32>} : memref<128xi32, #tpu.memory_space<vmem>>, vector<16xi32>,
        %shift_right_logical3A_873 = arith.constant 1 : i32
        %shift_right_logical3A_874 = vector.broadcast %shift_right_logical3A_873 : i32 to vector<16xi32>
        %shift_right_logical3A_875 = arith.shrui %get3A_872, %shift_right_logical3A_874 : vector<16xi32>
        %swap3A_876 = arith.constant 48 : index
        %swap3A_877 = tpu.vector_load %arg9[%swap3A_876] {strides = array<i32>} : memref<128xi32, #tpu.memory_space<vmem>>, vector<16xi32>,
        tpu.vector_store %arg9[%swap3A_876], %shift_right_logical3A_875 {strides = array<i32>} : memref<128xi32, #tpu.memory_space<vmem>>, vector<16xi32>,
        %and3A_878 = arith.constant 1 : i32
        %and3A_879 = vector.broadcast %and3A_878 : i32 to vector<16xi32>
        %and3A_880 = arith.andi %get3A_872, %and3A_879 : vector<16xi32>
        %mul3A_881 = arith.constant 64 : i32
        %mul3A_882 = vector.broadcast %mul3A_881 : i32 to vector<16xi32>
        %mul3A_883 = arith.muli %and3A_880, %mul3A_882 : vector<16xi32>
        %swap3A_884 = arith.constant 48 : index
        %swap3A_885 = tpu.vector_load %arg13[%swap3A_884] {strides = array<i32>} : memref<128xi32, #tpu.memory_space<vmem>>, vector<16xi32>,
        tpu.vector_store %arg13[%swap3A_884], %mul3A_883 {strides = array<i32>} : memref<128xi32, #tpu.memory_space<vmem>>, vector<16xi32>,
        %get3A_886 = arith.constant 64 : index
        %get3A_887 = tpu.vector_load %arg5[%get3A_886] {strides = array<i32>} : memref<128xi32, #tpu.memory_space<vmem>>, vector<16xi32>,
        %shift_right_logical3A_888 = arith.constant 1 : i32
        %shift_right_logical3A_889 = vector.broadcast %shift_right_logical3A_888 : i32 to vector<16xi32>
        %shift_right_logical3A_890 = arith.shrui %get3A_887, %shift_right_logical3A_889 : vector<16xi32>
        %swap3A_891 = arith.constant 64 : index
        %swap3A_892 = tpu.vector_load %arg9[%swap3A_891] {strides = array<i32>} : memref<128xi32, #tpu.memory_space<vmem>>, vector<16xi32>,
        tpu.vector_store %arg9[%swap3A_891], %shift_right_logical3A_890 {strides = array<i32>} : memref<128xi32, #tpu.memory_space<vmem>>, vector<16xi32>,
        %and3A_893 = arith.constant 1 : i32
        %and3A_894 = vector.broadcast %and3A_893 : i32 to vector<16xi32>
        %and3A_895 = arith.andi %get3A_887, %and3A_894 : vector<16xi32>
        %mul3A_896 = arith.constant 64 : i32
        %mul3A_897 = vector.broadcast %mul3A_896 : i32 to vector<16xi32>
        %mul3A_898 = arith.muli %and3A_895, %mul3A_897 : vector<16xi32>
        %swap3A_899 = arith.constant 64 : index
        %swap3A_900 = tpu.vector_load %arg13[%swap3A_899] {strides = array<i32>} : memref<128xi32, #tpu.memory_space<vmem>>, vector<16xi32>,
        tpu.vector_store %arg13[%swap3A_899], %mul3A_898 {strides = array<i32>} : memref<128xi32, #tpu.memory_space<vmem>>, vector<16xi32>,
        %get3A_901 = arith.constant 80 : index
        %get3A_902 = tpu.vector_load %arg5[%get3A_901] {strides = array<i32>} : memref<128xi32, #tpu.memory_space<vmem>>, vector<16xi32>,
        %shift_right_logical3A_903 = arith.constant 1 : i32
        %shift_right_logical3A_904 = vector.broadcast %shift_right_logical3A_903 : i32 to vector<16xi32>
        %shift_right_logical3A_905 = arith.shrui %get3A_902, %shift_right_logical3A_904 : vector<16xi32>
        %swap3A_906 = arith.constant 80 : index
        %swap3A_907 = tpu.vector_load %arg9[%swap3A_906] {strides = array<i32>} : memref<128xi32, #tpu.memory_space<vmem>>, vector<16xi32>,
        tpu.vector_store %arg9[%swap3A_906], %shift_right_logical3A_905 {strides = array<i32>} : memref<128xi32, #tpu.memory_space<vmem>>, vector<16xi32>,
        %and3A_908 = arith.constant 1 : i32
        %and3A_909 = vector.broadcast %and3A_908 : i32 to vector<16xi32>
        %and3A_910 = arith.andi %get3A_902, %and3A_909 : vector<16xi32>
        %mul3A_911 = arith.constant 64 : i32
        %mul3A_912 = vector.broadcast %mul3A_911 : i32 to vector<16xi32>
        %mul3A_913 = arith.muli %and3A_910, %mul3A_912 : vector<16xi32>
        %swap3A_914 = arith.constant 80 : index
        %swap3A_915 = tpu.vector_load %arg13[%swap3A_914] {strides = array<i32>} : memref<128xi32, #tpu.memory_space<vmem>>, vector<16xi32>,
        tpu.vector_store %arg13[%swap3A_914], %mul3A_913 {strides = array<i32>} : memref<128xi32, #tpu.memory_space<vmem>>, vector<16xi32>,
        %get3A_916 = arith.constant 96 : index
        %get3A_917 = tpu.vector_load %arg5[%get3A_916] {strides = array<i32>} : memref<128xi32, #tpu.memory_space<vmem>>, vector<16xi32>,
        %shift_right_logical3A_918 = arith.constant 1 : i32
        %shift_right_logical3A_919 = vector.broadcast %shift_right_logical3A_918 : i32 to vector<16xi32>
        %shift_right_logical3A_920 = arith.shrui %get3A_917, %shift_right_logical3A_919 : vector<16xi32>
        %swap3A_921 = arith.constant 96 : index
        %swap3A_922 = tpu.vector_load %arg9[%swap3A_921] {strides = array<i32>} : memref<128xi32, #tpu.memory_space<vmem>>, vector<16xi32>,
        tpu.vector_store %arg9[%swap3A_921], %shift_right_logical3A_920 {strides = array<i32>} : memref<128xi32, #tpu.memory_space<vmem>>, vector<16xi32>,
        %and3A_923 = arith.constant 1 : i32
        %and3A_924 = vector.broadcast %and3A_923 : i32 to vector<16xi32>
        %and3A_925 = arith.andi %get3A_917, %and3A_924 : vector<16xi32>
        %mul3A_926 = arith.constant 64 : i32
        %mul3A_927 = vector.broadcast %mul3A_926 : i32 to vector<16xi32>
        %mul3A_928 = arith.muli %and3A_925, %mul3A_927 : vector<16xi32>
        %swap3A_929 = arith.constant 96 : index
        %swap3A_930 = tpu.vector_load %arg13[%swap3A_929] {strides = array<i32>} : memref<128xi32, #tpu.memory_space<vmem>>, vector<16xi32>,
        tpu.vector_store %arg13[%swap3A_929], %mul3A_928 {strides = array<i32>} : memref<128xi32, #tpu.memory_space<vmem>>, vector<16xi32>,
        %get3A_931 = arith.constant 112 : index
        %get3A_932 = tpu.vector_load %arg5[%get3A_931] {strides = array<i32>} : memref<128xi32, #tpu.memory_space<vmem>>, vector<16xi32>,
        %shift_right_logical3A_933 = arith.constant 1 : i32
        %shift_right_logical3A_934 = vector.broadcast %shift_right_logical3A_933 : i32 to vector<16xi32>
        %shift_right_logical3A_935 = arith.shrui %get3A_932, %shift_right_logical3A_934 : vector<16xi32>
        %swap3A_936 = arith.constant 112 : index
        %swap3A_937 = tpu.vector_load %arg9[%swap3A_936] {strides = array<i32>} : memref<128xi32, #tpu.memory_space<vmem>>, vector<16xi32>,
        tpu.vector_store %arg9[%swap3A_936], %shift_right_logical3A_935 {strides = array<i32>} : memref<128xi32, #tpu.memory_space<vmem>>, vector<16xi32>,
        %and3A_938 = arith.constant 1 : i32
        %and3A_939 = vector.broadcast %and3A_938 : i32 to vector<16xi32>
        %and3A_940 = arith.andi %get3A_932, %and3A_939 : vector<16xi32>
        %mul3A_941 = arith.constant 64 : i32
        %mul3A_942 = vector.broadcast %mul3A_941 : i32 to vector<16xi32>
        %mul3A_943 = arith.muli %and3A_940, %mul3A_942 : vector<16xi32>
        %swap3A_944 = arith.constant 112 : index
        %swap3A_945 = tpu.vector_load %arg13[%swap3A_944] {strides = array<i32>} : memref<128xi32, #tpu.memory_space<vmem>>, vector<16xi32>,
        tpu.vector_store %arg13[%swap3A_944], %mul3A_943 {strides = array<i32>} : memref<128xi32, #tpu.memory_space<vmem>>, vector<16xi32>,
        %dma_start3A_946 = arith.constant 0 : i32
        %dma_start3A_947 = arith.constant 0 : i32
        %dma_start3A_948 = tpu.memref_slice %arg3[%dma_start3A_946, %dma_start3A_947] : memref<500000x128xf32, #tpu.memory_space<hbm>> -> memref<500000x128xf32, #tpu.memory_space<hbm>>
        tpu.enqueue_indirect_dma source(%dma_start3A_948 : memref<500000x128xf32, #tpu.memory_space<hbm>>) target(%arg17 : memref<128x128xf32, #tpu.memory_space<vmem>>) offsets(%arg9 : memref<128xi32, #tpu.memory_space<vmem>>) semaphore(%arg23 : memref<!tpu.dma_semaphore, #tpu.memory_space<semaphore_mem>>)
      } else {
      }
      %dma_wait3A_666 = arith.constant 0 : i32
      %dma_wait3A_667 = arith.constant 0 : i32
      %dma_wait3A_668 = tpu.memref_slice %arg3[%dma_wait3A_666, %dma_wait3A_667] : memref<500000x128xf32, #tpu.memory_space<hbm>> -> memref<500000x128xf32, #tpu.memory_space<hbm>>
      tpu.wait_indirect_dma semaphore(%arg25 : memref<!tpu.dma_semaphore, #tpu.memory_space<semaphore_mem>>) src(%dma_wait3A_668 : memref<500000x128xf32, #tpu.memory_space<hbm>>) dst(%arg19 : memref<128x128xf32, #tpu.memory_space<vmem>>)
      %cond3A_669 = arith.constant 1 : i32
      %sub3A_670 = arith.constant 2 : i32
      %sub3A_671 = arith.subi %add3A_661, %sub3A_670 : i32
      %mul3A_672 = arith.constant 128 : i32
      %mul3A_673 = arith.muli %sub3A_671, %mul3A_672 : i32
      %add3A_674 = arith.addi %mul3A_2, %mul3A_673 : i32
      %jit3A_675 = arith.constant 2 : i32
      %div3A_676 = arith.divsi %add3A_674, %jit3A_675 : i32
      %sign3A_677 = arith.constant 0 : i32
      %sign3A_678 = arith.cmpi sgt, %add3A_674, %sign3A_677 : i32
      %sign3A_679 = arith.extui %sign3A_678 : i1 to i32
      %sign3A_680 = arith.constant 0 : i32
      %sign3A_681 = arith.cmpi slt, %add3A_674, %sign3A_680 : i32
      %sign3A_682 = arith.extui %sign3A_681 : i1 to i32
      %sign3A_683 = arith.subi %sign3A_679, %sign3A_682 : i32
      %sign3A_684 = arith.constant 0 : i32
      %sign3A_685 = arith.cmpi sgt, %jit3A_675, %sign3A_684 : i32
      %sign3A_686 = arith.extui %sign3A_685 : i1 to i32
      %sign3A_687 = arith.constant 0 : i32
      %sign3A_688 = arith.cmpi slt, %jit3A_675, %sign3A_687 : i32
      %sign3A_689 = arith.extui %sign3A_688 : i1 to i32
      %sign3A_690 = arith.subi %sign3A_686, %sign3A_689 : i32
      %ne3A_691 = arith.cmpi ne, %sign3A_683, %sign3A_690 : i32
      %rem3A_692 = arith.remsi %add3A_674, %jit3A_675 : i32
      %ne3A_693 = arith.constant 0 : i32
      %ne3A_694 = arith.cmpi ne, %rem3A_692, %ne3A_693 : i32
      %and3A_695 = arith.andi %ne3A_691, %ne3A_694 : i1
      %sub3A_696 = arith.constant 1 : i32
      %sub3A_697 = arith.subi %div3A_676, %sub3A_696 : i32
      %select_n3A_698 = arith.select %and3A_695, %sub3A_697, %div3A_676 : i32
      %multiple_of3A_699 = tpu.assume_multiple %select_n3A_698, 8 : i32
      %dma_wait3A_700 = arith.constant 0 : i32
      %dma_wait3A_701 = tpu.memref_slice %arg4[%multiple_of3A_699, %dma_wait3A_700] : memref<409600x128xf32, #tpu.memory_space<hbm>> -> memref<64x128xf32, #tpu.memory_space<hbm>>
      %dma_wait3A_702 = arith.constant 0 : i32
      %dma_wait3A_703 = tpu.memref_slice %arg4[%multiple_of3A_699, %dma_wait3A_702] : memref<409600x128xf32, #tpu.memory_space<hbm>> -> memref<64x128xf32, #tpu.memory_space<hbm>>
      tpu.wait_dma2 semaphore(%arg27 : memref<!tpu.dma_semaphore, #tpu.memory_space<semaphore_mem>>) src(%arg21 : memref<64x128xf32, #tpu.memory_space<vmem>>) dst(%dma_wait3A_703 : memref<64x128xf32, #tpu.memory_space<hbm>>)
      %parallel_loop3A_704 = arith.constant 0 : i32
      %parallel_loop3A_705 = arith.constant 64 : i32
      %parallel_loop3A_706 = arith.constant 1 : i32
      scf.for %parallel_loop3A_821 = %parallel_loop3A_704 to %parallel_loop3A_705 step %parallel_loop3A_706  : i32 {
        %parallel_loop3A_822 = arith.constant 2 : i32
        %parallel_loop3A_823 = arith.muli %parallel_loop3A_822, %parallel_loop3A_821 : i32
        %parallel_loop3A_824 = arith.constant 0 : i32
        %parallel_loop3A_825 = arith.addi %parallel_loop3A_823, %parallel_loop3A_824 : i32
        %parallel_loop3A_826 = vector.broadcast %parallel_loop3A_825 : i32 to vector<16xi32>
        %parallel_loop3A_827 = arith.addi %mul3A_5, %parallel_loop3A_826 : vector<16xi32>
        %parallel_loop3A_828 = tpu.vector_load_idx %arg15[%parallel_loop3A_827] : memref<128xi32, #tpu.memory_space<vmem>>[vector<16xi32>], vector<16xi32>,
        %parallel_loop3A_829 = arith.constant 0 : i32
        %parallel_loop3A_830 = vector.broadcast %parallel_loop3A_829 : i32 to vector<16xi32>
        %parallel_loop3A_831 = arith.addi %parallel_loop3A_830, %iota3A : vector<16xi32>
        %parallel_loop3A_832 = arith.addi %parallel_loop3A_828, %parallel_loop3A_831 : vector<16xi32>
        %parallel_loop3A_833 = tpu.vector_load_idx %arg19[%parallel_loop3A_827, %parallel_loop3A_832] : memref<128x128xf32, #tpu.memory_space<vmem>>[vector<16xi32>, vector<16xi32>], vector<16xf32>,
        %parallel_loop3A_834 = arith.constant 8.000000e+00 : f32
        %parallel_loop3A_835 = vector.broadcast %parallel_loop3A_834 : f32 to vector<16xf32>
        %parallel_loop3A_836 = arith.mulf %parallel_loop3A_833, %parallel_loop3A_835 : vector<16xf32>
        %parallel_loop3A_837 = arith.index_cast %parallel_loop3A_821 : i32 to index
        %parallel_loop3A_838 = arith.constant 0 : index
        %parallel_loop3A_839 = tpu.vector_load %arg21[%parallel_loop3A_837, %parallel_loop3A_838] {strides = array<i32>} : memref<64x128xf32, #tpu.memory_space<vmem>>, vector<16xf32>,
        tpu.vector_store %arg21[%parallel_loop3A_837, %parallel_loop3A_838], %parallel_loop3A_836 {strides = array<i32>} : memref<64x128xf32, #tpu.memory_space<vmem>>, vector<16xf32>,
        %parallel_loop3A_840 = arith.constant 16 : i32
        %parallel_loop3A_841 = vector.broadcast %parallel_loop3A_840 : i32 to vector<16xi32>
        %parallel_loop3A_842 = arith.addi %parallel_loop3A_841, %iota3A : vector<16xi32>
        %parallel_loop3A_843 = arith.addi %parallel_loop3A_828, %parallel_loop3A_842 : vector<16xi32>
        %parallel_loop3A_844 = tpu.vector_load_idx %arg19[%parallel_loop3A_827, %parallel_loop3A_843] : memref<128x128xf32, #tpu.memory_space<vmem>>[vector<16xi32>, vector<16xi32>], vector<16xf32>,
        %parallel_loop3A_845 = arith.constant 8.000000e+00 : f32
        %parallel_loop3A_846 = vector.broadcast %parallel_loop3A_845 : f32 to vector<16xf32>
        %parallel_loop3A_847 = arith.mulf %parallel_loop3A_844, %parallel_loop3A_846 : vector<16xf32>
        %parallel_loop3A_848 = arith.index_cast %parallel_loop3A_821 : i32 to index
        %parallel_loop3A_849 = arith.constant 16 : index
        %parallel_loop3A_850 = tpu.vector_load %arg21[%parallel_loop3A_848, %parallel_loop3A_849] {strides = array<i32>} : memref<64x128xf32, #tpu.memory_space<vmem>>, vector<16xf32>,
        tpu.vector_store %arg21[%parallel_loop3A_848, %parallel_loop3A_849], %parallel_loop3A_847 {strides = array<i32>} : memref<64x128xf32, #tpu.memory_space<vmem>>, vector<16xf32>,
        %parallel_loop3A_851 = arith.constant 32 : i32
        %parallel_loop3A_852 = vector.broadcast %parallel_loop3A_851 : i32 to vector<16xi32>
        %parallel_loop3A_853 = arith.addi %parallel_loop3A_852, %iota3A : vector<16xi32>
        %parallel_loop3A_854 = arith.addi %parallel_loop3A_828, %parallel_loop3A_853 : vector<16xi32>
        %parallel_loop3A_855 = tpu.vector_load_idx %arg19[%parallel_loop3A_827, %parallel_loop3A_854] : memref<128x128xf32, #tpu.memory_space<vmem>>[vector<16xi32>, vector<16xi32>], vector<16xf32>,
        %parallel_loop3A_856 = arith.constant 8.000000e+00 : f32
        %parallel_loop3A_857 = vector.broadcast %parallel_loop3A_856 : f32 to vector<16xf32>
        %parallel_loop3A_858 = arith.mulf %parallel_loop3A_855, %parallel_loop3A_857 : vector<16xf32>
        %parallel_loop3A_859 = arith.index_cast %parallel_loop3A_821 : i32 to index
        %parallel_loop3A_860 = arith.constant 32 : index
        %parallel_loop3A_861 = tpu.vector_load %arg21[%parallel_loop3A_859, %parallel_loop3A_860] {strides = array<i32>} : memref<64x128xf32, #tpu.memory_space<vmem>>, vector<16xf32>,
        tpu.vector_store %arg21[%parallel_loop3A_859, %parallel_loop3A_860], %parallel_loop3A_858 {strides = array<i32>} : memref<64x128xf32, #tpu.memory_space<vmem>>, vector<16xf32>,
        %parallel_loop3A_862 = arith.constant 48 : i32
        %parallel_loop3A_863 = vector.broadcast %parallel_loop3A_862 : i32 to vector<16xi32>
        %parallel_loop3A_864 = arith.addi %parallel_loop3A_863, %iota3A : vector<16xi32>
        %parallel_loop3A_865 = arith.addi %parallel_loop3A_828, %parallel_loop3A_864 : vector<16xi32>
        %parallel_loop3A_866 = tpu.vector_load_idx %arg19[%parallel_loop3A_827, %parallel_loop3A_865] : memref<128x128xf32, #tpu.memory_space<vmem>>[vector<16xi32>, vector<16xi32>], vector<16xf32>,
        %parallel_loop3A_867 = arith.constant 8.000000e+00 : f32
        %parallel_loop3A_868 = vector.broadcast %parallel_loop3A_867 : f32 to vector<16xf32>
        %parallel_loop3A_869 = arith.mulf %parallel_loop3A_866, %parallel_loop3A_868 : vector<16xf32>
        %parallel_loop3A_870 = arith.index_cast %parallel_loop3A_821 : i32 to index
        %parallel_loop3A_871 = arith.constant 48 : index
        %parallel_loop3A_872 = tpu.vector_load %arg21[%parallel_loop3A_870, %parallel_loop3A_871] {strides = array<i32>} : memref<64x128xf32, #tpu.memory_space<vmem>>, vector<16xf32>,
        tpu.vector_store %arg21[%parallel_loop3A_870, %parallel_loop3A_871], %parallel_loop3A_869 {strides = array<i32>} : memref<64x128xf32, #tpu.memory_space<vmem>>, vector<16xf32>,
        %parallel_loop3A_873 = arith.constant 2 : i32
        %parallel_loop3A_874 = arith.muli %parallel_loop3A_873, %parallel_loop3A_821 : i32
        %parallel_loop3A_875 = arith.constant 1 : i32
        %parallel_loop3A_876 = arith.addi %parallel_loop3A_874, %parallel_loop3A_875 : i32
        %parallel_loop3A_877 = vector.broadcast %parallel_loop3A_876 : i32 to vector<16xi32>
        %parallel_loop3A_878 = arith.addi %mul3A_5, %parallel_loop3A_877 : vector<16xi32>
        %parallel_loop3A_879 = tpu.vector_load_idx %arg15[%parallel_loop3A_878] : memref<128xi32, #tpu.memory_space<vmem>>[vector<16xi32>], vector<16xi32>,
        %parallel_loop3A_880 = arith.constant 0 : i32
        %parallel_loop3A_881 = vector.broadcast %parallel_loop3A_880 : i32 to vector<16xi32>
        %parallel_loop3A_882 = arith.addi %parallel_loop3A_881, %iota3A : vector<16xi32>
        %parallel_loop3A_883 = arith.addi %parallel_loop3A_879, %parallel_loop3A_882 : vector<16xi32>
        %parallel_loop3A_884 = tpu.vector_load_idx %arg19[%parallel_loop3A_878, %parallel_loop3A_883] : memref<128x128xf32, #tpu.memory_space<vmem>>[vector<16xi32>, vector<16xi32>], vector<16xf32>,
        %parallel_loop3A_885 = arith.constant 8.000000e+00 : f32
        %parallel_loop3A_886 = vector.broadcast %parallel_loop3A_885 : f32 to vector<16xf32>
        %parallel_loop3A_887 = arith.mulf %parallel_loop3A_884, %parallel_loop3A_886 : vector<16xf32>
        %parallel_loop3A_888 = arith.index_cast %parallel_loop3A_821 : i32 to index
        %parallel_loop3A_889 = arith.constant 64 : index
        %parallel_loop3A_890 = tpu.vector_load %arg21[%parallel_loop3A_888, %parallel_loop3A_889] {strides = array<i32>} : memref<64x128xf32, #tpu.memory_space<vmem>>, vector<16xf32>,
        tpu.vector_store %arg21[%parallel_loop3A_888, %parallel_loop3A_889], %parallel_loop3A_887 {strides = array<i32>} : memref<64x128xf32, #tpu.memory_space<vmem>>, vector<16xf32>,
        %parallel_loop3A_891 = arith.constant 16 : i32
        %parallel_loop3A_892 = vector.broadcast %parallel_loop3A_891 : i32 to vector<16xi32>
        %parallel_loop3A_893 = arith.addi %parallel_loop3A_892, %iota3A : vector<16xi32>
        %parallel_loop3A_894 = arith.addi %parallel_loop3A_879, %parallel_loop3A_893 : vector<16xi32>
        %parallel_loop3A_895 = tpu.vector_load_idx %arg19[%parallel_loop3A_878, %parallel_loop3A_894] : memref<128x128xf32, #tpu.memory_space<vmem>>[vector<16xi32>, vector<16xi32>], vector<16xf32>,
        %parallel_loop3A_896 = arith.constant 8.000000e+00 : f32
        %parallel_loop3A_897 = vector.broadcast %parallel_loop3A_896 : f32 to vector<16xf32>
        %parallel_loop3A_898 = arith.mulf %parallel_loop3A_895, %parallel_loop3A_897 : vector<16xf32>
        %parallel_loop3A_899 = arith.index_cast %parallel_loop3A_821 : i32 to index
        %parallel_loop3A_900 = arith.constant 80 : index
        %parallel_loop3A_901 = tpu.vector_load %arg21[%parallel_loop3A_899, %parallel_loop3A_900] {strides = array<i32>} : memref<64x128xf32, #tpu.memory_space<vmem>>, vector<16xf32>,
        tpu.vector_store %arg21[%parallel_loop3A_899, %parallel_loop3A_900], %parallel_loop3A_898 {strides = array<i32>} : memref<64x128xf32, #tpu.memory_space<vmem>>, vector<16xf32>,
        %parallel_loop3A_902 = arith.constant 32 : i32
        %parallel_loop3A_903 = vector.broadcast %parallel_loop3A_902 : i32 to vector<16xi32>
        %parallel_loop3A_904 = arith.addi %parallel_loop3A_903, %iota3A : vector<16xi32>
        %parallel_loop3A_905 = arith.addi %parallel_loop3A_879, %parallel_loop3A_904 : vector<16xi32>
        %parallel_loop3A_906 = tpu.vector_load_idx %arg19[%parallel_loop3A_878, %parallel_loop3A_905] : memref<128x128xf32, #tpu.memory_space<vmem>>[vector<16xi32>, vector<16xi32>], vector<16xf32>,
        %parallel_loop3A_907 = arith.constant 8.000000e+00 : f32
        %parallel_loop3A_908 = vector.broadcast %parallel_loop3A_907 : f32 to vector<16xf32>
        %parallel_loop3A_909 = arith.mulf %parallel_loop3A_906, %parallel_loop3A_908 : vector<16xf32>
        %parallel_loop3A_910 = arith.index_cast %parallel_loop3A_821 : i32 to index
        %parallel_loop3A_911 = arith.constant 96 : index
        %parallel_loop3A_912 = tpu.vector_load %arg21[%parallel_loop3A_910, %parallel_loop3A_911] {strides = array<i32>} : memref<64x128xf32, #tpu.memory_space<vmem>>, vector<16xf32>,
        tpu.vector_store %arg21[%parallel_loop3A_910, %parallel_loop3A_911], %parallel_loop3A_909 {strides = array<i32>} : memref<64x128xf32, #tpu.memory_space<vmem>>, vector<16xf32>,
        %parallel_loop3A_913 = arith.constant 48 : i32
        %parallel_loop3A_914 = vector.broadcast %parallel_loop3A_913 : i32 to vector<16xi32>
        %parallel_loop3A_915 = arith.addi %parallel_loop3A_914, %iota3A : vector<16xi32>
        %parallel_loop3A_916 = arith.addi %parallel_loop3A_879, %parallel_loop3A_915 : vector<16xi32>
        %parallel_loop3A_917 = tpu.vector_load_idx %arg19[%parallel_loop3A_878, %parallel_loop3A_916] : memref<128x128xf32, #tpu.memory_space<vmem>>[vector<16xi32>, vector<16xi32>], vector<16xf32>,
        %parallel_loop3A_918 = arith.constant 8.000000e+00 : f32
        %parallel_loop3A_919 = vector.broadcast %parallel_loop3A_918 : f32 to vector<16xf32>
        %parallel_loop3A_920 = arith.mulf %parallel_loop3A_917, %parallel_loop3A_919 : vector<16xf32>
        %parallel_loop3A_921 = arith.index_cast %parallel_loop3A_821 : i32 to index
        %parallel_loop3A_922 = arith.constant 112 : index
        %parallel_loop3A_923 = tpu.vector_load %arg21[%parallel_loop3A_921, %parallel_loop3A_922] {strides = array<i32>} : memref<64x128xf32, #tpu.memory_space<vmem>>, vector<16xf32>,
        tpu.vector_store %arg21[%parallel_loop3A_921, %parallel_loop3A_922], %parallel_loop3A_920 {strides = array<i32>} : memref<64x128xf32, #tpu.memory_space<vmem>>, vector<16xf32>,
      } {sc.loop_unroll_factor = 4 : i64, sc.parallel_access}
      %mul3A_707 = arith.constant 128 : i32
      %mul3A_708 = arith.muli %add3A_661, %mul3A_707 : i32
      %add3A_709 = arith.addi %mul3A_2, %mul3A_708 : i32
      %jit3A_710 = arith.constant 2 : i32
      %div3A_711 = arith.divsi %add3A_709, %jit3A_710 : i32
      %sign3A_712 = arith.constant 0 : i32
      %sign3A_713 = arith.cmpi sgt, %add3A_709, %sign3A_712 : i32
      %sign3A_714 = arith.extui %sign3A_713 : i1 to i32
      %sign3A_715 = arith.constant 0 : i32
      %sign3A_716 = arith.cmpi slt, %add3A_709, %sign3A_715 : i32
      %sign3A_717 = arith.extui %sign3A_716 : i1 to i32
      %sign3A_718 = arith.subi %sign3A_714, %sign3A_717 : i32
      %sign3A_719 = arith.constant 0 : i32
      %sign3A_720 = arith.cmpi sgt, %jit3A_710, %sign3A_719 : i32
      %sign3A_721 = arith.extui %sign3A_720 : i1 to i32
      %sign3A_722 = arith.constant 0 : i32
      %sign3A_723 = arith.cmpi slt, %jit3A_710, %sign3A_722 : i32
      %sign3A_724 = arith.extui %sign3A_723 : i1 to i32
      %sign3A_725 = arith.subi %sign3A_721, %sign3A_724 : i32
      %ne3A_726 = arith.cmpi ne, %sign3A_718, %sign3A_725 : i32
      %rem3A_727 = arith.remsi %add3A_709, %jit3A_710 : i32
      %ne3A_728 = arith.constant 0 : i32
      %ne3A_729 = arith.cmpi ne, %rem3A_727, %ne3A_728 : i32
      %and3A_730 = arith.andi %ne3A_726, %ne3A_729 : i1
      %sub3A_731 = arith.constant 1 : i32
      %sub3A_732 = arith.subi %div3A_711, %sub3A_731 : i32
      %select_n3A_733 = arith.select %and3A_730, %sub3A_732, %div3A_711 : i32
      %multiple_of3A_734 = tpu.assume_multiple %select_n3A_733, 8 : i32
      %dma_start3A_735 = arith.constant 0 : i32
      %dma_start3A_736 = tpu.memref_slice %arg4[%multiple_of3A_734, %dma_start3A_735] : memref<409600x128xf32, #tpu.memory_space<hbm>> -> memref<64x128xf32, #tpu.memory_space<hbm>>
      %dma_start3A_737 = arith.constant 0 : i32
      %dma_start3A_738 = tpu.memref_slice %arg4[%multiple_of3A_734, %dma_start3A_737] : memref<409600x128xf32, #tpu.memory_space<hbm>> -> memref<64x128xf32, #tpu.memory_space<hbm>>
      tpu.enqueue_dma source(%arg21 : memref<64x128xf32, #tpu.memory_space<vmem>>) target(%dma_start3A_738 : memref<64x128xf32, #tpu.memory_space<hbm>>) target_semaphore(%arg27 : memref<!tpu.dma_semaphore, #tpu.memory_space<semaphore_mem>>)
      %mul3A_739 = arith.constant 4 : i32
      %mul3A_740 = arith.muli %mul3A_739, %scan3A_309 : i32
      %add3A_741 = arith.constant 3 : i32
      %add3A_742 = arith.addi %mul3A_740, %add3A_741 : i32
      %lt3A_743 = arith.constant 49 : i32
      %lt3A_744 = arith.cmpi slt, %scan3A_309, %lt3A_743 : i32
      %convert_element_type3A_745 = arith.extui %lt3A_744 : i1 to i32
      %cond3A_746 = arith.constant 0 : i32
      %cond3A_747 = arith.cmpi ne, %convert_element_type3A_745, %cond3A_746 : i32
      scf.if %cond3A_747 {
        %add3A_821 = arith.constant 2 : i32
        %add3A_822 = arith.addi %add3A_742, %add3A_821 : i32
        %mul3A_823 = arith.constant 128 : i32
        %mul3A_824 = arith.muli %add3A_822, %mul3A_823 : i32
        %add3A_825 = arith.addi %mul3A_2, %mul3A_824 : i32
        "tpu.region"() ({
          %run_scoped3A = tpu.sem_alloc : memref<!tpu.dma_semaphore, #tpu.memory_space<semaphore_mem>>
          %dma_start3A_949 = tpu.memref_slice %arg2[%add3A_825] : memref<819200xi32, #tpu.memory_space<hbm>> -> memref<128xi32, #tpu.memory_space<hbm>>
          %dma_start3A_950 = tpu.memref_slice %arg2[%add3A_825] : memref<819200xi32, #tpu.memory_space<hbm>> -> memref<128xi32, #tpu.memory_space<hbm>>
          tpu.enqueue_dma source(%dma_start3A_950 : memref<128xi32, #tpu.memory_space<hbm>>) target(%arg6 : memref<128xi32, #tpu.memory_space<vmem>>) target_semaphore(%run_scoped3A : memref<!tpu.dma_semaphore, #tpu.memory_space<semaphore_mem>>)
          %dma_wait3A_951 = tpu.memref_slice %arg2[%add3A_825] : memref<819200xi32, #tpu.memory_space<hbm>> -> memref<128xi32, #tpu.memory_space<hbm>>
          %dma_wait3A_952 = tpu.memref_slice %arg2[%add3A_825] : memref<819200xi32, #tpu.memory_space<hbm>> -> memref<128xi32, #tpu.memory_space<hbm>>
          tpu.wait_dma2 semaphore(%run_scoped3A : memref<!tpu.dma_semaphore, #tpu.memory_space<semaphore_mem>>) src(%dma_wait3A_952 : memref<128xi32, #tpu.memory_space<hbm>>) dst(%arg6 : memref<128xi32, #tpu.memory_space<vmem>>)
          tpu.yield
        }) : () -> ()
        %get3A_826 = arith.constant 0 : index
        %get3A_827 = tpu.vector_load %arg6[%get3A_826] {strides = array<i32>} : memref<128xi32, #tpu.memory_space<vmem>>, vector<16xi32>,
        %shift_right_logical3A_828 = arith.constant 1 : i32
        %shift_right_logical3A_829 = vector.broadcast %shift_right_logical3A_828 : i32 to vector<16xi32>
        %shift_right_logical3A_830 = arith.shrui %get3A_827, %shift_right_logical3A_829 : vector<16xi32>
        %swap3A_831 = arith.constant 0 : index
        %swap3A_832 = tpu.vector_load %arg10[%swap3A_831] {strides = array<i32>} : memref<128xi32, #tpu.memory_space<vmem>>, vector<16xi32>,
        tpu.vector_store %arg10[%swap3A_831], %shift_right_logical3A_830 {strides = array<i32>} : memref<128xi32, #tpu.memory_space<vmem>>, vector<16xi32>,
        %and3A_833 = arith.constant 1 : i32
        %and3A_834 = vector.broadcast %and3A_833 : i32 to vector<16xi32>
        %and3A_835 = arith.andi %get3A_827, %and3A_834 : vector<16xi32>
        %mul3A_836 = arith.constant 64 : i32
        %mul3A_837 = vector.broadcast %mul3A_836 : i32 to vector<16xi32>
        %mul3A_838 = arith.muli %and3A_835, %mul3A_837 : vector<16xi32>
        %swap3A_839 = arith.constant 0 : index
        %swap3A_840 = tpu.vector_load %arg14[%swap3A_839] {strides = array<i32>} : memref<128xi32, #tpu.memory_space<vmem>>, vector<16xi32>,
        tpu.vector_store %arg14[%swap3A_839], %mul3A_838 {strides = array<i32>} : memref<128xi32, #tpu.memory_space<vmem>>, vector<16xi32>,
        %get3A_841 = arith.constant 16 : index
        %get3A_842 = tpu.vector_load %arg6[%get3A_841] {strides = array<i32>} : memref<128xi32, #tpu.memory_space<vmem>>, vector<16xi32>,
        %shift_right_logical3A_843 = arith.constant 1 : i32
        %shift_right_logical3A_844 = vector.broadcast %shift_right_logical3A_843 : i32 to vector<16xi32>
        %shift_right_logical3A_845 = arith.shrui %get3A_842, %shift_right_logical3A_844 : vector<16xi32>
        %swap3A_846 = arith.constant 16 : index
        %swap3A_847 = tpu.vector_load %arg10[%swap3A_846] {strides = array<i32>} : memref<128xi32, #tpu.memory_space<vmem>>, vector<16xi32>,
        tpu.vector_store %arg10[%swap3A_846], %shift_right_logical3A_845 {strides = array<i32>} : memref<128xi32, #tpu.memory_space<vmem>>, vector<16xi32>,
        %and3A_848 = arith.constant 1 : i32
        %and3A_849 = vector.broadcast %and3A_848 : i32 to vector<16xi32>
        %and3A_850 = arith.andi %get3A_842, %and3A_849 : vector<16xi32>
        %mul3A_851 = arith.constant 64 : i32
        %mul3A_852 = vector.broadcast %mul3A_851 : i32 to vector<16xi32>
        %mul3A_853 = arith.muli %and3A_850, %mul3A_852 : vector<16xi32>
        %swap3A_854 = arith.constant 16 : index
        %swap3A_855 = tpu.vector_load %arg14[%swap3A_854] {strides = array<i32>} : memref<128xi32, #tpu.memory_space<vmem>>, vector<16xi32>,
        tpu.vector_store %arg14[%swap3A_854], %mul3A_853 {strides = array<i32>} : memref<128xi32, #tpu.memory_space<vmem>>, vector<16xi32>,
        %get3A_856 = arith.constant 32 : index
        %get3A_857 = tpu.vector_load %arg6[%get3A_856] {strides = array<i32>} : memref<128xi32, #tpu.memory_space<vmem>>, vector<16xi32>,
        %shift_right_logical3A_858 = arith.constant 1 : i32
        %shift_right_logical3A_859 = vector.broadcast %shift_right_logical3A_858 : i32 to vector<16xi32>
        %shift_right_logical3A_860 = arith.shrui %get3A_857, %shift_right_logical3A_859 : vector<16xi32>
        %swap3A_861 = arith.constant 32 : index
        %swap3A_862 = tpu.vector_load %arg10[%swap3A_861] {strides = array<i32>} : memref<128xi32, #tpu.memory_space<vmem>>, vector<16xi32>,
        tpu.vector_store %arg10[%swap3A_861], %shift_right_logical3A_860 {strides = array<i32>} : memref<128xi32, #tpu.memory_space<vmem>>, vector<16xi32>,
        %and3A_863 = arith.constant 1 : i32
        %and3A_864 = vector.broadcast %and3A_863 : i32 to vector<16xi32>
        %and3A_865 = arith.andi %get3A_857, %and3A_864 : vector<16xi32>
        %mul3A_866 = arith.constant 64 : i32
        %mul3A_867 = vector.broadcast %mul3A_866 : i32 to vector<16xi32>
        %mul3A_868 = arith.muli %and3A_865, %mul3A_867 : vector<16xi32>
        %swap3A_869 = arith.constant 32 : index
        %swap3A_870 = tpu.vector_load %arg14[%swap3A_869] {strides = array<i32>} : memref<128xi32, #tpu.memory_space<vmem>>, vector<16xi32>,
        tpu.vector_store %arg14[%swap3A_869], %mul3A_868 {strides = array<i32>} : memref<128xi32, #tpu.memory_space<vmem>>, vector<16xi32>,
        %get3A_871 = arith.constant 48 : index
        %get3A_872 = tpu.vector_load %arg6[%get3A_871] {strides = array<i32>} : memref<128xi32, #tpu.memory_space<vmem>>, vector<16xi32>,
        %shift_right_logical3A_873 = arith.constant 1 : i32
        %shift_right_logical3A_874 = vector.broadcast %shift_right_logical3A_873 : i32 to vector<16xi32>
        %shift_right_logical3A_875 = arith.shrui %get3A_872, %shift_right_logical3A_874 : vector<16xi32>
        %swap3A_876 = arith.constant 48 : index
        %swap3A_877 = tpu.vector_load %arg10[%swap3A_876] {strides = array<i32>} : memref<128xi32, #tpu.memory_space<vmem>>, vector<16xi32>,
        tpu.vector_store %arg10[%swap3A_876], %shift_right_logical3A_875 {strides = array<i32>} : memref<128xi32, #tpu.memory_space<vmem>>, vector<16xi32>,
        %and3A_878 = arith.constant 1 : i32
        %and3A_879 = vector.broadcast %and3A_878 : i32 to vector<16xi32>
        %and3A_880 = arith.andi %get3A_872, %and3A_879 : vector<16xi32>
        %mul3A_881 = arith.constant 64 : i32
        %mul3A_882 = vector.broadcast %mul3A_881 : i32 to vector<16xi32>
        %mul3A_883 = arith.muli %and3A_880, %mul3A_882 : vector<16xi32>
        %swap3A_884 = arith.constant 48 : index
        %swap3A_885 = tpu.vector_load %arg14[%swap3A_884] {strides = array<i32>} : memref<128xi32, #tpu.memory_space<vmem>>, vector<16xi32>,
        tpu.vector_store %arg14[%swap3A_884], %mul3A_883 {strides = array<i32>} : memref<128xi32, #tpu.memory_space<vmem>>, vector<16xi32>,
        %get3A_886 = arith.constant 64 : index
        %get3A_887 = tpu.vector_load %arg6[%get3A_886] {strides = array<i32>} : memref<128xi32, #tpu.memory_space<vmem>>, vector<16xi32>,
        %shift_right_logical3A_888 = arith.constant 1 : i32
        %shift_right_logical3A_889 = vector.broadcast %shift_right_logical3A_888 : i32 to vector<16xi32>
        %shift_right_logical3A_890 = arith.shrui %get3A_887, %shift_right_logical3A_889 : vector<16xi32>
        %swap3A_891 = arith.constant 64 : index
        %swap3A_892 = tpu.vector_load %arg10[%swap3A_891] {strides = array<i32>} : memref<128xi32, #tpu.memory_space<vmem>>, vector<16xi32>,
        tpu.vector_store %arg10[%swap3A_891], %shift_right_logical3A_890 {strides = array<i32>} : memref<128xi32, #tpu.memory_space<vmem>>, vector<16xi32>,
        %and3A_893 = arith.constant 1 : i32
        %and3A_894 = vector.broadcast %and3A_893 : i32 to vector<16xi32>
        %and3A_895 = arith.andi %get3A_887, %and3A_894 : vector<16xi32>
        %mul3A_896 = arith.constant 64 : i32
        %mul3A_897 = vector.broadcast %mul3A_896 : i32 to vector<16xi32>
        %mul3A_898 = arith.muli %and3A_895, %mul3A_897 : vector<16xi32>
        %swap3A_899 = arith.constant 64 : index
        %swap3A_900 = tpu.vector_load %arg14[%swap3A_899] {strides = array<i32>} : memref<128xi32, #tpu.memory_space<vmem>>, vector<16xi32>,
        tpu.vector_store %arg14[%swap3A_899], %mul3A_898 {strides = array<i32>} : memref<128xi32, #tpu.memory_space<vmem>>, vector<16xi32>,
        %get3A_901 = arith.constant 80 : index
        %get3A_902 = tpu.vector_load %arg6[%get3A_901] {strides = array<i32>} : memref<128xi32, #tpu.memory_space<vmem>>, vector<16xi32>,
        %shift_right_logical3A_903 = arith.constant 1 : i32
        %shift_right_logical3A_904 = vector.broadcast %shift_right_logical3A_903 : i32 to vector<16xi32>
        %shift_right_logical3A_905 = arith.shrui %get3A_902, %shift_right_logical3A_904 : vector<16xi32>
        %swap3A_906 = arith.constant 80 : index
        %swap3A_907 = tpu.vector_load %arg10[%swap3A_906] {strides = array<i32>} : memref<128xi32, #tpu.memory_space<vmem>>, vector<16xi32>,
        tpu.vector_store %arg10[%swap3A_906], %shift_right_logical3A_905 {strides = array<i32>} : memref<128xi32, #tpu.memory_space<vmem>>, vector<16xi32>,
        %and3A_908 = arith.constant 1 : i32
        %and3A_909 = vector.broadcast %and3A_908 : i32 to vector<16xi32>
        %and3A_910 = arith.andi %get3A_902, %and3A_909 : vector<16xi32>
        %mul3A_911 = arith.constant 64 : i32
        %mul3A_912 = vector.broadcast %mul3A_911 : i32 to vector<16xi32>
        %mul3A_913 = arith.muli %and3A_910, %mul3A_912 : vector<16xi32>
        %swap3A_914 = arith.constant 80 : index
        %swap3A_915 = tpu.vector_load %arg14[%swap3A_914] {strides = array<i32>} : memref<128xi32, #tpu.memory_space<vmem>>, vector<16xi32>,
        tpu.vector_store %arg14[%swap3A_914], %mul3A_913 {strides = array<i32>} : memref<128xi32, #tpu.memory_space<vmem>>, vector<16xi32>,
        %get3A_916 = arith.constant 96 : index
        %get3A_917 = tpu.vector_load %arg6[%get3A_916] {strides = array<i32>} : memref<128xi32, #tpu.memory_space<vmem>>, vector<16xi32>,
        %shift_right_logical3A_918 = arith.constant 1 : i32
        %shift_right_logical3A_919 = vector.broadcast %shift_right_logical3A_918 : i32 to vector<16xi32>
        %shift_right_logical3A_920 = arith.shrui %get3A_917, %shift_right_logical3A_919 : vector<16xi32>
        %swap3A_921 = arith.constant 96 : index
        %swap3A_922 = tpu.vector_load %arg10[%swap3A_921] {strides = array<i32>} : memref<128xi32, #tpu.memory_space<vmem>>, vector<16xi32>,
        tpu.vector_store %arg10[%swap3A_921], %shift_right_logical3A_920 {strides = array<i32>} : memref<128xi32, #tpu.memory_space<vmem>>, vector<16xi32>,
        %and3A_923 = arith.constant 1 : i32
        %and3A_924 = vector.broadcast %and3A_923 : i32 to vector<16xi32>
        %and3A_925 = arith.andi %get3A_917, %and3A_924 : vector<16xi32>
        %mul3A_926 = arith.constant 64 : i32
        %mul3A_927 = vector.broadcast %mul3A_926 : i32 to vector<16xi32>
        %mul3A_928 = arith.muli %and3A_925, %mul3A_927 : vector<16xi32>
        %swap3A_929 = arith.constant 96 : index
        %swap3A_930 = tpu.vector_load %arg14[%swap3A_929] {strides = array<i32>} : memref<128xi32, #tpu.memory_space<vmem>>, vector<16xi32>,
        tpu.vector_store %arg14[%swap3A_929], %mul3A_928 {strides = array<i32>} : memref<128xi32, #tpu.memory_space<vmem>>, vector<16xi32>,
        %get3A_931 = arith.constant 112 : index
        %get3A_932 = tpu.vector_load %arg6[%get3A_931] {strides = array<i32>} : memref<128xi32, #tpu.memory_space<vmem>>, vector<16xi32>,
        %shift_right_logical3A_933 = arith.constant 1 : i32
        %shift_right_logical3A_934 = vector.broadcast %shift_right_logical3A_933 : i32 to vector<16xi32>
        %shift_right_logical3A_935 = arith.shrui %get3A_932, %shift_right_logical3A_934 : vector<16xi32>
        %swap3A_936 = arith.constant 112 : index
        %swap3A_937 = tpu.vector_load %arg10[%swap3A_936] {strides = array<i32>} : memref<128xi32, #tpu.memory_space<vmem>>, vector<16xi32>,
        tpu.vector_store %arg10[%swap3A_936], %shift_right_logical3A_935 {strides = array<i32>} : memref<128xi32, #tpu.memory_space<vmem>>, vector<16xi32>,
        %and3A_938 = arith.constant 1 : i32
        %and3A_939 = vector.broadcast %and3A_938 : i32 to vector<16xi32>
        %and3A_940 = arith.andi %get3A_932, %and3A_939 : vector<16xi32>
        %mul3A_941 = arith.constant 64 : i32
        %mul3A_942 = vector.broadcast %mul3A_941 : i32 to vector<16xi32>
        %mul3A_943 = arith.muli %and3A_940, %mul3A_942 : vector<16xi32>
        %swap3A_944 = arith.constant 112 : index
        %swap3A_945 = tpu.vector_load %arg14[%swap3A_944] {strides = array<i32>} : memref<128xi32, #tpu.memory_space<vmem>>, vector<16xi32>,
        tpu.vector_store %arg14[%swap3A_944], %mul3A_943 {strides = array<i32>} : memref<128xi32, #tpu.memory_space<vmem>>, vector<16xi32>,
        %dma_start3A_946 = arith.constant 0 : i32
        %dma_start3A_947 = arith.constant 0 : i32
        %dma_start3A_948 = tpu.memref_slice %arg3[%dma_start3A_946, %dma_start3A_947] : memref<500000x128xf32, #tpu.memory_space<hbm>> -> memref<500000x128xf32, #tpu.memory_space<hbm>>
        tpu.enqueue_indirect_dma source(%dma_start3A_948 : memref<500000x128xf32, #tpu.memory_space<hbm>>) target(%arg18 : memref<128x128xf32, #tpu.memory_space<vmem>>) offsets(%arg10 : memref<128xi32, #tpu.memory_space<vmem>>) semaphore(%arg24 : memref<!tpu.dma_semaphore, #tpu.memory_space<semaphore_mem>>)
      } else {
      }
      %dma_wait3A_748 = arith.constant 0 : i32
      %dma_wait3A_749 = arith.constant 0 : i32
      %dma_wait3A_750 = tpu.memref_slice %arg3[%dma_wait3A_748, %dma_wait3A_749] : memref<500000x128xf32, #tpu.memory_space<hbm>> -> memref<500000x128xf32, #tpu.memory_space<hbm>>
      tpu.wait_indirect_dma semaphore(%arg26 : memref<!tpu.dma_semaphore, #tpu.memory_space<semaphore_mem>>) src(%dma_wait3A_750 : memref<500000x128xf32, #tpu.memory_space<hbm>>) dst(%arg20 : memref<128x128xf32, #tpu.memory_space<vmem>>)
      %cond3A_751 = arith.constant 1 : i32
      %sub3A_752 = arith.constant 2 : i32
      %sub3A_753 = arith.subi %add3A_742, %sub3A_752 : i32
      %mul3A_754 = arith.constant 128 : i32
      %mul3A_755 = arith.muli %sub3A_753, %mul3A_754 : i32
      %add3A_756 = arith.addi %mul3A_2, %mul3A_755 : i32
      %jit3A_757 = arith.constant 2 : i32
      %div3A_758 = arith.divsi %add3A_756, %jit3A_757 : i32
      %sign3A_759 = arith.constant 0 : i32
      %sign3A_760 = arith.cmpi sgt, %add3A_756, %sign3A_759 : i32
      %sign3A_761 = arith.extui %sign3A_760 : i1 to i32
      %sign3A_762 = arith.constant 0 : i32
      %sign3A_763 = arith.cmpi slt, %add3A_756, %sign3A_762 : i32
      %sign3A_764 = arith.extui %sign3A_763 : i1 to i32
      %sign3A_765 = arith.subi %sign3A_761, %sign3A_764 : i32
      %sign3A_766 = arith.constant 0 : i32
      %sign3A_767 = arith.cmpi sgt, %jit3A_757, %sign3A_766 : i32
      %sign3A_768 = arith.extui %sign3A_767 : i1 to i32
      %sign3A_769 = arith.constant 0 : i32
      %sign3A_770 = arith.cmpi slt, %jit3A_757, %sign3A_769 : i32
      %sign3A_771 = arith.extui %sign3A_770 : i1 to i32
      %sign3A_772 = arith.subi %sign3A_768, %sign3A_771 : i32
      %ne3A_773 = arith.cmpi ne, %sign3A_765, %sign3A_772 : i32
      %rem3A_774 = arith.remsi %add3A_756, %jit3A_757 : i32
      %ne3A_775 = arith.constant 0 : i32
      %ne3A_776 = arith.cmpi ne, %rem3A_774, %ne3A_775 : i32
      %and3A_777 = arith.andi %ne3A_773, %ne3A_776 : i1
      %sub3A_778 = arith.constant 1 : i32
      %sub3A_779 = arith.subi %div3A_758, %sub3A_778 : i32
      %select_n3A_780 = arith.select %and3A_777, %sub3A_779, %div3A_758 : i32
      %multiple_of3A_781 = tpu.assume_multiple %select_n3A_780, 8 : i32
      %dma_wait3A_782 = arith.constant 0 : i32
      %dma_wait3A_783 = tpu.memref_slice %arg4[%multiple_of3A_781, %dma_wait3A_782] : memref<409600x128xf32, #tpu.memory_space<hbm>> -> memref<64x128xf32, #tpu.memory_space<hbm>>
      %dma_wait3A_784 = arith.constant 0 : i32
      %dma_wait3A_785 = tpu.memref_slice %arg4[%multiple_of3A_781, %dma_wait3A_784] : memref<409600x128xf32, #tpu.memory_space<hbm>> -> memref<64x128xf32, #tpu.memory_space<hbm>>
      tpu.wait_dma2 semaphore(%arg28 : memref<!tpu.dma_semaphore, #tpu.memory_space<semaphore_mem>>) src(%arg22 : memref<64x128xf32, #tpu.memory_space<vmem>>) dst(%dma_wait3A_785 : memref<64x128xf32, #tpu.memory_space<hbm>>)
      %parallel_loop3A_786 = arith.constant 0 : i32
      %parallel_loop3A_787 = arith.constant 64 : i32
      %parallel_loop3A_788 = arith.constant 1 : i32
      scf.for %parallel_loop3A_821 = %parallel_loop3A_786 to %parallel_loop3A_787 step %parallel_loop3A_788  : i32 {
        %parallel_loop3A_822 = arith.constant 2 : i32
        %parallel_loop3A_823 = arith.muli %parallel_loop3A_822, %parallel_loop3A_821 : i32
        %parallel_loop3A_824 = arith.constant 0 : i32
        %parallel_loop3A_825 = arith.addi %parallel_loop3A_823, %parallel_loop3A_824 : i32
        %parallel_loop3A_826 = vector.broadcast %parallel_loop3A_825 : i32 to vector<16xi32>
        %parallel_loop3A_827 = arith.addi %mul3A_5, %parallel_loop3A_826 : vector<16xi32>
        %parallel_loop3A_828 = tpu.vector_load_idx %arg16[%parallel_loop3A_827] : memref<128xi32, #tpu.memory_space<vmem>>[vector<16xi32>], vector<16xi32>,
        %parallel_loop3A_829 = arith.constant 0 : i32
        %parallel_loop3A_830 = vector.broadcast %parallel_loop3A_829 : i32 to vector<16xi32>
        %parallel_loop3A_831 = arith.addi %parallel_loop3A_830, %iota3A : vector<16xi32>
        %parallel_loop3A_832 = arith.addi %parallel_loop3A_828, %parallel_loop3A_831 : vector<16xi32>
        %parallel_loop3A_833 = tpu.vector_load_idx %arg20[%parallel_loop3A_827, %parallel_loop3A_832] : memref<128x128xf32, #tpu.memory_space<vmem>>[vector<16xi32>, vector<16xi32>], vector<16xf32>,
        %parallel_loop3A_834 = arith.constant 8.000000e+00 : f32
        %parallel_loop3A_835 = vector.broadcast %parallel_loop3A_834 : f32 to vector<16xf32>
        %parallel_loop3A_836 = arith.mulf %parallel_loop3A_833, %parallel_loop3A_835 : vector<16xf32>
        %parallel_loop3A_837 = arith.index_cast %parallel_loop3A_821 : i32 to index
        %parallel_loop3A_838 = arith.constant 0 : index
        %parallel_loop3A_839 = tpu.vector_load %arg22[%parallel_loop3A_837, %parallel_loop3A_838] {strides = array<i32>} : memref<64x128xf32, #tpu.memory_space<vmem>>, vector<16xf32>,
        tpu.vector_store %arg22[%parallel_loop3A_837, %parallel_loop3A_838], %parallel_loop3A_836 {strides = array<i32>} : memref<64x128xf32, #tpu.memory_space<vmem>>, vector<16xf32>,
        %parallel_loop3A_840 = arith.constant 16 : i32
        %parallel_loop3A_841 = vector.broadcast %parallel_loop3A_840 : i32 to vector<16xi32>
        %parallel_loop3A_842 = arith.addi %parallel_loop3A_841, %iota3A : vector<16xi32>
        %parallel_loop3A_843 = arith.addi %parallel_loop3A_828, %parallel_loop3A_842 : vector<16xi32>
        %parallel_loop3A_844 = tpu.vector_load_idx %arg20[%parallel_loop3A_827, %parallel_loop3A_843] : memref<128x128xf32, #tpu.memory_space<vmem>>[vector<16xi32>, vector<16xi32>], vector<16xf32>,
        %parallel_loop3A_845 = arith.constant 8.000000e+00 : f32
        %parallel_loop3A_846 = vector.broadcast %parallel_loop3A_845 : f32 to vector<16xf32>
        %parallel_loop3A_847 = arith.mulf %parallel_loop3A_844, %parallel_loop3A_846 : vector<16xf32>
        %parallel_loop3A_848 = arith.index_cast %parallel_loop3A_821 : i32 to index
        %parallel_loop3A_849 = arith.constant 16 : index
        %parallel_loop3A_850 = tpu.vector_load %arg22[%parallel_loop3A_848, %parallel_loop3A_849] {strides = array<i32>} : memref<64x128xf32, #tpu.memory_space<vmem>>, vector<16xf32>,
        tpu.vector_store %arg22[%parallel_loop3A_848, %parallel_loop3A_849], %parallel_loop3A_847 {strides = array<i32>} : memref<64x128xf32, #tpu.memory_space<vmem>>, vector<16xf32>,
        %parallel_loop3A_851 = arith.constant 32 : i32
        %parallel_loop3A_852 = vector.broadcast %parallel_loop3A_851 : i32 to vector<16xi32>
        %parallel_loop3A_853 = arith.addi %parallel_loop3A_852, %iota3A : vector<16xi32>
        %parallel_loop3A_854 = arith.addi %parallel_loop3A_828, %parallel_loop3A_853 : vector<16xi32>
        %parallel_loop3A_855 = tpu.vector_load_idx %arg20[%parallel_loop3A_827, %parallel_loop3A_854] : memref<128x128xf32, #tpu.memory_space<vmem>>[vector<16xi32>, vector<16xi32>], vector<16xf32>,
        %parallel_loop3A_856 = arith.constant 8.000000e+00 : f32
        %parallel_loop3A_857 = vector.broadcast %parallel_loop3A_856 : f32 to vector<16xf32>
        %parallel_loop3A_858 = arith.mulf %parallel_loop3A_855, %parallel_loop3A_857 : vector<16xf32>
        %parallel_loop3A_859 = arith.index_cast %parallel_loop3A_821 : i32 to index
        %parallel_loop3A_860 = arith.constant 32 : index
        %parallel_loop3A_861 = tpu.vector_load %arg22[%parallel_loop3A_859, %parallel_loop3A_860] {strides = array<i32>} : memref<64x128xf32, #tpu.memory_space<vmem>>, vector<16xf32>,
        tpu.vector_store %arg22[%parallel_loop3A_859, %parallel_loop3A_860], %parallel_loop3A_858 {strides = array<i32>} : memref<64x128xf32, #tpu.memory_space<vmem>>, vector<16xf32>,
        %parallel_loop3A_862 = arith.constant 48 : i32
        %parallel_loop3A_863 = vector.broadcast %parallel_loop3A_862 : i32 to vector<16xi32>
        %parallel_loop3A_864 = arith.addi %parallel_loop3A_863, %iota3A : vector<16xi32>
        %parallel_loop3A_865 = arith.addi %parallel_loop3A_828, %parallel_loop3A_864 : vector<16xi32>
        %parallel_loop3A_866 = tpu.vector_load_idx %arg20[%parallel_loop3A_827, %parallel_loop3A_865] : memref<128x128xf32, #tpu.memory_space<vmem>>[vector<16xi32>, vector<16xi32>], vector<16xf32>,
        %parallel_loop3A_867 = arith.constant 8.000000e+00 : f32
        %parallel_loop3A_868 = vector.broadcast %parallel_loop3A_867 : f32 to vector<16xf32>
        %parallel_loop3A_869 = arith.mulf %parallel_loop3A_866, %parallel_loop3A_868 : vector<16xf32>
        %parallel_loop3A_870 = arith.index_cast %parallel_loop3A_821 : i32 to index
        %parallel_loop3A_871 = arith.constant 48 : index
        %parallel_loop3A_872 = tpu.vector_load %arg22[%parallel_loop3A_870, %parallel_loop3A_871] {strides = array<i32>} : memref<64x128xf32, #tpu.memory_space<vmem>>, vector<16xf32>,
        tpu.vector_store %arg22[%parallel_loop3A_870, %parallel_loop3A_871], %parallel_loop3A_869 {strides = array<i32>} : memref<64x128xf32, #tpu.memory_space<vmem>>, vector<16xf32>,
        %parallel_loop3A_873 = arith.constant 2 : i32
        %parallel_loop3A_874 = arith.muli %parallel_loop3A_873, %parallel_loop3A_821 : i32
        %parallel_loop3A_875 = arith.constant 1 : i32
        %parallel_loop3A_876 = arith.addi %parallel_loop3A_874, %parallel_loop3A_875 : i32
        %parallel_loop3A_877 = vector.broadcast %parallel_loop3A_876 : i32 to vector<16xi32>
        %parallel_loop3A_878 = arith.addi %mul3A_5, %parallel_loop3A_877 : vector<16xi32>
        %parallel_loop3A_879 = tpu.vector_load_idx %arg16[%parallel_loop3A_878] : memref<128xi32, #tpu.memory_space<vmem>>[vector<16xi32>], vector<16xi32>,
        %parallel_loop3A_880 = arith.constant 0 : i32
        %parallel_loop3A_881 = vector.broadcast %parallel_loop3A_880 : i32 to vector<16xi32>
        %parallel_loop3A_882 = arith.addi %parallel_loop3A_881, %iota3A : vector<16xi32>
        %parallel_loop3A_883 = arith.addi %parallel_loop3A_879, %parallel_loop3A_882 : vector<16xi32>
        %parallel_loop3A_884 = tpu.vector_load_idx %arg20[%parallel_loop3A_878, %parallel_loop3A_883] : memref<128x128xf32, #tpu.memory_space<vmem>>[vector<16xi32>, vector<16xi32>], vector<16xf32>,
        %parallel_loop3A_885 = arith.constant 8.000000e+00 : f32
        %parallel_loop3A_886 = vector.broadcast %parallel_loop3A_885 : f32 to vector<16xf32>
        %parallel_loop3A_887 = arith.mulf %parallel_loop3A_884, %parallel_loop3A_886 : vector<16xf32>
        %parallel_loop3A_888 = arith.index_cast %parallel_loop3A_821 : i32 to index
        %parallel_loop3A_889 = arith.constant 64 : index
        %parallel_loop3A_890 = tpu.vector_load %arg22[%parallel_loop3A_888, %parallel_loop3A_889] {strides = array<i32>} : memref<64x128xf32, #tpu.memory_space<vmem>>, vector<16xf32>,
        tpu.vector_store %arg22[%parallel_loop3A_888, %parallel_loop3A_889], %parallel_loop3A_887 {strides = array<i32>} : memref<64x128xf32, #tpu.memory_space<vmem>>, vector<16xf32>,
        %parallel_loop3A_891 = arith.constant 16 : i32
        %parallel_loop3A_892 = vector.broadcast %parallel_loop3A_891 : i32 to vector<16xi32>
        %parallel_loop3A_893 = arith.addi %parallel_loop3A_892, %iota3A : vector<16xi32>
        %parallel_loop3A_894 = arith.addi %parallel_loop3A_879, %parallel_loop3A_893 : vector<16xi32>
        %parallel_loop3A_895 = tpu.vector_load_idx %arg20[%parallel_loop3A_878, %parallel_loop3A_894] : memref<128x128xf32, #tpu.memory_space<vmem>>[vector<16xi32>, vector<16xi32>], vector<16xf32>,
        %parallel_loop3A_896 = arith.constant 8.000000e+00 : f32
        %parallel_loop3A_897 = vector.broadcast %parallel_loop3A_896 : f32 to vector<16xf32>
        %parallel_loop3A_898 = arith.mulf %parallel_loop3A_895, %parallel_loop3A_897 : vector<16xf32>
        %parallel_loop3A_899 = arith.index_cast %parallel_loop3A_821 : i32 to index
        %parallel_loop3A_900 = arith.constant 80 : index
        %parallel_loop3A_901 = tpu.vector_load %arg22[%parallel_loop3A_899, %parallel_loop3A_900] {strides = array<i32>} : memref<64x128xf32, #tpu.memory_space<vmem>>, vector<16xf32>,
        tpu.vector_store %arg22[%parallel_loop3A_899, %parallel_loop3A_900], %parallel_loop3A_898 {strides = array<i32>} : memref<64x128xf32, #tpu.memory_space<vmem>>, vector<16xf32>,
        %parallel_loop3A_902 = arith.constant 32 : i32
        %parallel_loop3A_903 = vector.broadcast %parallel_loop3A_902 : i32 to vector<16xi32>
        %parallel_loop3A_904 = arith.addi %parallel_loop3A_903, %iota3A : vector<16xi32>
        %parallel_loop3A_905 = arith.addi %parallel_loop3A_879, %parallel_loop3A_904 : vector<16xi32>
        %parallel_loop3A_906 = tpu.vector_load_idx %arg20[%parallel_loop3A_878, %parallel_loop3A_905] : memref<128x128xf32, #tpu.memory_space<vmem>>[vector<16xi32>, vector<16xi32>], vector<16xf32>,
        %parallel_loop3A_907 = arith.constant 8.000000e+00 : f32
        %parallel_loop3A_908 = vector.broadcast %parallel_loop3A_907 : f32 to vector<16xf32>
        %parallel_loop3A_909 = arith.mulf %parallel_loop3A_906, %parallel_loop3A_908 : vector<16xf32>
        %parallel_loop3A_910 = arith.index_cast %parallel_loop3A_821 : i32 to index
        %parallel_loop3A_911 = arith.constant 96 : index
        %parallel_loop3A_912 = tpu.vector_load %arg22[%parallel_loop3A_910, %parallel_loop3A_911] {strides = array<i32>} : memref<64x128xf32, #tpu.memory_space<vmem>>, vector<16xf32>,
        tpu.vector_store %arg22[%parallel_loop3A_910, %parallel_loop3A_911], %parallel_loop3A_909 {strides = array<i32>} : memref<64x128xf32, #tpu.memory_space<vmem>>, vector<16xf32>,
        %parallel_loop3A_913 = arith.constant 48 : i32
        %parallel_loop3A_914 = vector.broadcast %parallel_loop3A_913 : i32 to vector<16xi32>
        %parallel_loop3A_915 = arith.addi %parallel_loop3A_914, %iota3A : vector<16xi32>
        %parallel_loop3A_916 = arith.addi %parallel_loop3A_879, %parallel_loop3A_915 : vector<16xi32>
        %parallel_loop3A_917 = tpu.vector_load_idx %arg20[%parallel_loop3A_878, %parallel_loop3A_916] : memref<128x128xf32, #tpu.memory_space<vmem>>[vector<16xi32>, vector<16xi32>], vector<16xf32>,
        %parallel_loop3A_918 = arith.constant 8.000000e+00 : f32
        %parallel_loop3A_919 = vector.broadcast %parallel_loop3A_918 : f32 to vector<16xf32>
        %parallel_loop3A_920 = arith.mulf %parallel_loop3A_917, %parallel_loop3A_919 : vector<16xf32>
        %parallel_loop3A_921 = arith.index_cast %parallel_loop3A_821 : i32 to index
        %parallel_loop3A_922 = arith.constant 112 : index
        %parallel_loop3A_923 = tpu.vector_load %arg22[%parallel_loop3A_921, %parallel_loop3A_922] {strides = array<i32>} : memref<64x128xf32, #tpu.memory_space<vmem>>, vector<16xf32>,
        tpu.vector_store %arg22[%parallel_loop3A_921, %parallel_loop3A_922], %parallel_loop3A_920 {strides = array<i32>} : memref<64x128xf32, #tpu.memory_space<vmem>>, vector<16xf32>,
      } {sc.loop_unroll_factor = 4 : i64, sc.parallel_access}
      %mul3A_789 = arith.constant 128 : i32
      %mul3A_790 = arith.muli %add3A_742, %mul3A_789 : i32
      %add3A_791 = arith.addi %mul3A_2, %mul3A_790 : i32
      %jit3A_792 = arith.constant 2 : i32
      %div3A_793 = arith.divsi %add3A_791, %jit3A_792 : i32
      %sign3A_794 = arith.constant 0 : i32
      %sign3A_795 = arith.cmpi sgt, %add3A_791, %sign3A_794 : i32
      %sign3A_796 = arith.extui %sign3A_795 : i1 to i32
      %sign3A_797 = arith.constant 0 : i32
      %sign3A_798 = arith.cmpi slt, %add3A_791, %sign3A_797 : i32
      %sign3A_799 = arith.extui %sign3A_798 : i1 to i32
      %sign3A_800 = arith.subi %sign3A_796, %sign3A_799 : i32
      %sign3A_801 = arith.constant 0 : i32
      %sign3A_802 = arith.cmpi sgt, %jit3A_792, %sign3A_801 : i32
      %sign3A_803 = arith.extui %sign3A_802 : i1 to i32
      %sign3A_804 = arith.constant 0 : i32
      %sign3A_805 = arith.cmpi slt, %jit3A_792, %sign3A_804 : i32
      %sign3A_806 = arith.extui %sign3A_805 : i1 to i32
      %sign3A_807 = arith.subi %sign3A_803, %sign3A_806 : i32
      %ne3A_808 = arith.cmpi ne, %sign3A_800, %sign3A_807 : i32
      %rem3A_809 = arith.remsi %add3A_791, %jit3A_792 : i32
      %ne3A_810 = arith.constant 0 : i32
      %ne3A_811 = arith.cmpi ne, %rem3A_809, %ne3A_810 : i32
      %and3A_812 = arith.andi %ne3A_808, %ne3A_811 : i1
      %sub3A_813 = arith.constant 1 : i32
      %sub3A_814 = arith.subi %div3A_793, %sub3A_813 : i32
      %select_n3A_815 = arith.select %and3A_812, %sub3A_814, %div3A_793 : i32
      %multiple_of3A_816 = tpu.assume_multiple %select_n3A_815, 8 : i32
      %dma_start3A_817 = arith.constant 0 : i32
      %dma_start3A_818 = tpu.memref_slice %arg4[%multiple_of3A_816, %dma_start3A_817] : memref<409600x128xf32, #tpu.memory_space<hbm>> -> memref<64x128xf32, #tpu.memory_space<hbm>>
      %dma_start3A_819 = arith.constant 0 : i32
      %dma_start3A_820 = tpu.memref_slice %arg4[%multiple_of3A_816, %dma_start3A_819] : memref<409600x128xf32, #tpu.memory_space<hbm>> -> memref<64x128xf32, #tpu.memory_space<hbm>>
      tpu.enqueue_dma source(%arg22 : memref<64x128xf32, #tpu.memory_space<vmem>>) target(%dma_start3A_820 : memref<64x128xf32, #tpu.memory_space<hbm>>) target_semaphore(%arg28 : memref<!tpu.dma_semaphore, #tpu.memory_space<semaphore_mem>>)
    }
    %scan3A_255 = arith.constant 50 : i32
    %add3A_256 = arith.constant 25344 : i32
    %add3A_257 = arith.addi %mul3A_2, %add3A_256 : i32
    %jit3A = arith.constant 2 : i32
    %div3A = arith.divsi %add3A_257, %jit3A : i32
    %sign3A = arith.constant 0 : i32
    %sign3A_258 = arith.cmpi sgt, %add3A_257, %sign3A : i32
    %sign3A_259 = arith.extui %sign3A_258 : i1 to i32
    %sign3A_260 = arith.constant 0 : i32
    %sign3A_261 = arith.cmpi slt, %add3A_257, %sign3A_260 : i32
    %sign3A_262 = arith.extui %sign3A_261 : i1 to i32
    %sign3A_263 = arith.subi %sign3A_259, %sign3A_262 : i32
    %sign3A_264 = arith.constant 0 : i32
    %sign3A_265 = arith.cmpi sgt, %jit3A, %sign3A_264 : i32
    %sign3A_266 = arith.extui %sign3A_265 : i1 to i32
    %sign3A_267 = arith.constant 0 : i32
    %sign3A_268 = arith.cmpi slt, %jit3A, %sign3A_267 : i32
    %sign3A_269 = arith.extui %sign3A_268 : i1 to i32
    %sign3A_270 = arith.subi %sign3A_266, %sign3A_269 : i32
    %ne3A = arith.cmpi ne, %sign3A_263, %sign3A_270 : i32
    %rem3A = arith.remsi %add3A_257, %jit3A : i32
    %ne3A_271 = arith.constant 0 : i32
    %ne3A_272 = arith.cmpi ne, %rem3A, %ne3A_271 : i32
    %and3A_273 = arith.andi %ne3A, %ne3A_272 : i1
    %sub3A = arith.constant 1 : i32
    %sub3A_274 = arith.subi %div3A, %sub3A : i32
    %select_n3A = arith.select %and3A_273, %sub3A_274, %div3A : i32
    %multiple_of3A = tpu.assume_multiple %select_n3A, 8 : i32
    %dma_wait3A = arith.constant 0 : i32
    %dma_wait3A_275 = tpu.memref_slice %arg4[%multiple_of3A, %dma_wait3A] : memref<409600x128xf32, #tpu.memory_space<hbm>> -> memref<64x128xf32, #tpu.memory_space<hbm>>
    %dma_wait3A_276 = arith.constant 0 : i32
    %dma_wait3A_277 = tpu.memref_slice %arg4[%multiple_of3A, %dma_wait3A_276] : memref<409600x128xf32, #tpu.memory_space<hbm>> -> memref<64x128xf32, #tpu.memory_space<hbm>>
    tpu.wait_dma2 semaphore(%arg27 : memref<!tpu.dma_semaphore, #tpu.memory_space<semaphore_mem>>) src(%arg21 : memref<64x128xf32, #tpu.memory_space<vmem>>) dst(%dma_wait3A_277 : memref<64x128xf32, #tpu.memory_space<hbm>>)
    %add3A_278 = arith.constant 25472 : i32
    %add3A_279 = arith.addi %mul3A_2, %add3A_278 : i32
    %jit3A_280 = arith.constant 2 : i32
    %div3A_281 = arith.divsi %add3A_279, %jit3A_280 : i32
    %sign3A_282 = arith.constant 0 : i32
    %sign3A_283 = arith.cmpi sgt, %add3A_279, %sign3A_282 : i32
    %sign3A_284 = arith.extui %sign3A_283 : i1 to i32
    %sign3A_285 = arith.constant 0 : i32
    %sign3A_286 = arith.cmpi slt, %add3A_279, %sign3A_285 : i32
    %sign3A_287 = arith.extui %sign3A_286 : i1 to i32
    %sign3A_288 = arith.subi %sign3A_284, %sign3A_287 : i32
    %sign3A_289 = arith.constant 0 : i32
    %sign3A_290 = arith.cmpi sgt, %jit3A_280, %sign3A_289 : i32
    %sign3A_291 = arith.extui %sign3A_290 : i1 to i32
    %sign3A_292 = arith.constant 0 : i32
    %sign3A_293 = arith.cmpi slt, %jit3A_280, %sign3A_292 : i32
    %sign3A_294 = arith.extui %sign3A_293 : i1 to i32
    %sign3A_295 = arith.subi %sign3A_291, %sign3A_294 : i32
    %ne3A_296 = arith.cmpi ne, %sign3A_288, %sign3A_295 : i32
    %rem3A_297 = arith.remsi %add3A_279, %jit3A_280 : i32
    %ne3A_298 = arith.constant 0 : i32
    %ne3A_299 = arith.cmpi ne, %rem3A_297, %ne3A_298 : i32
    %and3A_300 = arith.andi %ne3A_296, %ne3A_299 : i1
    %sub3A_301 = arith.constant 1 : i32
    %sub3A_302 = arith.subi %div3A_281, %sub3A_301 : i32
    %select_n3A_303 = arith.select %and3A_300, %sub3A_302, %div3A_281 : i32
    %multiple_of3A_304 = tpu.assume_multiple %select_n3A_303, 8 : i32
    %dma_wait3A_305 = arith.constant 0 : i32
    %dma_wait3A_306 = tpu.memref_slice %arg4[%multiple_of3A_304, %dma_wait3A_305] : memref<409600x128xf32, #tpu.memory_space<hbm>> -> memref<64x128xf32, #tpu.memory_space<hbm>>
    %dma_wait3A_307 = arith.constant 0 : i32
    %dma_wait3A_308 = tpu.memref_slice %arg4[%multiple_of3A_304, %dma_wait3A_307] : memref<409600x128xf32, #tpu.memory_space<hbm>> -> memref<64x128xf32, #tpu.memory_space<hbm>>
    tpu.wait_dma2 semaphore(%arg28 : memref<!tpu.dma_semaphore, #tpu.memory_space<semaphore_mem>>) src(%arg22 : memref<64x128xf32, #tpu.memory_space<vmem>>) dst(%dma_wait3A_308 : memref<64x128xf32, #tpu.memory_space<hbm>>)
    return
  }
}

</mosaic_0001>

<sc_bundles>
// kernel: kernel.3.cloned.1.call-start
scs
__scs_entry_jumppad:
0x0: {  	(pc) =	sbr.rel $0x88, $3  }
0x1: {  	(tag) =	ssettag $0x0;
	lr =	simm.s32 $0x1  }
0x2: {  	[smem:$0x3F9F] =	sst lr;
	_ =	strace $0xD0000000  }
0x3: {  	_ = 	snop  }
0x4: {  	_ = 	snop  }
0x5: {  	_ = 	snop  }
0x6: {  	_ = 	snop  }
0x7: {  	_ = 	snop  }
__scs_overlays_trampoline_lowered:
0x8: {  	[smem:$0x3FAE] =	sst s0  }
0x9: {  	[smem:$0x3FAF] =	sst s1  }
0xa: {  	[smem:$0x3FB0] =	sst s2  }
0xb: {  	[smem:$0x3FB1] =	sst s3  }
0xc: {  	[smem:$0x3FB2] =	sst s4  }
0xd: {  	[smem:$0x3FB3] =	sst s5  }
0xe: {  	[smem:$0x3FB4] =	sst s6  }
0xf: {  	[smem:$0x3FB5] =	sst s7  }
0x10: {  	[smem:$0x3FB6] =	sst s8  }
0x11: {  	[smem:$0x3FB7] =	sst s9;
	s0 =	simm.s32 @!p0 $0x0  }
0x12: {  	s1 =	sld [smem:$0x3F9D];
	s0 =	simm.s32 @p0 $0x1  }
0x13: {  	[smem:$0x3FB8] =	sst s0;
	s0 =	simm.s32 @!p1 $0x0  }
0x14: {  	s2 =	sld [smem:$0x3F9C];
	s0 =	simm.s32 @p1 $0x1  }
0x15: {  	[smem:$0x3FB9] =	sst s0;
	s0 =	simm.s32 @!p2 $0x0  }
0x16: {  	s3 =	sld [smem:$0x3FDB];
	s0 =	simm.s32 @p2 $0x1  }
0x17: {  	s4 =	simm.s32 $0x1BF5;
	[smem:$0x3FBB] =	sst s0  }
0x18: {  	s0 =	sld [smem:$0x3F9E];
	_ =	swait.ge [sflag:s4], $0x0  }
0x19: {  	s7 =	sld [smem:$0x3F9F]  }
0x1a: {  	s8 =	sadd.s32 $0xFFFFE003, lr  }
0x1b: {  	s9 =	sadd.s32 $0xFFFFFEF7, lr;
	s5 =	simm.s32 $0xFFFFFFFF;
	p2 =	slt.u32 s8, $0xFFFFF086  }
0x1c: {  	p1 =	slt.u32 s9, $0xF7A;
	s5 =	simm.s32 @!p2 $0x0  }
0x1d: {  	s5 =	simm.s32 @p1 $0x1;
	p0 =	seq.s32 s7, s2  }
0x1e: {  	s7 =	smul.u32 @!p0 $0xF7A, s2;
	p2 =	seq.s32 @!p0 s5, $0x0  }
0x1f: {  	s9 =	smul.u32 $0xF7A, s1;
	s8 =	simm.s32 @!p0 $0x1BF5;
	p2 =	por !p2, p0  }
0x20: {  	[sflag:s8] =	ssyncset.s32 @!p0 $0xFFFFF086;
	s6 =	sadd.s32 @!p0 s3, s7;
	s7 =	simm.s32 @!p0 $0x108  }
0x21: {  	s3 =	sadd.s32 s3, s9;
	s6 =	sadd.s32 @!p0 $0x88, s6;
	s7 =	simm.s32 @p2 $0x1082  }
0x22: {  	[simem:s7], [sflag:s8] =	dma.local @!p0 [hbm:s6], $0xF7A  }
0x23: {  	s9 =	sor.u32 $0xD0000000, s2;
	s6 =	simm.s32 $0x108;
	_ =	swait.ge @!p0 [sflag:s8], $0x0  }
0x24: {  	s3 =	sadd.s32 $0x88, s3;
	s6 =	simm.s32 @!p1 $0x1082;
	[sflag:s4] =	ssyncset.s32 $0xFFFFF086  }
0x25: {  	[simem:s6], [sflag:s4] =	dma.local [hbm:s3], $0xF7A  }
0x26: {  	[smem:$0x3F9F] =	sst s1;
	(tag) =	ssettag s2;
	_ =	strace s9  }
0x27: {  	s1 =	sld [smem:$0x3FAF]  }
0x28: {  	s2 =	sld [smem:$0x3FB0]  }
0x29: {  	s4 =	sld [smem:$0x3FB2]  }
0x2a: {  	p0 =	seq.s32 s5, $0x0;
	s5 =	sld [smem:$0x3FB3]  }
0x2b: {  	s6 =	sld [smem:$0x3FB4]  }
0x2c: {  	s7 =	sld [smem:$0x3FB5]  }
0x2d: {  	s3 =	simm.s32 $0x108;
	s8 =	sld [smem:$0x3FB6]  }
0x2e: {  	s3 =	simm.s32 @!p0 $0x1082;
	s9 =	sld [smem:$0x3FB7]  }
0x2f: {  	lr =	sadd.s32 s0, s3;
	s0 =	sld [smem:$0x3FAE]  }
0x30: {  	s3 =	sld [smem:$0x3FB1]  }
0x31: {  	[smem:$0x3FBA] =	sst s10  }
0x32: {  	s10 =	sld [smem:$0x3FB8];
	_ =	sdelay $0x3  }
0x33: {  	p0 =	seq.s32 s10, $0x1;
	s10 =	sld [smem:$0x3FBA];
	_ =	sdelay $0x3  }
0x34: {  	[smem:$0x3FBA] =	sst s10  }
0x35: {  	s10 =	sld [smem:$0x3FB9];
	_ =	sdelay $0x3  }
0x36: {  	p1 =	seq.s32 s10, $0x1;
	s10 =	sld [smem:$0x3FBA];
	_ =	sdelay $0x3  }
0x37: {  	[smem:$0x3FBA] =	sst s10  }
0x38: {  	s10 =	sld [smem:$0x3FBB]  }
0x39: {  	_ = 	snop;
	(pc) =	sbr.ind lr, $3  }
0x3a: {  	_ = 	snop  }
0x3b: {  	_ = 	snop  }
0x3c: {  	p2 =	seq.s32 s10, $0x1;
	s10 =	sld [smem:$0x3FBA]  }
0x3d: {  	_ =	shalt  }
0x3e: {  	_ =	shalt  }
0x3f: {  	_ =	shalt  }
0x40: {  	_ =	shalt  }
0x41: {  	_ =	shalt  }
0x42: {  	_ =	shalt  }
0x43: {  	_ =	shalt  }
0x44: {  	_ =	shalt  }
0x45: {  	_ =	shalt  }
0x46: {  	_ =	shalt  }
0x47: {  	_ =	shalt  }
0x48: {  	_ =	shalt  }
0x49: {  	_ =	shalt  }
0x4a: {  	_ =	shalt  }
0x4b: {  	_ =	shalt  }
0x4c: {  	_ =	shalt  }
0x4d: {  	_ =	shalt  }
0x4e: {  	_ =	shalt  }
0x4f: {  	_ =	shalt  }
0x50: {  	_ =	shalt  }
0x51: {  	_ =	shalt  }
0x52: {  	_ =	shalt  }
0x53: {  	_ =	shalt  }
0x54: {  	_ =	shalt  }
0x55: {  	_ =	shalt  }
0x56: {  	_ =	shalt  }
0x57: {  	_ =	shalt  }
0x58: {  	_ =	shalt  }
0x59: {  	_ =	shalt  }
0x5a: {  	_ =	shalt  }
0x5b: {  	_ =	shalt  }
0x5c: {  	_ =	shalt  }
0x5d: {  	_ =	shalt  }
0x5e: {  	_ =	shalt  }
0x5f: {  	_ =	shalt  }
0x60: {  	_ =	shalt  }
0x61: {  	_ =	shalt  }
0x62: {  	_ =	shalt  }
0x63: {  	_ =	shalt  }
0x64: {  	_ =	shalt  }
0x65: {  	_ =	shalt  }
0x66: {  	_ =	shalt  }
0x67: {  	_ =	shalt  }
0x68: {  	_ =	shalt  }
0x69: {  	_ =	shalt  }
0x6a: {  	_ =	shalt  }
0x6b: {  	_ =	shalt  }
0x6c: {  	_ =	shalt  }
0x6d: {  	_ =	shalt  }
0x6e: {  	_ =	shalt  }
0x6f: {  	_ =	shalt  }
0x70: {  	_ =	shalt  }
0x71: {  	_ =	shalt  }
0x72: {  	_ =	shalt  }
0x73: {  	_ =	shalt  }
0x74: {  	_ =	shalt  }
0x75: {  	_ =	shalt  }
0x76: {  	_ =	shalt  }
0x77: {  	_ =	shalt  }
0x78: {  	_ =	shalt  }
0x79: {  	_ =	shalt  }
0x7a: {  	_ =	shalt  }
0x7b: {  	_ =	shalt  }
0x7c: {  	_ =	shalt  }
0x7d: {  	_ =	shalt  }
0x7e: {  	_ =	shalt  }
0x7f: {  	_ =	shalt  }
0x80: {  	_ =	shalt  }
0x81: {  	_ =	shalt  }
0x82: {  	_ =	shalt  }
0x83: {  	_ =	shalt  }
0x84: {  	_ =	shalt  }
0x85: {  	_ =	shalt  }
0x86: {  	_ =	shalt  }
0x87: {  	_ =	shalt  }
.Lfunc_end0:
.L_simem_size_0:
called_computation.1_lowered:
.L_overlay_start_0:
0x88: {  	s2 =	sld [smem:$0x3FD9]  }
0x89: {  	s3 =	sld [smem:$0x3FFE];
	_ =	sdelay $0x1  }
0x8a: {  	s1 =	srdreg.scid  }
0x8b: {  	s0 =	sand.u32 $0x1, s1  }
0x8c: {  	s17 =	sshll.u32 s0, $0xA;
	s2 =	sadd.s32 s3, s2  }
0x8d: {  	s2 =	sadd.s32 s2, s17  }
0x8e: {  	[smem:$0x3FC6] =	sst s2  }
0x8f: {  	_ = 	snop  }
0x90: {  	s2 =	sld [smem:$0x3FD0];
	(tm) =	ssettm $0x1  }
0x91: {  	s18 =	sld [smem:$0x3FFB];
	_ =	sdelay $0x3  }
0x92: {  	_ =	strace s18  }
0x93: {  	s3 =	sld [smem:$0x3FFC];
	_ =	sdelay $0x3  }
0x94: {  	_ =	strace s3  }
0x95: {  	s3 =	sld [smem:$0x3FFD];
	_ =	sdelay $0x3  }
0x96: {  	_ =	strace s3  }
0x97: {  	_ =	strace $0x8FFFFFFF  }
0x98: {  	s19 =	sld [smem:$0x3FDB];
	_ =	sdelay $0x1  }
0x99: {  	s4 =	simm.s32 $_scs_section_size  }
0x9a: {  	s5 =	simm.s32 $_size__tile_overlayer_lowered;
	s6 =	simm.s32 $_tile_overlayer_lowered  }
0x9b: {  	s22 =	simm.s32 $0x1BFF;
	s21 =	sshll.u32 s6, $0x1;
	s3 =	sadd.s32 s4, s19  }
0x9c: {  	s7 =	simm.s32 $0x0;
	s20 =	sshll.u32 s5, $0x1;
	s5 =	sadd.s32 s21, s3  }
0x9d: {  	[timem:s7], [sflag:s22] =	dma.local [hbm:s5], s20  }
0x9e: {  	_ =	swait.ge [sflag:s22], s20  }
0x9f: {  	s4 =	ssub.s32 $0x0, s20;
	[sflag:s22] =	ssyncset.done $0x0  }
0xa0: {  	[sflag:s22] =	ssyncadd.s32 s4;
	_ =	sdelay $0x1  }
0xa1: {  	s23 =	simm.s32 $0x1B8B  }
0xa2: {  	_ =	swait.ge [sflag:s23], $0x1  }
0xa3: {  	[sflag:s23] =	ssyncset.done $0x0  }
0xa4: {  	s25 =	simm.s32 $0x1B8E;
	s24 =	sld [smem:$0x3FFE];
	[sflag:s23] =	ssyncadd.s32 $0xFFFFFFFF  }
0xa5: {  	s26 =	simm.s32 $execute0_lowered;
	[smem:$0x3FD2] =	sst s25  }
0xa6: {  	s5 =	sshll.u32 s26, $0x1;
	_ =	strace $0x80000046;
	[dreg:$0x1] =	wrdreg $0xFFFFFFFF  }
0xa7: {  	s28 =	simm.s32 $_size_execute0_lowered;
	s3 =	sadd.s32 s3, s5;
	[dreg:$0x0] =	wrdreg $0x0  }
0xa8: {  	s5 =	sshll.u32 s28, $0x1;
	[dreg:$0x2] =	wrdreg s3  }
0xa9: {  	[dreg:$0x3] =	wrdreg s5  }
0xaa: {  	[dreg:$0x4] =	wrdreg $0xC0  }
0xab: {  	_ =	task [dreg:s7], $0x5FFFF  }
0xac: {  	[dreg:$0x1] =	wrdreg $0xFFFFFFFF  }
0xad: {  	[dreg:$0x0] =	wrdreg $0x60  }
0xae: {  	[dreg:$0x2] =	wrdreg s24  }
0xaf: {  	[dreg:$0x3] =	wrdreg s2  }
0xb0: {  	[dreg:$0x4] =	wrdreg $0x9  }
0xb1: {  	_ =	task.clear_ibuf [dreg:s7], $0x5FFFF;
	_ =	strace $0x90000046  }
0xb2: {  	s29 =	simm.s32 $0x9;
	_ =	strace $0x80000048  }
0xb3: {  	_ =	swait.ge [sflag:s29], $0x1  }
0xb4: {  	[sflag:s29] =	ssyncadd.s32 $0xFFFFFFFF  }
0xb5: {  	_ =	strace $0x90000048  }
0xb6: {  	_ =	sfence  }
0xb7: {  	s30 =	sld [smem:$0x0];
	_ =	sdelay $0x2  }
0xb8: {  	s31 =	sshll.u32 s1, $0xD;
	s1 =	sshrl.u32 s1, $0x2  }
0xb9: {  	s3 =	sand.u32 $0x4000, s31;
	s1 =	sadd.s32 s1, s30  }
0xba: {  	s0 =	sor.u32 s3, s0;
	s1 =	sshll.u32 s1, $0x11  }
0xbb: {  	s0 =	sor.u32 s1, s0  }
0xbc: {  	s0 =	sadd.s32 $0x8F2B, s0  }
0xbd: {  	[sflag:s0] =	ssyncadd.remote.s32 $0x1  }
0xbe: {  	_ =	sfence.sel $0xFFFF  }
0xbf: {  	[dreg:$0x0] =	wrdreg $0xFFFFFFFF;
	(pc) =	sbr.abs _section_cstart, $3  }
0xc0: {  	[dreg:$0x1] =	wrdreg $0xFFFFFFFF  }
0xc1: {  	_ =	task.clear_ibuf [dreg:s7], $0x2FFFF;
	_ =	strace $0x9FFFFFFF  }
0xc2: {  	(tm) =	ssettm $0x7FFFFFFF  }
0xc3: {  	_ =	shalt  }
tec
execute0_lowered:
.L_overlay_start_1:
0x0: {  	(tag) =	ssettag $0x1  }
0x1: {  	s0 =	srdreg.scid;
	s2 =	stileid.u32  }
0x2: {  	s1 =	rddreg [dreg:$0x0];
	s14 =	simm.s32 $0x7;
	s17 =	simm.s32 $0x600  }
0x3: {  	s19 =	simm.s32 $0x4600;
	s22 =	simm.s32 $0x8600;
	s29 =	simm.s32 $0xC600  }
0x4: {  	s30 =	simm.s32 $0x2;
	s31 =	simm.s32 $0x480;
	s16 =	simm.s32 $0x5  }
0x5: {  	s18 =	simm.s32 $0x500;
	s0 =	sand.u32 $0x1, s0;
	s3 =	sshll.u32 s2, $0x1  }
0x6: {  	s13 =	simm.s32 $0x6;
	s2 =	rddreg [dreg:$0x1];
	s4 =	sor.u32 s0, s3  }
0x7: {  	s5 =	sadd.s32 $0xA00, s1;
	s3 =	simm.s32 $0x0;
	s24 =	smul.u32 $0x190000, s4  }
0x8: {  	s7 =	sadd.s32 $0xF42E00, s1;
	s9 =	smul.u32 $0x6400, s4;
	[smem:$0x7FF] =	sst s3  }
0x9: {  	s0 =	ssub.s32 $0x2, s0;
	_ =	strace $0x80000047;
	[dreg:$0x6] =	wrdreg s24  }
0xa: {  	s8 =	sshrl.u32 s0, $0x1;
	s25 =	sor.u32 $0x80, s9;
	[dreg:$0x3] =	wrdreg s9  }
0xb: {  	s4 =	simm.s32 $0x0;
	s26 =	sor.u32 $0x200, s9;
	[dreg:$0x7] =	wrdreg s25  }
0xc: {  	s0 =	ssub.s32 s0, s8;
	s28 =	sor.u32 $0x280, s9;
	[dreg:$0x8] =	wrdreg s26  }
0xd: {  	s6 =	sshrl.u32 s9, $0x3;
	s0 =	smax.u32 s0, $0x1;
	[dreg:$0x9] =	wrdreg s28  }
0xe: {  	s8 =	simm.s32 $0x4;
	s6 =	sadd.s32 s5, s6;
	[dreg:$0xa] =	wrdreg s0  }
0xf: {  	v0 =	vlaneseq.u32;
	s24 =	simm.s32 $0x400;
	[dreg:$0x4] =	wrdreg s6;
	s23 =	sadd.s32 $0x10, s6  }
0x10: {  	v1 =	vor.u32 $0x10, v0;
	v2 =	vor.u32 $0x20, v0;
	v3 =	vor.u32 $0x30, v0;
	s0 =	simm.s32 $0x3;
	s6 =	simm.s32 $0x580;
	[dreg:$0x5] =	wrdreg s23  }
.LBB2_1:
0x11: {  	[dreg:$0xb] =	wrdreg s4  }
0x12: {  	s1 =	rddreg [dreg:$0x4]  }
0x13: {  	[tilespmem:s3], [sflag:$0x7] =	stream.linear.gather [hbm4b:s1+s3], $0x80, $0x38;
	[tilespmem:$0x14600] =	vst v63  }
0x14: {  	_ =	swait.ge [sflag:s14], $0x80  }
0x15: {  	[sflag:s14] =	ssyncset.done $0x0  }
0x16: {  	[sflag:s14] =	ssyncadd.s32 $0xFFFFFF80  }
0x17: {  	v4 =	vld [tilespmem:$0x0];
	_ =	sdelay $0x1  }
0x18: {  	v5 =	vld [tilespmem:$0x10];
	_ =	sdelay $0x1  }
0x19: {  	v6 =	vld [tilespmem:$0x20]  }
0x1a: {  	v7 =	vshrl.u32 v4, $0x1;
	v4 =	vshll.u32 v4, $0x6  }
0x1b: {  	v54 =	vld [tilespmem:$0x30];
	[tilespmem:$0x200] =	vst v7;
	v4 =	vand.u32 $0x40, v4  }
0x1c: {  	[tilespmem:$0x400] =	vst v4;
	v4 =	vshrl.u32 v5, $0x1;
	v5 =	vshll.u32 v5, $0x6  }
0x1d: {  	[tilespmem:$0x210] =	vst v4;
	v4 =	vand.u32 $0x40, v5;
	v5 =	vld [tilespmem:$0x40]  }
0x1e: {  	[tilespmem:$0x410] =	vst v4;
	v4 =	vshrl.u32 v6, $0x1;
	v6 =	vshll.u32 v6, $0x6  }
0x1f: {  	v55 =	vld [tilespmem:$0x50];
	[tilespmem:$0x220] =	vst v4;
	v4 =	vand.u32 $0x40, v6  }
0x20: {  	v7 =	vshll.u32 v54, $0x6;
	[tilespmem:$0x420] =	vst v4;
	v4 =	vshrl.u32 v54, $0x1  }
0x21: {  	v56 =	vld [tilespmem:$0x60];
	[tilespmem:$0x230] =	vst v4;
	v4 =	vand.u32 $0x40, v7  }
0x22: {  	[tilespmem:$0x430] =	vst v4;
	v4 =	vshrl.u32 v5, $0x1;
	v5 =	vshll.u32 v5, $0x6  }
0x23: {  	[tilespmem:$0x240] =	vst v4;
	v4 =	vand.u32 $0x40, v5;
	v5 =	vld [tilespmem:$0x70]  }
0x24: {  	v6 =	vshll.u32 v55, $0x6;
	[tilespmem:$0x440] =	vst v4;
	v4 =	vshrl.u32 v55, $0x1  }
0x25: {  	[tilespmem:$0x250] =	vst v4;
	v4 =	vand.u32 $0x40, v6  }
0x26: {  	v57 =	vshll.u32 v56, $0x6;
	[tilespmem:$0x450] =	vst v4;
	v4 =	vshrl.u32 v56, $0x1  }
0x27: {  	[tilespmem:$0x260] =	vst v4;
	v4 =	vand.u32 $0x40, v57  }
0x28: {  	[tilespmem:$0x460] =	vst v4;
	v4 =	vshrl.u32 v5, $0x1;
	v5 =	vshll.u32 v5, $0x6  }
0x29: {  	[tilespmem:$0x270] =	vst v4;
	v4 =	vand.u32 $0x40, v5  }
0x2a: {  	s23 =	simm.s32 $0x80;
	s25 =	simm.s32 $0x200;
	[tilespmem:$0x470] =	vst v4  }
0x2b: {  	[tilespmem:s17], [sflag:$0x1] =	stream.indirect.gather [hbm4b:s7+s23], $0x80, s25, s23, $0xb8;
	[tilespmem:$0x14600] =	vst v63  }
0x2c: {  	s26 =	rddreg [dreg:$0x5]  }
0x2d: {  	[tilespmem:s23], [sflag:$0x7] =	stream.linear.gather [hbm4b:s26+s3], $0x80, $0x38;
	[tilespmem:$0x14600] =	vst v63  }
0x2e: {  	_ =	swait.ge [sflag:s14], $0x80  }
0x2f: {  	[sflag:s14] =	ssyncset.done $0x0  }
0x30: {  	[sflag:s14] =	ssyncadd.s32 $0xFFFFFF80  }
0x31: {  	v4 =	vld [tilespmem:$0x80];
	_ =	sdelay $0x1  }
0x32: {  	v5 =	vld [tilespmem:$0x90];
	_ =	sdelay $0x1  }
0x33: {  	v58 =	vld [tilespmem:$0xA0]  }
0x34: {  	v59 =	vshrl.u32 v4, $0x1;
	v4 =	vshll.u32 v4, $0x6  }
0x35: {  	v60 =	vld [tilespmem:$0xB0];
	[tilespmem:$0x280] =	vst v59;
	v4 =	vand.u32 $0x40, v4  }
0x36: {  	[tilespmem:$0x480] =	vst v4;
	v4 =	vshrl.u32 v5, $0x1;
	v5 =	vshll.u32 v5, $0x6  }
0x37: {  	[tilespmem:$0x290] =	vst v4;
	v4 =	vand.u32 $0x40, v5;
	v5 =	vld [tilespmem:$0xC0]  }
0x38: {  	v6 =	vshll.u32 v58, $0x6;
	[tilespmem:$0x490] =	vst v4;
	v4 =	vshrl.u32 v58, $0x1  }
0x39: {  	v61 =	vld [tilespmem:$0xD0];
	[tilespmem:$0x2A0] =	vst v4;
	v4 =	vand.u32 $0x40, v6  }
0x3a: {  	v7 =	vshll.u32 v60, $0x6;
	[tilespmem:$0x4A0] =	vst v4;
	v4 =	vshrl.u32 v60, $0x1  }
0x3b: {  	v62 =	vld [tilespmem:$0xE0];
	[tilespmem:$0x2B0] =	vst v4;
	v4 =	vand.u32 $0x40, v7  }
0x3c: {  	[tilespmem:$0x4B0] =	vst v4;
	v4 =	vshrl.u32 v5, $0x1;
	v5 =	vshll.u32 v5, $0x6  }
0x3d: {  	[tilespmem:$0x2C0] =	vst v4;
	v4 =	vand.u32 $0x40, v5;
	v5 =	vld [tilespmem:$0xF0]  }
0x3e: {  	v6 =	vshll.u32 v61, $0x6;
	[tilespmem:$0x4C0] =	vst v4;
	v4 =	vshrl.u32 v61, $0x1  }
0x3f: {  	[tilespmem:$0x2D0] =	vst v4;
	v4 =	vand.u32 $0x40, v6  }
0x40: {  	v63 =	vshll.u32 v62, $0x6;
	[tilespmem:$0x4D0] =	vst v4;
	v4 =	vshrl.u32 v62, $0x1  }
0x41: {  	[tilespmem:$0x2E0] =	vst v4;
	v4 =	vand.u32 $0x40, v63  }
0x42: {  	[tilespmem:$0x4E0] =	vst v4;
	v4 =	vshrl.u32 v5, $0x1;
	v5 =	vshll.u32 v5, $0x6  }
0x43: {  	[tilespmem:$0x2F0] =	vst v4;
	v4 =	vand.u32 $0x40, v5  }
0x44: {  	s28 =	simm.s32 $0x280;
	s20 =	simm.s32 $0x0;
	[tilespmem:$0x4F0] =	vst v4  }
0x45: {  	[tilespmem:s19], [sflag:$0x2] =	stream.indirect.gather [hbm4b:s7+s23], $0x80, s28, s23, $0xb8;
	[tilespmem:$0x14600] =	vst v63  }
.LBB2_2:
0x46: {  	s21 =	sshll.u32 s20, $0x9;
	s1 =	rddreg [dreg:$0x3]  }
0x47: {  	s26 =	sadd.s32 s21, s1  }
0x48: {  	s28 =	sadd.s32 $0x100, s26  }
0x49: {  	s4 =	sshrl.u32 s28, $0x3  }
0x4a: {  	s10 =	simm.s32 $0x100;
	s4 =	sadd.s32 s5, s4  }
0x4b: {  	[tilespmem:s10], [sflag:$0x7] =	stream.linear.gather [hbm4b:s4+s3], $0x80, $0x38;
	[tilespmem:$0x14600] =	vst v63  }
0x4c: {  	_ =	swait.ge [sflag:s14], $0x80  }
0x4d: {  	[sflag:s14] =	ssyncset.done $0x0  }
0x4e: {  	[sflag:s14] =	ssyncadd.s32 $0xFFFFFF80  }
0x4f: {  	v4 =	vld [tilespmem:$0x100];
	_ =	sdelay $0x1  }
0x50: {  	v5 =	vld [tilespmem:$0x110];
	_ =	sdelay $0x1  }
0x51: {  	v6 =	vld [tilespmem:$0x120]  }
0x52: {  	v7 =	vshrl.u32 v4, $0x1;
	v4 =	vshll.u32 v4, $0x6  }
0x53: {  	[tilespmem:$0x300] =	vst v7;
	v4 =	vand.u32 $0x40, v4;
	v7 =	vld [tilespmem:$0x130]  }
0x54: {  	[tilespmem:$0x500] =	vst v4;
	v4 =	vshrl.u32 v5, $0x1;
	v5 =	vshll.u32 v5, $0x6  }
0x55: {  	[tilespmem:$0x310] =	vst v4;
	v4 =	vand.u32 $0x40, v5;
	v5 =	vld [tilespmem:$0x140]  }
0x56: {  	[tilespmem:$0x510] =	vst v4;
	v4 =	vshrl.u32 v6, $0x1;
	v6 =	vshll.u32 v6, $0x6  }
0x57: {  	[tilespmem:$0x320] =	vst v4;
	v4 =	vand.u32 $0x40, v6;
	v6 =	vld [tilespmem:$0x150]  }
0x58: {  	[tilespmem:$0x520] =	vst v4;
	v4 =	vshrl.u32 v7, $0x1;
	v7 =	vshll.u32 v7, $0x6  }
0x59: {  	[tilespmem:$0x330] =	vst v4;
	v4 =	vand.u32 $0x40, v7;
	v7 =	vld [tilespmem:$0x160]  }
0x5a: {  	[tilespmem:$0x530] =	vst v4;
	v4 =	vshrl.u32 v5, $0x1;
	v5 =	vshll.u32 v5, $0x6  }
0x5b: {  	[tilespmem:$0x340] =	vst v4;
	v4 =	vand.u32 $0x40, v5;
	v5 =	vld [tilespmem:$0x170]  }
0x5c: {  	[tilespmem:$0x540] =	vst v4;
	v4 =	vshrl.u32 v6, $0x1;
	v6 =	vshll.u32 v6, $0x6  }
0x5d: {  	[tilespmem:$0x350] =	vst v4;
	v4 =	vand.u32 $0x40, v6  }
0x5e: {  	[tilespmem:$0x550] =	vst v4;
	v4 =	vshrl.u32 v7, $0x1;
	v6 =	vshll.u32 v7, $0x6  }
0x5f: {  	[tilespmem:$0x360] =	vst v4;
	v4 =	vand.u32 $0x40, v6  }
0x60: {  	[tilespmem:$0x560] =	vst v4;
	v4 =	vshrl.u32 v5, $0x1;
	v5 =	vshll.u32 v5, $0x6  }
0x61: {  	[tilespmem:$0x370] =	vst v4;
	v4 =	vand.u32 $0x40, v5  }
0x62: {  	s11 =	simm.s32 $0x80;
	s12 =	simm.s32 $0x300;
	s15 =	simm.s32 $0x1;
	[tilespmem:$0x570] =	vst v4  }
0x63: {  	[tilespmem:s22], [sflag:$0x3] =	stream.indirect.gather [hbm4b:s7+s11], $0x80, s12, s11, $0xb8;
	[tilespmem:$0x14600] =	vst v63  }
0x64: {  	s23 =	simm.s32 $0x6;
	_ =	swait.ge [sflag:s15], $0x4000  }
0x65: {  	p0 =	seq.s32 s20, $0x0;
	s9 =	simm.s32 $0x0;
	v4 =	vmov s23;
	[sflag:s15] =	ssyncset.done $0x0  }
0x66: {  	s25 =	simm.s32 $0x2;
	s4 =	simm.s32 @!p0 $0x5;
	v5 =	vmov s9;
	[sflag:s15] =	ssyncadd.s32 $0xFFFFC000  }
0x67: {  	v6 =	vmov s25;
	_ =	swait.ge @!p0 [sflag:s4], $0x2000  }
0x68: {  	[sflag:s4] =	ssyncset.done @!p0 $0x0  }
0x69: {  	s1 =	simm.s32 $0x4;
	[sflag:s4] =	ssyncadd.s32 @!p0 $0xFFFFE000  }
0x6a: {  	v7 =	vmov s1;
	s25 =	simm.s32 $0xE;
	v8 =	vld.idx.msk [tilespmem:v4+s24+$0x0], $0xffff  }
0x6b: {  	v31 =	vmov s25;
	v9 =	vld.idx.msk [tilespmem:v5+s24+$0x0], $0xffff  }
0x6c: {  	v10 =	vld.idx.msk [tilespmem:v6+s24+$0x0], $0xffff  }
0x6d: {  	s23 =	simm.s32 $0xA  }
0x6e: {  	v27 =	vmov s23  }
0x6f: {  	v11 =	vld.idx.msk [tilespmem:v7+s24+$0x0], $0xffff;
	v6 =	vshll.u32 v6, $0x7;
	v7 =	vshll.u32 v7, $0x7;
	v4 =	vshll.u32 v4, $0x7  }
0x70: {  	v5 =	vshll.u32 v5, $0x7;
	v35 =	vld.idx.msk [tilespmem:v31+s24+$0x0], $0xffff;
	v31 =	vshll.u32 v31, $0x7;
	v12 =	vadd.s32 v0, v8  }
0x71: {  	v14 =	vadd.s32 v0, v9;
	v15 =	vadd.s32 v0, v10;
	v13 =	vand.u32 $0xFFFFFF80, v12  }
0x72: {  	v12 =	vand.u32 $0x7F, v12;
	v16 =	vand.u32 $0xFFFFFF80, v14;
	v13 =	vadd.s32 v4, v13  }
0x73: {  	v17 =	vand.u32 $0xFFFFFF80, v15;
	v15 =	vand.u32 $0x7F, v15;
	v12 =	vor.u32 v12, v13  }
0x74: {  	v14 =	vand.u32 $0x7F, v14;
	v17 =	vadd.s32 v6, v17;
	v13 =	vadd.s32 v0, v11  }
0x75: {  	v16 =	vadd.s32 v5, v16;
	v15 =	vor.u32 v15, v17;
	v18 =	vand.u32 $0xFFFFFF80, v13  }
0x76: {  	v14 =	vor.u32 v14, v16;
	v13 =	vand.u32 $0x7F, v13;
	v18 =	vadd.s32 v7, v18  }
0x77: {  	v20 =	vadd.s32 v1, v11;
	v41 =	vadd.s32 v0, v35;
	v13 =	vor.u32 v13, v18  }
0x78: {  	v22 =	vand.u32 $0xFFFFFF80, v20;
	v20 =	vand.u32 $0x7F, v20;
	v16 =	vadd.s32 v1, v8;
	v12 =	vld.idx.msk [tilespmem:v12+s17+$0x0], $0xffff  }
0x79: {  	v42 =	vand.u32 $0xFFFFFF80, v41;
	v41 =	vand.u32 $0x7F, v41;
	v19 =	vand.u32 $0xFFFFFF80, v16  }
0x7a: {  	v22 =	vadd.s32 v7, v22;
	v16 =	vand.u32 $0x7F, v16;
	v19 =	vadd.s32 v4, v19;
	v15 =	vld.idx.msk [tilespmem:v15+s17+$0x0], $0xffff  }
0x7b: {  	v17 =	vadd.s32 v1, v9;
	v18 =	vadd.s32 v1, v10;
	v16 =	vor.u32 v16, v19;
	v14 =	vld.idx.msk [tilespmem:v14+s17+$0x0], $0xffff  }
0x7c: {  	v42 =	vadd.s32 v31, v42;
	v19 =	vand.u32 $0xFFFFFF80, v17;
	v21 =	vand.u32 $0xFFFFFF80, v18;
	v13 =	vld.idx.msk [tilespmem:v13+s17+$0x0], $0xffff  }
0x7d: {  	v18 =	vand.u32 $0x7F, v18;
	v21 =	vadd.s32 v6, v21;
	v12 =	vmul.f32 $8.000000000e+00, v12  }
0x7e: {  	s9 =	simm.s32 $0x10700;
	v17 =	vand.u32 $0x7F, v17;
	v19 =	vadd.s32 v5, v19;
	v18 =	vor.u32 v18, v21  }
0x7f: {  	v20 =	vor.u32 v20, v22;
	v17 =	vor.u32 v17, v19;
	v19 =	vadd.s32 v2, v10;
	[tilespmem:s9+$0x80] =	vst v12  }
0x80: {  	v21 =	vadd.s32 v2, v8;
	v22 =	vand.u32 $0xFFFFFF80, v19;
	v15 =	vmul.f32 $8.000000000e+00, v15;
	v16 =	vld.idx.msk [tilespmem:v16+s17+$0x0], $0xffff  }
0x81: {  	v23 =	vand.u32 $0xFFFFFF80, v21;
	v14 =	vmul.f32 $8.000000000e+00, v14;
	v13 =	vmul.f32 $8.000000000e+00, v13  }
0x82: {  	v12 =	vadd.s32 v2, v9;
	[tilespmem:s9+$0xFFFFFF80] =	vst v15;
	v15 =	vand.u32 $0x7F, v21;
	v21 =	vadd.s32 v4, v23  }
0x83: {  	v19 =	vand.u32 $0x7F, v19;
	v24 =	vand.u32 $0xFFFFFF80, v12;
	v18 =	vld.idx.msk [tilespmem:v18+s17+$0x0], $0xffff;
	[tilespmem:s9+$0x0] =	vst v13;
	v13 =	vor.u32 v15, v21  }
0x84: {  	v23 =	vadd.s32 v2, v11;
	[tilespmem:s9+$0xFFFFFF00] =	vst v14;
	v12 =	vand.u32 $0x7F, v12;
	v14 =	vadd.s32 v5, v24;
	v20 =	vld.idx.msk [tilespmem:v20+s17+$0x0], $0xffff  }
0x85: {  	v17 =	vld.idx.msk [tilespmem:v17+s17+$0x0], $0xffff;
	v15 =	vand.u32 $0xFFFFFF80, v23;
	v21 =	vadd.s32 v6, v22;
	v16 =	vmul.f32 $8.000000000e+00, v16  }
0x86: {  	v22 =	vand.u32 $0x7F, v23;
	v15 =	vadd.s32 v7, v15;
	v19 =	vor.u32 v19, v21  }
0x87: {  	v41 =	vor.u32 v41, v42;
	v12 =	vor.u32 v12, v14;
	v14 =	vor.u32 v22, v15;
	[tilespmem:s9+$0x90] =	vst v16  }
0x88: {  	v10 =	vadd.s32 v3, v10;
	v8 =	vadd.s32 v3, v8;
	v15 =	vmul.f32 $8.000000000e+00, v18;
	v13 =	vld.idx.msk [tilespmem:v13+s17+$0x0], $0xffff  }
0x89: {  	v9 =	vadd.s32 v3, v9;
	v18 =	vand.u32 $0xFFFFFF80, v8;
	v16 =	vmul.f32 $8.000000000e+00, v20  }
0x8a: {  	s1 =	simm.s32 $0xC;
	v38 =	vld.idx.msk [tilespmem:v27+s24+$0x0], $0xffff;
	v17 =	vmul.f32 $8.000000000e+00, v17;
	v8 =	vand.u32 $0x7F, v8;
	v4 =	vadd.s32 v4, v18;
	[tilespmem:s9+$0xFFFFFF90] =	vst v15  }
0x8b: {  	v32 =	vmov s1;
	v11 =	vadd.s32 v3, v11;
	v4 =	vor.u32 v8, v4;
	v15 =	vld.idx.msk [tilespmem:v19+s17+$0x0], $0xffff;
	[tilespmem:s9+$0x10] =	vst v16  }
0x8c: {  	v18 =	vand.u32 $0xFFFFFF80, v11;
	v8 =	vand.u32 $0xFFFFFF80, v9;
	[tilespmem:s9+$0xFFFFFF10] =	vst v17;
	v16 =	vand.u32 $0xFFFFFF80, v10;
	v14 =	vld.idx.msk [tilespmem:v14+s17+$0x0], $0xffff  }
0x8d: {  	v12 =	vld.idx.msk [tilespmem:v12+s17+$0x0], $0xffff;
	v10 =	vand.u32 $0x7F, v10;
	v6 =	vadd.s32 v6, v16;
	v13 =	vmul.f32 $8.000000000e+00, v13  }
0x8e: {  	v7 =	vadd.s32 v7, v18;
	v6 =	vor.u32 v10, v6;
	v10 =	vand.u32 $0x7F, v11  }
0x8f: {  	v5 =	vadd.s32 v5, v8;
	v8 =	vand.u32 $0x7F, v9;
	v7 =	vor.u32 v10, v7;
	[tilespmem:s9+$0xA0] =	vst v13  }
0x90: {  	v5 =	vor.u32 v8, v5;
	v8 =	vmul.f32 $8.000000000e+00, v15;
	v4 =	vld.idx.msk [tilespmem:v4+s17+$0x0], $0xffff  }
0x91: {  	v48 =	vadd.s32 v0, v38;
	v41 =	vld.idx.msk [tilespmem:v41+s17+$0x0], $0xffff;
	v9 =	vmul.f32 $8.000000000e+00, v14  }
0x92: {  	s10 =	simm.s32 $0x7;
	v51 =	vadd.s32 v1, v38;
	v21 =	vshll.u32 v32, $0x7;
	v32 =	vld.idx.msk [tilespmem:v32+s24+$0x0], $0xffff;
	v10 =	vmul.f32 $8.000000000e+00, v12;
	[tilespmem:s9+$0xFFFFFFA0] =	vst v8  }
0x93: {  	v53 =	vadd.s32 v1, v35;
	v57 =	vadd.s32 v2, v38;
	v8 =	vmov s10;
	v6 =	vld.idx.msk [tilespmem:v6+s17+$0x0], $0xffff;
	[tilespmem:s9+$0x20] =	vst v9  }
0x94: {  	v26 =	vshll.u32 v27, $0x7;
	v47 =	vadd.s32 v2, v35;
	v38 =	vadd.s32 v3, v38;
	[tilespmem:s9+$0xFFFFFF20] =	vst v10;
	v7 =	vld.idx.msk [tilespmem:v7+s17+$0x0], $0xffff  }
0x95: {  	s11 =	simm.s32 $0x3;
	v35 =	vadd.s32 v3, v35;
	v44 =	vand.u32 $0xFFFFFF80, v48;
	v5 =	vld.idx.msk [tilespmem:v5+s17+$0x0], $0xffff;
	v4 =	vmul.f32 $8.000000000e+00, v4  }
0x96: {  	v55 =	vand.u32 $0xFFFFFF80, v53;
	v62 =	vand.u32 $0x7F, v57;
	s10 =	simm.s32 $0x5;
	v9 =	vmov s11  }
0x97: {  	s12 =	simm.s32 $0x1;
	v44 =	vadd.s32 v26, v44;
	v41 =	vmul.f32 $8.000000000e+00, v41;
	v11 =	vmov s10;
	[tilespmem:s9+$0xB0] =	vst v4  }
0x98: {  	v43 =	vadd.s32 v0, v32;
	v6 =	vmul.f32 $8.000000000e+00, v6;
	v4 =	vmov s12;
	v28 =	vld.idx.msk [tilespmem:v8+s24+$0x0], $0xffff  }
0x99: {  	v54 =	vadd.s32 v1, v32;
	v59 =	vadd.s32 v2, v32;
	v7 =	vmul.f32 $8.000000000e+00, v7  }
0x9a: {  	v32 =	vadd.s32 v3, v32;
	v45 =	vand.u32 $0xFFFFFF80, v43;
	v5 =	vmul.f32 $8.000000000e+00, v5;
	[tilespmem:s9+$0xFFFFFFB0] =	vst v6  }
0x9b: {  	v50 =	vand.u32 $0x7F, v43;
	v46 =	vand.u32 $0xFFFFFF80, v54;
	v60 =	vand.u32 $0xFFFFFF80, v59;
	s10 =	simm.s32 $0x9;
	v10 =	vld.idx.msk [tilespmem:v9+s24+$0x0], $0xffff;
	[tilespmem:s9+$0x30] =	vst v7  }
0x9c: {  	v45 =	vadd.s32 v21, v45;
	v46 =	vadd.s32 v21, v46;
	v18 =	vmov s10;
	s10 =	simm.s32 $0x10900;
	[tilespmem:s9+$0xFFFFFF30] =	vst v5;
	v12 =	vld.idx.msk [tilespmem:v11+s24+$0x0], $0xffff  }
0x9d: {  	v29 =	vshll.u32 v8, $0x7;
	[tilespmem:s10+$0x80] =	vst v41;
	v41 =	vand.u32 $0x7F, v59;
	v13 =	vld.idx.msk [tilespmem:v4+s24+$0x0], $0xffff;
	v5 =	vadd.s32 v0, v28  }
0x9e: {  	v6 =	vshll.u32 v9, $0x7;
	v4 =	vshll.u32 v4, $0x7;
	v7 =	vand.u32 $0xFFFFFF80, v5  }
0x9f: {  	v8 =	vand.u32 $0x7F, v5;
	v5 =	vshll.u32 v11, $0x7;
	v7 =	vadd.s32 v29, v7  }
0xa0: {  	v16 =	vadd.s32 v1, v10;
	v7 =	vor.u32 v8, v7;
	v8 =	vadd.s32 v0, v10  }
0xa1: {  	v14 =	vadd.s32 v2, v10;
	v10 =	vadd.s32 v3, v10;
	v9 =	vand.u32 $0xFFFFFF80, v8  }
0xa2: {  	v11 =	vand.u32 $0x7F, v8;
	v8 =	vadd.s32 v0, v12;
	v15 =	vadd.s32 v0, v13  }
0xa3: {  	s15 =	simm.s32 $0x8;
	v20 =	vadd.s32 v6, v9;
	v9 =	vand.u32 $0xFFFFFF80, v8;
	v17 =	vand.u32 $0xFFFFFF80, v15  }
0xa4: {  	s12 =	simm.s32 $0xB;
	v23 =	vand.u32 $0x7F, v8;
	v8 =	vmov s15;
	v19 =	vand.u32 $0x7F, v15  }
0xa5: {  	v15 =	vmov s12;
	v24 =	vadd.s32 v5, v9;
	v30 =	vld.idx.msk [tilespmem:v7+s17+$0x0], $0xffff;
	v7 =	vadd.s32 v1, v28  }
0xa6: {  	s11 =	simm.s32 $0xD;
	v25 =	vadd.s32 v4, v17;
	v22 =	vshll.u32 v8, $0x7;
	v9 =	vand.u32 $0xFFFFFF80, v7  }
0xa7: {  	v17 =	vmov s11;
	v7 =	vand.u32 $0x7F, v7;
	v9 =	vadd.s32 v29, v9  }
0xa8: {  	v36 =	vor.u32 v11, v20;
	v20 =	vadd.s32 v1, v13;
	v33 =	vor.u32 v7, v9  }
0xa9: {  	v11 =	vand.u32 $0xFFFFFF80, v16;
	v16 =	vand.u32 $0x7F, v16;
	v19 =	vor.u32 v19, v25  }
0xaa: {  	v37 =	vor.u32 v23, v24;
	v23 =	vadd.s32 v1, v12;
	v30 =	vmul.f32 $8.000000000e+00, v30  }
0xab: {  	v24 =	vand.u32 $0xFFFFFF80, v20;
	v25 =	vadd.s32 v6, v11;
	v20 =	vand.u32 $0x7F, v20  }
0xac: {  	v11 =	vand.u32 $0xFFFFFF80, v23;
	v24 =	vadd.s32 v4, v24;
	v23 =	vand.u32 $0x7F, v23;
	[tilespmem:s9+$0xC0] =	vst v30  }
0xad: {  	v25 =	vor.u32 v16, v25;
	v27 =	vadd.s32 v5, v11;
	v11 =	vadd.s32 v2, v28;
	v30 =	vld.idx.msk [tilespmem:v33+s17+$0x0], $0xffff  }
0xae: {  	v16 =	vand.u32 $0xFFFFFF80, v14;
	v14 =	vand.u32 $0x7F, v14;
	v34 =	vld.idx.msk [tilespmem:v8+s24+$0x0], $0xffff;
	v40 =	vand.u32 $0xFFFFFF80, v11  }
0xaf: {  	v28 =	vadd.s32 v3, v28;
	v11 =	vand.u32 $0x7F, v11;
	v40 =	vadd.s32 v29, v40  }
0xb0: {  	v20 =	vor.u32 v20, v24;
	v11 =	vor.u32 v11, v40;
	v40 =	vand.u32 $0x7F, v48  }
0xb1: {  	v16 =	vadd.s32 v6, v16;
	v8 =	vshll.u32 v17, $0x7;
	v40 =	vor.u32 v40, v44  }
0xb2: {  	v52 =	vand.u32 $0xFFFFFF80, v28;
	v44 =	vand.u32 $0x7F, v53;
	v30 =	vmul.f32 $8.000000000e+00, v30  }
0xb3: {  	v63 =	vadd.s32 v0, v34;
	v33 =	vor.u32 v50, v45;
	v45 =	vadd.s32 v31, v55  }
0xb4: {  	v28 =	vand.u32 $0x7F, v28;
	v49 =	vand.u32 $0xFFFFFF80, v63;
	v44 =	vor.u32 v44, v45;
	[tilespmem:s9+$0xD0] =	vst v30  }
0xb5: {  	v23 =	vor.u32 v23, v27;
	v42 =	vadd.s32 v22, v49;
	v30 =	vand.u32 $0x7F, v63;
	v11 =	vld.idx.msk [tilespmem:v11+s17+$0x0], $0xffff  }
0xb6: {  	v7 =	vshll.u32 v18, $0x7;
	v29 =	vadd.s32 v29, v52;
	v40 =	vld.idx.msk [tilespmem:v40+s17+$0x0], $0xffff;
	v30 =	vor.u32 v30, v42  }
0xb7: {  	v9 =	vshll.u32 v15, $0x7;
	v28 =	vor.u32 v28, v29;
	v29 =	vand.u32 $0xFFFFFF80, v51  }
0xb8: {  	v24 =	vld.idx.msk [tilespmem:v19+s17+$0x0], $0xffff;
	v19 =	vadd.s32 v2, v12;
	v29 =	vadd.s32 v26, v29;
	v42 =	vand.u32 $0x7F, v51  }
0xb9: {  	v12 =	vadd.s32 v3, v12;
	v39 =	vadd.s32 v1, v34;
	v44 =	vld.idx.msk [tilespmem:v44+s17+$0x0], $0xffff;
	v29 =	vor.u32 v42, v29  }
0xba: {  	v58 =	vadd.s32 v2, v34;
	v49 =	vand.u32 $0xFFFFFF80, v47;
	v33 =	vld.idx.msk [tilespmem:v33+s17+$0x0], $0xffff;
	v11 =	vmul.f32 $8.000000000e+00, v11  }
0xbb: {  	v47 =	vand.u32 $0x7F, v47;
	v49 =	vadd.s32 v31, v49;
	v40 =	vmul.f32 $8.000000000e+00, v40;
	v30 =	vld.idx.msk [tilespmem:v30+s17+$0x0], $0xffff  }
0xbc: {  	v56 =	vand.u32 $0xFFFFFF80, v39;
	v61 =	vor.u32 v47, v49;
	[tilespmem:s9+$0xE0] =	vst v11;
	v11 =	vand.u32 $0x7F, v54  }
0xbd: {  	v37 =	vld.idx.msk [tilespmem:v37+s17+$0x0], $0xffff;
	v39 =	vand.u32 $0x7F, v39;
	v45 =	vadd.s32 v22, v56;
	[tilespmem:s10+$0xFFFFFF80] =	vst v40;
	v43 =	vor.u32 v11, v46  }
0xbe: {  	v39 =	vor.u32 v39, v45;
	v63 =	vadd.s32 v21, v60;
	v47 =	vmul.f32 $8.000000000e+00, v44;
	v29 =	vld.idx.msk [tilespmem:v29+s17+$0x0], $0xffff  }
0xbf: {  	s1 =	simm.s32 $0x16;
	v41 =	vor.u32 v41, v63;
	v33 =	vmul.f32 $8.000000000e+00, v33;
	v28 =	vld.idx.msk [tilespmem:v28+s17+$0x0], $0xffff;
	v11 =	vand.u32 $0xFFFFFF80, v57  }
0xc0: {  	v63 =	vmov s1;
	[tilespmem:s10+$0x90] =	vst v47;
	v50 =	vadd.s32 v26, v11;
	v30 =	vmul.f32 $8.000000000e+00, v30  }
0xc1: {  	v52 =	vand.u32 $0x7F, v38;
	v34 =	vadd.s32 v3, v34;
	[tilespmem:s10+$0x0] =	vst v33;
	v40 =	vld.idx.msk [tilespmem:v61+s17+$0x0], $0xffff;
	v33 =	vor.u32 v62, v50  }
0xc2: {  	v48 =	vand.u32 $0xFFFFFF80, v58;
	v55 =	vmul.f32 $8.000000000e+00, v37;
	v56 =	vadd.s32 v2, v13;
	[tilespmem:s10+$0xFFFFFF00] =	vst v30;
	v30 =	vld.idx.msk [tilespmem:v43+s17+$0x0], $0xffff  }
0xc3: {  	v24 =	vmul.f32 $8.000000000e+00, v24;
	v45 =	vand.u32 $0x7F, v58;
	v29 =	vmul.f32 $8.000000000e+00, v29;
	v39 =	vld.idx.msk [tilespmem:v39+s17+$0x0], $0xffff  }
0xc4: {  	v51 =	vand.u32 $0xFFFFFF80, v35;
	v11 =	vmul.f32 $8.000000000e+00, v28;
	v28 =	vadd.s32 v22, v48  }
0xc5: {  	v35 =	vand.u32 $0x7F, v35;
	v31 =	vadd.s32 v31, v51;
	[tilespmem:s10+$0xFFFFFF90] =	vst v29;
	v28 =	vor.u32 v45, v28;
	v45 =	vld.idx.msk [tilespmem:v63+s24+$0x0], $0xffff  }
0xc6: {  	v13 =	vadd.s32 v3, v13;
	v54 =	vmul.f32 $8.000000000e+00, v40;
	v29 =	vor.u32 v35, v31;
	v31 =	vld.idx.msk [tilespmem:v33+s17+$0x0], $0xffff  }
0xc7: {  	v58 =	vand.u32 $0xFFFFFF80, v19;
	v49 =	vand.u32 $0xFFFFFF80, v38;
	[tilespmem:s9+$0xFFFFFF40] =	vst v24;
	v30 =	vmul.f32 $8.000000000e+00, v30  }
0xc8: {  	v24 =	vand.u32 $0xFFFFFF80, v13;
	v26 =	vadd.s32 v26, v49;
	[tilespmem:s10+$0xA0] =	vst v54;
	v39 =	vmul.f32 $8.000000000e+00, v39  }
0xc9: {  	s12 =	simm.s32 $0x14;
	v36 =	vld.idx.msk [tilespmem:v36+s17+$0x0], $0xffff;
	v50 =	vand.u32 $0xFFFFFF80, v32;
	v26 =	vor.u32 v52, v26;
	v32 =	vand.u32 $0x7F, v32;
	[tilespmem:s10+$0x10] =	vst v30  }
0xca: {  	v21 =	vadd.s32 v21, v50;
	v54 =	vmov s12;
	v51 =	vadd.s32 v0, v45;
	[tilespmem:s10+$0xFFFFFF10] =	vst v39;
	v53 =	vld.idx.msk [tilespmem:v41+s17+$0x0], $0xffff  }
0xcb: {  	[tilespmem:s9+$0x40] =	vst v55;
	v27 =	vmul.f32 $8.000000000e+00, v31;
	v52 =	vand.u32 $0xFFFFFF80, v51;
	v28 =	vld.idx.msk [tilespmem:v28+s17+$0x0], $0xffff;
	v41 =	vshll.u32 v63, $0x7  }
0xcc: {  	v23 =	vld.idx.msk [tilespmem:v23+s17+$0x0], $0xffff;
	v48 =	vand.u32 $0xFFFFFF80, v34;
	v51 =	vand.u32 $0x7F, v51;
	v52 =	vadd.s32 v41, v52  }
0xcd: {  	v22 =	vadd.s32 v22, v48;
	v29 =	vld.idx.msk [tilespmem:v29+s17+$0x0], $0xffff;
	v30 =	vand.u32 $0x7F, v34;
	[tilespmem:s10+$0xFFFFFFA0] =	vst v27;
	v51 =	vor.u32 v51, v52  }
0xce: {  	s15 =	simm.s32 $0xF;
	v21 =	vor.u32 v32, v21;
	v22 =	vor.u32 v30, v22;
	v30 =	vmul.f32 $8.000000000e+00, v36;
	v26 =	vld.idx.msk [tilespmem:v26+s17+$0x0], $0xffff  }
0xcf: {  	s25 =	simm.s32 $0x12;
	v13 =	vand.u32 $0x7F, v13;
	v57 =	vmov s15;
	v42 =	vld.idx.msk [tilespmem:v54+s24+$0x0], $0xffff;
	v31 =	vmul.f32 $8.000000000e+00, v53  }
0xd0: {  	v20 =	vld.idx.msk [tilespmem:v20+s17+$0x0], $0xffff;
	v37 =	vshll.u32 v57, $0x7;
	v62 =	vmov s25;
	[tilespmem:s9+$0xFFFFFFC0] =	vst v30;
	v28 =	vmul.f32 $8.000000000e+00, v28  }
0xd1: {  	v35 =	vshll.u32 v54, $0x7;
	v34 =	vshll.u32 v62, $0x7;
	v27 =	vand.u32 $0xFFFFFF80, v56;
	v25 =	vld.idx.msk [tilespmem:v25+s17+$0x0], $0xffff;
	[tilespmem:s10+$0x20] =	vst v31  }
0xd2: {  	v27 =	vadd.s32 v4, v27;
	v30 =	vand.u32 $0x7F, v19;
	[tilespmem:s10+$0xFFFFFF20] =	vst v28;
	v28 =	vmul.f32 $8.000000000e+00, v29;
	v51 =	vld.idx.msk [tilespmem:v51+s17+$0x0], $0xffff  }
0xd3: {  	v19 =	vor.u32 v14, v16;
	v4 =	vadd.s32 v4, v24;
	v26 =	vmul.f32 $8.000000000e+00, v26;
	v21 =	vld.idx.msk [tilespmem:v21+s17+$0x0], $0xffff  }
0xd4: {  	v53 =	vadd.s32 v0, v42;
	v31 =	vadd.s32 v5, v58;
	v29 =	vand.u32 $0x7F, v56;
	v22 =	vld.idx.msk [tilespmem:v22+s17+$0x0], $0xffff;
	[tilespmem:s10+$0xB0] =	vst v28  }
0xd5: {  	v24 =	vand.u32 $0x7F, v12;
	v16 =	vor.u32 v30, v31;
	v14 =	vor.u32 v29, v27;
	[tilespmem:s10+$0xFFFFFFB0] =	vst v26;
	v36 =	vld.idx.msk [tilespmem:v57+s24+$0x0], $0xffff  }
0xd6: {  	v27 =	vand.u32 $0xFFFFFF80, v10;
	v10 =	vand.u32 $0x7F, v10;
	v25 =	vmul.f32 $8.000000000e+00, v25;
	v15 =	vld.idx.msk [tilespmem:v15+s24+$0x0], $0xffff  }
0xd7: {  	v28 =	vand.u32 $0xFFFFFF80, v12;
	v6 =	vadd.s32 v6, v27;
	v26 =	vmul.f32 $8.000000000e+00, v23  }
0xd8: {  	v5 =	vadd.s32 v5, v28;
	v12 =	vor.u32 v10, v6;
	[tilespmem:s9+$0xFFFFFFD0] =	vst v25;
	v21 =	vmul.f32 $8.000000000e+00, v21  }
0xd9: {  	v10 =	vor.u32 v13, v4;
	v13 =	vor.u32 v24, v5;
	[tilespmem:s9+$0x50] =	vst v26;
	v19 =	vld.idx.msk [tilespmem:v19+s17+$0x0], $0xffff;
	v22 =	vmul.f32 $8.000000000e+00, v22  }
0xda: {  	v24 =	vmul.f32 $8.000000000e+00, v20;
	v51 =	vmul.f32 $8.000000000e+00, v51;
	v16 =	vld.idx.msk [tilespmem:v16+s17+$0x0], $0xffff;
	[tilespmem:s10+$0x30] =	vst v21;
	v6 =	vadd.s32 v0, v36  }
0xdb: {  	[tilespmem:s10+$0xFFFFFF30] =	vst v22;
	v5 =	vadd.s32 v0, v15;
	v27 =	vadd.s32 v1, v15;
	v17 =	vld.idx.msk [tilespmem:v17+s24+$0x0], $0xffff;
	v4 =	vand.u32 $0xFFFFFF80, v6  }
0xdc: {  	v20 =	vadd.s32 v2, v15;
	v18 =	vld.idx.msk [tilespmem:v18+s24+$0x0], $0xffff;
	v6 =	vand.u32 $0x7F, v6;
	v4 =	vadd.s32 v37, v4  }
0xdd: {  	v58 =	vadd.s32 v2, v36;
	v4 =	vor.u32 v6, v4;
	v6 =	vand.u32 $0xFFFFFF80, v5  }
0xde: {  	v15 =	vadd.s32 v3, v15;
	v28 =	vand.u32 $0x7F, v5;
	v29 =	vadd.s32 v9, v6  }
0xdf: {  	v19 =	vmul.f32 $8.000000000e+00, v19;
	v16 =	vmul.f32 $8.000000000e+00, v16;
	v46 =	vor.u32 v28, v29  }
0xe0: {  	v28 =	vand.u32 $0xFFFFFF80, v27;
	v27 =	vand.u32 $0x7F, v27;
	v5 =	vadd.s32 v0, v17  }
0xe1: {  	s23 =	simm.s32 $0x10;
	v21 =	vadd.s32 v0, v18;
	v29 =	vadd.s32 v1, v18;
	v6 =	vand.u32 $0xFFFFFF80, v5  }
0xe2: {  	s15 =	simm.s32 $0x11;
	v22 =	vand.u32 $0xFFFFFF80, v21;
	v30 =	vand.u32 $0x7F, v5;
	v5 =	vmov s23  }
0xe3: {  	v59 =	vand.u32 $0x7F, v21;
	v21 =	vmov s15;
	v56 =	vand.u32 $0xFFFFFF80, v29  }
0xe4: {  	s23 =	simm.s32 $0x13;
	v26 =	vand.u32 $0x7F, v29;
	v31 =	vadd.s32 v8, v6;
	v60 =	vadd.s32 v7, v22  }
0xe5: {  	s12 =	simm.s32 $0x15;
	v61 =	vld.idx.msk [tilespmem:v4+s17+$0x0], $0xffff;
	v4 =	vadd.s32 v1, v36;
	v33 =	vshll.u32 v5, $0x7;
	v23 =	vmov s23  }
0xe6: {  	v22 =	vmov s12;
	v36 =	vadd.s32 v3, v36;
	v6 =	vand.u32 $0xFFFFFF80, v4  }
0xe7: {  	v4 =	vand.u32 $0x7F, v4;
	v38 =	vor.u32 v59, v60;
	v47 =	vor.u32 v30, v31  }
0xe8: {  	v40 =	vld.idx.msk [tilespmem:v62+s24+$0x0], $0xffff;
	v30 =	vadd.s32 v1, v17;
	v31 =	vadd.s32 v9, v28;
	v6 =	vadd.s32 v37, v6  }
0xe9: {  	v28 =	vadd.s32 v7, v56;
	v60 =	vand.u32 $0xFFFFFF80, v58;
	v55 =	vor.u32 v4, v6  }
0xea: {  	v57 =	vand.u32 $0xFFFFFF80, v30;
	v50 =	vadd.s32 v37, v60;
	v60 =	vadd.s32 v1, v42  }
0xeb: {  	v29 =	vand.u32 $0x7F, v30;
	v27 =	vor.u32 v27, v31;
	v39 =	vmul.f32 $8.000000000e+00, v61  }
0xec: {  	v30 =	vand.u32 $0xFFFFFF80, v20;
	v26 =	vor.u32 v26, v28;
	v28 =	vadd.s32 v2, v17  }
0xed: {  	v20 =	vand.u32 $0x7F, v20;
	v17 =	vadd.s32 v3, v17;
	v44 =	vld.idx.msk [tilespmem:v5+s24+$0x0], $0xffff;
	v61 =	vadd.s32 v0, v40;
	[tilespmem:s10+$0xC0] =	vst v39  }
0xee: {  	v4 =	vshll.u32 v21, $0x7;
	v32 =	vadd.s32 v8, v57;
	v54 =	vand.u32 $0xFFFFFF80, v61;
	v43 =	vld.idx.msk [tilespmem:v55+s17+$0x0], $0xffff  }
0xef: {  	v57 =	vand.u32 $0x7F, v53;
	v56 =	vand.u32 $0x7F, v61;
	v54 =	vadd.s32 v34, v54  }
0xf0: {  	v39 =	vand.u32 $0x7F, v58;
	v58 =	vand.u32 $0xFFFFFF80, v36;
	v48 =	vor.u32 v56, v54  }
0xf1: {  	v36 =	vand.u32 $0x7F, v36;
	v39 =	vor.u32 v39, v50;
	v55 =	vand.u32 $0xFFFFFF80, v53  }
0xf2: {  	v37 =	vadd.s32 v37, v58;
	v59 =	vadd.s32 v0, v44;
	v55 =	vadd.s32 v35, v55  }
0xf3: {  	v62 =	vand.u32 $0xFFFFFF80, v59;
	v50 =	vor.u32 v57, v55;
	v43 =	vmul.f32 $8.000000000e+00, v43  }
0xf4: {  	v63 =	vand.u32 $0x7F, v59;
	v59 =	vadd.s32 v1, v45;
	v52 =	vadd.s32 v33, v62  }
0xf5: {  	v56 =	vand.u32 $0xFFFFFF80, v60;
	v61 =	vand.u32 $0xFFFFFF80, v59;
	v48 =	vld.idx.msk [tilespmem:v48+s17+$0x0], $0xffff;
	[tilespmem:s10+$0xD0] =	vst v43;
	v43 =	vor.u32 v63, v52  }
0xf6: {  	v54 =	vand.u32 $0x7F, v59;
	v55 =	vadd.s32 v41, v61;
	v52 =	vadd.s32 v1, v40;
	v39 =	vld.idx.msk [tilespmem:v39+s17+$0x0], $0xffff  }
0xf7: {  	v49 =	vadd.s32 v1, v44;
	v54 =	vor.u32 v54, v55;
	v62 =	vand.u32 $0xFFFFFF80, v52  }
0xf8: {  	s11 =	simm.s32 $0x10B00;
	v36 =	vor.u32 v36, v37;
	v50 =	vld.idx.msk [tilespmem:v50+s17+$0x0], $0xffff;
	v52 =	vand.u32 $0x7F, v52;
	v37 =	vadd.s32 v34, v62  }
0xf9: {  	[tilespmem:s11+$0x80] =	vst v51;
	v56 =	vadd.s32 v35, v56;
	v51 =	vadd.s32 v2, v44;
	v37 =	vor.u32 v52, v37  }
0xfa: {  	v58 =	vand.u32 $0x7F, v49;
	v59 =	vand.u32 $0x7F, v60;
	v48 =	vmul.f32 $8.000000000e+00, v48;
	v43 =	vld.idx.msk [tilespmem:v43+s17+$0x0], $0xffff  }
0xfb: {  	v63 =	vand.u32 $0xFFFFFF80, v49;
	v49 =	vor.u32 v59, v56;
	v39 =	vmul.f32 $8.000000000e+00, v39  }
0xfc: {  	v6 =	vshll.u32 v22, $0x7;
	v55 =	vadd.s32 v33, v63;
	v62 =	vadd.s32 v2, v45;
	v54 =	vld.idx.msk [tilespmem:v54+s17+$0x0], $0xffff;
	[tilespmem:s11+$0xFFFFFF80] =	vst v48  }
0xfd: {  	v57 =	vand.u32 $0xFFFFFF80, v62;
	v50 =	vmul.f32 $8.000000000e+00, v50;
	[tilespmem:s10+$0xE0] =	vst v39;
	v39 =	vor.u32 v58, v55  }
0xfe: {  	v60 =	vadd.s32 v2, v40;
	v57 =	vadd.s32 v41, v57;
	v55 =	vand.u32 $0x7F, v62;
	v37 =	vld.idx.msk [tilespmem:v37+s17+$0x0], $0xffff  }
0xff: {  	v61 =	vand.u32 $0xFFFFFF80, v60;
	[tilespmem:s11+$0x0] =	vst v50;
	v55 =	vor.u32 v55, v57;
	v43 =	vmul.f32 $8.000000000e+00, v43  }
0x100: {  	v56 =	vadd.s32 v2, v42;
	v52 =	vand.u32 $0x7F, v60;
	v48 =	vadd.s32 v34, v61;
	v61 =	vld.idx.msk [tilespmem:v49+s17+$0x0], $0xffff  }
0x101: {  	v63 =	vand.u32 $0xFFFFFF80, v51;
	v48 =	vor.u32 v52, v48;
	v54 =	vmul.f32 $8.000000000e+00, v54;
	[tilespmem:s11+$0xFFFFFF00] =	vst v43  }
0x102: {  	v30 =	vadd.s32 v9, v30;
	v59 =	vadd.s32 v33, v63;
	v58 =	vand.u32 $0xFFFFFF80, v56;
	v39 =	vld.idx.msk [tilespmem:v39+s17+$0x0], $0xffff  }
0x103: {  	v63 =	vand.u32 $0x7F, v56;
	v60 =	vadd.s32 v35, v58;
	[tilespmem:s11+$0x90] =	vst v54;
	v37 =	vmul.f32 $8.000000000e+00, v37  }
0x104: {  	[tilespmem:s9+$0xF0] =	vst v11;
	v45 =	vadd.s32 v3, v45;
	v62 =	vand.u32 $0x7F, v51;
	v57 =	vor.u32 v63, v60;
	v54 =	vld.idx.msk [tilespmem:v55+s17+$0x0], $0xffff  }
0x105: {  	v11 =	vld.idx.msk [tilespmem:v38+s17+$0x0], $0xffff;
	v49 =	vor.u32 v62, v59;
	v43 =	vmul.f32 $8.000000000e+00, v61;
	v61 =	vand.u32 $0xFFFFFF80, v45;
	[tilespmem:s11+$0xFFFFFF90] =	vst v37  }
0x106: {  	[tilespmem:s9+$0xFFFFFF50] =	vst v24;
	v40 =	vadd.s32 v3, v40;
	v63 =	vand.u32 $0x7F, v45;
	v41 =	vadd.s32 v41, v61;
	v48 =	vld.idx.msk [tilespmem:v48+s17+$0x0], $0xffff  }
0x107: {  	v14 =	vld.idx.msk [tilespmem:v14+s17+$0x0], $0xffff;
	v59 =	vand.u32 $0xFFFFFF80, v40;
	v62 =	vmul.f32 $8.000000000e+00, v39;
	v39 =	vor.u32 v63, v41  }
0x108: {  	v46 =	vld.idx.msk [tilespmem:v46+s17+$0x0], $0xffff;
	v44 =	vadd.s32 v3, v44;
	v34 =	vadd.s32 v34, v59;
	v45 =	vand.u32 $0x7F, v40;
	[tilespmem:s11+$0x10] =	vst v43  }
0x109: {  	v42 =	vadd.s32 v3, v42;
	v34 =	vor.u32 v45, v34;
	v53 =	vld.idx.msk [tilespmem:v57+s17+$0x0], $0xffff;
	v54 =	vmul.f32 $8.000000000e+00, v54;
	[tilespmem:s11+$0xFFFFFF10] =	vst v62  }
0x10a: {  	v11 =	vmul.f32 $8.000000000e+00, v11;
	v52 =	vand.u32 $0x7F, v42;
	v60 =	vand.u32 $0xFFFFFF80, v42;
	v25 =	vld.idx.msk [tilespmem:v49+s17+$0x0], $0xffff  }
0x10b: {  	v47 =	vld.idx.msk [tilespmem:v47+s17+$0x0], $0xffff;
	v58 =	vand.u32 $0xFFFFFF80, v44;
	v35 =	vadd.s32 v35, v60;
	[tilespmem:s11+$0xA0] =	vst v54;
	v31 =	vmul.f32 $8.000000000e+00, v48  }
0x10c: {  	v51 =	vand.u32 $0x7F, v44;
	v33 =	vadd.s32 v33, v58;
	v35 =	vor.u32 v52, v35;
	v24 =	vld.idx.msk [tilespmem:v39+s17+$0x0], $0xffff  }
0x10d: {  	v5 =	vshll.u32 v23, $0x7;
	v36 =	vld.idx.msk [tilespmem:v36+s17+$0x0], $0xffff;
	v33 =	vor.u32 v51, v33;
	v55 =	vmul.f32 $8.000000000e+00, v46;
	[tilespmem:s11+$0xFFFFFFA0] =	vst v31  }
0x10e: {  	s25 =	simm.s32 $0x17;
	v29 =	vor.u32 v29, v32;
	v30 =	vor.u32 v20, v30;
	[tilespmem:s10+$0xFFFFFF40] =	vst v11;
	v57 =	vmul.f32 $8.000000000e+00, v53;
	v34 =	vld.idx.msk [tilespmem:v34+s17+$0x0], $0xffff  }
0x10f: {  	v11 =	vand.u32 $0xFFFFFF80, v15;
	v60 =	vmov s25;
	[tilespmem:s10+$0xFFFFFFC0] =	vst v55;
	v25 =	vmul.f32 $8.000000000e+00, v25  }
0x110: {  	v9 =	vadd.s32 v9, v11;
	v56 =	vmul.f32 $8.000000000e+00, v47;
	v58 =	vadd.s32 v2, v18;
	v27 =	vld.idx.msk [tilespmem:v27+s17+$0x0], $0xffff;
	[tilespmem:s11+$0x20] =	vst v57  }
0x111: {  	v59 =	vand.u32 $0xFFFFFF80, v28;
	v28 =	vand.u32 $0x7F, v28;
	[tilespmem:s11+$0xFFFFFF20] =	vst v25;
	v25 =	vld.idx.msk [tilespmem:v35+s17+$0x0], $0xffff;
	v24 =	vmul.f32 $8.000000000e+00, v24  }
0x112: {  	[tilespmem:s9+$0x60] =	vst v16;
	v18 =	vadd.s32 v3, v18;
	v38 =	vadd.s32 v8, v59;
	v36 =	vmul.f32 $8.000000000e+00, v36;
	v33 =	vld.idx.msk [tilespmem:v33+s17+$0x0], $0xffff  }
0x113: {  	v28 =	vor.u32 v28, v38;
	v63 =	vld.idx.msk [tilespmem:v26+s17+$0x0], $0xffff;
	v62 =	vmul.f32 $8.000000000e+00, v14;
	v14 =	vmul.f32 $8.000000000e+00, v34;
	[tilespmem:s11+$0xB0] =	vst v24  }
0x114: {  	[tilespmem:s10+$0x40] =	vst v56;
	v61 =	vand.u32 $0x7F, v58;
	v26 =	vand.u32 $0xFFFFFF80, v18;
	v31 =	vand.u32 $0xFFFFFF80, v58;
	v20 =	vld.idx.msk [tilespmem:v60+s24+$0x0], $0xffff  }
0x115: {  	v16 =	vmul.f32 $8.000000000e+00, v27;
	v31 =	vadd.s32 v7, v31;
	v7 =	vadd.s32 v7, v26;
	v24 =	vld.idx.msk [tilespmem:v29+s17+$0x0], $0xffff;
	[tilespmem:s11+$0xFFFFFFB0] =	vst v14  }
0x116: {  	[tilespmem:s9+$0xFFFFFFE0] =	vst v19;
	v26 =	vshll.u32 v60, $0x7;
	v29 =	vand.u32 $0xFFFFFF80, v17;
	v11 =	vld.idx.msk [tilespmem:v23+s24+$0x0], $0xffff;
	v19 =	vmul.f32 $8.000000000e+00, v25  }
0x117: {  	v25 =	vadd.s32 v8, v29;
	v29 =	vld.idx.msk [tilespmem:v12+s17+$0x0], $0xffff;
	v8 =	vand.u32 $0x7F, v15;
	v12 =	vmul.f32 $8.000000000e+00, v33  }
0x118: {  	v31 =	vor.u32 v61, v31;
	v15 =	vld.idx.msk [tilespmem:v13+s17+$0x0], $0xffff;
	v13 =	vand.u32 $0x7F, v18;
	v8 =	vor.u32 v8, v9;
	[tilespmem:s11+$0x30] =	vst v19  }
0x119: {  	v14 =	vand.u32 $0x7F, v17;
	v7 =	vor.u32 v13, v7;
	[tilespmem:s11+$0xFFFFFF30] =	vst v12;
	v12 =	vld.idx.msk [tilespmem:v22+s24+$0x0], $0xffff;
	v18 =	vadd.s32 v0, v20  }
0x11a: {  	[tilespmem:s9+$0xFFFFFF60] =	vst v62;
	v9 =	vor.u32 v14, v25;
	v17 =	vmul.f32 $8.000000000e+00, v24;
	v13 =	vld.idx.msk [tilespmem:v21+s24+$0x0], $0xffff;
	v14 =	vand.u32 $0xFFFFFF80, v18  }
0x11b: {  	[tilespmem:s10+$0xFFFFFFD0] =	vst v16;
	v21 =	vmul.f32 $8.000000000e+00, v63;
	v16 =	vand.u32 $0x7F, v18;
	v18 =	vadd.s32 v26, v14  }
0x11c: {  	[tilespmem:s10+$0x50] =	vst v17;
	v17 =	vadd.s32 v2, v11;
	v22 =	vmul.f32 $8.000000000e+00, v29;
	v19 =	vor.u32 v16, v18  }
0x11d: {  	[tilespmem:s10+$0xF0] =	vst v36;
	v10 =	vld.idx.msk [tilespmem:v10+s17+$0x0], $0xffff;
	v23 =	vmul.f32 $8.000000000e+00, v15;
	v15 =	vadd.s32 v0, v11;
	v18 =	vadd.s32 v1, v11  }
0x11e: {  	v14 =	vld.idx.msk [tilespmem:v30+s17+$0x0], $0xffff;
	[tilespmem:s10+$0xFFFFFF50] =	vst v21;
	v24 =	vand.u32 $0xFFFFFF80, v15;
	v27 =	vand.u32 $0x7F, v15;
	v25 =	vadd.s32 v0, v12  }
0x11f: {  	v16 =	vld.idx.msk [tilespmem:v28+s17+$0x0], $0xffff;
	[tilespmem:s9+$0xFFFFFFF0] =	vst v22;
	v28 =	vadd.s32 v5, v24;
	v21 =	vadd.s32 v0, v13;
	v24 =	vand.u32 $0xFFFFFF80, v25  }
0x120: {  	s4 =	simm.s32 $0x18;
	s12 =	simm.s32 $0x8;
	v15 =	vld.idx.msk [tilespmem:v31+s17+$0x0], $0xffff;
	[tilespmem:s9+$0x70] =	vst v23;
	v29 =	vand.u32 $0x7F, v25;
	v22 =	vand.u32 $0xFFFFFF80, v21;
	v30 =	vadd.s32 v6, v24  }
.LBB2_3:
0x121: {  	v23 =	vmov s4;
	s25 =	sadd.s32 $0x2, s4;
	s1 =	sadd.s32 $0x6, s4;
	s12 =	sadd.s32 $0x4, s12;
	v33 =	vand.u32 $0x7F, v21;
	v35 =	vadd.s32 v4, v22;
	v37 =	vld.idx.msk [tilespmem:v19+s17+$0x0], $0xffff  }
0x122: {  	s15 =	sadd.s32 $0x1, s4;
	v19 =	vadd.s32 v1, v20;
	v39 =	vmov s25;
	s25 =	sadd.s32 $0x4, s4;
	v42 =	vmov s1;
	p1 =	slt.u32 s12, $0x3C  }
0x123: {  	s23 =	sadd.s32 $0x5, s4;
	s1 =	sadd.s32 $0x3, s4;
	v21 =	vand.u32 $0xFFFFFF80, v19;
	v32 =	vshll.u32 v39, $0x7;
	v41 =	vmov s25;
	s25 =	smov.u32 s11  }
0x124: {  	v22 =	vand.u32 $0x7F, v19;
	v21 =	vadd.s32 v26, v21;
	v34 =	vshll.u32 v41, $0x7  }
0x125: {  	v31 =	vshll.u32 v23, $0x7;
	v19 =	vmov s15;
	v43 =	vor.u32 v22, v21  }
0x126: {  	v22 =	vmov s1;
	v21 =	vmov s23;
	v38 =	vld.idx.msk [tilespmem:v23+s24+$0x0], $0xffff;
	v23 =	vshll.u32 v19, $0x7  }
0x127: {  	v25 =	vshll.u32 v22, $0x7;
	v24 =	vshll.u32 v21, $0x7;
	v37 =	vmul.f32 $8.000000000e+00, v37;
	v36 =	vld.idx.msk [tilespmem:v42+s24+$0x0], $0xffff  }
0x128: {  	v44 =	vor.u32 v29, v30;
	v40 =	vld.idx.msk [tilespmem:v39+s24+$0x0], $0xffff;
	v39 =	vor.u32 v33, v35;
	v35 =	vor.u32 v27, v28  }
0x129: {  	v30 =	vadd.s32 v1, v12;
	v27 =	vadd.s32 v1, v13;
	v28 =	vand.u32 $0xFFFFFF80, v18;
	v41 =	vld.idx.msk [tilespmem:v41+s24+$0x0], $0xffff;
	[tilespmem:s11+$0xC0] =	vst v37  }
0x12a: {  	v33 =	vand.u32 $0xFFFFFF80, v27;
	v29 =	vadd.s32 v5, v28;
	v37 =	vand.u32 $0xFFFFFF80, v30;
	v43 =	vld.idx.msk [tilespmem:v43+s17+$0x0], $0xffff  }
0x12b: {  	v28 =	vadd.s32 v4, v33;
	v33 =	vadd.s32 v6, v37;
	v37 =	vadd.s32 v2, v20  }
0x12c: {  	v45 =	vadd.s32 v0, v38;
	v46 =	vadd.s32 v1, v38;
	v47 =	vand.u32 $0xFFFFFF80, v37  }
0x12d: {  	v49 =	vand.u32 $0x7F, v37;
	v48 =	vadd.s32 v0, v36;
	v47 =	vadd.s32 v26, v47;
	v35 =	vld.idx.msk [tilespmem:v35+s17+$0x0], $0xffff  }
0x12e: {  	v42 =	vshll.u32 v42, $0x7;
	v50 =	vand.u32 $0xFFFFFF80, v48;
	v37 =	vld.idx.msk [tilespmem:v44+s17+$0x0], $0xffff;
	v44 =	vor.u32 v49, v47  }
0x12f: {  	v48 =	vand.u32 $0x7F, v48;
	v47 =	vadd.s32 v0, v40;
	v49 =	vadd.s32 v42, v50;
	v39 =	vld.idx.msk [tilespmem:v39+s17+$0x0], $0xffff  }
0x130: {  	v50 =	vadd.s32 v0, v41;
	v48 =	vor.u32 v48, v49;
	v43 =	vmul.f32 $8.000000000e+00, v43  }
0x131: {  	v49 =	vand.u32 $0xFFFFFF80, v45;
	v51 =	vand.u32 $0xFFFFFF80, v47;
	v52 =	vand.u32 $0xFFFFFF80, v50  }
0x132: {  	v49 =	vadd.s32 v31, v49;
	v51 =	vadd.s32 v32, v51;
	v52 =	vadd.s32 v34, v52;
	[tilespmem:s11+$0xD0] =	vst v43  }
0x133: {  	v43 =	vand.u32 $0x7F, v45;
	v45 =	vand.u32 $0x7F, v47;
	v47 =	vand.u32 $0x7F, v50;
	v44 =	vld.idx.msk [tilespmem:v44+s17+$0x0], $0xffff  }
0x134: {  	v20 =	vadd.s32 v3, v20;
	v45 =	vor.u32 v45, v51;
	v47 =	vor.u32 v47, v52  }
0x135: {  	v50 =	vand.u32 $0xFFFFFF80, v20;
	v43 =	vor.u32 v43, v49;
	v49 =	vadd.s32 v1, v40;
	v48 =	vld.idx.msk [tilespmem:v48+s17+$0x0], $0xffff  }
0x136: {  	v20 =	vand.u32 $0x7F, v20;
	v51 =	vadd.s32 v1, v36;
	v26 =	vadd.s32 v26, v50  }
0x137: {  	v50 =	vadd.s32 v1, v41;
	v52 =	vand.u32 $0xFFFFFF80, v51;
	v20 =	vor.u32 v20, v26  }
0x138: {  	v26 =	vand.u32 $0xFFFFFF80, v49;
	v51 =	vand.u32 $0x7F, v51;
	v52 =	vadd.s32 v42, v52  }
0x139: {  	v53 =	vand.u32 $0xFFFFFF80, v50;
	v51 =	vor.u32 v51, v52;
	v44 =	vmul.f32 $8.000000000e+00, v44;
	v45 =	vld.idx.msk [tilespmem:v45+s17+$0x0], $0xffff  }
0x13a: {  	v26 =	vadd.s32 v32, v26;
	v53 =	vadd.s32 v34, v53;
	v52 =	vand.u32 $0xFFFFFF80, v46;
	v47 =	vld.idx.msk [tilespmem:v47+s17+$0x0], $0xffff  }
0x13b: {  	v49 =	vand.u32 $0x7F, v49;
	v52 =	vadd.s32 v31, v52;
	v48 =	vmul.f32 $8.000000000e+00, v48;
	v43 =	vld.idx.msk [tilespmem:v43+s17+$0x0], $0xffff;
	[tilespmem:s11+$0xE0] =	vst v44  }
0x13c: {  	v26 =	vor.u32 v49, v26;
	v44 =	vand.u32 $0x7F, v46;
	v46 =	vand.u32 $0x7F, v50;
	s11 =	sadd.s32 $0x200, s11;
	v20 =	vld.idx.msk [tilespmem:v20+s17+$0x0], $0xffff  }
0x13d: {  	v49 =	vadd.s32 v2, v40;
	v44 =	vor.u32 v44, v52;
	v46 =	vor.u32 v46, v53;
	[tilespmem:s11+$0x80] =	vst v48  }
0x13e: {  	v50 =	vand.u32 $0xFFFFFF80, v49;
	v52 =	vadd.s32 v2, v41;
	v48 =	vadd.s32 v2, v38;
	v51 =	vld.idx.msk [tilespmem:v51+s17+$0x0], $0xffff  }
0x13f: {  	v54 =	vadd.s32 v2, v36;
	v53 =	vand.u32 $0xFFFFFF80, v52;
	v45 =	vmul.f32 $8.000000000e+00, v45  }
0x140: {  	v56 =	vand.u32 $0xFFFFFF80, v54;
	v55 =	vand.u32 $0xFFFFFF80, v48;
	v47 =	vmul.f32 $8.000000000e+00, v47  }
0x141: {  	v43 =	vmul.f32 $8.000000000e+00, v43;
	[tilespmem:s11+$0xFFFFFF80] =	vst v45;
	v45 =	vand.u32 $0x7F, v54;
	v54 =	vadd.s32 v42, v56  }
0x142: {  	v50 =	vadd.s32 v32, v50;
	v20 =	vmul.f32 $8.000000000e+00, v20;
	v26 =	vld.idx.msk [tilespmem:v26+s17+$0x0], $0xffff;
	[tilespmem:s11+$0x0] =	vst v47;
	v45 =	vor.u32 v45, v54  }
0x143: {  	v47 =	vand.u32 $0x7F, v49;
	v49 =	vadd.s32 v34, v53;
	[tilespmem:s11+$0xFFFFFF00] =	vst v43;
	v43 =	vadd.s32 v31, v55;
	v46 =	vld.idx.msk [tilespmem:v46+s17+$0x0], $0xffff  }
0x144: {  	v52 =	vand.u32 $0x7F, v52;
	v48 =	vand.u32 $0x7F, v48;
	v51 =	vmul.f32 $8.000000000e+00, v51;
	v44 =	vld.idx.msk [tilespmem:v44+s17+$0x0], $0xffff;
	[tilespmem:s25+$0xF0] =	vst v20  }
0x145: {  	v20 =	vor.u32 v48, v43;
	v43 =	vor.u32 v47, v50;
	v47 =	vor.u32 v52, v49  }
0x146: {  	v40 =	vadd.s32 v3, v40;
	v41 =	vadd.s32 v3, v41;
	v38 =	vadd.s32 v3, v38;
	[tilespmem:s11+$0x90] =	vst v51  }
0x147: {  	v48 =	vand.u32 $0xFFFFFF80, v38;
	v49 =	vand.u32 $0xFFFFFF80, v40;
	v50 =	vand.u32 $0xFFFFFF80, v41;
	v45 =	vld.idx.msk [tilespmem:v45+s17+$0x0], $0xffff  }
0x148: {  	v36 =	vadd.s32 v3, v36;
	v32 =	vadd.s32 v32, v49;
	v26 =	vmul.f32 $8.000000000e+00, v26  }
0x149: {  	v34 =	vadd.s32 v34, v50;
	v49 =	vand.u32 $0xFFFFFF80, v36;
	v46 =	vmul.f32 $8.000000000e+00, v46  }
0x14a: {  	v44 =	vmul.f32 $8.000000000e+00, v44;
	[tilespmem:s11+$0xFFFFFF90] =	vst v26;
	v26 =	vand.u32 $0x7F, v36;
	v36 =	vadd.s32 v42, v49  }
0x14b: {  	v40 =	vand.u32 $0x7F, v40;
	v31 =	vadd.s32 v31, v48;
	v42 =	vld.idx.msk [tilespmem:v43+s17+$0x0], $0xffff;
	[tilespmem:s11+$0x10] =	vst v46;
	v26 =	vor.u32 v26, v36  }
0x14c: {  	v32 =	vor.u32 v40, v32;
	v40 =	vand.u32 $0x7F, v41;
	v36 =	vand.u32 $0x7F, v38;
	[tilespmem:s11+$0xFFFFFF10] =	vst v44;
	v38 =	vld.idx.msk [tilespmem:v47+s17+$0x0], $0xffff  }
0x14d: {  	v34 =	vor.u32 v40, v34;
	v31 =	vor.u32 v36, v31;
	v36 =	vmul.f32 $8.000000000e+00, v45;
	v20 =	vld.idx.msk [tilespmem:v20+s17+$0x0], $0xffff  }
0x14e: {  	v18 =	vand.u32 $0x7F, v18;
	v35 =	vmul.f32 $8.000000000e+00, v35;
	v37 =	vmul.f32 $8.000000000e+00, v37  }
0x14f: {  	v27 =	vand.u32 $0x7F, v27;
	v30 =	vand.u32 $0x7F, v30;
	[tilespmem:s11+$0xA0] =	vst v36;
	v36 =	vmul.f32 $8.000000000e+00, v39  }
0x150: {  	v18 =	vor.u32 v18, v29;
	v29 =	vand.u32 $0xFFFFFF80, v17;
	v30 =	vor.u32 v30, v33;
	v26 =	vld.idx.msk [tilespmem:v26+s17+$0x0], $0xffff;
	[tilespmem:s25+$0xFFFFFFC0] =	vst v35  }
0x151: {  	v27 =	vor.u32 v27, v28;
	v28 =	vadd.s32 v2, v12;
	v33 =	vmul.f32 $8.000000000e+00, v42;
	[tilespmem:s25+$0x40] =	vst v37  }
0x152: {  	v35 =	vmul.f32 $8.000000000e+00, v38;
	v37 =	vand.u32 $0xFFFFFF80, v28;
	[tilespmem:s25+$0xFFFFFF40] =	vst v36;
	v36 =	vadd.s32 v2, v13  }
0x153: {  	s1 =	sadd.s32 $0x7, s4;
	v29 =	vadd.s32 v5, v29;
	v20 =	vmul.f32 $8.000000000e+00, v20;
	[tilespmem:s11+$0xFFFFFFA0] =	vst v33;
	v33 =	vand.u32 $0xFFFFFF80, v36  }
0x154: {  	v37 =	vadd.s32 v6, v37;
	v32 =	vld.idx.msk [tilespmem:v32+s17+$0x0], $0xffff;
	[tilespmem:s11+$0x20] =	vst v35;
	v35 =	vmov s1;
	v33 =	vadd.s32 v4, v33  }
0x155: {  	v17 =	vand.u32 $0x7F, v17;
	v28 =	vand.u32 $0x7F, v28;
	[tilespmem:s11+$0xFFFFFF20] =	vst v20;
	v34 =	vld.idx.msk [tilespmem:v34+s17+$0x0], $0xffff;
	v20 =	vand.u32 $0x7F, v36  }
0x156: {  	v17 =	vor.u32 v17, v29;
	v28 =	vor.u32 v28, v37;
	v26 =	vmul.f32 $8.000000000e+00, v26;
	v31 =	vld.idx.msk [tilespmem:v31+s17+$0x0], $0xffff  }
0x157: {  	v11 =	vadd.s32 v3, v11;
	v12 =	vadd.s32 v3, v12;
	v29 =	vor.u32 v20, v33;
	v18 =	vld.idx.msk [tilespmem:v18+s17+$0x0], $0xffff  }
0x158: {  	v14 =	vmul.f32 $8.000000000e+00, v14;
	v16 =	vmul.f32 $8.000000000e+00, v16;
	v13 =	vadd.s32 v3, v13;
	[tilespmem:s11+$0xB0] =	vst v26;
	v26 =	vld.idx.msk [tilespmem:v30+s17+$0x0], $0xffff  }
0x159: {  	v15 =	vmul.f32 $8.000000000e+00, v15;
	v33 =	vand.u32 $0xFFFFFF80, v12;
	v30 =	vand.u32 $0xFFFFFF80, v11;
	v20 =	vld.idx.msk [tilespmem:v35+s24+$0x0], $0xffff  }
0x15a: {  	v36 =	vand.u32 $0xFFFFFF80, v13;
	v32 =	vmul.f32 $8.000000000e+00, v32;
	v30 =	vadd.s32 v5, v30;
	v5 =	vmovc v25;
	v27 =	vld.idx.msk [tilespmem:v27+s17+$0x0], $0xffff;
	[tilespmem:s10+$0xFFFFFFE0] =	vst v14  }
0x15b: {  	v33 =	vadd.s32 v6, v33;
	v25 =	vadd.s32 v4, v36;
	v14 =	vmul.f32 $8.000000000e+00, v34;
	v34 =	vld.idx.msk [tilespmem:v8+s17+$0x0], $0xffff;
	[tilespmem:s10+$0x60] =	vst v16  }
0x15c: {  	v6 =	vmovc v24;
	v4 =	vmovc v23;
	v16 =	vmul.f32 $8.000000000e+00, v31;
	v8 =	vand.u32 $0x7F, v11;
	v31 =	vand.u32 $0x7F, v12;
	[tilespmem:s11+$0xFFFFFFB0] =	vst v32;
	v32 =	vld.idx.msk [tilespmem:v9+s17+$0x0], $0xffff  }
0x15d: {  	v9 =	vand.u32 $0x7F, v13;
	v8 =	vor.u32 v8, v30;
	v11 =	vld.idx.msk [tilespmem:v22+s24+$0x0], $0xffff;
	[tilespmem:s11+$0x30] =	vst v14;
	v14 =	vmul.f32 $8.000000000e+00, v18  }
0x15e: {  	v18 =	vor.u32 v9, v25;
	v9 =	vor.u32 v31, v33;
	[tilespmem:s11+$0xFFFFFF30] =	vst v16;
	v12 =	vld.idx.msk [tilespmem:v21+s24+$0x0], $0xffff;
	v16 =	vmul.f32 $8.000000000e+00, v26  }
0x15f: {  	v23 =	vmul.f32 $8.000000000e+00, v10;
	v13 =	vld.idx.msk [tilespmem:v19+s24+$0x0], $0xffff;
	v19 =	vadd.s32 v0, v20;
	[tilespmem:s25+$0xFFFFFFD0] =	vst v14  }
0x160: {  	v26 =	vshll.u32 v35, $0x7;
	v21 =	vmul.f32 $8.000000000e+00, v27;
	v10 =	vand.u32 $0xFFFFFF80, v19;
	v14 =	vld.idx.msk [tilespmem:v17+s17+$0x0], $0xffff;
	[tilespmem:s25+$0x50] =	vst v16  }
0x161: {  	v17 =	vand.u32 $0x7F, v19;
	v22 =	vmul.f32 $8.000000000e+00, v34;
	v10 =	vadd.s32 v26, v10;
	v16 =	vld.idx.msk [tilespmem:v28+s17+$0x0], $0xffff;
	[tilespmem:s10+$0xFFFFFF60] =	vst v15  }
.Ltmp0:
0x162: {  	v24 =	vmul.f32 $8.000000000e+00, v32;
	v19 =	vor.u32 v17, v10;
	[tilespmem:s25+$0xFFFFFF50] =	vst v21;
	v10 =	vld.idx.msk [tilespmem:v7+s17+$0x0], $0xffff;
	v7 =	vmov v18;
	(pc) =	sbr.rel @p1 .LBB2_3-.Ltmp0, $4  }
0x163: {  	v21 =	vadd.s32 v0, v11;
	v18 =	vadd.s32 v1, v11;
	v17 =	vadd.s32 v2, v11;
	v15 =	vld.idx.msk [tilespmem:v29+s17+$0x0], $0xffff  }
0x164: {  	v25 =	vand.u32 $0xFFFFFF80, v21;
	v27 =	vand.u32 $0x7F, v21;
	v29 =	vadd.s32 v0, v12;
	[tilespmem:s10+$0xFFFFFFF0] =	vst v22  }
0x165: {  	v21 =	vadd.s32 v0, v13;
	v28 =	vadd.s32 v5, v25;
	v25 =	vand.u32 $0xFFFFFF80, v29;
	[tilespmem:s10+$0x70] =	vst v24  }
0x166: {  	s4 =	sadd.s32 $0x8, s4;
	v29 =	vand.u32 $0x7F, v29;
	v22 =	vand.u32 $0xFFFFFF80, v21;
	v30 =	vadd.s32 v6, v25;
	[tilespmem:s9+$0xFFFFFF70] =	vst v23;
	s9 =	smov.u32 s10;
	s10 =	smov.u32 s25  }
0x167: {  	_ =	sdelay $0x3  }
0x168: {  	v19 =	vld.idx.msk [tilespmem:v19+s17+$0x0], $0xffff;
	v23 =	vadd.s32 v1, v20  }
0x169: {  	v25 =	vor.u32 v27, v28;
	v24 =	vand.u32 $0xFFFFFF80, v23  }
0x16a: {  	v27 =	vor.u32 v29, v30;
	v23 =	vand.u32 $0x7F, v23;
	v24 =	vadd.s32 v26, v24  }
0x16b: {  	v21 =	vand.u32 $0x7F, v21;
	v22 =	vadd.s32 v4, v22;
	v23 =	vor.u32 v23, v24  }
0x16c: {  	v21 =	vor.u32 v21, v22  }
0x16d: {  	v19 =	vmul.f32 $8.000000000e+00, v19  }
0x16e: {  	v28 =	vadd.s32 v1, v12;
	v25 =	vld.idx.msk [tilespmem:v25+s17+$0x0], $0xffff  }
0x16f: {  	v30 =	vadd.s32 v2, v20;
	v22 =	vadd.s32 v1, v13;
	v24 =	vand.u32 $0xFFFFFF80, v18;
	v27 =	vld.idx.msk [tilespmem:v27+s17+$0x0], $0xffff;
	[tilespmem:s11+$0xC0] =	vst v19  }
0x170: {  	v18 =	vand.u32 $0x7F, v18;
	v19 =	vadd.s32 v5, v24;
	v24 =	vand.u32 $0xFFFFFF80, v28;
	v23 =	vld.idx.msk [tilespmem:v23+s17+$0x0], $0xffff  }
0x171: {  	v21 =	vld.idx.msk [tilespmem:v21+s17+$0x0], $0xffff;
	v28 =	vand.u32 $0x7F, v28;
	v24 =	vadd.s32 v6, v24;
	v18 =	vor.u32 v18, v19  }
0x172: {  	v20 =	vadd.s32 v3, v20;
	v29 =	vand.u32 $0xFFFFFF80, v22;
	v24 =	vor.u32 v28, v24  }
0x173: {  	v22 =	vand.u32 $0x7F, v22;
	v29 =	vadd.s32 v4, v29;
	v25 =	vmul.f32 $8.000000000e+00, v25  }
0x174: {  	v31 =	vand.u32 $0xFFFFFF80, v30;
	v22 =	vor.u32 v22, v29;
	v27 =	vmul.f32 $8.000000000e+00, v27  }
0x175: {  	v19 =	vand.u32 $0x7F, v30;
	v30 =	vadd.s32 v26, v31;
	[tilespmem:s11+$0xFFFFFFC0] =	vst v25;
	v23 =	vmul.f32 $8.000000000e+00, v23  }
0x176: {  	v11 =	vadd.s32 v3, v11;
	v19 =	vor.u32 v19, v30;
	v21 =	vmul.f32 $8.000000000e+00, v21;
	[tilespmem:s11+$0x40] =	vst v27;
	v18 =	vld.idx.msk [tilespmem:v18+s17+$0x0], $0xffff  }
0x177: {  	v14 =	vmul.f32 $8.000000000e+00, v14;
	v27 =	vadd.s32 v2, v12;
	v24 =	vld.idx.msk [tilespmem:v24+s17+$0x0], $0xffff;
	[tilespmem:s11+$0xD0] =	vst v23;
	v23 =	vand.u32 $0xFFFFFF80, v17  }
0x178: {  	[tilespmem:s11+$0xFFFFFF40] =	vst v21;
	v21 =	vand.u32 $0xFFFFFF80, v27;
	v17 =	vand.u32 $0x7F, v17;
	v23 =	vadd.s32 v5, v23  }
0x179: {  	v27 =	vand.u32 $0x7F, v27;
	v21 =	vadd.s32 v6, v21;
	v17 =	vor.u32 v17, v23  }
0x17a: {  	v28 =	vadd.s32 v2, v13;
	v13 =	vadd.s32 v3, v13;
	v22 =	vld.idx.msk [tilespmem:v22+s17+$0x0], $0xffff;
	v21 =	vor.u32 v27, v21  }
0x17b: {  	v25 =	vand.u32 $0xFFFFFF80, v20;
	v20 =	vand.u32 $0x7F, v20;
	v19 =	vld.idx.msk [tilespmem:v19+s17+$0x0], $0xffff;
	v18 =	vmul.f32 $8.000000000e+00, v18  }
0x17c: {  	v12 =	vadd.s32 v3, v12;
	v23 =	vand.u32 $0xFFFFFF80, v28;
	v24 =	vmul.f32 $8.000000000e+00, v24  }
0x17d: {  	v25 =	vadd.s32 v26, v25;
	v27 =	vand.u32 $0x7F, v28;
	v23 =	vadd.s32 v4, v23;
	[tilespmem:s11+$0xFFFFFFD0] =	vst v18  }
0x17e: {  	v16 =	vmul.f32 $8.000000000e+00, v16;
	v20 =	vor.u32 v20, v25;
	v23 =	vor.u32 v27, v23;
	[tilespmem:s11+$0x50] =	vst v24;
	v17 =	vld.idx.msk [tilespmem:v17+s17+$0x0], $0xffff  }
0x17f: {  	v18 =	vmul.f32 $8.000000000e+00, v22;
	v22 =	vand.u32 $0xFFFFFF80, v11;
	v11 =	vand.u32 $0x7F, v11;
	v21 =	vld.idx.msk [tilespmem:v21+s17+$0x0], $0xffff  }
0x180: {  	[tilespmem:s10+$0xFFFFFFE0] =	vst v14;
	v19 =	vmul.f32 $8.000000000e+00, v19;
	v24 =	vand.u32 $0xFFFFFF80, v12;
	v5 =	vadd.s32 v5, v22  }
0x181: {  	v12 =	vand.u32 $0x7F, v12;
	[tilespmem:s11+$0xFFFFFF50] =	vst v18;
	v6 =	vadd.s32 v6, v24;
	v5 =	vor.u32 v11, v5  }
0x182: {  	v8 =	vld.idx.msk [tilespmem:v8+s17+$0x0], $0xffff;
	[tilespmem:s11+$0xE0] =	vst v19;
	v19 =	vand.u32 $0xFFFFFF80, v13;
	v6 =	vor.u32 v12, v6  }
0x183: {  	[tilespmem:s10+$0x60] =	vst v16;
	v12 =	vand.u32 $0x7F, v13;
	v11 =	vld.idx.msk [tilespmem:v23+s17+$0x0], $0xffff;
	v4 =	vadd.s32 v4, v19;
	v13 =	vmul.f32 $8.000000000e+00, v17  }
0x184: {  	v9 =	vld.idx.msk [tilespmem:v9+s17+$0x0], $0xffff;
	v4 =	vor.u32 v12, v4;
	v12 =	vmul.f32 $8.000000000e+00, v21  }
0x185: {  	v10 =	vmul.f32 $8.000000000e+00, v10;
	v18 =	vld.idx.msk [tilespmem:v20+s17+$0x0], $0xffff;
	[tilespmem:s11+$0xFFFFFFE0] =	vst v13  }
0x186: {  	v14 =	vmul.f32 $8.000000000e+00, v15;
	[tilespmem:s11+$0x60] =	vst v12;
	v5 =	vld.idx.msk [tilespmem:v5+s17+$0x0], $0xffff  }
0x187: {  	[tilespmem:s9+$0xFFFFFF70] =	vst v10;
	v8 =	vmul.f32 $8.000000000e+00, v8;
	v6 =	vld.idx.msk [tilespmem:v6+s17+$0x0], $0xffff  }
0x188: {  	[tilespmem:s10+$0xFFFFFF60] =	vst v14;
	v11 =	vmul.f32 $8.000000000e+00, v11  }
0x189: {  	v9 =	vmul.f32 $8.000000000e+00, v9;
	[tilespmem:s10+$0xFFFFFFF0] =	vst v8  }
0x18a: {  	v7 =	vld.idx.msk [tilespmem:v7+s17+$0x0], $0xffff;
	v12 =	vmul.f32 $8.000000000e+00, v18;
	[tilespmem:s11+$0xFFFFFF60] =	vst v11  }
0x18b: {  	[tilespmem:s10+$0x70] =	vst v9;
	v4 =	vld.idx.msk [tilespmem:v4+s17+$0x0], $0xffff;
	v5 =	vmul.f32 $8.000000000e+00, v5  }
0x18c: {  	[tilespmem:s11+$0xF0] =	vst v12;
	v6 =	vmul.f32 $8.000000000e+00, v6  }
0x18d: {  	[tilespmem:s11+$0xFFFFFFF0] =	vst v5  }
0x18e: {  	[tilespmem:s11+$0x70] =	vst v6  }
0x18f: {  	s1 =	sshll.u32 s20, $0xF;
	v7 =	vmul.f32 $8.000000000e+00, v7;
	s4 =	rddreg [dreg:$0x6]  }
0x190: {  	v4 =	vmul.f32 $8.000000000e+00, v4;
	s1 =	sadd.s32 s4, s1  }
0x191: {  	s26 =	sadd.s32 $0x180, s26;
	[tilespmem:s10+$0xFFFFFF70] =	vst v7;
	s1 =	sshrl.u32 s1, $0x3  }
0x192: {  	s15 =	simm.s32 $0x10600;
	s23 =	sshrl.u32 s26, $0x3;
	[tilespmem:s11+$0xFFFFFF70] =	vst v4;
	s1 =	sadd.s32 s2, s1  }
0x193: {  	[hbm4b:s1+s3] =	stream.linear.scatter [tilespmem:s15], [sflag:$0x5], $0x2000, $0x38;
	[tilespmem:$0x14600] =	vst v63  }
0x194: {  	s25 =	simm.s32 $0x180;
	s1 =	sadd.s32 s5, s23  }
0x195: {  	[tilespmem:s25], [sflag:$0x7] =	stream.linear.gather [hbm4b:s1+s3], $0x80, $0x38;
	[tilespmem:$0x14600] =	vst v63  }
0x196: {  	_ =	swait.ge [sflag:s14], $0x80  }
0x197: {  	[sflag:s14] =	ssyncset.done $0x0  }
0x198: {  	[sflag:s14] =	ssyncadd.s32 $0xFFFFFF80  }
0x199: {  	v4 =	vld [tilespmem:$0x180];
	_ =	sdelay $0x1  }
0x19a: {  	v5 =	vld [tilespmem:$0x190];
	_ =	sdelay $0x1  }
0x19b: {  	v6 =	vld [tilespmem:$0x1A0]  }
0x19c: {  	v7 =	vshrl.u32 v4, $0x1;
	v4 =	vshll.u32 v4, $0x6  }
0x19d: {  	[tilespmem:$0x380] =	vst v7;
	v4 =	vand.u32 $0x40, v4;
	v7 =	vld [tilespmem:$0x1B0]  }
0x19e: {  	[tilespmem:$0x580] =	vst v4;
	v4 =	vshrl.u32 v5, $0x1;
	v5 =	vshll.u32 v5, $0x6  }
0x19f: {  	[tilespmem:$0x390] =	vst v4;
	v4 =	vand.u32 $0x40, v5;
	v5 =	vld [tilespmem:$0x1C0]  }
0x1a0: {  	[tilespmem:$0x590] =	vst v4;
	v4 =	vshrl.u32 v6, $0x1;
	v6 =	vshll.u32 v6, $0x6  }
0x1a1: {  	[tilespmem:$0x3A0] =	vst v4;
	v4 =	vand.u32 $0x40, v6;
	v6 =	vld [tilespmem:$0x1D0]  }
0x1a2: {  	[tilespmem:$0x5A0] =	vst v4;
	v4 =	vshrl.u32 v7, $0x1;
	v7 =	vshll.u32 v7, $0x6  }
0x1a3: {  	[tilespmem:$0x3B0] =	vst v4;
	v4 =	vand.u32 $0x40, v7;
	v7 =	vld [tilespmem:$0x1E0]  }
0x1a4: {  	[tilespmem:$0x5B0] =	vst v4;
	v4 =	vshrl.u32 v5, $0x1;
	v5 =	vshll.u32 v5, $0x6  }
0x1a5: {  	[tilespmem:$0x3C0] =	vst v4;
	v4 =	vand.u32 $0x40, v5;
	v5 =	vld [tilespmem:$0x1F0]  }
0x1a6: {  	[tilespmem:$0x5C0] =	vst v4;
	v4 =	vshrl.u32 v6, $0x1;
	v6 =	vshll.u32 v6, $0x6  }
0x1a7: {  	[tilespmem:$0x3D0] =	vst v4;
	v4 =	vand.u32 $0x40, v6  }
0x1a8: {  	[tilespmem:$0x5D0] =	vst v4;
	v4 =	vshrl.u32 v7, $0x1;
	v6 =	vshll.u32 v7, $0x6  }
0x1a9: {  	[tilespmem:$0x3E0] =	vst v4;
	v4 =	vand.u32 $0x40, v6  }
0x1aa: {  	[tilespmem:$0x5E0] =	vst v4;
	v4 =	vshrl.u32 v5, $0x1;
	v5 =	vshll.u32 v5, $0x6  }
0x1ab: {  	[tilespmem:$0x3F0] =	vst v4;
	v4 =	vand.u32 $0x40, v5  }
0x1ac: {  	s9 =	simm.s32 $0x80;
	s10 =	simm.s32 $0x380;
	[tilespmem:$0x5F0] =	vst v4  }
0x1ad: {  	[tilespmem:s29], [sflag:$0x4] =	stream.indirect.gather [hbm4b:s7+s9], $0x80, s10, s9, $0xb8;
	[tilespmem:$0x14600] =	vst v63  }
0x1ae: {  	s11 =	simm.s32 $0x6;
	_ =	swait.ge [sflag:s30], $0x4000  }
0x1af: {  	s12 =	simm.s32 $0x0;
	v4 =	vmov s11;
	[sflag:s30] =	ssyncset.done $0x0  }
0x1b0: {  	s15 =	simm.s32 $0x2;
	s1 =	simm.s32 @!p0 $0x6;
	v5 =	vmov s12;
	[sflag:s30] =	ssyncadd.s32 $0xFFFFC000  }
0x1b1: {  	s23 =	simm.s32 $0x4;
	v6 =	vmov s15;
	_ =	swait.ge @!p0 [sflag:s1], $0x2000  }
0x1b2: {  	v7 =	vmov s23;
	s23 =	simm.s32 $0xE;
	[sflag:s1] =	ssyncset.done @!p0 $0x0  }
0x1b3: {  	v31 =	vmov s23;
	[sflag:s1] =	ssyncadd.s32 @!p0 $0xFFFFE000  }
0x1b4: {  	v8 =	vld.idx.msk [tilespmem:v4+s31+$0x0], $0xffff  }
0x1b5: {  	v9 =	vld.idx.msk [tilespmem:v5+s31+$0x0], $0xffff  }
0x1b6: {  	v10 =	vld.idx.msk [tilespmem:v6+s31+$0x0], $0xffff  }
0x1b7: {  	v11 =	vld.idx.msk [tilespmem:v7+s31+$0x0], $0xffff  }
0x1b8: {  	v35 =	vld.idx.msk [tilespmem:v31+s31+$0x0], $0xffff;
	_ =	sdelay $0x1  }
0x1b9: {  	v6 =	vshll.u32 v6, $0x7;
	v7 =	vshll.u32 v7, $0x7;
	v4 =	vshll.u32 v4, $0x7  }
0x1ba: {  	v5 =	vshll.u32 v5, $0x7;
	v31 =	vshll.u32 v31, $0x7;
	v12 =	vadd.s32 v0, v8  }
0x1bb: {  	v14 =	vadd.s32 v0, v9;
	v15 =	vadd.s32 v0, v10;
	v20 =	vadd.s32 v1, v11  }
0x1bc: {  	v41 =	vadd.s32 v0, v35;
	v13 =	vand.u32 $0xFFFFFF80, v12;
	v12 =	vand.u32 $0x7F, v12  }
0x1bd: {  	v16 =	vand.u32 $0xFFFFFF80, v14;
	v17 =	vand.u32 $0xFFFFFF80, v15;
	v13 =	vadd.s32 v4, v13  }
0x1be: {  	v15 =	vand.u32 $0x7F, v15;
	v17 =	vadd.s32 v6, v17;
	v12 =	vor.u32 v12, v13  }
0x1bf: {  	v14 =	vand.u32 $0x7F, v14;
	v13 =	vadd.s32 v0, v11;
	v15 =	vor.u32 v15, v17  }
0x1c0: {  	v22 =	vand.u32 $0xFFFFFF80, v20;
	v16 =	vadd.s32 v5, v16;
	v18 =	vand.u32 $0xFFFFFF80, v13  }
0x1c1: {  	v14 =	vor.u32 v14, v16;
	v13 =	vand.u32 $0x7F, v13;
	v18 =	vadd.s32 v7, v18  }
0x1c2: {  	v20 =	vand.u32 $0x7F, v20;
	v42 =	vand.u32 $0xFFFFFF80, v41;
	v13 =	vor.u32 v13, v18  }
0x1c3: {  	v41 =	vand.u32 $0x7F, v41;
	v22 =	vadd.s32 v7, v22;
	v16 =	vadd.s32 v1, v8;
	v12 =	vld.idx.msk [tilespmem:v12+s19+$0x0], $0xffff  }
0x1c4: {  	v17 =	vadd.s32 v1, v9;
	v19 =	vand.u32 $0xFFFFFF80, v16;
	v18 =	vadd.s32 v1, v10;
	v15 =	vld.idx.msk [tilespmem:v15+s19+$0x0], $0xffff  }
0x1c5: {  	v16 =	vand.u32 $0x7F, v16;
	v19 =	vadd.s32 v4, v19;
	v21 =	vand.u32 $0xFFFFFF80, v18  }
0x1c6: {  	v16 =	vor.u32 v16, v19;
	v18 =	vand.u32 $0x7F, v18;
	v21 =	vadd.s32 v6, v21;
	v14 =	vld.idx.msk [tilespmem:v14+s19+$0x0], $0xffff  }
0x1c7: {  	v42 =	vadd.s32 v31, v42;
	v19 =	vand.u32 $0xFFFFFF80, v17;
	v18 =	vor.u32 v18, v21;
	v13 =	vld.idx.msk [tilespmem:v13+s19+$0x0], $0xffff  }
0x1c8: {  	v17 =	vand.u32 $0x7F, v17;
	v19 =	vadd.s32 v5, v19;
	v12 =	vmul.f32 $8.000000000e+00, v12  }
0x1c9: {  	s9 =	simm.s32 $0x12700;
	v17 =	vor.u32 v17, v19;
	v19 =	vadd.s32 v2, v10;
	v15 =	vmul.f32 $8.000000000e+00, v15  }
0x1ca: {  	v20 =	vor.u32 v20, v22;
	v21 =	vadd.s32 v2, v8;
	v22 =	vand.u32 $0xFFFFFF80, v19;
	[tilespmem:s9+$0x80] =	vst v12  }
0x1cb: {  	v19 =	vand.u32 $0x7F, v19;
	v23 =	vand.u32 $0xFFFFFF80, v21;
	v14 =	vmul.f32 $8.000000000e+00, v14;
	[tilespmem:s9+$0xFFFFFF80] =	vst v15;
	v16 =	vld.idx.msk [tilespmem:v16+s19+$0x0], $0xffff  }
0x1cc: {  	v12 =	vadd.s32 v2, v9;
	v15 =	vand.u32 $0x7F, v21;
	v13 =	vmul.f32 $8.000000000e+00, v13;
	v18 =	vld.idx.msk [tilespmem:v18+s19+$0x0], $0xffff  }
0x1cd: {  	v21 =	vadd.s32 v4, v23;
	v23 =	vadd.s32 v2, v11;
	[tilespmem:s9+$0xFFFFFF00] =	vst v14;
	v24 =	vand.u32 $0xFFFFFF80, v12  }
0x1ce: {  	v12 =	vand.u32 $0x7F, v12;
	[tilespmem:s9+$0x0] =	vst v13;
	v13 =	vor.u32 v15, v21;
	v21 =	vadd.s32 v6, v22  }
0x1cf: {  	v17 =	vld.idx.msk [tilespmem:v17+s19+$0x0], $0xffff;
	v14 =	vadd.s32 v5, v24;
	v15 =	vand.u32 $0xFFFFFF80, v23;
	v19 =	vor.u32 v19, v21  }
0x1d0: {  	v22 =	vand.u32 $0x7F, v23;
	v20 =	vld.idx.msk [tilespmem:v20+s19+$0x0], $0xffff;
	v15 =	vadd.s32 v7, v15;
	v16 =	vmul.f32 $8.000000000e+00, v16  }
0x1d1: {  	v12 =	vor.u32 v12, v14;
	v14 =	vor.u32 v22, v15;
	v15 =	vmul.f32 $8.000000000e+00, v18  }
0x1d2: {  	s15 =	simm.s32 $0xA;
	v41 =	vor.u32 v41, v42;
	v10 =	vadd.s32 v3, v10;
	[tilespmem:s9+$0x90] =	vst v16  }
0x1d3: {  	v27 =	vmov s15;
	v8 =	vadd.s32 v3, v8;
	v9 =	vadd.s32 v3, v9;
	[tilespmem:s9+$0xFFFFFF90] =	vst v15;
	v13 =	vld.idx.msk [tilespmem:v13+s19+$0x0], $0xffff  }
0x1d4: {  	v11 =	vadd.s32 v3, v11;
	v18 =	vand.u32 $0xFFFFFF80, v8;
	v17 =	vmul.f32 $8.000000000e+00, v17;
	v15 =	vld.idx.msk [tilespmem:v19+s19+$0x0], $0xffff  }
0x1d5: {  	v8 =	vand.u32 $0x7F, v8;
	v4 =	vadd.s32 v4, v18;
	v16 =	vmul.f32 $8.000000000e+00, v20  }
0x1d6: {  	v18 =	vand.u32 $0xFFFFFF80, v11;
	v4 =	vor.u32 v8, v4;
	v8 =	vand.u32 $0xFFFFFF80, v9;
	[tilespmem:s9+$0xFFFFFF10] =	vst v17  }
0x1d7: {  	v12 =	vld.idx.msk [tilespmem:v12+s19+$0x0], $0xffff;
	v5 =	vadd.s32 v5, v8;
	v8 =	vand.u32 $0x7F, v9;
	[tilespmem:s9+$0x10] =	vst v16;
	v16 =	vand.u32 $0xFFFFFF80, v10  }
0x1d8: {  	v10 =	vand.u32 $0x7F, v10;
	v14 =	vld.idx.msk [tilespmem:v14+s19+$0x0], $0xffff;
	v6 =	vadd.s32 v6, v16;
	v13 =	vmul.f32 $8.000000000e+00, v13  }
0x1d9: {  	v38 =	vld.idx.msk [tilespmem:v27+s31+$0x0], $0xffff;
	v5 =	vor.u32 v8, v5;
	v6 =	vor.u32 v10, v6;
	v8 =	vmul.f32 $8.000000000e+00, v15  }
0x1da: {  	s25 =	simm.s32 $0x7;
	v7 =	vadd.s32 v7, v18;
	v10 =	vand.u32 $0x7F, v11;
	[tilespmem:s9+$0xA0] =	vst v13  }
0x1db: {  	v7 =	vor.u32 v10, v7;
	[tilespmem:s9+$0xFFFFFFA0] =	vst v8;
	v8 =	vmov s25;
	s25 =	simm.s32 $0xC  }
0x1dc: {  	v10 =	vmul.f32 $8.000000000e+00, v12;
	v4 =	vld.idx.msk [tilespmem:v4+s19+$0x0], $0xffff;
	v32 =	vmov s25  }
0x1dd: {  	v41 =	vld.idx.msk [tilespmem:v41+s19+$0x0], $0xffff;
	v9 =	vmul.f32 $8.000000000e+00, v14  }
0x1de: {  	v48 =	vadd.s32 v0, v38;
	v51 =	vadd.s32 v1, v38;
	[tilespmem:s9+$0xFFFFFF20] =	vst v10;
	v6 =	vld.idx.msk [tilespmem:v6+s19+$0x0], $0xffff  }
0x1df: {  	v26 =	vshll.u32 v27, $0x7;
	v53 =	vadd.s32 v1, v35;
	v57 =	vadd.s32 v2, v38;
	v5 =	vld.idx.msk [tilespmem:v5+s19+$0x0], $0xffff;
	[tilespmem:s9+$0x20] =	vst v9  }
0x1e0: {  	s4 =	simm.s32 $0x3;
	v47 =	vadd.s32 v2, v35;
	v38 =	vadd.s32 v3, v38;
	v35 =	vadd.s32 v3, v35;
	v7 =	vld.idx.msk [tilespmem:v7+s19+$0x0], $0xffff  }
0x1e1: {  	v21 =	vshll.u32 v32, $0x7;
	v9 =	vmov s4;
	v4 =	vmul.f32 $8.000000000e+00, v4;
	v32 =	vld.idx.msk [tilespmem:v32+s31+$0x0], $0xffff  }
0x1e2: {  	s10 =	simm.s32 $0x5;
	v44 =	vand.u32 $0xFFFFFF80, v48;
	v55 =	vand.u32 $0xFFFFFF80, v53;
	v62 =	vand.u32 $0x7F, v57  }
0x1e3: {  	s11 =	simm.s32 $0x1;
	v44 =	vadd.s32 v26, v44;
	v11 =	vmov s10;
	v6 =	vmul.f32 $8.000000000e+00, v6;
	[tilespmem:s9+$0xB0] =	vst v4  }
0x1e4: {  	v41 =	vmul.f32 $8.000000000e+00, v41;
	v29 =	vshll.u32 v8, $0x7;
	s4 =	simm.s32 $0x9;
	v4 =	vmov s11;
	v28 =	vld.idx.msk [tilespmem:v8+s31+$0x0], $0xffff  }
0x1e5: {  	v18 =	vmov s4;
	v5 =	vmul.f32 $8.000000000e+00, v5;
	v7 =	vmul.f32 $8.000000000e+00, v7;
	[tilespmem:s9+$0xFFFFFFB0] =	vst v6  }
0x1e6: {  	v6 =	vshll.u32 v9, $0x7;
	v10 =	vld.idx.msk [tilespmem:v9+s31+$0x0], $0xffff;
	v43 =	vadd.s32 v0, v32;
	v54 =	vadd.s32 v1, v32  }
0x1e7: {  	[tilespmem:s9+$0x30] =	vst v7;
	v59 =	vadd.s32 v2, v32;
	v32 =	vadd.s32 v3, v32;
	v45 =	vand.u32 $0xFFFFFF80, v43  }
0x1e8: {  	[tilespmem:s9+$0xFFFFFF30] =	vst v5;
	v12 =	vld.idx.msk [tilespmem:v11+s31+$0x0], $0xffff;
	v50 =	vand.u32 $0x7F, v43;
	v46 =	vand.u32 $0xFFFFFF80, v54;
	v60 =	vand.u32 $0xFFFFFF80, v59  }
0x1e9: {  	v13 =	vld.idx.msk [tilespmem:v4+s31+$0x0], $0xffff;
	v4 =	vshll.u32 v4, $0x7;
	v45 =	vadd.s32 v21, v45;
	v5 =	vadd.s32 v0, v28  }
0x1ea: {  	v46 =	vadd.s32 v21, v46;
	v7 =	vand.u32 $0xFFFFFF80, v5;
	v8 =	vand.u32 $0x7F, v5  }
0x1eb: {  	v5 =	vshll.u32 v11, $0x7;
	v16 =	vadd.s32 v1, v10;
	v7 =	vadd.s32 v29, v7  }
0x1ec: {  	v14 =	vadd.s32 v2, v10;
	v7 =	vor.u32 v8, v7;
	v8 =	vadd.s32 v0, v10  }
0x1ed: {  	v10 =	vadd.s32 v3, v10;
	v9 =	vand.u32 $0xFFFFFF80, v8;
	v11 =	vand.u32 $0x7F, v8  }
0x1ee: {  	v8 =	vadd.s32 v0, v12;
	v15 =	vadd.s32 v0, v13;
	v20 =	vadd.s32 v6, v9  }
0x1ef: {  	s12 =	simm.s32 $0x8;
	s10 =	simm.s32 $0xB;
	v9 =	vand.u32 $0xFFFFFF80, v8;
	v17 =	vand.u32 $0xFFFFFF80, v15;
	v23 =	vand.u32 $0x7F, v8  }
0x1f0: {  	v8 =	vmov s12;
	v19 =	vand.u32 $0x7F, v15;
	v15 =	vmov s10  }
0x1f1: {  	s11 =	simm.s32 $0xD;
	v24 =	vadd.s32 v5, v9;
	v25 =	vadd.s32 v4, v17;
	v30 =	vld.idx.msk [tilespmem:v7+s19+$0x0], $0xffff;
	v7 =	vadd.s32 v1, v28  }
0x1f2: {  	v22 =	vshll.u32 v8, $0x7;
	v17 =	vmov s11;
	v9 =	vand.u32 $0xFFFFFF80, v7  }
0x1f3: {  	v36 =	vor.u32 v11, v20;
	v7 =	vand.u32 $0x7F, v7;
	v9 =	vadd.s32 v29, v9  }
0x1f4: {  	s10 =	simm.s32 $0x12900;
	v20 =	vadd.s32 v1, v13;
	v11 =	vand.u32 $0xFFFFFF80, v16;
	v33 =	vor.u32 v7, v9  }
0x1f5: {  	[tilespmem:s10+$0x80] =	vst v41;
	v41 =	vand.u32 $0x7F, v59;
	v16 =	vand.u32 $0x7F, v16;
	v19 =	vor.u32 v19, v25  }
0x1f6: {  	v37 =	vor.u32 v23, v24;
	v23 =	vadd.s32 v1, v12;
	v30 =	vmul.f32 $8.000000000e+00, v30  }
0x1f7: {  	v24 =	vand.u32 $0xFFFFFF80, v20;
	v25 =	vadd.s32 v6, v11;
	v20 =	vand.u32 $0x7F, v20  }
0x1f8: {  	v11 =	vand.u32 $0xFFFFFF80, v23;
	v24 =	vadd.s32 v4, v24;
	v23 =	vand.u32 $0x7F, v23;
	[tilespmem:s9+$0xC0] =	vst v30  }
0x1f9: {  	v25 =	vor.u32 v16, v25;
	v27 =	vadd.s32 v5, v11;
	v11 =	vadd.s32 v2, v28;
	v30 =	vld.idx.msk [tilespmem:v33+s19+$0x0], $0xffff  }
0x1fa: {  	v16 =	vand.u32 $0xFFFFFF80, v14;
	v14 =	vand.u32 $0x7F, v14;
	v34 =	vld.idx.msk [tilespmem:v8+s31+$0x0], $0xffff;
	v40 =	vand.u32 $0xFFFFFF80, v11  }
0x1fb: {  	v28 =	vadd.s32 v3, v28;
	v11 =	vand.u32 $0x7F, v11;
	v40 =	vadd.s32 v29, v40  }
0x1fc: {  	v20 =	vor.u32 v20, v24;
	v11 =	vor.u32 v11, v40;
	v40 =	vand.u32 $0x7F, v48  }
0x1fd: {  	v16 =	vadd.s32 v6, v16;
	v8 =	vshll.u32 v17, $0x7;
	v40 =	vor.u32 v40, v44  }
0x1fe: {  	v52 =	vand.u32 $0xFFFFFF80, v28;
	v44 =	vand.u32 $0x7F, v53;
	v30 =	vmul.f32 $8.000000000e+00, v30  }
0x1ff: {  	v63 =	vadd.s32 v0, v34;
	v33 =	vor.u32 v50, v45;
	v45 =	vadd.s32 v31, v55  }
0x200: {  	v28 =	vand.u32 $0x7F, v28;
	v49 =	vand.u32 $0xFFFFFF80, v63;
	v44 =	vor.u32 v44, v45;
	[tilespmem:s9+$0xD0] =	vst v30  }
0x201: {  	v23 =	vor.u32 v23, v27;
	v42 =	vadd.s32 v22, v49;
	v30 =	vand.u32 $0x7F, v63;
	v11 =	vld.idx.msk [tilespmem:v11+s19+$0x0], $0xffff  }
0x202: {  	v7 =	vshll.u32 v18, $0x7;
	v29 =	vadd.s32 v29, v52;
	v40 =	vld.idx.msk [tilespmem:v40+s19+$0x0], $0xffff;
	v30 =	vor.u32 v30, v42  }
0x203: {  	v9 =	vshll.u32 v15, $0x7;
	v28 =	vor.u32 v28, v29;
	v29 =	vand.u32 $0xFFFFFF80, v51  }
0x204: {  	v24 =	vld.idx.msk [tilespmem:v19+s19+$0x0], $0xffff;
	v19 =	vadd.s32 v2, v12;
	v29 =	vadd.s32 v26, v29;
	v42 =	vand.u32 $0x7F, v51  }
0x205: {  	v12 =	vadd.s32 v3, v12;
	v39 =	vadd.s32 v1, v34;
	v44 =	vld.idx.msk [tilespmem:v44+s19+$0x0], $0xffff;
	v29 =	vor.u32 v42, v29  }
0x206: {  	v58 =	vadd.s32 v2, v34;
	v49 =	vand.u32 $0xFFFFFF80, v47;
	v33 =	vld.idx.msk [tilespmem:v33+s19+$0x0], $0xffff;
	v11 =	vmul.f32 $8.000000000e+00, v11  }
0x207: {  	v47 =	vand.u32 $0x7F, v47;
	v49 =	vadd.s32 v31, v49;
	v40 =	vmul.f32 $8.000000000e+00, v40;
	v30 =	vld.idx.msk [tilespmem:v30+s19+$0x0], $0xffff  }
0x208: {  	v56 =	vand.u32 $0xFFFFFF80, v39;
	v61 =	vor.u32 v47, v49;
	[tilespmem:s9+$0xE0] =	vst v11;
	v11 =	vand.u32 $0x7F, v54  }
0x209: {  	v37 =	vld.idx.msk [tilespmem:v37+s19+$0x0], $0xffff;
	v39 =	vand.u32 $0x7F, v39;
	v45 =	vadd.s32 v22, v56;
	[tilespmem:s10+$0xFFFFFF80] =	vst v40;
	v43 =	vor.u32 v11, v46  }
0x20a: {  	v39 =	vor.u32 v39, v45;
	v63 =	vadd.s32 v21, v60;
	v47 =	vmul.f32 $8.000000000e+00, v44;
	v29 =	vld.idx.msk [tilespmem:v29+s19+$0x0], $0xffff  }
0x20b: {  	s25 =	simm.s32 $0x16;
	v41 =	vor.u32 v41, v63;
	v33 =	vmul.f32 $8.000000000e+00, v33;
	v28 =	vld.idx.msk [tilespmem:v28+s19+$0x0], $0xffff;
	v11 =	vand.u32 $0xFFFFFF80, v57  }
0x20c: {  	v63 =	vmov s25;
	[tilespmem:s10+$0x90] =	vst v47;
	v50 =	vadd.s32 v26, v11;
	v30 =	vmul.f32 $8.000000000e+00, v30  }
0x20d: {  	v52 =	vand.u32 $0x7F, v38;
	v34 =	vadd.s32 v3, v34;
	[tilespmem:s10+$0x0] =	vst v33;
	v40 =	vld.idx.msk [tilespmem:v61+s19+$0x0], $0xffff;
	v33 =	vor.u32 v62, v50  }
0x20e: {  	v48 =	vand.u32 $0xFFFFFF80, v58;
	v55 =	vmul.f32 $8.000000000e+00, v37;
	v56 =	vadd.s32 v2, v13;
	[tilespmem:s10+$0xFFFFFF00] =	vst v30;
	v30 =	vld.idx.msk [tilespmem:v43+s19+$0x0], $0xffff  }
0x20f: {  	v24 =	vmul.f32 $8.000000000e+00, v24;
	v45 =	vand.u32 $0x7F, v58;
	v29 =	vmul.f32 $8.000000000e+00, v29;
	v39 =	vld.idx.msk [tilespmem:v39+s19+$0x0], $0xffff  }
0x210: {  	v51 =	vand.u32 $0xFFFFFF80, v35;
	v11 =	vmul.f32 $8.000000000e+00, v28;
	v28 =	vadd.s32 v22, v48  }
0x211: {  	v35 =	vand.u32 $0x7F, v35;
	v31 =	vadd.s32 v31, v51;
	[tilespmem:s10+$0xFFFFFF90] =	vst v29;
	v28 =	vor.u32 v45, v28;
	v45 =	vld.idx.msk [tilespmem:v63+s31+$0x0], $0xffff  }
0x212: {  	v13 =	vadd.s32 v3, v13;
	v54 =	vmul.f32 $8.000000000e+00, v40;
	v29 =	vor.u32 v35, v31;
	v31 =	vld.idx.msk [tilespmem:v33+s19+$0x0], $0xffff  }
0x213: {  	v58 =	vand.u32 $0xFFFFFF80, v19;
	v49 =	vand.u32 $0xFFFFFF80, v38;
	[tilespmem:s9+$0xFFFFFF40] =	vst v24;
	v30 =	vmul.f32 $8.000000000e+00, v30  }
0x214: {  	v24 =	vand.u32 $0xFFFFFF80, v13;
	v26 =	vadd.s32 v26, v49;
	[tilespmem:s10+$0xA0] =	vst v54;
	v39 =	vmul.f32 $8.000000000e+00, v39  }
0x215: {  	s11 =	simm.s32 $0x14;
	v36 =	vld.idx.msk [tilespmem:v36+s19+$0x0], $0xffff;
	v50 =	vand.u32 $0xFFFFFF80, v32;
	v26 =	vor.u32 v52, v26;
	v32 =	vand.u32 $0x7F, v32;
	[tilespmem:s10+$0x10] =	vst v30  }
0x216: {  	v21 =	vadd.s32 v21, v50;
	v54 =	vmov s11;
	v51 =	vadd.s32 v0, v45;
	[tilespmem:s10+$0xFFFFFF10] =	vst v39;
	v53 =	vld.idx.msk [tilespmem:v41+s19+$0x0], $0xffff  }
0x217: {  	[tilespmem:s9+$0x40] =	vst v55;
	v27 =	vmul.f32 $8.000000000e+00, v31;
	v52 =	vand.u32 $0xFFFFFF80, v51;
	v28 =	vld.idx.msk [tilespmem:v28+s19+$0x0], $0xffff;
	v41 =	vshll.u32 v63, $0x7  }
0x218: {  	v23 =	vld.idx.msk [tilespmem:v23+s19+$0x0], $0xffff;
	v48 =	vand.u32 $0xFFFFFF80, v34;
	v51 =	vand.u32 $0x7F, v51;
	v52 =	vadd.s32 v41, v52  }
0x219: {  	v22 =	vadd.s32 v22, v48;
	v29 =	vld.idx.msk [tilespmem:v29+s19+$0x0], $0xffff;
	v30 =	vand.u32 $0x7F, v34;
	[tilespmem:s10+$0xFFFFFFA0] =	vst v27;
	v51 =	vor.u32 v51, v52  }
0x21a: {  	s12 =	simm.s32 $0xF;
	v21 =	vor.u32 v32, v21;
	v22 =	vor.u32 v30, v22;
	v30 =	vmul.f32 $8.000000000e+00, v36;
	v26 =	vld.idx.msk [tilespmem:v26+s19+$0x0], $0xffff  }
0x21b: {  	s23 =	simm.s32 $0x12;
	v13 =	vand.u32 $0x7F, v13;
	v57 =	vmov s12;
	v42 =	vld.idx.msk [tilespmem:v54+s31+$0x0], $0xffff;
	v31 =	vmul.f32 $8.000000000e+00, v53  }
0x21c: {  	v20 =	vld.idx.msk [tilespmem:v20+s19+$0x0], $0xffff;
	v37 =	vshll.u32 v57, $0x7;
	v62 =	vmov s23;
	[tilespmem:s9+$0xFFFFFFC0] =	vst v30;
	v28 =	vmul.f32 $8.000000000e+00, v28  }
0x21d: {  	v35 =	vshll.u32 v54, $0x7;
	v34 =	vshll.u32 v62, $0x7;
	v27 =	vand.u32 $0xFFFFFF80, v56;
	v25 =	vld.idx.msk [tilespmem:v25+s19+$0x0], $0xffff;
	[tilespmem:s10+$0x20] =	vst v31  }
0x21e: {  	v27 =	vadd.s32 v4, v27;
	v30 =	vand.u32 $0x7F, v19;
	[tilespmem:s10+$0xFFFFFF20] =	vst v28;
	v28 =	vmul.f32 $8.000000000e+00, v29;
	v51 =	vld.idx.msk [tilespmem:v51+s19+$0x0], $0xffff  }
0x21f: {  	v19 =	vor.u32 v14, v16;
	v4 =	vadd.s32 v4, v24;
	v26 =	vmul.f32 $8.000000000e+00, v26;
	v21 =	vld.idx.msk [tilespmem:v21+s19+$0x0], $0xffff  }
0x220: {  	v53 =	vadd.s32 v0, v42;
	v31 =	vadd.s32 v5, v58;
	v29 =	vand.u32 $0x7F, v56;
	v22 =	vld.idx.msk [tilespmem:v22+s19+$0x0], $0xffff;
	[tilespmem:s10+$0xB0] =	vst v28  }
0x221: {  	v24 =	vand.u32 $0x7F, v12;
	v16 =	vor.u32 v30, v31;
	v14 =	vor.u32 v29, v27;
	[tilespmem:s10+$0xFFFFFFB0] =	vst v26;
	v36 =	vld.idx.msk [tilespmem:v57+s31+$0x0], $0xffff  }
0x222: {  	v27 =	vand.u32 $0xFFFFFF80, v10;
	v10 =	vand.u32 $0x7F, v10;
	v25 =	vmul.f32 $8.000000000e+00, v25;
	v15 =	vld.idx.msk [tilespmem:v15+s31+$0x0], $0xffff  }
0x223: {  	v28 =	vand.u32 $0xFFFFFF80, v12;
	v6 =	vadd.s32 v6, v27;
	v26 =	vmul.f32 $8.000000000e+00, v23  }
0x224: {  	v5 =	vadd.s32 v5, v28;
	v12 =	vor.u32 v10, v6;
	[tilespmem:s9+$0xFFFFFFD0] =	vst v25;
	v21 =	vmul.f32 $8.000000000e+00, v21  }
0x225: {  	v10 =	vor.u32 v13, v4;
	v13 =	vor.u32 v24, v5;
	[tilespmem:s9+$0x50] =	vst v26;
	v19 =	vld.idx.msk [tilespmem:v19+s19+$0x0], $0xffff;
	v22 =	vmul.f32 $8.000000000e+00, v22  }
0x226: {  	v24 =	vmul.f32 $8.000000000e+00, v20;
	v51 =	vmul.f32 $8.000000000e+00, v51;
	v16 =	vld.idx.msk [tilespmem:v16+s19+$0x0], $0xffff;
	[tilespmem:s10+$0x30] =	vst v21;
	v6 =	vadd.s32 v0, v36  }
0x227: {  	[tilespmem:s10+$0xFFFFFF30] =	vst v22;
	v5 =	vadd.s32 v0, v15;
	v27 =	vadd.s32 v1, v15;
	v17 =	vld.idx.msk [tilespmem:v17+s31+$0x0], $0xffff;
	v4 =	vand.u32 $0xFFFFFF80, v6  }
0x228: {  	v20 =	vadd.s32 v2, v15;
	v18 =	vld.idx.msk [tilespmem:v18+s31+$0x0], $0xffff;
	v6 =	vand.u32 $0x7F, v6;
	v4 =	vadd.s32 v37, v4  }
0x229: {  	v58 =	vadd.s32 v2, v36;
	v4 =	vor.u32 v6, v4;
	v6 =	vand.u32 $0xFFFFFF80, v5  }
0x22a: {  	v15 =	vadd.s32 v3, v15;
	v28 =	vand.u32 $0x7F, v5;
	v29 =	vadd.s32 v9, v6  }
0x22b: {  	v19 =	vmul.f32 $8.000000000e+00, v19;
	v16 =	vmul.f32 $8.000000000e+00, v16;
	v46 =	vor.u32 v28, v29  }
0x22c: {  	v28 =	vand.u32 $0xFFFFFF80, v27;
	v27 =	vand.u32 $0x7F, v27;
	v5 =	vadd.s32 v0, v17  }
0x22d: {  	s15 =	simm.s32 $0x10;
	v21 =	vadd.s32 v0, v18;
	v29 =	vadd.s32 v1, v18;
	v6 =	vand.u32 $0xFFFFFF80, v5  }
0x22e: {  	s12 =	simm.s32 $0x11;
	v22 =	vand.u32 $0xFFFFFF80, v21;
	v30 =	vand.u32 $0x7F, v5;
	v5 =	vmov s15  }
0x22f: {  	v59 =	vand.u32 $0x7F, v21;
	v21 =	vmov s12;
	v56 =	vand.u32 $0xFFFFFF80, v29  }
0x230: {  	s15 =	simm.s32 $0x13;
	v26 =	vand.u32 $0x7F, v29;
	v31 =	vadd.s32 v8, v6;
	v60 =	vadd.s32 v7, v22  }
0x231: {  	s23 =	simm.s32 $0x15;
	v61 =	vld.idx.msk [tilespmem:v4+s19+$0x0], $0xffff;
	v4 =	vadd.s32 v1, v36;
	v33 =	vshll.u32 v5, $0x7;
	v23 =	vmov s15  }
0x232: {  	v22 =	vmov s23;
	v36 =	vadd.s32 v3, v36;
	v6 =	vand.u32 $0xFFFFFF80, v4  }
0x233: {  	v4 =	vand.u32 $0x7F, v4;
	v38 =	vor.u32 v59, v60;
	v47 =	vor.u32 v30, v31  }
0x234: {  	v40 =	vld.idx.msk [tilespmem:v62+s31+$0x0], $0xffff;
	v30 =	vadd.s32 v1, v17;
	v31 =	vadd.s32 v9, v28;
	v6 =	vadd.s32 v37, v6  }
0x235: {  	v28 =	vadd.s32 v7, v56;
	v60 =	vand.u32 $0xFFFFFF80, v58;
	v55 =	vor.u32 v4, v6  }
0x236: {  	v57 =	vand.u32 $0xFFFFFF80, v30;
	v50 =	vadd.s32 v37, v60;
	v60 =	vadd.s32 v1, v42  }
0x237: {  	v29 =	vand.u32 $0x7F, v30;
	v27 =	vor.u32 v27, v31;
	v39 =	vmul.f32 $8.000000000e+00, v61  }
0x238: {  	v30 =	vand.u32 $0xFFFFFF80, v20;
	v26 =	vor.u32 v26, v28;
	v28 =	vadd.s32 v2, v17  }
0x239: {  	v20 =	vand.u32 $0x7F, v20;
	v17 =	vadd.s32 v3, v17;
	v44 =	vld.idx.msk [tilespmem:v5+s31+$0x0], $0xffff;
	v61 =	vadd.s32 v0, v40;
	[tilespmem:s10+$0xC0] =	vst v39  }
0x23a: {  	v4 =	vshll.u32 v21, $0x7;
	v32 =	vadd.s32 v8, v57;
	v54 =	vand.u32 $0xFFFFFF80, v61;
	v43 =	vld.idx.msk [tilespmem:v55+s19+$0x0], $0xffff  }
0x23b: {  	v57 =	vand.u32 $0x7F, v53;
	v56 =	vand.u32 $0x7F, v61;
	v54 =	vadd.s32 v34, v54  }
0x23c: {  	v39 =	vand.u32 $0x7F, v58;
	v58 =	vand.u32 $0xFFFFFF80, v36;
	v48 =	vor.u32 v56, v54  }
0x23d: {  	v36 =	vand.u32 $0x7F, v36;
	v39 =	vor.u32 v39, v50;
	v55 =	vand.u32 $0xFFFFFF80, v53  }
0x23e: {  	v37 =	vadd.s32 v37, v58;
	v59 =	vadd.s32 v0, v44;
	v55 =	vadd.s32 v35, v55  }
0x23f: {  	v62 =	vand.u32 $0xFFFFFF80, v59;
	v50 =	vor.u32 v57, v55;
	v43 =	vmul.f32 $8.000000000e+00, v43  }
0x240: {  	v63 =	vand.u32 $0x7F, v59;
	v59 =	vadd.s32 v1, v45;
	v52 =	vadd.s32 v33, v62  }
0x241: {  	v56 =	vand.u32 $0xFFFFFF80, v60;
	v61 =	vand.u32 $0xFFFFFF80, v59;
	v48 =	vld.idx.msk [tilespmem:v48+s19+$0x0], $0xffff;
	[tilespmem:s10+$0xD0] =	vst v43;
	v43 =	vor.u32 v63, v52  }
0x242: {  	v54 =	vand.u32 $0x7F, v59;
	v55 =	vadd.s32 v41, v61;
	v52 =	vadd.s32 v1, v40;
	v39 =	vld.idx.msk [tilespmem:v39+s19+$0x0], $0xffff  }
0x243: {  	v49 =	vadd.s32 v1, v44;
	v54 =	vor.u32 v54, v55;
	v62 =	vand.u32 $0xFFFFFF80, v52  }
0x244: {  	s11 =	simm.s32 $0x12B00;
	v36 =	vor.u32 v36, v37;
	v50 =	vld.idx.msk [tilespmem:v50+s19+$0x0], $0xffff;
	v52 =	vand.u32 $0x7F, v52;
	v37 =	vadd.s32 v34, v62  }
0x245: {  	[tilespmem:s11+$0x80] =	vst v51;
	v56 =	vadd.s32 v35, v56;
	v51 =	vadd.s32 v2, v44;
	v37 =	vor.u32 v52, v37  }
0x246: {  	v58 =	vand.u32 $0x7F, v49;
	v59 =	vand.u32 $0x7F, v60;
	v48 =	vmul.f32 $8.000000000e+00, v48;
	v43 =	vld.idx.msk [tilespmem:v43+s19+$0x0], $0xffff  }
0x247: {  	v63 =	vand.u32 $0xFFFFFF80, v49;
	v49 =	vor.u32 v59, v56;
	v39 =	vmul.f32 $8.000000000e+00, v39  }
0x248: {  	v6 =	vshll.u32 v22, $0x7;
	v55 =	vadd.s32 v33, v63;
	v62 =	vadd.s32 v2, v45;
	v54 =	vld.idx.msk [tilespmem:v54+s19+$0x0], $0xffff;
	[tilespmem:s11+$0xFFFFFF80] =	vst v48  }
0x249: {  	v57 =	vand.u32 $0xFFFFFF80, v62;
	v50 =	vmul.f32 $8.000000000e+00, v50;
	[tilespmem:s10+$0xE0] =	vst v39;
	v39 =	vor.u32 v58, v55  }
0x24a: {  	v60 =	vadd.s32 v2, v40;
	v57 =	vadd.s32 v41, v57;
	v55 =	vand.u32 $0x7F, v62;
	v37 =	vld.idx.msk [tilespmem:v37+s19+$0x0], $0xffff  }
0x24b: {  	v61 =	vand.u32 $0xFFFFFF80, v60;
	[tilespmem:s11+$0x0] =	vst v50;
	v55 =	vor.u32 v55, v57;
	v43 =	vmul.f32 $8.000000000e+00, v43  }
0x24c: {  	v56 =	vadd.s32 v2, v42;
	v52 =	vand.u32 $0x7F, v60;
	v48 =	vadd.s32 v34, v61;
	v61 =	vld.idx.msk [tilespmem:v49+s19+$0x0], $0xffff  }
0x24d: {  	v63 =	vand.u32 $0xFFFFFF80, v51;
	v48 =	vor.u32 v52, v48;
	v54 =	vmul.f32 $8.000000000e+00, v54;
	[tilespmem:s11+$0xFFFFFF00] =	vst v43  }
0x24e: {  	v30 =	vadd.s32 v9, v30;
	v59 =	vadd.s32 v33, v63;
	v58 =	vand.u32 $0xFFFFFF80, v56;
	v39 =	vld.idx.msk [tilespmem:v39+s19+$0x0], $0xffff  }
0x24f: {  	v63 =	vand.u32 $0x7F, v56;
	v60 =	vadd.s32 v35, v58;
	[tilespmem:s11+$0x90] =	vst v54;
	v37 =	vmul.f32 $8.000000000e+00, v37  }
0x250: {  	[tilespmem:s9+$0xF0] =	vst v11;
	v45 =	vadd.s32 v3, v45;
	v62 =	vand.u32 $0x7F, v51;
	v57 =	vor.u32 v63, v60;
	v54 =	vld.idx.msk [tilespmem:v55+s19+$0x0], $0xffff  }
0x251: {  	v11 =	vld.idx.msk [tilespmem:v38+s19+$0x0], $0xffff;
	v49 =	vor.u32 v62, v59;
	v43 =	vmul.f32 $8.000000000e+00, v61;
	v61 =	vand.u32 $0xFFFFFF80, v45;
	[tilespmem:s11+$0xFFFFFF90] =	vst v37  }
0x252: {  	[tilespmem:s9+$0xFFFFFF50] =	vst v24;
	v40 =	vadd.s32 v3, v40;
	v63 =	vand.u32 $0x7F, v45;
	v41 =	vadd.s32 v41, v61;
	v48 =	vld.idx.msk [tilespmem:v48+s19+$0x0], $0xffff  }
0x253: {  	v14 =	vld.idx.msk [tilespmem:v14+s19+$0x0], $0xffff;
	v59 =	vand.u32 $0xFFFFFF80, v40;
	v62 =	vmul.f32 $8.000000000e+00, v39;
	v39 =	vor.u32 v63, v41  }
0x254: {  	v46 =	vld.idx.msk [tilespmem:v46+s19+$0x0], $0xffff;
	v44 =	vadd.s32 v3, v44;
	v34 =	vadd.s32 v34, v59;
	v45 =	vand.u32 $0x7F, v40;
	[tilespmem:s11+$0x10] =	vst v43  }
0x255: {  	v42 =	vadd.s32 v3, v42;
	v34 =	vor.u32 v45, v34;
	v53 =	vld.idx.msk [tilespmem:v57+s19+$0x0], $0xffff;
	v54 =	vmul.f32 $8.000000000e+00, v54;
	[tilespmem:s11+$0xFFFFFF10] =	vst v62  }
0x256: {  	v11 =	vmul.f32 $8.000000000e+00, v11;
	v52 =	vand.u32 $0x7F, v42;
	v60 =	vand.u32 $0xFFFFFF80, v42;
	v25 =	vld.idx.msk [tilespmem:v49+s19+$0x0], $0xffff  }
0x257: {  	v47 =	vld.idx.msk [tilespmem:v47+s19+$0x0], $0xffff;
	v58 =	vand.u32 $0xFFFFFF80, v44;
	v35 =	vadd.s32 v35, v60;
	[tilespmem:s11+$0xA0] =	vst v54;
	v31 =	vmul.f32 $8.000000000e+00, v48  }
0x258: {  	v51 =	vand.u32 $0x7F, v44;
	v33 =	vadd.s32 v33, v58;
	v35 =	vor.u32 v52, v35;
	v24 =	vld.idx.msk [tilespmem:v39+s19+$0x0], $0xffff  }
0x259: {  	v5 =	vshll.u32 v23, $0x7;
	v36 =	vld.idx.msk [tilespmem:v36+s19+$0x0], $0xffff;
	v33 =	vor.u32 v51, v33;
	v55 =	vmul.f32 $8.000000000e+00, v46;
	[tilespmem:s11+$0xFFFFFFA0] =	vst v31  }
0x25a: {  	s25 =	simm.s32 $0x17;
	v29 =	vor.u32 v29, v32;
	v30 =	vor.u32 v20, v30;
	[tilespmem:s10+$0xFFFFFF40] =	vst v11;
	v57 =	vmul.f32 $8.000000000e+00, v53;
	v34 =	vld.idx.msk [tilespmem:v34+s19+$0x0], $0xffff  }
0x25b: {  	v11 =	vand.u32 $0xFFFFFF80, v15;
	v60 =	vmov s25;
	[tilespmem:s10+$0xFFFFFFC0] =	vst v55;
	v25 =	vmul.f32 $8.000000000e+00, v25  }
0x25c: {  	v9 =	vadd.s32 v9, v11;
	v56 =	vmul.f32 $8.000000000e+00, v47;
	v58 =	vadd.s32 v2, v18;
	v27 =	vld.idx.msk [tilespmem:v27+s19+$0x0], $0xffff;
	[tilespmem:s11+$0x20] =	vst v57  }
0x25d: {  	v59 =	vand.u32 $0xFFFFFF80, v28;
	v28 =	vand.u32 $0x7F, v28;
	[tilespmem:s11+$0xFFFFFF20] =	vst v25;
	v25 =	vld.idx.msk [tilespmem:v35+s19+$0x0], $0xffff;
	v24 =	vmul.f32 $8.000000000e+00, v24  }
0x25e: {  	[tilespmem:s9+$0x60] =	vst v16;
	v18 =	vadd.s32 v3, v18;
	v38 =	vadd.s32 v8, v59;
	v36 =	vmul.f32 $8.000000000e+00, v36;
	v33 =	vld.idx.msk [tilespmem:v33+s19+$0x0], $0xffff  }
0x25f: {  	v28 =	vor.u32 v28, v38;
	v63 =	vld.idx.msk [tilespmem:v26+s19+$0x0], $0xffff;
	v62 =	vmul.f32 $8.000000000e+00, v14;
	v14 =	vmul.f32 $8.000000000e+00, v34;
	[tilespmem:s11+$0xB0] =	vst v24  }
0x260: {  	[tilespmem:s10+$0x40] =	vst v56;
	v61 =	vand.u32 $0x7F, v58;
	v26 =	vand.u32 $0xFFFFFF80, v18;
	v31 =	vand.u32 $0xFFFFFF80, v58;
	v20 =	vld.idx.msk [tilespmem:v60+s31+$0x0], $0xffff  }
0x261: {  	v16 =	vmul.f32 $8.000000000e+00, v27;
	v31 =	vadd.s32 v7, v31;
	v7 =	vadd.s32 v7, v26;
	v24 =	vld.idx.msk [tilespmem:v29+s19+$0x0], $0xffff;
	[tilespmem:s11+$0xFFFFFFB0] =	vst v14  }
0x262: {  	[tilespmem:s9+$0xFFFFFFE0] =	vst v19;
	v26 =	vshll.u32 v60, $0x7;
	v29 =	vand.u32 $0xFFFFFF80, v17;
	v11 =	vld.idx.msk [tilespmem:v23+s31+$0x0], $0xffff;
	v19 =	vmul.f32 $8.000000000e+00, v25  }
0x263: {  	v25 =	vadd.s32 v8, v29;
	v29 =	vld.idx.msk [tilespmem:v12+s19+$0x0], $0xffff;
	v8 =	vand.u32 $0x7F, v15;
	v12 =	vmul.f32 $8.000000000e+00, v33  }
0x264: {  	v31 =	vor.u32 v61, v31;
	v15 =	vld.idx.msk [tilespmem:v13+s19+$0x0], $0xffff;
	v13 =	vand.u32 $0x7F, v18;
	v8 =	vor.u32 v8, v9;
	[tilespmem:s11+$0x30] =	vst v19  }
0x265: {  	v14 =	vand.u32 $0x7F, v17;
	v7 =	vor.u32 v13, v7;
	[tilespmem:s11+$0xFFFFFF30] =	vst v12;
	v12 =	vld.idx.msk [tilespmem:v22+s31+$0x0], $0xffff;
	v18 =	vadd.s32 v0, v20  }
0x266: {  	[tilespmem:s9+$0xFFFFFF60] =	vst v62;
	v9 =	vor.u32 v14, v25;
	v17 =	vmul.f32 $8.000000000e+00, v24;
	v13 =	vld.idx.msk [tilespmem:v21+s31+$0x0], $0xffff;
	v14 =	vand.u32 $0xFFFFFF80, v18  }
0x267: {  	[tilespmem:s10+$0xFFFFFFD0] =	vst v16;
	v21 =	vmul.f32 $8.000000000e+00, v63;
	v16 =	vand.u32 $0x7F, v18;
	v18 =	vadd.s32 v26, v14  }
0x268: {  	[tilespmem:s10+$0x50] =	vst v17;
	v17 =	vadd.s32 v2, v11;
	v22 =	vmul.f32 $8.000000000e+00, v29;
	v19 =	vor.u32 v16, v18  }
0x269: {  	[tilespmem:s10+$0xF0] =	vst v36;
	v10 =	vld.idx.msk [tilespmem:v10+s19+$0x0], $0xffff;
	v23 =	vmul.f32 $8.000000000e+00, v15;
	v15 =	vadd.s32 v0, v11;
	v18 =	vadd.s32 v1, v11  }
0x26a: {  	v14 =	vld.idx.msk [tilespmem:v30+s19+$0x0], $0xffff;
	[tilespmem:s10+$0xFFFFFF50] =	vst v21;
	v24 =	vand.u32 $0xFFFFFF80, v15;
	v27 =	vand.u32 $0x7F, v15;
	v25 =	vadd.s32 v0, v12  }
0x26b: {  	v16 =	vld.idx.msk [tilespmem:v28+s19+$0x0], $0xffff;
	[tilespmem:s9+$0xFFFFFFF0] =	vst v22;
	v28 =	vadd.s32 v5, v24;
	v21 =	vadd.s32 v0, v13;
	v24 =	vand.u32 $0xFFFFFF80, v25  }
0x26c: {  	s4 =	simm.s32 $0x18;
	s12 =	simm.s32 $0x8;
	v15 =	vld.idx.msk [tilespmem:v31+s19+$0x0], $0xffff;
	[tilespmem:s9+$0x70] =	vst v23;
	v29 =	vand.u32 $0x7F, v25;
	v22 =	vand.u32 $0xFFFFFF80, v21;
	v30 =	vadd.s32 v6, v24  }
.LBB2_5:
0x26d: {  	v23 =	vmov s4;
	s1 =	sadd.s32 $0x2, s4;
	s15 =	sadd.s32 $0x6, s4;
	s12 =	sadd.s32 $0x4, s12;
	v33 =	vand.u32 $0x7F, v21;
	v35 =	vadd.s32 v4, v22;
	v37 =	vld.idx.msk [tilespmem:v19+s19+$0x0], $0xffff  }
0x26e: {  	s23 =	sadd.s32 $0x1, s4;
	v19 =	vadd.s32 v1, v20;
	v39 =	vmov s1;
	s1 =	sadd.s32 $0x4, s4;
	v42 =	vmov s15;
	p0 =	slt.u32 s12, $0x3C  }
0x26f: {  	s25 =	smov.u32 s11;
	s15 =	sadd.s32 $0x3, s4;
	v21 =	vand.u32 $0xFFFFFF80, v19;
	v32 =	vshll.u32 v39, $0x7;
	v41 =	vmov s1;
	s1 =	sadd.s32 $0x5, s4  }
0x270: {  	v22 =	vand.u32 $0x7F, v19;
	v21 =	vadd.s32 v26, v21;
	v34 =	vshll.u32 v41, $0x7  }
0x271: {  	v31 =	vshll.u32 v23, $0x7;
	v19 =	vmov s23;
	v43 =	vor.u32 v22, v21  }
0x272: {  	v22 =	vmov s15;
	v21 =	vmov s1;
	v38 =	vld.idx.msk [tilespmem:v23+s31+$0x0], $0xffff;
	v23 =	vshll.u32 v19, $0x7  }
0x273: {  	v25 =	vshll.u32 v22, $0x7;
	v24 =	vshll.u32 v21, $0x7;
	v37 =	vmul.f32 $8.000000000e+00, v37;
	v36 =	vld.idx.msk [tilespmem:v42+s31+$0x0], $0xffff  }
0x274: {  	v44 =	vor.u32 v29, v30;
	v40 =	vld.idx.msk [tilespmem:v39+s31+$0x0], $0xffff;
	v39 =	vor.u32 v33, v35;
	v35 =	vor.u32 v27, v28  }
0x275: {  	v30 =	vadd.s32 v1, v12;
	v27 =	vadd.s32 v1, v13;
	v28 =	vand.u32 $0xFFFFFF80, v18;
	v41 =	vld.idx.msk [tilespmem:v41+s31+$0x0], $0xffff;
	[tilespmem:s11+$0xC0] =	vst v37  }
0x276: {  	v33 =	vand.u32 $0xFFFFFF80, v27;
	v29 =	vadd.s32 v5, v28;
	v37 =	vand.u32 $0xFFFFFF80, v30;
	v43 =	vld.idx.msk [tilespmem:v43+s19+$0x0], $0xffff  }
0x277: {  	v28 =	vadd.s32 v4, v33;
	v33 =	vadd.s32 v6, v37;
	v37 =	vadd.s32 v2, v20  }
0x278: {  	v45 =	vadd.s32 v0, v38;
	v46 =	vadd.s32 v1, v38;
	v47 =	vand.u32 $0xFFFFFF80, v37  }
0x279: {  	v49 =	vand.u32 $0x7F, v37;
	v48 =	vadd.s32 v0, v36;
	v47 =	vadd.s32 v26, v47;
	v35 =	vld.idx.msk [tilespmem:v35+s19+$0x0], $0xffff  }
0x27a: {  	v42 =	vshll.u32 v42, $0x7;
	v50 =	vand.u32 $0xFFFFFF80, v48;
	v37 =	vld.idx.msk [tilespmem:v44+s19+$0x0], $0xffff;
	v44 =	vor.u32 v49, v47  }
0x27b: {  	v48 =	vand.u32 $0x7F, v48;
	v47 =	vadd.s32 v0, v40;
	v49 =	vadd.s32 v42, v50;
	v39 =	vld.idx.msk [tilespmem:v39+s19+$0x0], $0xffff  }
0x27c: {  	v50 =	vadd.s32 v0, v41;
	v48 =	vor.u32 v48, v49;
	v43 =	vmul.f32 $8.000000000e+00, v43  }
0x27d: {  	v49 =	vand.u32 $0xFFFFFF80, v45;
	v51 =	vand.u32 $0xFFFFFF80, v47;
	v52 =	vand.u32 $0xFFFFFF80, v50  }
0x27e: {  	v49 =	vadd.s32 v31, v49;
	v51 =	vadd.s32 v32, v51;
	v52 =	vadd.s32 v34, v52;
	[tilespmem:s11+$0xD0] =	vst v43  }
0x27f: {  	v43 =	vand.u32 $0x7F, v45;
	v45 =	vand.u32 $0x7F, v47;
	v47 =	vand.u32 $0x7F, v50;
	v44 =	vld.idx.msk [tilespmem:v44+s19+$0x0], $0xffff  }
0x280: {  	v20 =	vadd.s32 v3, v20;
	v45 =	vor.u32 v45, v51;
	v47 =	vor.u32 v47, v52  }
0x281: {  	v50 =	vand.u32 $0xFFFFFF80, v20;
	v43 =	vor.u32 v43, v49;
	v49 =	vadd.s32 v1, v40;
	v48 =	vld.idx.msk [tilespmem:v48+s19+$0x0], $0xffff  }
0x282: {  	v20 =	vand.u32 $0x7F, v20;
	v51 =	vadd.s32 v1, v36;
	v26 =	vadd.s32 v26, v50  }
0x283: {  	v50 =	vadd.s32 v1, v41;
	v52 =	vand.u32 $0xFFFFFF80, v51;
	v20 =	vor.u32 v20, v26  }
0x284: {  	v26 =	vand.u32 $0xFFFFFF80, v49;
	v51 =	vand.u32 $0x7F, v51;
	v52 =	vadd.s32 v42, v52  }
0x285: {  	v53 =	vand.u32 $0xFFFFFF80, v50;
	v51 =	vor.u32 v51, v52;
	v44 =	vmul.f32 $8.000000000e+00, v44;
	v45 =	vld.idx.msk [tilespmem:v45+s19+$0x0], $0xffff  }
0x286: {  	v26 =	vadd.s32 v32, v26;
	v53 =	vadd.s32 v34, v53;
	v52 =	vand.u32 $0xFFFFFF80, v46;
	v47 =	vld.idx.msk [tilespmem:v47+s19+$0x0], $0xffff  }
0x287: {  	v49 =	vand.u32 $0x7F, v49;
	v52 =	vadd.s32 v31, v52;
	v48 =	vmul.f32 $8.000000000e+00, v48;
	v43 =	vld.idx.msk [tilespmem:v43+s19+$0x0], $0xffff;
	[tilespmem:s11+$0xE0] =	vst v44  }
0x288: {  	v26 =	vor.u32 v49, v26;
	v44 =	vand.u32 $0x7F, v46;
	v46 =	vand.u32 $0x7F, v50;
	s11 =	sadd.s32 $0x200, s11;
	v20 =	vld.idx.msk [tilespmem:v20+s19+$0x0], $0xffff  }
0x289: {  	v49 =	vadd.s32 v2, v40;
	v44 =	vor.u32 v44, v52;
	v46 =	vor.u32 v46, v53;
	[tilespmem:s11+$0x80] =	vst v48  }
0x28a: {  	v50 =	vand.u32 $0xFFFFFF80, v49;
	v52 =	vadd.s32 v2, v41;
	v48 =	vadd.s32 v2, v38;
	v51 =	vld.idx.msk [tilespmem:v51+s19+$0x0], $0xffff  }
0x28b: {  	v54 =	vadd.s32 v2, v36;
	v53 =	vand.u32 $0xFFFFFF80, v52;
	v45 =	vmul.f32 $8.000000000e+00, v45  }
0x28c: {  	v56 =	vand.u32 $0xFFFFFF80, v54;
	v55 =	vand.u32 $0xFFFFFF80, v48;
	v47 =	vmul.f32 $8.000000000e+00, v47  }
0x28d: {  	v43 =	vmul.f32 $8.000000000e+00, v43;
	[tilespmem:s11+$0xFFFFFF80] =	vst v45;
	v45 =	vand.u32 $0x7F, v54;
	v54 =	vadd.s32 v42, v56  }
0x28e: {  	v50 =	vadd.s32 v32, v50;
	v20 =	vmul.f32 $8.000000000e+00, v20;
	v26 =	vld.idx.msk [tilespmem:v26+s19+$0x0], $0xffff;
	[tilespmem:s11+$0x0] =	vst v47;
	v45 =	vor.u32 v45, v54  }
0x28f: {  	v47 =	vand.u32 $0x7F, v49;
	v49 =	vadd.s32 v34, v53;
	[tilespmem:s11+$0xFFFFFF00] =	vst v43;
	v43 =	vadd.s32 v31, v55;
	v46 =	vld.idx.msk [tilespmem:v46+s19+$0x0], $0xffff  }
0x290: {  	v52 =	vand.u32 $0x7F, v52;
	v48 =	vand.u32 $0x7F, v48;
	v51 =	vmul.f32 $8.000000000e+00, v51;
	v44 =	vld.idx.msk [tilespmem:v44+s19+$0x0], $0xffff;
	[tilespmem:s25+$0xF0] =	vst v20  }
0x291: {  	v20 =	vor.u32 v48, v43;
	v43 =	vor.u32 v47, v50;
	v47 =	vor.u32 v52, v49  }
0x292: {  	v40 =	vadd.s32 v3, v40;
	v41 =	vadd.s32 v3, v41;
	v38 =	vadd.s32 v3, v38;
	[tilespmem:s11+$0x90] =	vst v51  }
0x293: {  	v48 =	vand.u32 $0xFFFFFF80, v38;
	v49 =	vand.u32 $0xFFFFFF80, v40;
	v50 =	vand.u32 $0xFFFFFF80, v41;
	v45 =	vld.idx.msk [tilespmem:v45+s19+$0x0], $0xffff  }
0x294: {  	v36 =	vadd.s32 v3, v36;
	v32 =	vadd.s32 v32, v49;
	v26 =	vmul.f32 $8.000000000e+00, v26  }
0x295: {  	v34 =	vadd.s32 v34, v50;
	v49 =	vand.u32 $0xFFFFFF80, v36;
	v46 =	vmul.f32 $8.000000000e+00, v46  }
0x296: {  	v44 =	vmul.f32 $8.000000000e+00, v44;
	[tilespmem:s11+$0xFFFFFF90] =	vst v26;
	v26 =	vand.u32 $0x7F, v36;
	v36 =	vadd.s32 v42, v49  }
0x297: {  	v40 =	vand.u32 $0x7F, v40;
	v31 =	vadd.s32 v31, v48;
	v42 =	vld.idx.msk [tilespmem:v43+s19+$0x0], $0xffff;
	[tilespmem:s11+$0x10] =	vst v46;
	v26 =	vor.u32 v26, v36  }
0x298: {  	v32 =	vor.u32 v40, v32;
	v40 =	vand.u32 $0x7F, v41;
	v36 =	vand.u32 $0x7F, v38;
	[tilespmem:s11+$0xFFFFFF10] =	vst v44;
	v38 =	vld.idx.msk [tilespmem:v47+s19+$0x0], $0xffff  }
0x299: {  	v34 =	vor.u32 v40, v34;
	v31 =	vor.u32 v36, v31;
	v36 =	vmul.f32 $8.000000000e+00, v45;
	v20 =	vld.idx.msk [tilespmem:v20+s19+$0x0], $0xffff  }
0x29a: {  	v18 =	vand.u32 $0x7F, v18;
	v35 =	vmul.f32 $8.000000000e+00, v35;
	v37 =	vmul.f32 $8.000000000e+00, v37  }
0x29b: {  	v27 =	vand.u32 $0x7F, v27;
	v30 =	vand.u32 $0x7F, v30;
	[tilespmem:s11+$0xA0] =	vst v36;
	v36 =	vmul.f32 $8.000000000e+00, v39  }
0x29c: {  	v18 =	vor.u32 v18, v29;
	v29 =	vand.u32 $0xFFFFFF80, v17;
	v30 =	vor.u32 v30, v33;
	v26 =	vld.idx.msk [tilespmem:v26+s19+$0x0], $0xffff;
	[tilespmem:s25+$0xFFFFFFC0] =	vst v35  }
0x29d: {  	v27 =	vor.u32 v27, v28;
	v28 =	vadd.s32 v2, v12;
	v33 =	vmul.f32 $8.000000000e+00, v42;
	[tilespmem:s25+$0x40] =	vst v37  }
0x29e: {  	v35 =	vmul.f32 $8.000000000e+00, v38;
	v37 =	vand.u32 $0xFFFFFF80, v28;
	[tilespmem:s25+$0xFFFFFF40] =	vst v36;
	v36 =	vadd.s32 v2, v13  }
0x29f: {  	s1 =	sadd.s32 $0x7, s4;
	v29 =	vadd.s32 v5, v29;
	v20 =	vmul.f32 $8.000000000e+00, v20;
	[tilespmem:s11+$0xFFFFFFA0] =	vst v33;
	v33 =	vand.u32 $0xFFFFFF80, v36  }
0x2a0: {  	v37 =	vadd.s32 v6, v37;
	v32 =	vld.idx.msk [tilespmem:v32+s19+$0x0], $0xffff;
	[tilespmem:s11+$0x20] =	vst v35;
	v35 =	vmov s1;
	v33 =	vadd.s32 v4, v33  }
0x2a1: {  	v17 =	vand.u32 $0x7F, v17;
	v28 =	vand.u32 $0x7F, v28;
	[tilespmem:s11+$0xFFFFFF20] =	vst v20;
	v34 =	vld.idx.msk [tilespmem:v34+s19+$0x0], $0xffff;
	v20 =	vand.u32 $0x7F, v36  }
0x2a2: {  	v17 =	vor.u32 v17, v29;
	v28 =	vor.u32 v28, v37;
	v26 =	vmul.f32 $8.000000000e+00, v26;
	v31 =	vld.idx.msk [tilespmem:v31+s19+$0x0], $0xffff  }
0x2a3: {  	v11 =	vadd.s32 v3, v11;
	v12 =	vadd.s32 v3, v12;
	v29 =	vor.u32 v20, v33;
	v18 =	vld.idx.msk [tilespmem:v18+s19+$0x0], $0xffff  }
0x2a4: {  	v14 =	vmul.f32 $8.000000000e+00, v14;
	v16 =	vmul.f32 $8.000000000e+00, v16;
	v13 =	vadd.s32 v3, v13;
	[tilespmem:s11+$0xB0] =	vst v26;
	v26 =	vld.idx.msk [tilespmem:v30+s19+$0x0], $0xffff  }
0x2a5: {  	v15 =	vmul.f32 $8.000000000e+00, v15;
	v33 =	vand.u32 $0xFFFFFF80, v12;
	v30 =	vand.u32 $0xFFFFFF80, v11;
	v20 =	vld.idx.msk [tilespmem:v35+s31+$0x0], $0xffff  }
0x2a6: {  	v36 =	vand.u32 $0xFFFFFF80, v13;
	v32 =	vmul.f32 $8.000000000e+00, v32;
	v30 =	vadd.s32 v5, v30;
	v5 =	vmovc v25;
	v27 =	vld.idx.msk [tilespmem:v27+s19+$0x0], $0xffff;
	[tilespmem:s10+$0xFFFFFFE0] =	vst v14  }
0x2a7: {  	v33 =	vadd.s32 v6, v33;
	v25 =	vadd.s32 v4, v36;
	v14 =	vmul.f32 $8.000000000e+00, v34;
	v34 =	vld.idx.msk [tilespmem:v8+s19+$0x0], $0xffff;
	[tilespmem:s10+$0x60] =	vst v16  }
0x2a8: {  	v6 =	vmovc v24;
	v4 =	vmovc v23;
	v16 =	vmul.f32 $8.000000000e+00, v31;
	v8 =	vand.u32 $0x7F, v11;
	v31 =	vand.u32 $0x7F, v12;
	[tilespmem:s11+$0xFFFFFFB0] =	vst v32;
	v32 =	vld.idx.msk [tilespmem:v9+s19+$0x0], $0xffff  }
0x2a9: {  	v9 =	vand.u32 $0x7F, v13;
	v8 =	vor.u32 v8, v30;
	v11 =	vld.idx.msk [tilespmem:v22+s31+$0x0], $0xffff;
	[tilespmem:s11+$0x30] =	vst v14;
	v14 =	vmul.f32 $8.000000000e+00, v18  }
0x2aa: {  	v18 =	vor.u32 v9, v25;
	v9 =	vor.u32 v31, v33;
	[tilespmem:s11+$0xFFFFFF30] =	vst v16;
	v12 =	vld.idx.msk [tilespmem:v21+s31+$0x0], $0xffff;
	v16 =	vmul.f32 $8.000000000e+00, v26  }
0x2ab: {  	v23 =	vmul.f32 $8.000000000e+00, v10;
	v13 =	vld.idx.msk [tilespmem:v19+s31+$0x0], $0xffff;
	v19 =	vadd.s32 v0, v20;
	[tilespmem:s25+$0xFFFFFFD0] =	vst v14  }
0x2ac: {  	v26 =	vshll.u32 v35, $0x7;
	v21 =	vmul.f32 $8.000000000e+00, v27;
	v10 =	vand.u32 $0xFFFFFF80, v19;
	v14 =	vld.idx.msk [tilespmem:v17+s19+$0x0], $0xffff;
	[tilespmem:s25+$0x50] =	vst v16  }
0x2ad: {  	v17 =	vand.u32 $0x7F, v19;
	v22 =	vmul.f32 $8.000000000e+00, v34;
	v10 =	vadd.s32 v26, v10;
	v16 =	vld.idx.msk [tilespmem:v28+s19+$0x0], $0xffff;
	[tilespmem:s10+$0xFFFFFF60] =	vst v15  }
.Ltmp1:
0x2ae: {  	v24 =	vmul.f32 $8.000000000e+00, v32;
	v19 =	vor.u32 v17, v10;
	[tilespmem:s25+$0xFFFFFF50] =	vst v21;
	v10 =	vld.idx.msk [tilespmem:v7+s19+$0x0], $0xffff;
	v7 =	vmov v18;
	(pc) =	sbr.rel @p0 .LBB2_5-.Ltmp1, $4  }
0x2af: {  	v21 =	vadd.s32 v0, v11;
	v18 =	vadd.s32 v1, v11;
	v17 =	vadd.s32 v2, v11;
	v15 =	vld.idx.msk [tilespmem:v29+s19+$0x0], $0xffff  }
0x2b0: {  	v25 =	vand.u32 $0xFFFFFF80, v21;
	v27 =	vand.u32 $0x7F, v21;
	v29 =	vadd.s32 v0, v12;
	[tilespmem:s10+$0xFFFFFFF0] =	vst v22  }
0x2b1: {  	v21 =	vadd.s32 v0, v13;
	v28 =	vadd.s32 v5, v25;
	v25 =	vand.u32 $0xFFFFFF80, v29;
	[tilespmem:s10+$0x70] =	vst v24  }
0x2b2: {  	s4 =	sadd.s32 $0x8, s4;
	v29 =	vand.u32 $0x7F, v29;
	v22 =	vand.u32 $0xFFFFFF80, v21;
	v30 =	vadd.s32 v6, v25;
	[tilespmem:s9+$0xFFFFFF70] =	vst v23;
	s9 =	smov.u32 s10;
	s10 =	smov.u32 s25  }
0x2b3: {  	_ =	sdelay $0x3  }
0x2b4: {  	v19 =	vld.idx.msk [tilespmem:v19+s19+$0x0], $0xffff;
	v23 =	vadd.s32 v1, v20  }
0x2b5: {  	v25 =	vor.u32 v27, v28;
	v24 =	vand.u32 $0xFFFFFF80, v23  }
0x2b6: {  	v27 =	vor.u32 v29, v30;
	v23 =	vand.u32 $0x7F, v23;
	v24 =	vadd.s32 v26, v24  }
0x2b7: {  	v21 =	vand.u32 $0x7F, v21;
	v22 =	vadd.s32 v4, v22;
	v23 =	vor.u32 v23, v24  }
0x2b8: {  	v21 =	vor.u32 v21, v22  }
0x2b9: {  	v19 =	vmul.f32 $8.000000000e+00, v19  }
0x2ba: {  	v28 =	vadd.s32 v1, v12;
	v25 =	vld.idx.msk [tilespmem:v25+s19+$0x0], $0xffff  }
0x2bb: {  	v30 =	vadd.s32 v2, v20;
	v22 =	vadd.s32 v1, v13;
	v24 =	vand.u32 $0xFFFFFF80, v18;
	v27 =	vld.idx.msk [tilespmem:v27+s19+$0x0], $0xffff;
	[tilespmem:s11+$0xC0] =	vst v19  }
0x2bc: {  	v18 =	vand.u32 $0x7F, v18;
	v19 =	vadd.s32 v5, v24;
	v24 =	vand.u32 $0xFFFFFF80, v28;
	v23 =	vld.idx.msk [tilespmem:v23+s19+$0x0], $0xffff  }
0x2bd: {  	v21 =	vld.idx.msk [tilespmem:v21+s19+$0x0], $0xffff;
	v28 =	vand.u32 $0x7F, v28;
	v24 =	vadd.s32 v6, v24;
	v18 =	vor.u32 v18, v19  }
0x2be: {  	v20 =	vadd.s32 v3, v20;
	v29 =	vand.u32 $0xFFFFFF80, v22;
	v24 =	vor.u32 v28, v24  }
0x2bf: {  	v22 =	vand.u32 $0x7F, v22;
	v29 =	vadd.s32 v4, v29;
	v25 =	vmul.f32 $8.000000000e+00, v25  }
0x2c0: {  	v31 =	vand.u32 $0xFFFFFF80, v30;
	v22 =	vor.u32 v22, v29;
	v27 =	vmul.f32 $8.000000000e+00, v27  }
0x2c1: {  	v19 =	vand.u32 $0x7F, v30;
	v30 =	vadd.s32 v26, v31;
	[tilespmem:s11+$0xFFFFFFC0] =	vst v25;
	v23 =	vmul.f32 $8.000000000e+00, v23  }
0x2c2: {  	v11 =	vadd.s32 v3, v11;
	v19 =	vor.u32 v19, v30;
	v21 =	vmul.f32 $8.000000000e+00, v21;
	[tilespmem:s11+$0x40] =	vst v27;
	v18 =	vld.idx.msk [tilespmem:v18+s19+$0x0], $0xffff  }
0x2c3: {  	v14 =	vmul.f32 $8.000000000e+00, v14;
	v27 =	vadd.s32 v2, v12;
	v24 =	vld.idx.msk [tilespmem:v24+s19+$0x0], $0xffff;
	[tilespmem:s11+$0xD0] =	vst v23;
	v23 =	vand.u32 $0xFFFFFF80, v17  }
0x2c4: {  	[tilespmem:s11+$0xFFFFFF40] =	vst v21;
	v21 =	vand.u32 $0xFFFFFF80, v27;
	v17 =	vand.u32 $0x7F, v17;
	v23 =	vadd.s32 v5, v23  }
0x2c5: {  	v27 =	vand.u32 $0x7F, v27;
	v21 =	vadd.s32 v6, v21;
	v17 =	vor.u32 v17, v23  }
0x2c6: {  	v28 =	vadd.s32 v2, v13;
	v13 =	vadd.s32 v3, v13;
	v22 =	vld.idx.msk [tilespmem:v22+s19+$0x0], $0xffff;
	v21 =	vor.u32 v27, v21  }
0x2c7: {  	v25 =	vand.u32 $0xFFFFFF80, v20;
	v20 =	vand.u32 $0x7F, v20;
	v19 =	vld.idx.msk [tilespmem:v19+s19+$0x0], $0xffff;
	v18 =	vmul.f32 $8.000000000e+00, v18  }
0x2c8: {  	v12 =	vadd.s32 v3, v12;
	v23 =	vand.u32 $0xFFFFFF80, v28;
	v24 =	vmul.f32 $8.000000000e+00, v24  }
0x2c9: {  	v25 =	vadd.s32 v26, v25;
	v27 =	vand.u32 $0x7F, v28;
	v23 =	vadd.s32 v4, v23;
	[tilespmem:s11+$0xFFFFFFD0] =	vst v18  }
0x2ca: {  	v16 =	vmul.f32 $8.000000000e+00, v16;
	v20 =	vor.u32 v20, v25;
	v23 =	vor.u32 v27, v23;
	[tilespmem:s11+$0x50] =	vst v24;
	v17 =	vld.idx.msk [tilespmem:v17+s19+$0x0], $0xffff  }
0x2cb: {  	v18 =	vmul.f32 $8.000000000e+00, v22;
	v22 =	vand.u32 $0xFFFFFF80, v11;
	v11 =	vand.u32 $0x7F, v11;
	v21 =	vld.idx.msk [tilespmem:v21+s19+$0x0], $0xffff  }
0x2cc: {  	[tilespmem:s10+$0xFFFFFFE0] =	vst v14;
	v19 =	vmul.f32 $8.000000000e+00, v19;
	v24 =	vand.u32 $0xFFFFFF80, v12;
	v5 =	vadd.s32 v5, v22  }
0x2cd: {  	v12 =	vand.u32 $0x7F, v12;
	[tilespmem:s11+$0xFFFFFF50] =	vst v18;
	v6 =	vadd.s32 v6, v24;
	v5 =	vor.u32 v11, v5  }
0x2ce: {  	v8 =	vld.idx.msk [tilespmem:v8+s19+$0x0], $0xffff;
	[tilespmem:s11+$0xE0] =	vst v19;
	v19 =	vand.u32 $0xFFFFFF80, v13;
	v6 =	vor.u32 v12, v6  }
0x2cf: {  	[tilespmem:s10+$0x60] =	vst v16;
	v12 =	vand.u32 $0x7F, v13;
	v11 =	vld.idx.msk [tilespmem:v23+s19+$0x0], $0xffff;
	v4 =	vadd.s32 v4, v19;
	v13 =	vmul.f32 $8.000000000e+00, v17  }
0x2d0: {  	v9 =	vld.idx.msk [tilespmem:v9+s19+$0x0], $0xffff;
	v4 =	vor.u32 v12, v4;
	v12 =	vmul.f32 $8.000000000e+00, v21  }
0x2d1: {  	v10 =	vmul.f32 $8.000000000e+00, v10;
	v18 =	vld.idx.msk [tilespmem:v20+s19+$0x0], $0xffff;
	[tilespmem:s11+$0xFFFFFFE0] =	vst v13  }
0x2d2: {  	v14 =	vmul.f32 $8.000000000e+00, v15;
	[tilespmem:s11+$0x60] =	vst v12;
	v5 =	vld.idx.msk [tilespmem:v5+s19+$0x0], $0xffff  }
0x2d3: {  	[tilespmem:s9+$0xFFFFFF70] =	vst v10;
	v8 =	vmul.f32 $8.000000000e+00, v8;
	v6 =	vld.idx.msk [tilespmem:v6+s19+$0x0], $0xffff  }
0x2d4: {  	[tilespmem:s10+$0xFFFFFF60] =	vst v14;
	v11 =	vmul.f32 $8.000000000e+00, v11  }
0x2d5: {  	v9 =	vmul.f32 $8.000000000e+00, v9;
	[tilespmem:s10+$0xFFFFFFF0] =	vst v8  }
0x2d6: {  	v7 =	vld.idx.msk [tilespmem:v7+s19+$0x0], $0xffff;
	v12 =	vmul.f32 $8.000000000e+00, v18;
	[tilespmem:s11+$0xFFFFFF60] =	vst v11  }
0x2d7: {  	[tilespmem:s10+$0x70] =	vst v9;
	v4 =	vld.idx.msk [tilespmem:v4+s19+$0x0], $0xffff;
	v5 =	vmul.f32 $8.000000000e+00, v5  }
0x2d8: {  	[tilespmem:s11+$0xF0] =	vst v12;
	v6 =	vmul.f32 $8.000000000e+00, v6  }
0x2d9: {  	[tilespmem:s11+$0xFFFFFFF0] =	vst v5  }
0x2da: {  	[tilespmem:s11+$0x70] =	vst v6  }
0x2db: {  	v7 =	vmul.f32 $8.000000000e+00, v7;
	s1 =	rddreg [dreg:$0x7]  }
0x2dc: {  	v4 =	vmul.f32 $8.000000000e+00, v4;
	s1 =	sadd.s32 s21, s1  }
0x2dd: {  	[tilespmem:s10+$0xFFFFFF70] =	vst v7;
	s1 =	sshll.u32 s1, $0x3  }
0x2de: {  	s4 =	simm.s32 $0x12600;
	[tilespmem:s11+$0xFFFFFF70] =	vst v4;
	s1 =	sadd.s32 s2, s1  }
0x2df: {  	[hbm4b:s1+s3] =	stream.linear.scatter [tilespmem:s4], [sflag:$0x6], $0x2000, $0x38;
	[tilespmem:$0x14600] =	vst v63  }
0x2e0: {  	p0 =	seq.s32 s20, $0x31;
	s1 =	rddreg [dreg:$0x8]  }
0x2e1: {  	s1 =	sadd.s32 @!p0 s21, s1  }
0x2e2: {  	s1 =	sshrl.u32 @!p0 s1, $0x3  }
0x2e3: {  	s4 =	simm.s32 @!p0 $0x0;
	s1 =	sadd.s32 @!p0 s5, s1  }
0x2e4: {  	[tilespmem:s4], [sflag:$0x7] =	stream.linear.gather @!p0 [hbm4b:s1+s4], $0x80, $0x38;
	[tilespmem:$0x14600] =	vst v63  }
0x2e5: {  	s1 =	simm.s32 @!p0 $0x7  }
0x2e6: {  	_ =	swait.ge @!p0 [sflag:s1], $0x80  }
0x2e7: {  	[sflag:s1] =	ssyncset.done @!p0 $0x0  }
0x2e8: {  	[sflag:s1] =	ssyncadd.s32 @!p0 $0xFFFFFF80  }
0x2e9: {  	v4 =	vld @!p0 [tilespmem:$0x0];
	_ =	sdelay $0x1  }
0x2ea: {  	v5 =	vld @!p0 [tilespmem:$0x10];
	_ =	sdelay $0x1  }
0x2eb: {  	v6 =	vld @!p0 [tilespmem:$0x20]  }
0x2ec: {  	v7 =	vshrl.u32 @!p0 v4, $0x1;
	v4 =	vshll.u32 @!p0 v4, $0x6  }
0x2ed: {  	[tilespmem:$0x200] =	vst @!p0 v7;
	v4 =	vand.u32 @!p0 $0x40, v4;
	v7 =	vld @!p0 [tilespmem:$0x30]  }
0x2ee: {  	[tilespmem:$0x400] =	vst @!p0 v4;
	v4 =	vshrl.u32 @!p0 v5, $0x1;
	v5 =	vshll.u32 @!p0 v5, $0x6  }
0x2ef: {  	[tilespmem:$0x210] =	vst @!p0 v4;
	v4 =	vand.u32 @!p0 $0x40, v5;
	v5 =	vld @!p0 [tilespmem:$0x40]  }
0x2f0: {  	[tilespmem:$0x410] =	vst @!p0 v4;
	v4 =	vshrl.u32 @!p0 v6, $0x1;
	v6 =	vshll.u32 @!p0 v6, $0x6  }
0x2f1: {  	[tilespmem:$0x220] =	vst @!p0 v4;
	v4 =	vand.u32 @!p0 $0x40, v6;
	v6 =	vld @!p0 [tilespmem:$0x50]  }
0x2f2: {  	[tilespmem:$0x420] =	vst @!p0 v4;
	v4 =	vshrl.u32 @!p0 v7, $0x1;
	v7 =	vshll.u32 @!p0 v7, $0x6  }
0x2f3: {  	[tilespmem:$0x230] =	vst @!p0 v4;
	v4 =	vand.u32 @!p0 $0x40, v7;
	v7 =	vld @!p0 [tilespmem:$0x60]  }
0x2f4: {  	[tilespmem:$0x430] =	vst @!p0 v4;
	v4 =	vshrl.u32 @!p0 v5, $0x1;
	v5 =	vshll.u32 @!p0 v5, $0x6  }
0x2f5: {  	[tilespmem:$0x240] =	vst @!p0 v4;
	v4 =	vand.u32 @!p0 $0x40, v5;
	v5 =	vld @!p0 [tilespmem:$0x70]  }
0x2f6: {  	[tilespmem:$0x440] =	vst @!p0 v4;
	v4 =	vshrl.u32 @!p0 v6, $0x1;
	v6 =	vshll.u32 @!p0 v6, $0x6  }
0x2f7: {  	[tilespmem:$0x250] =	vst @!p0 v4;
	v4 =	vand.u32 @!p0 $0x40, v6  }
0x2f8: {  	[tilespmem:$0x450] =	vst @!p0 v4;
	v4 =	vshrl.u32 @!p0 v7, $0x1;
	v6 =	vshll.u32 @!p0 v7, $0x6  }
0x2f9: {  	[tilespmem:$0x260] =	vst @!p0 v4;
	v4 =	vand.u32 @!p0 $0x40, v6  }
0x2fa: {  	[tilespmem:$0x460] =	vst @!p0 v4;
	v4 =	vshrl.u32 @!p0 v5, $0x1;
	v5 =	vshll.u32 @!p0 v5, $0x6  }
0x2fb: {  	[tilespmem:$0x270] =	vst @!p0 v4;
	v4 =	vand.u32 @!p0 $0x40, v5  }
0x2fc: {  	s9 =	simm.s32 @!p0 $0x600;
	s4 =	simm.s32 @!p0 $0x200;
	s1 =	simm.s32 @!p0 $0x80;
	[tilespmem:$0x470] =	vst @!p0 v4  }
0x2fd: {  	[tilespmem:s9], [sflag:$0x1] =	stream.indirect.gather @!p0 [hbm4b:s7+s1], $0x80, s4, s1, $0xb8;
	[tilespmem:$0x14600] =	vst v63  }
0x2fe: {  	s11 =	simm.s32 $0x6;
	_ =	swait.ge [sflag:s0], $0x4000  }
0x2ff: {  	s12 =	simm.s32 $0x0;
	v4 =	vmov s11;
	[sflag:s0] =	ssyncset.done $0x0  }
0x300: {  	s15 =	simm.s32 $0x2;
	v5 =	vmov s12;
	[sflag:s0] =	ssyncadd.s32 $0xFFFFC000  }
0x301: {  	s23 =	simm.s32 $0x4;
	v6 =	vmov s15;
	_ =	swait.ge [sflag:s16], $0x2000  }
0x302: {  	v7 =	vmov s23;
	s23 =	simm.s32 $0xE;
	[sflag:s16] =	ssyncset.done $0x0  }
0x303: {  	v31 =	vmov s23;
	[sflag:s16] =	ssyncadd.s32 $0xFFFFE000  }
0x304: {  	v8 =	vld.idx.msk [tilespmem:v4+s18+$0x0], $0xffff  }
0x305: {  	v9 =	vld.idx.msk [tilespmem:v5+s18+$0x0], $0xffff  }
0x306: {  	v10 =	vld.idx.msk [tilespmem:v6+s18+$0x0], $0xffff  }
0x307: {  	v11 =	vld.idx.msk [tilespmem:v7+s18+$0x0], $0xffff  }
0x308: {  	v35 =	vld.idx.msk [tilespmem:v31+s18+$0x0], $0xffff;
	_ =	sdelay $0x1  }
0x309: {  	v6 =	vshll.u32 v6, $0x7;
	v7 =	vshll.u32 v7, $0x7;
	v4 =	vshll.u32 v4, $0x7  }
0x30a: {  	v5 =	vshll.u32 v5, $0x7;
	v31 =	vshll.u32 v31, $0x7;
	v12 =	vadd.s32 v0, v8  }
0x30b: {  	v14 =	vadd.s32 v0, v9;
	v15 =	vadd.s32 v0, v10;
	v20 =	vadd.s32 v1, v11  }
0x30c: {  	v41 =	vadd.s32 v0, v35;
	v13 =	vand.u32 $0xFFFFFF80, v12;
	v12 =	vand.u32 $0x7F, v12  }
0x30d: {  	v16 =	vand.u32 $0xFFFFFF80, v14;
	v17 =	vand.u32 $0xFFFFFF80, v15;
	v13 =	vadd.s32 v4, v13  }
0x30e: {  	v15 =	vand.u32 $0x7F, v15;
	v17 =	vadd.s32 v6, v17;
	v12 =	vor.u32 v12, v13  }
0x30f: {  	v14 =	vand.u32 $0x7F, v14;
	v13 =	vadd.s32 v0, v11;
	v15 =	vor.u32 v15, v17  }
0x310: {  	v22 =	vand.u32 $0xFFFFFF80, v20;
	v16 =	vadd.s32 v5, v16;
	v18 =	vand.u32 $0xFFFFFF80, v13  }
0x311: {  	v14 =	vor.u32 v14, v16;
	v13 =	vand.u32 $0x7F, v13;
	v18 =	vadd.s32 v7, v18  }
0x312: {  	v20 =	vand.u32 $0x7F, v20;
	v42 =	vand.u32 $0xFFFFFF80, v41;
	v13 =	vor.u32 v13, v18  }
0x313: {  	v41 =	vand.u32 $0x7F, v41;
	v22 =	vadd.s32 v7, v22;
	v16 =	vadd.s32 v1, v8;
	v12 =	vld.idx.msk [tilespmem:v12+s22+$0x0], $0xffff  }
0x314: {  	v17 =	vadd.s32 v1, v9;
	v19 =	vand.u32 $0xFFFFFF80, v16;
	v18 =	vadd.s32 v1, v10;
	v15 =	vld.idx.msk [tilespmem:v15+s22+$0x0], $0xffff  }
0x315: {  	v16 =	vand.u32 $0x7F, v16;
	v19 =	vadd.s32 v4, v19;
	v21 =	vand.u32 $0xFFFFFF80, v18  }
0x316: {  	v16 =	vor.u32 v16, v19;
	v18 =	vand.u32 $0x7F, v18;
	v21 =	vadd.s32 v6, v21;
	v14 =	vld.idx.msk [tilespmem:v14+s22+$0x0], $0xffff  }
0x317: {  	v42 =	vadd.s32 v31, v42;
	v19 =	vand.u32 $0xFFFFFF80, v17;
	v18 =	vor.u32 v18, v21;
	v13 =	vld.idx.msk [tilespmem:v13+s22+$0x0], $0xffff  }
0x318: {  	v17 =	vand.u32 $0x7F, v17;
	v19 =	vadd.s32 v5, v19;
	v12 =	vmul.f32 $8.000000000e+00, v12  }
0x319: {  	s9 =	simm.s32 $0x10700;
	v17 =	vor.u32 v17, v19;
	v19 =	vadd.s32 v2, v10;
	v15 =	vmul.f32 $8.000000000e+00, v15  }
0x31a: {  	v20 =	vor.u32 v20, v22;
	v21 =	vadd.s32 v2, v8;
	v22 =	vand.u32 $0xFFFFFF80, v19;
	[tilespmem:s9+$0x80] =	vst v12  }
0x31b: {  	v19 =	vand.u32 $0x7F, v19;
	v23 =	vand.u32 $0xFFFFFF80, v21;
	v14 =	vmul.f32 $8.000000000e+00, v14;
	[tilespmem:s9+$0xFFFFFF80] =	vst v15;
	v16 =	vld.idx.msk [tilespmem:v16+s22+$0x0], $0xffff  }
0x31c: {  	v12 =	vadd.s32 v2, v9;
	v15 =	vand.u32 $0x7F, v21;
	v13 =	vmul.f32 $8.000000000e+00, v13;
	v18 =	vld.idx.msk [tilespmem:v18+s22+$0x0], $0xffff  }
0x31d: {  	v21 =	vadd.s32 v4, v23;
	v23 =	vadd.s32 v2, v11;
	[tilespmem:s9+$0xFFFFFF00] =	vst v14;
	v24 =	vand.u32 $0xFFFFFF80, v12  }
0x31e: {  	v12 =	vand.u32 $0x7F, v12;
	[tilespmem:s9+$0x0] =	vst v13;
	v13 =	vor.u32 v15, v21;
	v21 =	vadd.s32 v6, v22  }
0x31f: {  	v17 =	vld.idx.msk [tilespmem:v17+s22+$0x0], $0xffff;
	v14 =	vadd.s32 v5, v24;
	v15 =	vand.u32 $0xFFFFFF80, v23;
	v19 =	vor.u32 v19, v21  }
0x320: {  	v22 =	vand.u32 $0x7F, v23;
	v20 =	vld.idx.msk [tilespmem:v20+s22+$0x0], $0xffff;
	v15 =	vadd.s32 v7, v15;
	v16 =	vmul.f32 $8.000000000e+00, v16  }
0x321: {  	v12 =	vor.u32 v12, v14;
	v14 =	vor.u32 v22, v15;
	v15 =	vmul.f32 $8.000000000e+00, v18  }
0x322: {  	s15 =	simm.s32 $0xA;
	v41 =	vor.u32 v41, v42;
	v10 =	vadd.s32 v3, v10;
	[tilespmem:s9+$0x90] =	vst v16  }
0x323: {  	v27 =	vmov s15;
	v8 =	vadd.s32 v3, v8;
	v9 =	vadd.s32 v3, v9;
	[tilespmem:s9+$0xFFFFFF90] =	vst v15;
	v13 =	vld.idx.msk [tilespmem:v13+s22+$0x0], $0xffff  }
0x324: {  	v11 =	vadd.s32 v3, v11;
	v18 =	vand.u32 $0xFFFFFF80, v8;
	v17 =	vmul.f32 $8.000000000e+00, v17;
	v15 =	vld.idx.msk [tilespmem:v19+s22+$0x0], $0xffff  }
0x325: {  	v8 =	vand.u32 $0x7F, v8;
	v4 =	vadd.s32 v4, v18;
	v16 =	vmul.f32 $8.000000000e+00, v20  }
0x326: {  	v18 =	vand.u32 $0xFFFFFF80, v11;
	v4 =	vor.u32 v8, v4;
	v8 =	vand.u32 $0xFFFFFF80, v9;
	[tilespmem:s9+$0xFFFFFF10] =	vst v17  }
0x327: {  	v12 =	vld.idx.msk [tilespmem:v12+s22+$0x0], $0xffff;
	v5 =	vadd.s32 v5, v8;
	v8 =	vand.u32 $0x7F, v9;
	[tilespmem:s9+$0x10] =	vst v16;
	v16 =	vand.u32 $0xFFFFFF80, v10  }
0x328: {  	v10 =	vand.u32 $0x7F, v10;
	v14 =	vld.idx.msk [tilespmem:v14+s22+$0x0], $0xffff;
	v6 =	vadd.s32 v6, v16;
	v13 =	vmul.f32 $8.000000000e+00, v13  }
0x329: {  	v38 =	vld.idx.msk [tilespmem:v27+s18+$0x0], $0xffff;
	v5 =	vor.u32 v8, v5;
	v6 =	vor.u32 v10, v6;
	v8 =	vmul.f32 $8.000000000e+00, v15  }
0x32a: {  	s25 =	simm.s32 $0x7;
	v7 =	vadd.s32 v7, v18;
	v10 =	vand.u32 $0x7F, v11;
	[tilespmem:s9+$0xA0] =	vst v13  }
0x32b: {  	v7 =	vor.u32 v10, v7;
	[tilespmem:s9+$0xFFFFFFA0] =	vst v8;
	v8 =	vmov s25;
	s25 =	simm.s32 $0xC  }
0x32c: {  	v10 =	vmul.f32 $8.000000000e+00, v12;
	v4 =	vld.idx.msk [tilespmem:v4+s22+$0x0], $0xffff;
	v32 =	vmov s25  }
0x32d: {  	v41 =	vld.idx.msk [tilespmem:v41+s22+$0x0], $0xffff;
	v9 =	vmul.f32 $8.000000000e+00, v14  }
0x32e: {  	v48 =	vadd.s32 v0, v38;
	v51 =	vadd.s32 v1, v38;
	[tilespmem:s9+$0xFFFFFF20] =	vst v10;
	v6 =	vld.idx.msk [tilespmem:v6+s22+$0x0], $0xffff  }
0x32f: {  	v26 =	vshll.u32 v27, $0x7;
	v53 =	vadd.s32 v1, v35;
	v57 =	vadd.s32 v2, v38;
	v5 =	vld.idx.msk [tilespmem:v5+s22+$0x0], $0xffff;
	[tilespmem:s9+$0x20] =	vst v9  }
0x330: {  	s4 =	simm.s32 $0x3;
	v47 =	vadd.s32 v2, v35;
	v38 =	vadd.s32 v3, v38;
	v35 =	vadd.s32 v3, v35;
	v7 =	vld.idx.msk [tilespmem:v7+s22+$0x0], $0xffff  }
0x331: {  	v21 =	vshll.u32 v32, $0x7;
	v9 =	vmov s4;
	v4 =	vmul.f32 $8.000000000e+00, v4;
	v32 =	vld.idx.msk [tilespmem:v32+s18+$0x0], $0xffff  }
0x332: {  	s10 =	simm.s32 $0x5;
	v44 =	vand.u32 $0xFFFFFF80, v48;
	v55 =	vand.u32 $0xFFFFFF80, v53;
	v62 =	vand.u32 $0x7F, v57  }
0x333: {  	s11 =	simm.s32 $0x1;
	v44 =	vadd.s32 v26, v44;
	v11 =	vmov s10;
	v6 =	vmul.f32 $8.000000000e+00, v6;
	[tilespmem:s9+$0xB0] =	vst v4  }
0x334: {  	v41 =	vmul.f32 $8.000000000e+00, v41;
	v29 =	vshll.u32 v8, $0x7;
	s4 =	simm.s32 $0x9;
	v4 =	vmov s11;
	v28 =	vld.idx.msk [tilespmem:v8+s18+$0x0], $0xffff  }
0x335: {  	v18 =	vmov s4;
	v5 =	vmul.f32 $8.000000000e+00, v5;
	v7 =	vmul.f32 $8.000000000e+00, v7;
	[tilespmem:s9+$0xFFFFFFB0] =	vst v6  }
0x336: {  	v6 =	vshll.u32 v9, $0x7;
	v10 =	vld.idx.msk [tilespmem:v9+s18+$0x0], $0xffff;
	v43 =	vadd.s32 v0, v32;
	v54 =	vadd.s32 v1, v32  }
0x337: {  	[tilespmem:s9+$0x30] =	vst v7;
	v59 =	vadd.s32 v2, v32;
	v32 =	vadd.s32 v3, v32;
	v45 =	vand.u32 $0xFFFFFF80, v43  }
0x338: {  	[tilespmem:s9+$0xFFFFFF30] =	vst v5;
	v12 =	vld.idx.msk [tilespmem:v11+s18+$0x0], $0xffff;
	v50 =	vand.u32 $0x7F, v43;
	v46 =	vand.u32 $0xFFFFFF80, v54;
	v60 =	vand.u32 $0xFFFFFF80, v59  }
0x339: {  	v13 =	vld.idx.msk [tilespmem:v4+s18+$0x0], $0xffff;
	v4 =	vshll.u32 v4, $0x7;
	v45 =	vadd.s32 v21, v45;
	v5 =	vadd.s32 v0, v28  }
0x33a: {  	v46 =	vadd.s32 v21, v46;
	v7 =	vand.u32 $0xFFFFFF80, v5;
	v8 =	vand.u32 $0x7F, v5  }
0x33b: {  	v5 =	vshll.u32 v11, $0x7;
	v16 =	vadd.s32 v1, v10;
	v7 =	vadd.s32 v29, v7  }
0x33c: {  	v14 =	vadd.s32 v2, v10;
	v7 =	vor.u32 v8, v7;
	v8 =	vadd.s32 v0, v10  }
0x33d: {  	v10 =	vadd.s32 v3, v10;
	v9 =	vand.u32 $0xFFFFFF80, v8;
	v11 =	vand.u32 $0x7F, v8  }
0x33e: {  	v8 =	vadd.s32 v0, v12;
	v15 =	vadd.s32 v0, v13;
	v20 =	vadd.s32 v6, v9  }
0x33f: {  	s12 =	simm.s32 $0x8;
	s10 =	simm.s32 $0xB;
	v9 =	vand.u32 $0xFFFFFF80, v8;
	v17 =	vand.u32 $0xFFFFFF80, v15;
	v23 =	vand.u32 $0x7F, v8  }
0x340: {  	v8 =	vmov s12;
	v19 =	vand.u32 $0x7F, v15;
	v15 =	vmov s10  }
0x341: {  	s11 =	simm.s32 $0xD;
	v24 =	vadd.s32 v5, v9;
	v25 =	vadd.s32 v4, v17;
	v30 =	vld.idx.msk [tilespmem:v7+s22+$0x0], $0xffff;
	v7 =	vadd.s32 v1, v28  }
0x342: {  	v22 =	vshll.u32 v8, $0x7;
	v17 =	vmov s11;
	v9 =	vand.u32 $0xFFFFFF80, v7  }
0x343: {  	v36 =	vor.u32 v11, v20;
	v7 =	vand.u32 $0x7F, v7;
	v9 =	vadd.s32 v29, v9  }
0x344: {  	s10 =	simm.s32 $0x10900;
	v20 =	vadd.s32 v1, v13;
	v11 =	vand.u32 $0xFFFFFF80, v16;
	v33 =	vor.u32 v7, v9  }
0x345: {  	[tilespmem:s10+$0x80] =	vst v41;
	v41 =	vand.u32 $0x7F, v59;
	v16 =	vand.u32 $0x7F, v16;
	v19 =	vor.u32 v19, v25  }
0x346: {  	v37 =	vor.u32 v23, v24;
	v23 =	vadd.s32 v1, v12;
	v30 =	vmul.f32 $8.000000000e+00, v30  }
0x347: {  	v24 =	vand.u32 $0xFFFFFF80, v20;
	v25 =	vadd.s32 v6, v11;
	v20 =	vand.u32 $0x7F, v20  }
0x348: {  	v11 =	vand.u32 $0xFFFFFF80, v23;
	v24 =	vadd.s32 v4, v24;
	v23 =	vand.u32 $0x7F, v23;
	[tilespmem:s9+$0xC0] =	vst v30  }
0x349: {  	v25 =	vor.u32 v16, v25;
	v27 =	vadd.s32 v5, v11;
	v11 =	vadd.s32 v2, v28;
	v30 =	vld.idx.msk [tilespmem:v33+s22+$0x0], $0xffff  }
0x34a: {  	v16 =	vand.u32 $0xFFFFFF80, v14;
	v14 =	vand.u32 $0x7F, v14;
	v34 =	vld.idx.msk [tilespmem:v8+s18+$0x0], $0xffff;
	v40 =	vand.u32 $0xFFFFFF80, v11  }
0x34b: {  	v28 =	vadd.s32 v3, v28;
	v11 =	vand.u32 $0x7F, v11;
	v40 =	vadd.s32 v29, v40  }
0x34c: {  	v20 =	vor.u32 v20, v24;
	v11 =	vor.u32 v11, v40;
	v40 =	vand.u32 $0x7F, v48  }
0x34d: {  	v16 =	vadd.s32 v6, v16;
	v8 =	vshll.u32 v17, $0x7;
	v40 =	vor.u32 v40, v44  }
0x34e: {  	v52 =	vand.u32 $0xFFFFFF80, v28;
	v44 =	vand.u32 $0x7F, v53;
	v30 =	vmul.f32 $8.000000000e+00, v30  }
0x34f: {  	v63 =	vadd.s32 v0, v34;
	v33 =	vor.u32 v50, v45;
	v45 =	vadd.s32 v31, v55  }
0x350: {  	v28 =	vand.u32 $0x7F, v28;
	v49 =	vand.u32 $0xFFFFFF80, v63;
	v44 =	vor.u32 v44, v45;
	[tilespmem:s9+$0xD0] =	vst v30  }
0x351: {  	v23 =	vor.u32 v23, v27;
	v42 =	vadd.s32 v22, v49;
	v30 =	vand.u32 $0x7F, v63;
	v11 =	vld.idx.msk [tilespmem:v11+s22+$0x0], $0xffff  }
0x352: {  	v7 =	vshll.u32 v18, $0x7;
	v29 =	vadd.s32 v29, v52;
	v40 =	vld.idx.msk [tilespmem:v40+s22+$0x0], $0xffff;
	v30 =	vor.u32 v30, v42  }
0x353: {  	v9 =	vshll.u32 v15, $0x7;
	v28 =	vor.u32 v28, v29;
	v29 =	vand.u32 $0xFFFFFF80, v51  }
0x354: {  	v24 =	vld.idx.msk [tilespmem:v19+s22+$0x0], $0xffff;
	v19 =	vadd.s32 v2, v12;
	v29 =	vadd.s32 v26, v29;
	v42 =	vand.u32 $0x7F, v51  }
0x355: {  	v12 =	vadd.s32 v3, v12;
	v39 =	vadd.s32 v1, v34;
	v44 =	vld.idx.msk [tilespmem:v44+s22+$0x0], $0xffff;
	v29 =	vor.u32 v42, v29  }
0x356: {  	v58 =	vadd.s32 v2, v34;
	v49 =	vand.u32 $0xFFFFFF80, v47;
	v33 =	vld.idx.msk [tilespmem:v33+s22+$0x0], $0xffff;
	v11 =	vmul.f32 $8.000000000e+00, v11  }
0x357: {  	v47 =	vand.u32 $0x7F, v47;
	v49 =	vadd.s32 v31, v49;
	v40 =	vmul.f32 $8.000000000e+00, v40;
	v30 =	vld.idx.msk [tilespmem:v30+s22+$0x0], $0xffff  }
0x358: {  	v56 =	vand.u32 $0xFFFFFF80, v39;
	v61 =	vor.u32 v47, v49;
	[tilespmem:s9+$0xE0] =	vst v11;
	v11 =	vand.u32 $0x7F, v54  }
0x359: {  	v37 =	vld.idx.msk [tilespmem:v37+s22+$0x0], $0xffff;
	v39 =	vand.u32 $0x7F, v39;
	v45 =	vadd.s32 v22, v56;
	[tilespmem:s10+$0xFFFFFF80] =	vst v40;
	v43 =	vor.u32 v11, v46  }
0x35a: {  	v39 =	vor.u32 v39, v45;
	v63 =	vadd.s32 v21, v60;
	v47 =	vmul.f32 $8.000000000e+00, v44;
	v29 =	vld.idx.msk [tilespmem:v29+s22+$0x0], $0xffff  }
0x35b: {  	s25 =	simm.s32 $0x16;
	v41 =	vor.u32 v41, v63;
	v33 =	vmul.f32 $8.000000000e+00, v33;
	v28 =	vld.idx.msk [tilespmem:v28+s22+$0x0], $0xffff;
	v11 =	vand.u32 $0xFFFFFF80, v57  }
0x35c: {  	v63 =	vmov s25;
	[tilespmem:s10+$0x90] =	vst v47;
	v50 =	vadd.s32 v26, v11;
	v30 =	vmul.f32 $8.000000000e+00, v30  }
0x35d: {  	v52 =	vand.u32 $0x7F, v38;
	v34 =	vadd.s32 v3, v34;
	[tilespmem:s10+$0x0] =	vst v33;
	v40 =	vld.idx.msk [tilespmem:v61+s22+$0x0], $0xffff;
	v33 =	vor.u32 v62, v50  }
0x35e: {  	v48 =	vand.u32 $0xFFFFFF80, v58;
	v55 =	vmul.f32 $8.000000000e+00, v37;
	v56 =	vadd.s32 v2, v13;
	[tilespmem:s10+$0xFFFFFF00] =	vst v30;
	v30 =	vld.idx.msk [tilespmem:v43+s22+$0x0], $0xffff  }
0x35f: {  	v24 =	vmul.f32 $8.000000000e+00, v24;
	v45 =	vand.u32 $0x7F, v58;
	v29 =	vmul.f32 $8.000000000e+00, v29;
	v39 =	vld.idx.msk [tilespmem:v39+s22+$0x0], $0xffff  }
0x360: {  	v51 =	vand.u32 $0xFFFFFF80, v35;
	v11 =	vmul.f32 $8.000000000e+00, v28;
	v28 =	vadd.s32 v22, v48  }
0x361: {  	v35 =	vand.u32 $0x7F, v35;
	v31 =	vadd.s32 v31, v51;
	[tilespmem:s10+$0xFFFFFF90] =	vst v29;
	v28 =	vor.u32 v45, v28;
	v45 =	vld.idx.msk [tilespmem:v63+s18+$0x0], $0xffff  }
0x362: {  	v13 =	vadd.s32 v3, v13;
	v54 =	vmul.f32 $8.000000000e+00, v40;
	v29 =	vor.u32 v35, v31;
	v31 =	vld.idx.msk [tilespmem:v33+s22+$0x0], $0xffff  }
0x363: {  	v58 =	vand.u32 $0xFFFFFF80, v19;
	v49 =	vand.u32 $0xFFFFFF80, v38;
	[tilespmem:s9+$0xFFFFFF40] =	vst v24;
	v30 =	vmul.f32 $8.000000000e+00, v30  }
0x364: {  	v24 =	vand.u32 $0xFFFFFF80, v13;
	v26 =	vadd.s32 v26, v49;
	[tilespmem:s10+$0xA0] =	vst v54;
	v39 =	vmul.f32 $8.000000000e+00, v39  }
0x365: {  	s11 =	simm.s32 $0x14;
	v36 =	vld.idx.msk [tilespmem:v36+s22+$0x0], $0xffff;
	v50 =	vand.u32 $0xFFFFFF80, v32;
	v26 =	vor.u32 v52, v26;
	v32 =	vand.u32 $0x7F, v32;
	[tilespmem:s10+$0x10] =	vst v30  }
0x366: {  	v21 =	vadd.s32 v21, v50;
	v54 =	vmov s11;
	v51 =	vadd.s32 v0, v45;
	[tilespmem:s10+$0xFFFFFF10] =	vst v39;
	v53 =	vld.idx.msk [tilespmem:v41+s22+$0x0], $0xffff  }
0x367: {  	[tilespmem:s9+$0x40] =	vst v55;
	v27 =	vmul.f32 $8.000000000e+00, v31;
	v52 =	vand.u32 $0xFFFFFF80, v51;
	v28 =	vld.idx.msk [tilespmem:v28+s22+$0x0], $0xffff;
	v41 =	vshll.u32 v63, $0x7  }
0x368: {  	v23 =	vld.idx.msk [tilespmem:v23+s22+$0x0], $0xffff;
	v48 =	vand.u32 $0xFFFFFF80, v34;
	v51 =	vand.u32 $0x7F, v51;
	v52 =	vadd.s32 v41, v52  }
0x369: {  	v22 =	vadd.s32 v22, v48;
	v29 =	vld.idx.msk [tilespmem:v29+s22+$0x0], $0xffff;
	v30 =	vand.u32 $0x7F, v34;
	[tilespmem:s10+$0xFFFFFFA0] =	vst v27;
	v51 =	vor.u32 v51, v52  }
0x36a: {  	s12 =	simm.s32 $0xF;
	v21 =	vor.u32 v32, v21;
	v22 =	vor.u32 v30, v22;
	v30 =	vmul.f32 $8.000000000e+00, v36;
	v26 =	vld.idx.msk [tilespmem:v26+s22+$0x0], $0xffff  }
0x36b: {  	s23 =	simm.s32 $0x12;
	v13 =	vand.u32 $0x7F, v13;
	v57 =	vmov s12;
	v42 =	vld.idx.msk [tilespmem:v54+s18+$0x0], $0xffff;
	v31 =	vmul.f32 $8.000000000e+00, v53  }
0x36c: {  	v20 =	vld.idx.msk [tilespmem:v20+s22+$0x0], $0xffff;
	v37 =	vshll.u32 v57, $0x7;
	v62 =	vmov s23;
	[tilespmem:s9+$0xFFFFFFC0] =	vst v30;
	v28 =	vmul.f32 $8.000000000e+00, v28  }
0x36d: {  	v35 =	vshll.u32 v54, $0x7;
	v34 =	vshll.u32 v62, $0x7;
	v27 =	vand.u32 $0xFFFFFF80, v56;
	v25 =	vld.idx.msk [tilespmem:v25+s22+$0x0], $0xffff;
	[tilespmem:s10+$0x20] =	vst v31  }
0x36e: {  	v27 =	vadd.s32 v4, v27;
	v30 =	vand.u32 $0x7F, v19;
	[tilespmem:s10+$0xFFFFFF20] =	vst v28;
	v28 =	vmul.f32 $8.000000000e+00, v29;
	v51 =	vld.idx.msk [tilespmem:v51+s22+$0x0], $0xffff  }
0x36f: {  	v19 =	vor.u32 v14, v16;
	v4 =	vadd.s32 v4, v24;
	v26 =	vmul.f32 $8.000000000e+00, v26;
	v21 =	vld.idx.msk [tilespmem:v21+s22+$0x0], $0xffff  }
0x370: {  	v53 =	vadd.s32 v0, v42;
	v31 =	vadd.s32 v5, v58;
	v29 =	vand.u32 $0x7F, v56;
	v22 =	vld.idx.msk [tilespmem:v22+s22+$0x0], $0xffff;
	[tilespmem:s10+$0xB0] =	vst v28  }
0x371: {  	v24 =	vand.u32 $0x7F, v12;
	v16 =	vor.u32 v30, v31;
	v14 =	vor.u32 v29, v27;
	[tilespmem:s10+$0xFFFFFFB0] =	vst v26;
	v36 =	vld.idx.msk [tilespmem:v57+s18+$0x0], $0xffff  }
0x372: {  	v27 =	vand.u32 $0xFFFFFF80, v10;
	v10 =	vand.u32 $0x7F, v10;
	v25 =	vmul.f32 $8.000000000e+00, v25;
	v15 =	vld.idx.msk [tilespmem:v15+s18+$0x0], $0xffff  }
0x373: {  	v28 =	vand.u32 $0xFFFFFF80, v12;
	v6 =	vadd.s32 v6, v27;
	v26 =	vmul.f32 $8.000000000e+00, v23  }
0x374: {  	v5 =	vadd.s32 v5, v28;
	v12 =	vor.u32 v10, v6;
	[tilespmem:s9+$0xFFFFFFD0] =	vst v25;
	v21 =	vmul.f32 $8.000000000e+00, v21  }
0x375: {  	v10 =	vor.u32 v13, v4;
	v13 =	vor.u32 v24, v5;
	[tilespmem:s9+$0x50] =	vst v26;
	v19 =	vld.idx.msk [tilespmem:v19+s22+$0x0], $0xffff;
	v22 =	vmul.f32 $8.000000000e+00, v22  }
0x376: {  	v24 =	vmul.f32 $8.000000000e+00, v20;
	v51 =	vmul.f32 $8.000000000e+00, v51;
	v16 =	vld.idx.msk [tilespmem:v16+s22+$0x0], $0xffff;
	[tilespmem:s10+$0x30] =	vst v21;
	v6 =	vadd.s32 v0, v36  }
0x377: {  	[tilespmem:s10+$0xFFFFFF30] =	vst v22;
	v5 =	vadd.s32 v0, v15;
	v27 =	vadd.s32 v1, v15;
	v17 =	vld.idx.msk [tilespmem:v17+s18+$0x0], $0xffff;
	v4 =	vand.u32 $0xFFFFFF80, v6  }
0x378: {  	v20 =	vadd.s32 v2, v15;
	v18 =	vld.idx.msk [tilespmem:v18+s18+$0x0], $0xffff;
	v6 =	vand.u32 $0x7F, v6;
	v4 =	vadd.s32 v37, v4  }
0x379: {  	v58 =	vadd.s32 v2, v36;
	v4 =	vor.u32 v6, v4;
	v6 =	vand.u32 $0xFFFFFF80, v5  }
0x37a: {  	v15 =	vadd.s32 v3, v15;
	v28 =	vand.u32 $0x7F, v5;
	v29 =	vadd.s32 v9, v6  }
0x37b: {  	v19 =	vmul.f32 $8.000000000e+00, v19;
	v16 =	vmul.f32 $8.000000000e+00, v16;
	v46 =	vor.u32 v28, v29  }
0x37c: {  	v28 =	vand.u32 $0xFFFFFF80, v27;
	v27 =	vand.u32 $0x7F, v27;
	v5 =	vadd.s32 v0, v17  }
0x37d: {  	s15 =	simm.s32 $0x10;
	v21 =	vadd.s32 v0, v18;
	v29 =	vadd.s32 v1, v18;
	v6 =	vand.u32 $0xFFFFFF80, v5  }
0x37e: {  	s12 =	simm.s32 $0x11;
	v22 =	vand.u32 $0xFFFFFF80, v21;
	v30 =	vand.u32 $0x7F, v5;
	v5 =	vmov s15  }
0x37f: {  	v59 =	vand.u32 $0x7F, v21;
	v21 =	vmov s12;
	v56 =	vand.u32 $0xFFFFFF80, v29  }
0x380: {  	s15 =	simm.s32 $0x13;
	v26 =	vand.u32 $0x7F, v29;
	v31 =	vadd.s32 v8, v6;
	v60 =	vadd.s32 v7, v22  }
0x381: {  	s23 =	simm.s32 $0x15;
	v61 =	vld.idx.msk [tilespmem:v4+s22+$0x0], $0xffff;
	v4 =	vadd.s32 v1, v36;
	v33 =	vshll.u32 v5, $0x7;
	v23 =	vmov s15  }
0x382: {  	v22 =	vmov s23;
	v36 =	vadd.s32 v3, v36;
	v6 =	vand.u32 $0xFFFFFF80, v4  }
0x383: {  	v4 =	vand.u32 $0x7F, v4;
	v38 =	vor.u32 v59, v60;
	v47 =	vor.u32 v30, v31  }
0x384: {  	v40 =	vld.idx.msk [tilespmem:v62+s18+$0x0], $0xffff;
	v30 =	vadd.s32 v1, v17;
	v31 =	vadd.s32 v9, v28;
	v6 =	vadd.s32 v37, v6  }
0x385: {  	v28 =	vadd.s32 v7, v56;
	v60 =	vand.u32 $0xFFFFFF80, v58;
	v55 =	vor.u32 v4, v6  }
0x386: {  	v57 =	vand.u32 $0xFFFFFF80, v30;
	v50 =	vadd.s32 v37, v60;
	v60 =	vadd.s32 v1, v42  }
0x387: {  	v29 =	vand.u32 $0x7F, v30;
	v27 =	vor.u32 v27, v31;
	v39 =	vmul.f32 $8.000000000e+00, v61  }
0x388: {  	v30 =	vand.u32 $0xFFFFFF80, v20;
	v26 =	vor.u32 v26, v28;
	v28 =	vadd.s32 v2, v17  }
0x389: {  	v20 =	vand.u32 $0x7F, v20;
	v17 =	vadd.s32 v3, v17;
	v44 =	vld.idx.msk [tilespmem:v5+s18+$0x0], $0xffff;
	v61 =	vadd.s32 v0, v40;
	[tilespmem:s10+$0xC0] =	vst v39  }
0x38a: {  	v4 =	vshll.u32 v21, $0x7;
	v32 =	vadd.s32 v8, v57;
	v54 =	vand.u32 $0xFFFFFF80, v61;
	v43 =	vld.idx.msk [tilespmem:v55+s22+$0x0], $0xffff  }
0x38b: {  	v57 =	vand.u32 $0x7F, v53;
	v56 =	vand.u32 $0x7F, v61;
	v54 =	vadd.s32 v34, v54  }
0x38c: {  	v39 =	vand.u32 $0x7F, v58;
	v58 =	vand.u32 $0xFFFFFF80, v36;
	v48 =	vor.u32 v56, v54  }
0x38d: {  	v36 =	vand.u32 $0x7F, v36;
	v39 =	vor.u32 v39, v50;
	v55 =	vand.u32 $0xFFFFFF80, v53  }
0x38e: {  	v37 =	vadd.s32 v37, v58;
	v59 =	vadd.s32 v0, v44;
	v55 =	vadd.s32 v35, v55  }
0x38f: {  	v62 =	vand.u32 $0xFFFFFF80, v59;
	v50 =	vor.u32 v57, v55;
	v43 =	vmul.f32 $8.000000000e+00, v43  }
0x390: {  	v63 =	vand.u32 $0x7F, v59;
	v59 =	vadd.s32 v1, v45;
	v52 =	vadd.s32 v33, v62  }
0x391: {  	v56 =	vand.u32 $0xFFFFFF80, v60;
	v61 =	vand.u32 $0xFFFFFF80, v59;
	v48 =	vld.idx.msk [tilespmem:v48+s22+$0x0], $0xffff;
	[tilespmem:s10+$0xD0] =	vst v43;
	v43 =	vor.u32 v63, v52  }
0x392: {  	v54 =	vand.u32 $0x7F, v59;
	v55 =	vadd.s32 v41, v61;
	v52 =	vadd.s32 v1, v40;
	v39 =	vld.idx.msk [tilespmem:v39+s22+$0x0], $0xffff  }
0x393: {  	v49 =	vadd.s32 v1, v44;
	v54 =	vor.u32 v54, v55;
	v62 =	vand.u32 $0xFFFFFF80, v52  }
0x394: {  	s11 =	simm.s32 $0x10B00;
	v36 =	vor.u32 v36, v37;
	v50 =	vld.idx.msk [tilespmem:v50+s22+$0x0], $0xffff;
	v52 =	vand.u32 $0x7F, v52;
	v37 =	vadd.s32 v34, v62  }
0x395: {  	[tilespmem:s11+$0x80] =	vst v51;
	v56 =	vadd.s32 v35, v56;
	v51 =	vadd.s32 v2, v44;
	v37 =	vor.u32 v52, v37  }
0x396: {  	v58 =	vand.u32 $0x7F, v49;
	v59 =	vand.u32 $0x7F, v60;
	v48 =	vmul.f32 $8.000000000e+00, v48;
	v43 =	vld.idx.msk [tilespmem:v43+s22+$0x0], $0xffff  }
0x397: {  	v63 =	vand.u32 $0xFFFFFF80, v49;
	v49 =	vor.u32 v59, v56;
	v39 =	vmul.f32 $8.000000000e+00, v39  }
0x398: {  	v6 =	vshll.u32 v22, $0x7;
	v55 =	vadd.s32 v33, v63;
	v62 =	vadd.s32 v2, v45;
	v54 =	vld.idx.msk [tilespmem:v54+s22+$0x0], $0xffff;
	[tilespmem:s11+$0xFFFFFF80] =	vst v48  }
0x399: {  	v57 =	vand.u32 $0xFFFFFF80, v62;
	v50 =	vmul.f32 $8.000000000e+00, v50;
	[tilespmem:s10+$0xE0] =	vst v39;
	v39 =	vor.u32 v58, v55  }
0x39a: {  	v60 =	vadd.s32 v2, v40;
	v57 =	vadd.s32 v41, v57;
	v55 =	vand.u32 $0x7F, v62;
	v37 =	vld.idx.msk [tilespmem:v37+s22+$0x0], $0xffff  }
0x39b: {  	v61 =	vand.u32 $0xFFFFFF80, v60;
	[tilespmem:s11+$0x0] =	vst v50;
	v55 =	vor.u32 v55, v57;
	v43 =	vmul.f32 $8.000000000e+00, v43  }
0x39c: {  	v56 =	vadd.s32 v2, v42;
	v52 =	vand.u32 $0x7F, v60;
	v48 =	vadd.s32 v34, v61;
	v61 =	vld.idx.msk [tilespmem:v49+s22+$0x0], $0xffff  }
0x39d: {  	v63 =	vand.u32 $0xFFFFFF80, v51;
	v48 =	vor.u32 v52, v48;
	v54 =	vmul.f32 $8.000000000e+00, v54;
	[tilespmem:s11+$0xFFFFFF00] =	vst v43  }
0x39e: {  	v30 =	vadd.s32 v9, v30;
	v59 =	vadd.s32 v33, v63;
	v58 =	vand.u32 $0xFFFFFF80, v56;
	v39 =	vld.idx.msk [tilespmem:v39+s22+$0x0], $0xffff  }
0x39f: {  	v63 =	vand.u32 $0x7F, v56;
	v60 =	vadd.s32 v35, v58;
	[tilespmem:s11+$0x90] =	vst v54;
	v37 =	vmul.f32 $8.000000000e+00, v37  }
0x3a0: {  	[tilespmem:s9+$0xF0] =	vst v11;
	v45 =	vadd.s32 v3, v45;
	v62 =	vand.u32 $0x7F, v51;
	v57 =	vor.u32 v63, v60;
	v54 =	vld.idx.msk [tilespmem:v55+s22+$0x0], $0xffff  }
0x3a1: {  	v11 =	vld.idx.msk [tilespmem:v38+s22+$0x0], $0xffff;
	v49 =	vor.u32 v62, v59;
	v43 =	vmul.f32 $8.000000000e+00, v61;
	v61 =	vand.u32 $0xFFFFFF80, v45;
	[tilespmem:s11+$0xFFFFFF90] =	vst v37  }
0x3a2: {  	[tilespmem:s9+$0xFFFFFF50] =	vst v24;
	v40 =	vadd.s32 v3, v40;
	v63 =	vand.u32 $0x7F, v45;
	v41 =	vadd.s32 v41, v61;
	v48 =	vld.idx.msk [tilespmem:v48+s22+$0x0], $0xffff  }
0x3a3: {  	v14 =	vld.idx.msk [tilespmem:v14+s22+$0x0], $0xffff;
	v59 =	vand.u32 $0xFFFFFF80, v40;
	v62 =	vmul.f32 $8.000000000e+00, v39;
	v39 =	vor.u32 v63, v41  }
0x3a4: {  	v46 =	vld.idx.msk [tilespmem:v46+s22+$0x0], $0xffff;
	v44 =	vadd.s32 v3, v44;
	v34 =	vadd.s32 v34, v59;
	v45 =	vand.u32 $0x7F, v40;
	[tilespmem:s11+$0x10] =	vst v43  }
0x3a5: {  	v42 =	vadd.s32 v3, v42;
	v34 =	vor.u32 v45, v34;
	v53 =	vld.idx.msk [tilespmem:v57+s22+$0x0], $0xffff;
	v54 =	vmul.f32 $8.000000000e+00, v54;
	[tilespmem:s11+$0xFFFFFF10] =	vst v62  }
0x3a6: {  	v11 =	vmul.f32 $8.000000000e+00, v11;
	v52 =	vand.u32 $0x7F, v42;
	v60 =	vand.u32 $0xFFFFFF80, v42;
	v25 =	vld.idx.msk [tilespmem:v49+s22+$0x0], $0xffff  }
0x3a7: {  	v47 =	vld.idx.msk [tilespmem:v47+s22+$0x0], $0xffff;
	v58 =	vand.u32 $0xFFFFFF80, v44;
	v35 =	vadd.s32 v35, v60;
	[tilespmem:s11+$0xA0] =	vst v54;
	v31 =	vmul.f32 $8.000000000e+00, v48  }
0x3a8: {  	v51 =	vand.u32 $0x7F, v44;
	v33 =	vadd.s32 v33, v58;
	v35 =	vor.u32 v52, v35;
	v24 =	vld.idx.msk [tilespmem:v39+s22+$0x0], $0xffff  }
0x3a9: {  	v5 =	vshll.u32 v23, $0x7;
	v36 =	vld.idx.msk [tilespmem:v36+s22+$0x0], $0xffff;
	v33 =	vor.u32 v51, v33;
	v55 =	vmul.f32 $8.000000000e+00, v46;
	[tilespmem:s11+$0xFFFFFFA0] =	vst v31  }
0x3aa: {  	s25 =	simm.s32 $0x17;
	v29 =	vor.u32 v29, v32;
	v30 =	vor.u32 v20, v30;
	[tilespmem:s10+$0xFFFFFF40] =	vst v11;
	v57 =	vmul.f32 $8.000000000e+00, v53;
	v34 =	vld.idx.msk [tilespmem:v34+s22+$0x0], $0xffff  }
0x3ab: {  	v11 =	vand.u32 $0xFFFFFF80, v15;
	v60 =	vmov s25;
	[tilespmem:s10+$0xFFFFFFC0] =	vst v55;
	v25 =	vmul.f32 $8.000000000e+00, v25  }
0x3ac: {  	v9 =	vadd.s32 v9, v11;
	v56 =	vmul.f32 $8.000000000e+00, v47;
	v58 =	vadd.s32 v2, v18;
	v27 =	vld.idx.msk [tilespmem:v27+s22+$0x0], $0xffff;
	[tilespmem:s11+$0x20] =	vst v57  }
0x3ad: {  	v59 =	vand.u32 $0xFFFFFF80, v28;
	v28 =	vand.u32 $0x7F, v28;
	[tilespmem:s11+$0xFFFFFF20] =	vst v25;
	v25 =	vld.idx.msk [tilespmem:v35+s22+$0x0], $0xffff;
	v24 =	vmul.f32 $8.000000000e+00, v24  }
0x3ae: {  	[tilespmem:s9+$0x60] =	vst v16;
	v18 =	vadd.s32 v3, v18;
	v38 =	vadd.s32 v8, v59;
	v36 =	vmul.f32 $8.000000000e+00, v36;
	v33 =	vld.idx.msk [tilespmem:v33+s22+$0x0], $0xffff  }
0x3af: {  	v28 =	vor.u32 v28, v38;
	v63 =	vld.idx.msk [tilespmem:v26+s22+$0x0], $0xffff;
	v62 =	vmul.f32 $8.000000000e+00, v14;
	v14 =	vmul.f32 $8.000000000e+00, v34;
	[tilespmem:s11+$0xB0] =	vst v24  }
0x3b0: {  	[tilespmem:s10+$0x40] =	vst v56;
	v61 =	vand.u32 $0x7F, v58;
	v26 =	vand.u32 $0xFFFFFF80, v18;
	v31 =	vand.u32 $0xFFFFFF80, v58;
	v20 =	vld.idx.msk [tilespmem:v60+s18+$0x0], $0xffff  }
0x3b1: {  	v16 =	vmul.f32 $8.000000000e+00, v27;
	v31 =	vadd.s32 v7, v31;
	v7 =	vadd.s32 v7, v26;
	v24 =	vld.idx.msk [tilespmem:v29+s22+$0x0], $0xffff;
	[tilespmem:s11+$0xFFFFFFB0] =	vst v14  }
0x3b2: {  	[tilespmem:s9+$0xFFFFFFE0] =	vst v19;
	v26 =	vshll.u32 v60, $0x7;
	v29 =	vand.u32 $0xFFFFFF80, v17;
	v11 =	vld.idx.msk [tilespmem:v23+s18+$0x0], $0xffff;
	v19 =	vmul.f32 $8.000000000e+00, v25  }
0x3b3: {  	v25 =	vadd.s32 v8, v29;
	v29 =	vld.idx.msk [tilespmem:v12+s22+$0x0], $0xffff;
	v8 =	vand.u32 $0x7F, v15;
	v12 =	vmul.f32 $8.000000000e+00, v33  }
0x3b4: {  	v31 =	vor.u32 v61, v31;
	v15 =	vld.idx.msk [tilespmem:v13+s22+$0x0], $0xffff;
	v13 =	vand.u32 $0x7F, v18;
	v8 =	vor.u32 v8, v9;
	[tilespmem:s11+$0x30] =	vst v19  }
0x3b5: {  	v14 =	vand.u32 $0x7F, v17;
	v7 =	vor.u32 v13, v7;
	[tilespmem:s11+$0xFFFFFF30] =	vst v12;
	v12 =	vld.idx.msk [tilespmem:v22+s18+$0x0], $0xffff;
	v18 =	vadd.s32 v0, v20  }
0x3b6: {  	[tilespmem:s9+$0xFFFFFF60] =	vst v62;
	v9 =	vor.u32 v14, v25;
	v17 =	vmul.f32 $8.000000000e+00, v24;
	v13 =	vld.idx.msk [tilespmem:v21+s18+$0x0], $0xffff;
	v14 =	vand.u32 $0xFFFFFF80, v18  }
0x3b7: {  	[tilespmem:s10+$0xFFFFFFD0] =	vst v16;
	v21 =	vmul.f32 $8.000000000e+00, v63;
	v16 =	vand.u32 $0x7F, v18;
	v18 =	vadd.s32 v26, v14  }
0x3b8: {  	[tilespmem:s10+$0x50] =	vst v17;
	v17 =	vadd.s32 v2, v11;
	v22 =	vmul.f32 $8.000000000e+00, v29;
	v19 =	vor.u32 v16, v18  }
0x3b9: {  	[tilespmem:s10+$0xF0] =	vst v36;
	v10 =	vld.idx.msk [tilespmem:v10+s22+$0x0], $0xffff;
	v23 =	vmul.f32 $8.000000000e+00, v15;
	v15 =	vadd.s32 v0, v11;
	v18 =	vadd.s32 v1, v11  }
0x3ba: {  	v14 =	vld.idx.msk [tilespmem:v30+s22+$0x0], $0xffff;
	[tilespmem:s10+$0xFFFFFF50] =	vst v21;
	v24 =	vand.u32 $0xFFFFFF80, v15;
	v27 =	vand.u32 $0x7F, v15;
	v25 =	vadd.s32 v0, v12  }
0x3bb: {  	v16 =	vld.idx.msk [tilespmem:v28+s22+$0x0], $0xffff;
	[tilespmem:s9+$0xFFFFFFF0] =	vst v22;
	v28 =	vadd.s32 v5, v24;
	v21 =	vadd.s32 v0, v13;
	v24 =	vand.u32 $0xFFFFFF80, v25  }
0x3bc: {  	s4 =	simm.s32 $0x18;
	s12 =	simm.s32 $0x8;
	v15 =	vld.idx.msk [tilespmem:v31+s22+$0x0], $0xffff;
	[tilespmem:s9+$0x70] =	vst v23;
	v29 =	vand.u32 $0x7F, v25;
	v22 =	vand.u32 $0xFFFFFF80, v21;
	v30 =	vadd.s32 v6, v24  }
.LBB2_7:
0x3bd: {  	v23 =	vmov s4;
	s1 =	sadd.s32 $0x2, s4;
	s15 =	sadd.s32 $0x6, s4;
	s12 =	sadd.s32 $0x4, s12;
	v33 =	vand.u32 $0x7F, v21;
	v35 =	vadd.s32 v4, v22;
	v37 =	vld.idx.msk [tilespmem:v19+s22+$0x0], $0xffff  }
0x3be: {  	s23 =	sadd.s32 $0x1, s4;
	v19 =	vadd.s32 v1, v20;
	v39 =	vmov s1;
	s1 =	sadd.s32 $0x4, s4;
	v42 =	vmov s15;
	p1 =	slt.u32 s12, $0x3C  }
0x3bf: {  	s25 =	smov.u32 s11;
	s15 =	sadd.s32 $0x3, s4;
	v21 =	vand.u32 $0xFFFFFF80, v19;
	v32 =	vshll.u32 v39, $0x7;
	v41 =	vmov s1;
	s1 =	sadd.s32 $0x5, s4  }
0x3c0: {  	v22 =	vand.u32 $0x7F, v19;
	v21 =	vadd.s32 v26, v21;
	v34 =	vshll.u32 v41, $0x7  }
0x3c1: {  	v31 =	vshll.u32 v23, $0x7;
	v19 =	vmov s23;
	v43 =	vor.u32 v22, v21  }
0x3c2: {  	v22 =	vmov s15;
	v21 =	vmov s1;
	v38 =	vld.idx.msk [tilespmem:v23+s18+$0x0], $0xffff;
	v23 =	vshll.u32 v19, $0x7  }
0x3c3: {  	v25 =	vshll.u32 v22, $0x7;
	v24 =	vshll.u32 v21, $0x7;
	v37 =	vmul.f32 $8.000000000e+00, v37;
	v36 =	vld.idx.msk [tilespmem:v42+s18+$0x0], $0xffff  }
0x3c4: {  	v44 =	vor.u32 v29, v30;
	v40 =	vld.idx.msk [tilespmem:v39+s18+$0x0], $0xffff;
	v39 =	vor.u32 v33, v35;
	v35 =	vor.u32 v27, v28  }
0x3c5: {  	v30 =	vadd.s32 v1, v12;
	v27 =	vadd.s32 v1, v13;
	v28 =	vand.u32 $0xFFFFFF80, v18;
	v41 =	vld.idx.msk [tilespmem:v41+s18+$0x0], $0xffff;
	[tilespmem:s11+$0xC0] =	vst v37  }
0x3c6: {  	v33 =	vand.u32 $0xFFFFFF80, v27;
	v29 =	vadd.s32 v5, v28;
	v37 =	vand.u32 $0xFFFFFF80, v30;
	v43 =	vld.idx.msk [tilespmem:v43+s22+$0x0], $0xffff  }
0x3c7: {  	v28 =	vadd.s32 v4, v33;
	v33 =	vadd.s32 v6, v37;
	v37 =	vadd.s32 v2, v20  }
0x3c8: {  	v45 =	vadd.s32 v0, v38;
	v46 =	vadd.s32 v1, v38;
	v47 =	vand.u32 $0xFFFFFF80, v37  }
0x3c9: {  	v49 =	vand.u32 $0x7F, v37;
	v48 =	vadd.s32 v0, v36;
	v47 =	vadd.s32 v26, v47;
	v35 =	vld.idx.msk [tilespmem:v35+s22+$0x0], $0xffff  }
0x3ca: {  	v42 =	vshll.u32 v42, $0x7;
	v50 =	vand.u32 $0xFFFFFF80, v48;
	v37 =	vld.idx.msk [tilespmem:v44+s22+$0x0], $0xffff;
	v44 =	vor.u32 v49, v47  }
0x3cb: {  	v48 =	vand.u32 $0x7F, v48;
	v47 =	vadd.s32 v0, v40;
	v49 =	vadd.s32 v42, v50;
	v39 =	vld.idx.msk [tilespmem:v39+s22+$0x0], $0xffff  }
0x3cc: {  	v50 =	vadd.s32 v0, v41;
	v48 =	vor.u32 v48, v49;
	v43 =	vmul.f32 $8.000000000e+00, v43  }
0x3cd: {  	v49 =	vand.u32 $0xFFFFFF80, v45;
	v51 =	vand.u32 $0xFFFFFF80, v47;
	v52 =	vand.u32 $0xFFFFFF80, v50  }
0x3ce: {  	v49 =	vadd.s32 v31, v49;
	v51 =	vadd.s32 v32, v51;
	v52 =	vadd.s32 v34, v52;
	[tilespmem:s11+$0xD0] =	vst v43  }
0x3cf: {  	v43 =	vand.u32 $0x7F, v45;
	v45 =	vand.u32 $0x7F, v47;
	v47 =	vand.u32 $0x7F, v50;
	v44 =	vld.idx.msk [tilespmem:v44+s22+$0x0], $0xffff  }
0x3d0: {  	v20 =	vadd.s32 v3, v20;
	v45 =	vor.u32 v45, v51;
	v47 =	vor.u32 v47, v52  }
0x3d1: {  	v50 =	vand.u32 $0xFFFFFF80, v20;
	v43 =	vor.u32 v43, v49;
	v49 =	vadd.s32 v1, v40;
	v48 =	vld.idx.msk [tilespmem:v48+s22+$0x0], $0xffff  }
0x3d2: {  	v20 =	vand.u32 $0x7F, v20;
	v51 =	vadd.s32 v1, v36;
	v26 =	vadd.s32 v26, v50  }
0x3d3: {  	v50 =	vadd.s32 v1, v41;
	v52 =	vand.u32 $0xFFFFFF80, v51;
	v20 =	vor.u32 v20, v26  }
0x3d4: {  	v26 =	vand.u32 $0xFFFFFF80, v49;
	v51 =	vand.u32 $0x7F, v51;
	v52 =	vadd.s32 v42, v52  }
0x3d5: {  	v53 =	vand.u32 $0xFFFFFF80, v50;
	v51 =	vor.u32 v51, v52;
	v44 =	vmul.f32 $8.000000000e+00, v44;
	v45 =	vld.idx.msk [tilespmem:v45+s22+$0x0], $0xffff  }
0x3d6: {  	v26 =	vadd.s32 v32, v26;
	v53 =	vadd.s32 v34, v53;
	v52 =	vand.u32 $0xFFFFFF80, v46;
	v47 =	vld.idx.msk [tilespmem:v47+s22+$0x0], $0xffff  }
0x3d7: {  	v49 =	vand.u32 $0x7F, v49;
	v52 =	vadd.s32 v31, v52;
	v48 =	vmul.f32 $8.000000000e+00, v48;
	v43 =	vld.idx.msk [tilespmem:v43+s22+$0x0], $0xffff;
	[tilespmem:s11+$0xE0] =	vst v44  }
0x3d8: {  	v26 =	vor.u32 v49, v26;
	v44 =	vand.u32 $0x7F, v46;
	v46 =	vand.u32 $0x7F, v50;
	s11 =	sadd.s32 $0x200, s11;
	v20 =	vld.idx.msk [tilespmem:v20+s22+$0x0], $0xffff  }
0x3d9: {  	v49 =	vadd.s32 v2, v40;
	v44 =	vor.u32 v44, v52;
	v46 =	vor.u32 v46, v53;
	[tilespmem:s11+$0x80] =	vst v48  }
0x3da: {  	v50 =	vand.u32 $0xFFFFFF80, v49;
	v52 =	vadd.s32 v2, v41;
	v48 =	vadd.s32 v2, v38;
	v51 =	vld.idx.msk [tilespmem:v51+s22+$0x0], $0xffff  }
0x3db: {  	v54 =	vadd.s32 v2, v36;
	v53 =	vand.u32 $0xFFFFFF80, v52;
	v45 =	vmul.f32 $8.000000000e+00, v45  }
0x3dc: {  	v56 =	vand.u32 $0xFFFFFF80, v54;
	v55 =	vand.u32 $0xFFFFFF80, v48;
	v47 =	vmul.f32 $8.000000000e+00, v47  }
0x3dd: {  	v43 =	vmul.f32 $8.000000000e+00, v43;
	[tilespmem:s11+$0xFFFFFF80] =	vst v45;
	v45 =	vand.u32 $0x7F, v54;
	v54 =	vadd.s32 v42, v56  }
0x3de: {  	v50 =	vadd.s32 v32, v50;
	v20 =	vmul.f32 $8.000000000e+00, v20;
	v26 =	vld.idx.msk [tilespmem:v26+s22+$0x0], $0xffff;
	[tilespmem:s11+$0x0] =	vst v47;
	v45 =	vor.u32 v45, v54  }
0x3df: {  	v47 =	vand.u32 $0x7F, v49;
	v49 =	vadd.s32 v34, v53;
	[tilespmem:s11+$0xFFFFFF00] =	vst v43;
	v43 =	vadd.s32 v31, v55;
	v46 =	vld.idx.msk [tilespmem:v46+s22+$0x0], $0xffff  }
0x3e0: {  	v52 =	vand.u32 $0x7F, v52;
	v48 =	vand.u32 $0x7F, v48;
	v51 =	vmul.f32 $8.000000000e+00, v51;
	v44 =	vld.idx.msk [tilespmem:v44+s22+$0x0], $0xffff;
	[tilespmem:s25+$0xF0] =	vst v20  }
0x3e1: {  	v20 =	vor.u32 v48, v43;
	v43 =	vor.u32 v47, v50;
	v47 =	vor.u32 v52, v49  }
0x3e2: {  	v40 =	vadd.s32 v3, v40;
	v41 =	vadd.s32 v3, v41;
	v38 =	vadd.s32 v3, v38;
	[tilespmem:s11+$0x90] =	vst v51  }
0x3e3: {  	v48 =	vand.u32 $0xFFFFFF80, v38;
	v49 =	vand.u32 $0xFFFFFF80, v40;
	v50 =	vand.u32 $0xFFFFFF80, v41;
	v45 =	vld.idx.msk [tilespmem:v45+s22+$0x0], $0xffff  }
0x3e4: {  	v36 =	vadd.s32 v3, v36;
	v32 =	vadd.s32 v32, v49;
	v26 =	vmul.f32 $8.000000000e+00, v26  }
0x3e5: {  	v34 =	vadd.s32 v34, v50;
	v49 =	vand.u32 $0xFFFFFF80, v36;
	v46 =	vmul.f32 $8.000000000e+00, v46  }
0x3e6: {  	v44 =	vmul.f32 $8.000000000e+00, v44;
	[tilespmem:s11+$0xFFFFFF90] =	vst v26;
	v26 =	vand.u32 $0x7F, v36;
	v36 =	vadd.s32 v42, v49  }
0x3e7: {  	v40 =	vand.u32 $0x7F, v40;
	v31 =	vadd.s32 v31, v48;
	v42 =	vld.idx.msk [tilespmem:v43+s22+$0x0], $0xffff;
	[tilespmem:s11+$0x10] =	vst v46;
	v26 =	vor.u32 v26, v36  }
0x3e8: {  	v32 =	vor.u32 v40, v32;
	v40 =	vand.u32 $0x7F, v41;
	v36 =	vand.u32 $0x7F, v38;
	[tilespmem:s11+$0xFFFFFF10] =	vst v44;
	v38 =	vld.idx.msk [tilespmem:v47+s22+$0x0], $0xffff  }
0x3e9: {  	v34 =	vor.u32 v40, v34;
	v31 =	vor.u32 v36, v31;
	v36 =	vmul.f32 $8.000000000e+00, v45;
	v20 =	vld.idx.msk [tilespmem:v20+s22+$0x0], $0xffff  }
0x3ea: {  	v18 =	vand.u32 $0x7F, v18;
	v35 =	vmul.f32 $8.000000000e+00, v35;
	v37 =	vmul.f32 $8.000000000e+00, v37  }
0x3eb: {  	v27 =	vand.u32 $0x7F, v27;
	v30 =	vand.u32 $0x7F, v30;
	[tilespmem:s11+$0xA0] =	vst v36;
	v36 =	vmul.f32 $8.000000000e+00, v39  }
0x3ec: {  	v18 =	vor.u32 v18, v29;
	v29 =	vand.u32 $0xFFFFFF80, v17;
	v30 =	vor.u32 v30, v33;
	v26 =	vld.idx.msk [tilespmem:v26+s22+$0x0], $0xffff;
	[tilespmem:s25+$0xFFFFFFC0] =	vst v35  }
0x3ed: {  	v27 =	vor.u32 v27, v28;
	v28 =	vadd.s32 v2, v12;
	v33 =	vmul.f32 $8.000000000e+00, v42;
	[tilespmem:s25+$0x40] =	vst v37  }
0x3ee: {  	v35 =	vmul.f32 $8.000000000e+00, v38;
	v37 =	vand.u32 $0xFFFFFF80, v28;
	[tilespmem:s25+$0xFFFFFF40] =	vst v36;
	v36 =	vadd.s32 v2, v13  }
0x3ef: {  	s1 =	sadd.s32 $0x7, s4;
	v29 =	vadd.s32 v5, v29;
	v20 =	vmul.f32 $8.000000000e+00, v20;
	[tilespmem:s11+$0xFFFFFFA0] =	vst v33;
	v33 =	vand.u32 $0xFFFFFF80, v36  }
0x3f0: {  	v37 =	vadd.s32 v6, v37;
	v32 =	vld.idx.msk [tilespmem:v32+s22+$0x0], $0xffff;
	[tilespmem:s11+$0x20] =	vst v35;
	v35 =	vmov s1;
	v33 =	vadd.s32 v4, v33  }
0x3f1: {  	v17 =	vand.u32 $0x7F, v17;
	v28 =	vand.u32 $0x7F, v28;
	[tilespmem:s11+$0xFFFFFF20] =	vst v20;
	v34 =	vld.idx.msk [tilespmem:v34+s22+$0x0], $0xffff;
	v20 =	vand.u32 $0x7F, v36  }
0x3f2: {  	v17 =	vor.u32 v17, v29;
	v28 =	vor.u32 v28, v37;
	v26 =	vmul.f32 $8.000000000e+00, v26;
	v31 =	vld.idx.msk [tilespmem:v31+s22+$0x0], $0xffff  }
0x3f3: {  	v11 =	vadd.s32 v3, v11;
	v12 =	vadd.s32 v3, v12;
	v29 =	vor.u32 v20, v33;
	v18 =	vld.idx.msk [tilespmem:v18+s22+$0x0], $0xffff  }
0x3f4: {  	v14 =	vmul.f32 $8.000000000e+00, v14;
	v16 =	vmul.f32 $8.000000000e+00, v16;
	v13 =	vadd.s32 v3, v13;
	[tilespmem:s11+$0xB0] =	vst v26;
	v26 =	vld.idx.msk [tilespmem:v30+s22+$0x0], $0xffff  }
0x3f5: {  	v15 =	vmul.f32 $8.000000000e+00, v15;
	v33 =	vand.u32 $0xFFFFFF80, v12;
	v30 =	vand.u32 $0xFFFFFF80, v11;
	v20 =	vld.idx.msk [tilespmem:v35+s18+$0x0], $0xffff  }
0x3f6: {  	v36 =	vand.u32 $0xFFFFFF80, v13;
	v32 =	vmul.f32 $8.000000000e+00, v32;
	v30 =	vadd.s32 v5, v30;
	v5 =	vmovc v25;
	v27 =	vld.idx.msk [tilespmem:v27+s22+$0x0], $0xffff;
	[tilespmem:s10+$0xFFFFFFE0] =	vst v14  }
0x3f7: {  	v33 =	vadd.s32 v6, v33;
	v25 =	vadd.s32 v4, v36;
	v14 =	vmul.f32 $8.000000000e+00, v34;
	v34 =	vld.idx.msk [tilespmem:v8+s22+$0x0], $0xffff;
	[tilespmem:s10+$0x60] =	vst v16  }
0x3f8: {  	v6 =	vmovc v24;
	v4 =	vmovc v23;
	v16 =	vmul.f32 $8.000000000e+00, v31;
	v8 =	vand.u32 $0x7F, v11;
	v31 =	vand.u32 $0x7F, v12;
	[tilespmem:s11+$0xFFFFFFB0] =	vst v32;
	v32 =	vld.idx.msk [tilespmem:v9+s22+$0x0], $0xffff  }
0x3f9: {  	v9 =	vand.u32 $0x7F, v13;
	v8 =	vor.u32 v8, v30;
	v11 =	vld.idx.msk [tilespmem:v22+s18+$0x0], $0xffff;
	[tilespmem:s11+$0x30] =	vst v14;
	v14 =	vmul.f32 $8.000000000e+00, v18  }
0x3fa: {  	v18 =	vor.u32 v9, v25;
	v9 =	vor.u32 v31, v33;
	[tilespmem:s11+$0xFFFFFF30] =	vst v16;
	v12 =	vld.idx.msk [tilespmem:v21+s18+$0x0], $0xffff;
	v16 =	vmul.f32 $8.000000000e+00, v26  }
0x3fb: {  	v23 =	vmul.f32 $8.000000000e+00, v10;
	v13 =	vld.idx.msk [tilespmem:v19+s18+$0x0], $0xffff;
	v19 =	vadd.s32 v0, v20;
	[tilespmem:s25+$0xFFFFFFD0] =	vst v14  }
0x3fc: {  	v26 =	vshll.u32 v35, $0x7;
	v21 =	vmul.f32 $8.000000000e+00, v27;
	v10 =	vand.u32 $0xFFFFFF80, v19;
	v14 =	vld.idx.msk [tilespmem:v17+s22+$0x0], $0xffff;
	[tilespmem:s25+$0x50] =	vst v16  }
0x3fd: {  	v17 =	vand.u32 $0x7F, v19;
	v22 =	vmul.f32 $8.000000000e+00, v34;
	v10 =	vadd.s32 v26, v10;
	v16 =	vld.idx.msk [tilespmem:v28+s22+$0x0], $0xffff;
	[tilespmem:s10+$0xFFFFFF60] =	vst v15  }
.Ltmp2:
0x3fe: {  	v24 =	vmul.f32 $8.000000000e+00, v32;
	v19 =	vor.u32 v17, v10;
	[tilespmem:s25+$0xFFFFFF50] =	vst v21;
	v10 =	vld.idx.msk [tilespmem:v7+s22+$0x0], $0xffff;
	v7 =	vmov v18;
	(pc) =	sbr.rel @p1 .LBB2_7-.Ltmp2, $4  }
0x3ff: {  	v21 =	vadd.s32 v0, v11;
	v18 =	vadd.s32 v1, v11;
	v17 =	vadd.s32 v2, v11;
	v15 =	vld.idx.msk [tilespmem:v29+s22+$0x0], $0xffff  }
0x400: {  	v25 =	vand.u32 $0xFFFFFF80, v21;
	v27 =	vand.u32 $0x7F, v21;
	v29 =	vadd.s32 v0, v12;
	[tilespmem:s10+$0xFFFFFFF0] =	vst v22  }
0x401: {  	v21 =	vadd.s32 v0, v13;
	v28 =	vadd.s32 v5, v25;
	v25 =	vand.u32 $0xFFFFFF80, v29;
	[tilespmem:s10+$0x70] =	vst v24  }
0x402: {  	s4 =	sadd.s32 $0x8, s4;
	v29 =	vand.u32 $0x7F, v29;
	v22 =	vand.u32 $0xFFFFFF80, v21;
	v30 =	vadd.s32 v6, v25;
	[tilespmem:s9+$0xFFFFFF70] =	vst v23;
	s9 =	smov.u32 s10;
	s10 =	smov.u32 s25  }
0x403: {  	_ =	sdelay $0x3  }
0x404: {  	v19 =	vld.idx.msk [tilespmem:v19+s22+$0x0], $0xffff;
	v23 =	vadd.s32 v1, v20;
	v25 =	vor.u32 v27, v28;
	v27 =	vor.u32 v29, v30  }
0x405: {  	v21 =	vand.u32 $0x7F, v21;
	v22 =	vadd.s32 v4, v22;
	v24 =	vand.u32 $0xFFFFFF80, v23  }
0x406: {  	v23 =	vand.u32 $0x7F, v23;
	v21 =	vor.u32 v21, v22;
	v24 =	vadd.s32 v26, v24  }
0x407: {  	v23 =	vor.u32 v23, v24;
	_ =	sdelay $0x1  }
0x408: {  	v19 =	vmul.f32 $8.000000000e+00, v19;
	v25 =	vld.idx.msk [tilespmem:v25+s22+$0x0], $0xffff  }
0x409: {  	v28 =	vadd.s32 v1, v12;
	v30 =	vadd.s32 v2, v20;
	v22 =	vadd.s32 v1, v13;
	v27 =	vld.idx.msk [tilespmem:v27+s22+$0x0], $0xffff  }
0x40a: {  	v29 =	vand.u32 $0xFFFFFF80, v22;
	v22 =	vand.u32 $0x7F, v22;
	v24 =	vand.u32 $0xFFFFFF80, v18;
	v21 =	vld.idx.msk [tilespmem:v21+s22+$0x0], $0xffff;
	[tilespmem:s11+$0xC0] =	vst v19  }
0x40b: {  	v18 =	vand.u32 $0x7F, v18;
	v19 =	vadd.s32 v5, v24;
	v24 =	vand.u32 $0xFFFFFF80, v28;
	v23 =	vld.idx.msk [tilespmem:v23+s22+$0x0], $0xffff  }
0x40c: {  	v28 =	vand.u32 $0x7F, v28;
	v24 =	vadd.s32 v6, v24;
	v18 =	vor.u32 v18, v19  }
0x40d: {  	v29 =	vadd.s32 v4, v29;
	v24 =	vor.u32 v28, v24;
	v25 =	vmul.f32 $8.000000000e+00, v25  }
0x40e: {  	v31 =	vand.u32 $0xFFFFFF80, v30;
	v22 =	vor.u32 v22, v29;
	v27 =	vmul.f32 $8.000000000e+00, v27  }
0x40f: {  	v19 =	vand.u32 $0x7F, v30;
	v30 =	vadd.s32 v26, v31;
	v21 =	vmul.f32 $8.000000000e+00, v21;
	[tilespmem:s11+$0xFFFFFFC0] =	vst v25  }
0x410: {  	v20 =	vadd.s32 v3, v20;
	v19 =	vor.u32 v19, v30;
	[tilespmem:s11+$0x40] =	vst v27;
	v23 =	vmul.f32 $8.000000000e+00, v23  }
0x411: {  	v11 =	vadd.s32 v3, v11;
	v14 =	vmul.f32 $8.000000000e+00, v14;
	v27 =	vadd.s32 v2, v12;
	v18 =	vld.idx.msk [tilespmem:v18+s22+$0x0], $0xffff;
	[tilespmem:s11+$0xFFFFFF40] =	vst v21  }
0x412: {  	v28 =	vadd.s32 v2, v13;
	v21 =	vand.u32 $0xFFFFFF80, v27;
	v24 =	vld.idx.msk [tilespmem:v24+s22+$0x0], $0xffff;
	[tilespmem:s11+$0xD0] =	vst v23;
	v23 =	vand.u32 $0xFFFFFF80, v17  }
0x413: {  	v27 =	vand.u32 $0x7F, v27;
	v22 =	vld.idx.msk [tilespmem:v22+s22+$0x0], $0xffff;
	v17 =	vand.u32 $0x7F, v17;
	v23 =	vadd.s32 v5, v23  }
0x414: {  	v21 =	vadd.s32 v6, v21;
	v17 =	vor.u32 v17, v23;
	v23 =	vand.u32 $0xFFFFFF80, v28  }
0x415: {  	v21 =	vor.u32 v27, v21;
	v27 =	vand.u32 $0x7F, v28;
	v19 =	vld.idx.msk [tilespmem:v19+s22+$0x0], $0xffff;
	v23 =	vadd.s32 v4, v23  }
0x416: {  	v16 =	vmul.f32 $8.000000000e+00, v16;
	v18 =	vmul.f32 $8.000000000e+00, v18;
	v23 =	vor.u32 v27, v23  }
0x417: {  	[tilespmem:s10+$0xFFFFFFE0] =	vst v14;
	v14 =	vmul.f32 $8.000000000e+00, v15;
	v13 =	vadd.s32 v3, v13;
	v24 =	vmul.f32 $8.000000000e+00, v24  }
0x418: {  	v25 =	vand.u32 $0xFFFFFF80, v20;
	v20 =	vand.u32 $0x7F, v20;
	[tilespmem:s11+$0xFFFFFFD0] =	vst v18;
	v18 =	vmul.f32 $8.000000000e+00, v22  }
0x419: {  	v12 =	vadd.s32 v3, v12;
	v25 =	vadd.s32 v26, v25;
	v22 =	vand.u32 $0xFFFFFF80, v11;
	[tilespmem:s11+$0x50] =	vst v24;
	v17 =	vld.idx.msk [tilespmem:v17+s22+$0x0], $0xffff  }
0x41a: {  	v11 =	vand.u32 $0x7F, v11;
	v19 =	vmul.f32 $8.000000000e+00, v19;
	v5 =	vadd.s32 v5, v22;
	v21 =	vld.idx.msk [tilespmem:v21+s22+$0x0], $0xffff;
	[tilespmem:s11+$0xFFFFFF50] =	vst v18  }
0x41b: {  	v20 =	vor.u32 v20, v25;
	v24 =	vand.u32 $0xFFFFFF80, v12;
	v5 =	vor.u32 v11, v5;
	v11 =	vld.idx.msk [tilespmem:v23+s22+$0x0], $0xffff  }
0x41c: {  	v12 =	vand.u32 $0x7F, v12;
	v6 =	vadd.s32 v6, v24;
	[tilespmem:s11+$0xE0] =	vst v19;
	v19 =	vand.u32 $0xFFFFFF80, v13  }
0x41d: {  	[tilespmem:s10+$0x60] =	vst v16;
	v8 =	vld.idx.msk [tilespmem:v8+s22+$0x0], $0xffff;
	v6 =	vor.u32 v12, v6;
	v12 =	vand.u32 $0x7F, v13;
	v4 =	vadd.s32 v4, v19  }
0x41e: {  	v9 =	vld.idx.msk [tilespmem:v9+s22+$0x0], $0xffff;
	[tilespmem:s10+$0xFFFFFF60] =	vst v14;
	v4 =	vor.u32 v12, v4;
	v13 =	vmul.f32 $8.000000000e+00, v17  }
0x41f: {  	v7 =	vld.idx.msk [tilespmem:v7+s22+$0x0], $0xffff;
	v12 =	vmul.f32 $8.000000000e+00, v21  }
0x420: {  	v18 =	vld.idx.msk [tilespmem:v20+s22+$0x0], $0xffff;
	[tilespmem:s11+$0xFFFFFFE0] =	vst v13;
	v11 =	vmul.f32 $8.000000000e+00, v11  }
0x421: {  	v10 =	vmul.f32 $8.000000000e+00, v10;
	[tilespmem:s11+$0x60] =	vst v12;
	v5 =	vld.idx.msk [tilespmem:v5+s22+$0x0], $0xffff  }
0x422: {  	v8 =	vmul.f32 $8.000000000e+00, v8;
	v6 =	vld.idx.msk [tilespmem:v6+s22+$0x0], $0xffff;
	[tilespmem:s11+$0xFFFFFF60] =	vst v11  }
0x423: {  	[tilespmem:s9+$0xFFFFFF70] =	vst v10;
	v9 =	vmul.f32 $8.000000000e+00, v9;
	v4 =	vld.idx.msk [tilespmem:v4+s22+$0x0], $0xffff  }
0x424: {  	[tilespmem:s10+$0xFFFFFFF0] =	vst v8;
	v7 =	vmul.f32 $8.000000000e+00, v7  }
0x425: {  	[tilespmem:s10+$0x70] =	vst v9;
	v12 =	vmul.f32 $8.000000000e+00, v18  }
0x426: {  	[tilespmem:s10+$0xFFFFFF70] =	vst v7;
	v5 =	vmul.f32 $8.000000000e+00, v5  }
0x427: {  	[tilespmem:s11+$0xF0] =	vst v12;
	v6 =	vmul.f32 $8.000000000e+00, v6  }
0x428: {  	[tilespmem:s11+$0xFFFFFFF0] =	vst v5;
	v4 =	vmul.f32 $8.000000000e+00, v4  }
0x429: {  	s1 =	sshll.u32 s28, $0x3;
	[tilespmem:s11+$0x70] =	vst v6  }
0x42a: {  	s4 =	simm.s32 $0x10600;
	s1 =	sadd.s32 s2, s1;
	[tilespmem:s11+$0xFFFFFF70] =	vst v4  }
0x42b: {  	[hbm4b:s1+s3] =	stream.linear.scatter [tilespmem:s4], [sflag:$0x5], $0x2000, $0x38;
	[tilespmem:$0x14600] =	vst v63  }
0x42c: {  	s1 =	rddreg [dreg:$0x9]  }
0x42d: {  	s1 =	sadd.s32 @!p0 s21, s1  }
0x42e: {  	s1 =	sshrl.u32 @!p0 s1, $0x3  }
0x42f: {  	s9 =	simm.s32 @!p0 $0x80;
	s4 =	simm.s32 @!p0 $0x0;
	s1 =	sadd.s32 @!p0 s5, s1  }
0x430: {  	[tilespmem:s9], [sflag:$0x7] =	stream.linear.gather @!p0 [hbm4b:s1+s4], $0x80, $0x38;
	[tilespmem:$0x14600] =	vst v63  }
0x431: {  	s1 =	simm.s32 @!p0 $0x7  }
0x432: {  	_ =	swait.ge @!p0 [sflag:s1], $0x80  }
0x433: {  	[sflag:s1] =	ssyncset.done @!p0 $0x0  }
0x434: {  	[sflag:s1] =	ssyncadd.s32 @!p0 $0xFFFFFF80  }
0x435: {  	v4 =	vld @!p0 [tilespmem:$0x80];
	_ =	sdelay $0x1  }
0x436: {  	v5 =	vld @!p0 [tilespmem:$0x90];
	_ =	sdelay $0x1  }
0x437: {  	v6 =	vld @!p0 [tilespmem:$0xA0]  }
0x438: {  	v7 =	vshrl.u32 @!p0 v4, $0x1;
	v4 =	vshll.u32 @!p0 v4, $0x6  }
0x439: {  	[tilespmem:$0x280] =	vst @!p0 v7;
	v4 =	vand.u32 @!p0 $0x40, v4;
	v7 =	vld @!p0 [tilespmem:$0xB0]  }
0x43a: {  	[tilespmem:$0x480] =	vst @!p0 v4;
	v4 =	vshrl.u32 @!p0 v5, $0x1;
	v5 =	vshll.u32 @!p0 v5, $0x6  }
0x43b: {  	[tilespmem:$0x290] =	vst @!p0 v4;
	v4 =	vand.u32 @!p0 $0x40, v5;
	v5 =	vld @!p0 [tilespmem:$0xC0]  }
0x43c: {  	[tilespmem:$0x490] =	vst @!p0 v4;
	v4 =	vshrl.u32 @!p0 v6, $0x1;
	v6 =	vshll.u32 @!p0 v6, $0x6  }
0x43d: {  	[tilespmem:$0x2A0] =	vst @!p0 v4;
	v4 =	vand.u32 @!p0 $0x40, v6;
	v6 =	vld @!p0 [tilespmem:$0xD0]  }
0x43e: {  	[tilespmem:$0x4A0] =	vst @!p0 v4;
	v4 =	vshrl.u32 @!p0 v7, $0x1;
	v7 =	vshll.u32 @!p0 v7, $0x6  }
0x43f: {  	[tilespmem:$0x2B0] =	vst @!p0 v4;
	v4 =	vand.u32 @!p0 $0x40, v7;
	v7 =	vld @!p0 [tilespmem:$0xE0]  }
0x440: {  	[tilespmem:$0x4B0] =	vst @!p0 v4;
	v4 =	vshrl.u32 @!p0 v5, $0x1;
	v5 =	vshll.u32 @!p0 v5, $0x6  }
0x441: {  	[tilespmem:$0x2C0] =	vst @!p0 v4;
	v4 =	vand.u32 @!p0 $0x40, v5;
	v5 =	vld @!p0 [tilespmem:$0xF0]  }
0x442: {  	[tilespmem:$0x4C0] =	vst @!p0 v4;
	v4 =	vshrl.u32 @!p0 v6, $0x1;
	v6 =	vshll.u32 @!p0 v6, $0x6  }
0x443: {  	[tilespmem:$0x2D0] =	vst @!p0 v4;
	v4 =	vand.u32 @!p0 $0x40, v6  }
0x444: {  	[tilespmem:$0x4D0] =	vst @!p0 v4;
	v4 =	vshrl.u32 @!p0 v7, $0x1;
	v6 =	vshll.u32 @!p0 v7, $0x6  }
0x445: {  	[tilespmem:$0x2E0] =	vst @!p0 v4;
	v4 =	vand.u32 @!p0 $0x40, v6  }
0x446: {  	[tilespmem:$0x4E0] =	vst @!p0 v4;
	v4 =	vshrl.u32 @!p0 v5, $0x1;
	v5 =	vshll.u32 @!p0 v5, $0x6  }
0x447: {  	[tilespmem:$0x2F0] =	vst @!p0 v4;
	v4 =	vand.u32 @!p0 $0x40, v5  }
0x448: {  	s4 =	simm.s32 @!p0 $0x4600;
	s1 =	simm.s32 @!p0 $0x280;
	[tilespmem:$0x4F0] =	vst @!p0 v4  }
0x449: {  	[tilespmem:s4], [sflag:$0x2] =	stream.indirect.gather @!p0 [hbm4b:s7+s9], $0x80, s1, s9, $0xb8;
	[tilespmem:$0x14600] =	vst v63  }
0x44a: {  	s10 =	simm.s32 $0x6;
	_ =	swait.ge [sflag:s8], $0x4000  }
0x44b: {  	s11 =	simm.s32 $0x0;
	v4 =	vmov s10;
	[sflag:s8] =	ssyncset.done $0x0  }
0x44c: {  	s12 =	simm.s32 $0x2;
	v5 =	vmov s11;
	[sflag:s8] =	ssyncadd.s32 $0xFFFFC000  }
0x44d: {  	s15 =	simm.s32 $0x4;
	v6 =	vmov s12;
	_ =	swait.ge [sflag:s13], $0x2000  }
0x44e: {  	v7 =	vmov s15;
	s12 =	simm.s32 $0xE;
	[sflag:s13] =	ssyncset.done $0x0  }
0x44f: {  	v31 =	vmov s12;
	[sflag:s13] =	ssyncadd.s32 $0xFFFFE000  }
0x450: {  	v8 =	vld.idx.msk [tilespmem:v4+s6+$0x0], $0xffff  }
0x451: {  	v9 =	vld.idx.msk [tilespmem:v5+s6+$0x0], $0xffff  }
0x452: {  	v10 =	vld.idx.msk [tilespmem:v6+s6+$0x0], $0xffff  }
0x453: {  	v11 =	vld.idx.msk [tilespmem:v7+s6+$0x0], $0xffff  }
0x454: {  	s15 =	simm.s32 $0xC;
	s11 =	simm.s32 $0xA;
	v35 =	vld.idx.msk [tilespmem:v31+s6+$0x0], $0xffff  }
0x455: {  	v32 =	vmov s15;
	v27 =	vmov s11;
	v6 =	vshll.u32 v6, $0x7  }
0x456: {  	v7 =	vshll.u32 v7, $0x7;
	v4 =	vshll.u32 v4, $0x7;
	v5 =	vshll.u32 v5, $0x7  }
0x457: {  	v31 =	vshll.u32 v31, $0x7;
	v12 =	vadd.s32 v0, v8;
	v14 =	vadd.s32 v0, v9  }
0x458: {  	v15 =	vadd.s32 v0, v10;
	v20 =	vadd.s32 v1, v11;
	v13 =	vand.u32 $0xFFFFFF80, v12  }
0x459: {  	v41 =	vadd.s32 v0, v35;
	v12 =	vand.u32 $0x7F, v12;
	v13 =	vadd.s32 v4, v13  }
0x45a: {  	v16 =	vand.u32 $0xFFFFFF80, v14;
	v17 =	vand.u32 $0xFFFFFF80, v15;
	v12 =	vor.u32 v12, v13  }
0x45b: {  	v15 =	vand.u32 $0x7F, v15;
	v17 =	vadd.s32 v6, v17;
	v13 =	vadd.s32 v0, v11  }
0x45c: {  	v14 =	vand.u32 $0x7F, v14;
	v15 =	vor.u32 v15, v17;
	v18 =	vand.u32 $0xFFFFFF80, v13  }
0x45d: {  	v22 =	vand.u32 $0xFFFFFF80, v20;
	v13 =	vand.u32 $0x7F, v13;
	v18 =	vadd.s32 v7, v18  }
0x45e: {  	v20 =	vand.u32 $0x7F, v20;
	v16 =	vadd.s32 v5, v16;
	v13 =	vor.u32 v13, v18  }
0x45f: {  	v42 =	vand.u32 $0xFFFFFF80, v41;
	v14 =	vor.u32 v14, v16;
	v16 =	vadd.s32 v1, v8;
	v12 =	vld.idx.msk [tilespmem:v12+s29+$0x0], $0xffff  }
0x460: {  	v41 =	vand.u32 $0x7F, v41;
	v22 =	vadd.s32 v7, v22;
	v19 =	vand.u32 $0xFFFFFF80, v16  }
0x461: {  	v16 =	vand.u32 $0x7F, v16;
	v19 =	vadd.s32 v4, v19;
	v18 =	vadd.s32 v1, v10;
	v15 =	vld.idx.msk [tilespmem:v15+s29+$0x0], $0xffff  }
0x462: {  	v42 =	vadd.s32 v31, v42;
	v16 =	vor.u32 v16, v19;
	v21 =	vand.u32 $0xFFFFFF80, v18  }
0x463: {  	v17 =	vadd.s32 v1, v9;
	v18 =	vand.u32 $0x7F, v18;
	v21 =	vadd.s32 v6, v21;
	v13 =	vld.idx.msk [tilespmem:v13+s29+$0x0], $0xffff  }
0x464: {  	v19 =	vand.u32 $0xFFFFFF80, v17;
	v14 =	vld.idx.msk [tilespmem:v14+s29+$0x0], $0xffff;
	v18 =	vor.u32 v18, v21;
	v12 =	vmul.f32 $8.000000000e+00, v12  }
0x465: {  	s9 =	simm.s32 $0x12700;
	v20 =	vor.u32 v20, v22;
	v17 =	vand.u32 $0x7F, v17;
	v19 =	vadd.s32 v5, v19  }
0x466: {  	v17 =	vor.u32 v17, v19;
	v19 =	vadd.s32 v2, v10;
	v15 =	vmul.f32 $8.000000000e+00, v15;
	[tilespmem:s9+$0x80] =	vst v12  }
0x467: {  	v41 =	vor.u32 v41, v42;
	v21 =	vadd.s32 v2, v8;
	v22 =	vand.u32 $0xFFFFFF80, v19;
	v16 =	vld.idx.msk [tilespmem:v16+s29+$0x0], $0xffff  }
0x468: {  	v19 =	vand.u32 $0x7F, v19;
	v23 =	vand.u32 $0xFFFFFF80, v21;
	[tilespmem:s9+$0xFFFFFF80] =	vst v15;
	v13 =	vmul.f32 $8.000000000e+00, v13  }
0x469: {  	v14 =	vmul.f32 $8.000000000e+00, v14;
	v15 =	vand.u32 $0x7F, v21;
	v21 =	vadd.s32 v4, v23;
	v18 =	vld.idx.msk [tilespmem:v18+s29+$0x0], $0xffff  }
0x46a: {  	v12 =	vadd.s32 v2, v9;
	v23 =	vadd.s32 v2, v11;
	[tilespmem:s9+$0x0] =	vst v13;
	v13 =	vor.u32 v15, v21  }
0x46b: {  	[tilespmem:s9+$0xFFFFFF00] =	vst v14;
	v24 =	vand.u32 $0xFFFFFF80, v12;
	v12 =	vand.u32 $0x7F, v12;
	v21 =	vadd.s32 v6, v22;
	v20 =	vld.idx.msk [tilespmem:v20+s29+$0x0], $0xffff  }
0x46c: {  	v17 =	vld.idx.msk [tilespmem:v17+s29+$0x0], $0xffff;
	v15 =	vand.u32 $0xFFFFFF80, v23;
	v19 =	vor.u32 v19, v21;
	v16 =	vmul.f32 $8.000000000e+00, v16  }
0x46d: {  	v14 =	vadd.s32 v5, v24;
	v22 =	vand.u32 $0x7F, v23;
	v15 =	vadd.s32 v7, v15  }
0x46e: {  	v12 =	vor.u32 v12, v14;
	v14 =	vor.u32 v22, v15;
	v15 =	vmul.f32 $8.000000000e+00, v18;
	[tilespmem:s9+$0x90] =	vst v16  }
0x46f: {  	v10 =	vadd.s32 v3, v10;
	v8 =	vadd.s32 v3, v8;
	v9 =	vadd.s32 v3, v9;
	v13 =	vld.idx.msk [tilespmem:v13+s29+$0x0], $0xffff  }
0x470: {  	v11 =	vadd.s32 v3, v11;
	v18 =	vand.u32 $0xFFFFFF80, v8;
	[tilespmem:s9+$0xFFFFFF90] =	vst v15;
	v16 =	vmul.f32 $8.000000000e+00, v20  }
0x471: {  	v17 =	vmul.f32 $8.000000000e+00, v17;
	v8 =	vand.u32 $0x7F, v8;
	v4 =	vadd.s32 v4, v18;
	v15 =	vld.idx.msk [tilespmem:v19+s29+$0x0], $0xffff  }
0x472: {  	v38 =	vld.idx.msk [tilespmem:v27+s6+$0x0], $0xffff;
	v18 =	vand.u32 $0xFFFFFF80, v11;
	v4 =	vor.u32 v8, v4;
	[tilespmem:s9+$0x10] =	vst v16;
	v16 =	vand.u32 $0xFFFFFF80, v10  }
0x473: {  	v8 =	vand.u32 $0xFFFFFF80, v9;
	[tilespmem:s9+$0xFFFFFF10] =	vst v17;
	v10 =	vand.u32 $0x7F, v10;
	v14 =	vld.idx.msk [tilespmem:v14+s29+$0x0], $0xffff;
	v6 =	vadd.s32 v6, v16  }
0x474: {  	v7 =	vadd.s32 v7, v18;
	v12 =	vld.idx.msk [tilespmem:v12+s29+$0x0], $0xffff;
	v6 =	vor.u32 v10, v6;
	v13 =	vmul.f32 $8.000000000e+00, v13  }
0x475: {  	v5 =	vadd.s32 v5, v8;
	v8 =	vand.u32 $0x7F, v9;
	v10 =	vand.u32 $0x7F, v11  }
0x476: {  	v5 =	vor.u32 v8, v5;
	v7 =	vor.u32 v10, v7;
	v8 =	vmul.f32 $8.000000000e+00, v15;
	[tilespmem:s9+$0xA0] =	vst v13  }
0x477: {  	v4 =	vld.idx.msk [tilespmem:v4+s29+$0x0], $0xffff  }
0x478: {  	v48 =	vadd.s32 v0, v38;
	v41 =	vld.idx.msk [tilespmem:v41+s29+$0x0], $0xffff;
	[tilespmem:s9+$0xFFFFFFA0] =	vst v8;
	v9 =	vmul.f32 $8.000000000e+00, v14  }
0x479: {  	s21 =	simm.s32 $0x7;
	v51 =	vadd.s32 v1, v38;
	v53 =	vadd.s32 v1, v35;
	v10 =	vmul.f32 $8.000000000e+00, v12;
	v6 =	vld.idx.msk [tilespmem:v6+s29+$0x0], $0xffff  }
0x47a: {  	v57 =	vadd.s32 v2, v38;
	v21 =	vshll.u32 v32, $0x7;
	v32 =	vld.idx.msk [tilespmem:v32+s6+$0x0], $0xffff;
	v8 =	vmov s21;
	[tilespmem:s9+$0x20] =	vst v9  }
0x47b: {  	s23 =	simm.s32 $0x3;
	v26 =	vshll.u32 v27, $0x7;
	v47 =	vadd.s32 v2, v35;
	v38 =	vadd.s32 v3, v38;
	[tilespmem:s9+$0xFFFFFF20] =	vst v10;
	v7 =	vld.idx.msk [tilespmem:v7+s29+$0x0], $0xffff  }
0x47c: {  	v35 =	vadd.s32 v3, v35;
	v5 =	vld.idx.msk [tilespmem:v5+s29+$0x0], $0xffff;
	v9 =	vmov s23;
	v4 =	vmul.f32 $8.000000000e+00, v4  }
0x47d: {  	s25 =	simm.s32 $0x5;
	v44 =	vand.u32 $0xFFFFFF80, v48;
	v55 =	vand.u32 $0xFFFFFF80, v53;
	v62 =	vand.u32 $0x7F, v57  }
0x47e: {  	s28 =	simm.s32 $0x1;
	v44 =	vadd.s32 v26, v44;
	v11 =	vmov s25;
	v6 =	vmul.f32 $8.000000000e+00, v6;
	[tilespmem:s9+$0xB0] =	vst v4  }
0x47f: {  	v41 =	vmul.f32 $8.000000000e+00, v41;
	v43 =	vadd.s32 v0, v32;
	v4 =	vmov s28;
	v28 =	vld.idx.msk [tilespmem:v8+s6+$0x0], $0xffff  }
0x480: {  	v54 =	vadd.s32 v1, v32;
	v59 =	vadd.s32 v2, v32;
	v7 =	vmul.f32 $8.000000000e+00, v7;
	[tilespmem:s9+$0xFFFFFFB0] =	vst v6  }
0x481: {  	v32 =	vadd.s32 v3, v32;
	v45 =	vand.u32 $0xFFFFFF80, v43;
	v5 =	vmul.f32 $8.000000000e+00, v5;
	v10 =	vld.idx.msk [tilespmem:v9+s6+$0x0], $0xffff  }
0x482: {  	v50 =	vand.u32 $0x7F, v43;
	v46 =	vand.u32 $0xFFFFFF80, v54;
	v60 =	vand.u32 $0xFFFFFF80, v59;
	[tilespmem:s9+$0x30] =	vst v7  }
0x483: {  	v45 =	vadd.s32 v21, v45;
	v46 =	vadd.s32 v21, v46;
	s21 =	simm.s32 $0x9;
	v29 =	vshll.u32 v8, $0x7;
	[tilespmem:s9+$0xFFFFFF30] =	vst v5;
	v12 =	vld.idx.msk [tilespmem:v11+s6+$0x0], $0xffff  }
0x484: {  	v18 =	vmov s21;
	v6 =	vshll.u32 v9, $0x7;
	v13 =	vld.idx.msk [tilespmem:v4+s6+$0x0], $0xffff;
	v5 =	vadd.s32 v0, v28  }
0x485: {  	v4 =	vshll.u32 v4, $0x7;
	v7 =	vand.u32 $0xFFFFFF80, v5;
	v8 =	vand.u32 $0x7F, v5  }
0x486: {  	v5 =	vshll.u32 v11, $0x7;
	v16 =	vadd.s32 v1, v10;
	v7 =	vadd.s32 v29, v7  }
0x487: {  	v14 =	vadd.s32 v2, v10;
	v7 =	vor.u32 v8, v7;
	v8 =	vadd.s32 v0, v10  }
0x488: {  	v10 =	vadd.s32 v3, v10;
	v9 =	vand.u32 $0xFFFFFF80, v8;
	v11 =	vand.u32 $0x7F, v8  }
0x489: {  	v8 =	vadd.s32 v0, v12;
	v15 =	vadd.s32 v0, v13;
	v20 =	vadd.s32 v6, v9  }
0x48a: {  	s10 =	simm.s32 $0x8;
	s23 =	simm.s32 $0xB;
	v9 =	vand.u32 $0xFFFFFF80, v8;
	v17 =	vand.u32 $0xFFFFFF80, v15;
	v23 =	vand.u32 $0x7F, v8  }
0x48b: {  	v8 =	vmov s10;
	v19 =	vand.u32 $0x7F, v15;
	v15 =	vmov s23  }
0x48c: {  	s25 =	simm.s32 $0xD;
	v24 =	vadd.s32 v5, v9;
	v25 =	vadd.s32 v4, v17;
	v30 =	vld.idx.msk [tilespmem:v7+s29+$0x0], $0xffff;
	v7 =	vadd.s32 v1, v28  }
0x48d: {  	v22 =	vshll.u32 v8, $0x7;
	v17 =	vmov s25;
	v9 =	vand.u32 $0xFFFFFF80, v7  }
0x48e: {  	v36 =	vor.u32 v11, v20;
	v7 =	vand.u32 $0x7F, v7;
	v9 =	vadd.s32 v29, v9  }
0x48f: {  	s10 =	simm.s32 $0x12900;
	v20 =	vadd.s32 v1, v13;
	v11 =	vand.u32 $0xFFFFFF80, v16;
	v33 =	vor.u32 v7, v9  }
0x490: {  	[tilespmem:s10+$0x80] =	vst v41;
	v41 =	vand.u32 $0x7F, v59;
	v16 =	vand.u32 $0x7F, v16;
	v19 =	vor.u32 v19, v25  }
0x491: {  	v37 =	vor.u32 v23, v24;
	v23 =	vadd.s32 v1, v12;
	v30 =	vmul.f32 $8.000000000e+00, v30  }
0x492: {  	v24 =	vand.u32 $0xFFFFFF80, v20;
	v25 =	vadd.s32 v6, v11;
	v20 =	vand.u32 $0x7F, v20  }
0x493: {  	v11 =	vand.u32 $0xFFFFFF80, v23;
	v24 =	vadd.s32 v4, v24;
	v23 =	vand.u32 $0x7F, v23;
	[tilespmem:s9+$0xC0] =	vst v30  }
0x494: {  	v25 =	vor.u32 v16, v25;
	v27 =	vadd.s32 v5, v11;
	v11 =	vadd.s32 v2, v28;
	v30 =	vld.idx.msk [tilespmem:v33+s29+$0x0], $0xffff  }
0x495: {  	v16 =	vand.u32 $0xFFFFFF80, v14;
	v14 =	vand.u32 $0x7F, v14;
	v34 =	vld.idx.msk [tilespmem:v8+s6+$0x0], $0xffff;
	v40 =	vand.u32 $0xFFFFFF80, v11  }
0x496: {  	v28 =	vadd.s32 v3, v28;
	v11 =	vand.u32 $0x7F, v11;
	v40 =	vadd.s32 v29, v40  }
0x497: {  	v20 =	vor.u32 v20, v24;
	v11 =	vor.u32 v11, v40;
	v40 =	vand.u32 $0x7F, v48  }
0x498: {  	v16 =	vadd.s32 v6, v16;
	v8 =	vshll.u32 v17, $0x7;
	v40 =	vor.u32 v40, v44  }
0x499: {  	v52 =	vand.u32 $0xFFFFFF80, v28;
	v44 =	vand.u32 $0x7F, v53;
	v30 =	vmul.f32 $8.000000000e+00, v30  }
0x49a: {  	v63 =	vadd.s32 v0, v34;
	v33 =	vor.u32 v50, v45;
	v45 =	vadd.s32 v31, v55  }
0x49b: {  	v28 =	vand.u32 $0x7F, v28;
	v49 =	vand.u32 $0xFFFFFF80, v63;
	v44 =	vor.u32 v44, v45;
	[tilespmem:s9+$0xD0] =	vst v30  }
0x49c: {  	v23 =	vor.u32 v23, v27;
	v42 =	vadd.s32 v22, v49;
	v30 =	vand.u32 $0x7F, v63;
	v11 =	vld.idx.msk [tilespmem:v11+s29+$0x0], $0xffff  }
0x49d: {  	v7 =	vshll.u32 v18, $0x7;
	v29 =	vadd.s32 v29, v52;
	v40 =	vld.idx.msk [tilespmem:v40+s29+$0x0], $0xffff;
	v30 =	vor.u32 v30, v42  }
0x49e: {  	v9 =	vshll.u32 v15, $0x7;
	v28 =	vor.u32 v28, v29;
	v29 =	vand.u32 $0xFFFFFF80, v51  }
0x49f: {  	v24 =	vld.idx.msk [tilespmem:v19+s29+$0x0], $0xffff;
	v19 =	vadd.s32 v2, v12;
	v29 =	vadd.s32 v26, v29;
	v42 =	vand.u32 $0x7F, v51  }
0x4a0: {  	v12 =	vadd.s32 v3, v12;
	v39 =	vadd.s32 v1, v34;
	v44 =	vld.idx.msk [tilespmem:v44+s29+$0x0], $0xffff;
	v29 =	vor.u32 v42, v29  }
0x4a1: {  	v58 =	vadd.s32 v2, v34;
	v49 =	vand.u32 $0xFFFFFF80, v47;
	v33 =	vld.idx.msk [tilespmem:v33+s29+$0x0], $0xffff;
	v11 =	vmul.f32 $8.000000000e+00, v11  }
0x4a2: {  	v47 =	vand.u32 $0x7F, v47;
	v49 =	vadd.s32 v31, v49;
	v40 =	vmul.f32 $8.000000000e+00, v40;
	v30 =	vld.idx.msk [tilespmem:v30+s29+$0x0], $0xffff  }
0x4a3: {  	v56 =	vand.u32 $0xFFFFFF80, v39;
	v61 =	vor.u32 v47, v49;
	[tilespmem:s9+$0xE0] =	vst v11;
	v11 =	vand.u32 $0x7F, v54  }
0x4a4: {  	v37 =	vld.idx.msk [tilespmem:v37+s29+$0x0], $0xffff;
	v39 =	vand.u32 $0x7F, v39;
	v45 =	vadd.s32 v22, v56;
	[tilespmem:s10+$0xFFFFFF80] =	vst v40;
	v43 =	vor.u32 v11, v46  }
0x4a5: {  	v39 =	vor.u32 v39, v45;
	v63 =	vadd.s32 v21, v60;
	v47 =	vmul.f32 $8.000000000e+00, v44;
	v29 =	vld.idx.msk [tilespmem:v29+s29+$0x0], $0xffff  }
0x4a6: {  	s12 =	simm.s32 $0x16;
	v41 =	vor.u32 v41, v63;
	v33 =	vmul.f32 $8.000000000e+00, v33;
	v28 =	vld.idx.msk [tilespmem:v28+s29+$0x0], $0xffff;
	v11 =	vand.u32 $0xFFFFFF80, v57  }
0x4a7: {  	v63 =	vmov s12;
	[tilespmem:s10+$0x90] =	vst v47;
	v50 =	vadd.s32 v26, v11;
	v30 =	vmul.f32 $8.000000000e+00, v30  }
0x4a8: {  	v52 =	vand.u32 $0x7F, v38;
	v34 =	vadd.s32 v3, v34;
	[tilespmem:s10+$0x0] =	vst v33;
	v40 =	vld.idx.msk [tilespmem:v61+s29+$0x0], $0xffff;
	v33 =	vor.u32 v62, v50  }
0x4a9: {  	v48 =	vand.u32 $0xFFFFFF80, v58;
	v55 =	vmul.f32 $8.000000000e+00, v37;
	v56 =	vadd.s32 v2, v13;
	[tilespmem:s10+$0xFFFFFF00] =	vst v30;
	v30 =	vld.idx.msk [tilespmem:v43+s29+$0x0], $0xffff  }
0x4aa: {  	v24 =	vmul.f32 $8.000000000e+00, v24;
	v45 =	vand.u32 $0x7F, v58;
	v29 =	vmul.f32 $8.000000000e+00, v29;
	v39 =	vld.idx.msk [tilespmem:v39+s29+$0x0], $0xffff  }
0x4ab: {  	v51 =	vand.u32 $0xFFFFFF80, v35;
	v11 =	vmul.f32 $8.000000000e+00, v28;
	v28 =	vadd.s32 v22, v48  }
0x4ac: {  	v35 =	vand.u32 $0x7F, v35;
	v31 =	vadd.s32 v31, v51;
	[tilespmem:s10+$0xFFFFFF90] =	vst v29;
	v28 =	vor.u32 v45, v28;
	v45 =	vld.idx.msk [tilespmem:v63+s6+$0x0], $0xffff  }
0x4ad: {  	v13 =	vadd.s32 v3, v13;
	v54 =	vmul.f32 $8.000000000e+00, v40;
	v29 =	vor.u32 v35, v31;
	v31 =	vld.idx.msk [tilespmem:v33+s29+$0x0], $0xffff  }
0x4ae: {  	v58 =	vand.u32 $0xFFFFFF80, v19;
	v49 =	vand.u32 $0xFFFFFF80, v38;
	[tilespmem:s9+$0xFFFFFF40] =	vst v24;
	v30 =	vmul.f32 $8.000000000e+00, v30  }
0x4af: {  	v36 =	vld.idx.msk [tilespmem:v36+s29+$0x0], $0xffff;
	v26 =	vadd.s32 v26, v49;
	v50 =	vand.u32 $0xFFFFFF80, v32;
	[tilespmem:s10+$0xA0] =	vst v54;
	v39 =	vmul.f32 $8.000000000e+00, v39  }
0x4b0: {  	s15 =	simm.s32 $0x14;
	v26 =	vor.u32 v52, v26;
	v32 =	vand.u32 $0x7F, v32;
	v21 =	vadd.s32 v21, v50;
	[tilespmem:s10+$0x10] =	vst v30  }
0x4b1: {  	v24 =	vand.u32 $0xFFFFFF80, v13;
	v21 =	vor.u32 v32, v21;
	v54 =	vmov s15;
	[tilespmem:s10+$0xFFFFFF10] =	vst v39;
	v53 =	vld.idx.msk [tilespmem:v41+s29+$0x0], $0xffff  }
0x4b2: {  	[tilespmem:s9+$0x40] =	vst v55;
	v48 =	vand.u32 $0xFFFFFF80, v34;
	v51 =	vadd.s32 v0, v45;
	v27 =	vmul.f32 $8.000000000e+00, v31;
	v28 =	vld.idx.msk [tilespmem:v28+s29+$0x0], $0xffff  }
0x4b3: {  	v23 =	vld.idx.msk [tilespmem:v23+s29+$0x0], $0xffff;
	v22 =	vadd.s32 v22, v48;
	v30 =	vand.u32 $0x7F, v34;
	v52 =	vand.u32 $0xFFFFFF80, v51  }
0x4b4: {  	v29 =	vld.idx.msk [tilespmem:v29+s29+$0x0], $0xffff;
	v22 =	vor.u32 v30, v22;
	v30 =	vmul.f32 $8.000000000e+00, v36;
	v41 =	vshll.u32 v63, $0x7;
	[tilespmem:s10+$0xFFFFFFA0] =	vst v27  }
0x4b5: {  	s28 =	simm.s32 $0xF;
	v13 =	vand.u32 $0x7F, v13;
	v51 =	vand.u32 $0x7F, v51;
	v52 =	vadd.s32 v41, v52;
	v26 =	vld.idx.msk [tilespmem:v26+s29+$0x0], $0xffff  }
0x4b6: {  	s11 =	simm.s32 $0x12;
	v57 =	vmov s28;
	v42 =	vld.idx.msk [tilespmem:v54+s6+$0x0], $0xffff;
	[tilespmem:s9+$0xFFFFFFC0] =	vst v30;
	v51 =	vor.u32 v51, v52;
	v31 =	vmul.f32 $8.000000000e+00, v53  }
0x4b7: {  	v37 =	vshll.u32 v57, $0x7;
	v62 =	vmov s11;
	v25 =	vld.idx.msk [tilespmem:v25+s29+$0x0], $0xffff;
	v28 =	vmul.f32 $8.000000000e+00, v28  }
0x4b8: {  	v20 =	vld.idx.msk [tilespmem:v20+s29+$0x0], $0xffff;
	v35 =	vshll.u32 v54, $0x7;
	v34 =	vshll.u32 v62, $0x7;
	v27 =	vand.u32 $0xFFFFFF80, v56;
	[tilespmem:s10+$0x20] =	vst v31  }
0x4b9: {  	v27 =	vadd.s32 v4, v27;
	v30 =	vand.u32 $0x7F, v19;
	[tilespmem:s10+$0xFFFFFF20] =	vst v28;
	v28 =	vmul.f32 $8.000000000e+00, v29;
	v21 =	vld.idx.msk [tilespmem:v21+s29+$0x0], $0xffff  }
0x4ba: {  	v19 =	vor.u32 v14, v16;
	v4 =	vadd.s32 v4, v24;
	v26 =	vmul.f32 $8.000000000e+00, v26;
	v22 =	vld.idx.msk [tilespmem:v22+s29+$0x0], $0xffff  }
0x4bb: {  	v24 =	vand.u32 $0x7F, v12;
	v53 =	vadd.s32 v0, v42;
	v31 =	vadd.s32 v5, v58;
	v51 =	vld.idx.msk [tilespmem:v51+s29+$0x0], $0xffff;
	[tilespmem:s10+$0xB0] =	vst v28  }
0x4bc: {  	v29 =	vand.u32 $0x7F, v56;
	v16 =	vor.u32 v30, v31;
	v25 =	vmul.f32 $8.000000000e+00, v25;
	[tilespmem:s10+$0xFFFFFFB0] =	vst v26;
	v36 =	vld.idx.msk [tilespmem:v57+s6+$0x0], $0xffff  }
0x4bd: {  	v14 =	vor.u32 v29, v27;
	v27 =	vand.u32 $0xFFFFFF80, v10;
	v26 =	vmul.f32 $8.000000000e+00, v23;
	v15 =	vld.idx.msk [tilespmem:v15+s6+$0x0], $0xffff  }
0x4be: {  	v10 =	vand.u32 $0x7F, v10;
	v28 =	vand.u32 $0xFFFFFF80, v12;
	[tilespmem:s9+$0xFFFFFFD0] =	vst v25;
	v21 =	vmul.f32 $8.000000000e+00, v21  }
0x4bf: {  	s23 =	simm.s32 $0x13;
	v6 =	vadd.s32 v6, v27;
	v5 =	vadd.s32 v5, v28;
	[tilespmem:s9+$0x50] =	vst v26;
	v22 =	vmul.f32 $8.000000000e+00, v22  }
0x4c0: {  	v23 =	vmov s23;
	v12 =	vor.u32 v10, v6;
	v10 =	vor.u32 v13, v4;
	v19 =	vld.idx.msk [tilespmem:v19+s29+$0x0], $0xffff;
	[tilespmem:s10+$0x30] =	vst v21  }
0x4c1: {  	v13 =	vor.u32 v24, v5;
	v24 =	vmul.f32 $8.000000000e+00, v20;
	v51 =	vmul.f32 $8.000000000e+00, v51;
	v16 =	vld.idx.msk [tilespmem:v16+s29+$0x0], $0xffff;
	[tilespmem:s10+$0xFFFFFF30] =	vst v22  }
0x4c2: {  	v6 =	vadd.s32 v0, v36;
	v5 =	vadd.s32 v0, v15;
	v27 =	vadd.s32 v1, v15;
	v17 =	vld.idx.msk [tilespmem:v17+s6+$0x0], $0xffff  }
0x4c3: {  	v20 =	vadd.s32 v2, v15;
	v58 =	vadd.s32 v2, v36;
	v18 =	vld.idx.msk [tilespmem:v18+s6+$0x0], $0xffff;
	v4 =	vand.u32 $0xFFFFFF80, v6  }
0x4c4: {  	v15 =	vadd.s32 v3, v15;
	v6 =	vand.u32 $0x7F, v6;
	v4 =	vadd.s32 v37, v4  }
0x4c5: {  	v28 =	vand.u32 $0x7F, v5;
	v4 =	vor.u32 v6, v4;
	v6 =	vand.u32 $0xFFFFFF80, v5  }
0x4c6: {  	v19 =	vmul.f32 $8.000000000e+00, v19;
	v16 =	vmul.f32 $8.000000000e+00, v16;
	v29 =	vadd.s32 v9, v6  }
0x4c7: {  	v46 =	vor.u32 v28, v29;
	v28 =	vand.u32 $0xFFFFFF80, v27;
	v27 =	vand.u32 $0x7F, v27  }
0x4c8: {  	v5 =	vadd.s32 v0, v17;
	v21 =	vadd.s32 v0, v18;
	v29 =	vadd.s32 v1, v18  }
0x4c9: {  	s4 =	simm.s32 $0x10;
	s21 =	simm.s32 $0x11;
	v6 =	vand.u32 $0xFFFFFF80, v5;
	v22 =	vand.u32 $0xFFFFFF80, v21;
	v30 =	vand.u32 $0x7F, v5  }
0x4ca: {  	v5 =	vmov s4;
	v59 =	vand.u32 $0x7F, v21;
	v21 =	vmov s21  }
0x4cb: {  	v56 =	vand.u32 $0xFFFFFF80, v29;
	v26 =	vand.u32 $0x7F, v29;
	v31 =	vadd.s32 v8, v6  }
0x4cc: {  	s25 =	simm.s32 $0x15;
	v60 =	vadd.s32 v7, v22;
	v61 =	vld.idx.msk [tilespmem:v4+s29+$0x0], $0xffff;
	v4 =	vadd.s32 v1, v36;
	v33 =	vshll.u32 v5, $0x7  }
0x4cd: {  	v22 =	vmov s25;
	v36 =	vadd.s32 v3, v36;
	v6 =	vand.u32 $0xFFFFFF80, v4  }
0x4ce: {  	v4 =	vand.u32 $0x7F, v4;
	v38 =	vor.u32 v59, v60;
	v47 =	vor.u32 v30, v31  }
0x4cf: {  	v40 =	vld.idx.msk [tilespmem:v62+s6+$0x0], $0xffff;
	v30 =	vadd.s32 v1, v17;
	v31 =	vadd.s32 v9, v28;
	v6 =	vadd.s32 v37, v6  }
0x4d0: {  	v28 =	vadd.s32 v7, v56;
	v60 =	vand.u32 $0xFFFFFF80, v58;
	v55 =	vor.u32 v4, v6  }
0x4d1: {  	v57 =	vand.u32 $0xFFFFFF80, v30;
	v50 =	vadd.s32 v37, v60;
	v60 =	vadd.s32 v1, v42  }
0x4d2: {  	v29 =	vand.u32 $0x7F, v30;
	v27 =	vor.u32 v27, v31;
	v39 =	vmul.f32 $8.000000000e+00, v61  }
0x4d3: {  	v30 =	vand.u32 $0xFFFFFF80, v20;
	v26 =	vor.u32 v26, v28;
	v28 =	vadd.s32 v2, v17  }
0x4d4: {  	v20 =	vand.u32 $0x7F, v20;
	v17 =	vadd.s32 v3, v17;
	v44 =	vld.idx.msk [tilespmem:v5+s6+$0x0], $0xffff;
	v61 =	vadd.s32 v0, v40;
	[tilespmem:s10+$0xC0] =	vst v39  }
0x4d5: {  	v4 =	vshll.u32 v21, $0x7;
	v32 =	vadd.s32 v8, v57;
	v54 =	vand.u32 $0xFFFFFF80, v61;
	v43 =	vld.idx.msk [tilespmem:v55+s29+$0x0], $0xffff  }
0x4d6: {  	v57 =	vand.u32 $0x7F, v53;
	v56 =	vand.u32 $0x7F, v61;
	v54 =	vadd.s32 v34, v54  }
0x4d7: {  	v39 =	vand.u32 $0x7F, v58;
	v58 =	vand.u32 $0xFFFFFF80, v36;
	v48 =	vor.u32 v56, v54  }
0x4d8: {  	v36 =	vand.u32 $0x7F, v36;
	v39 =	vor.u32 v39, v50;
	v55 =	vand.u32 $0xFFFFFF80, v53  }
0x4d9: {  	v37 =	vadd.s32 v37, v58;
	v59 =	vadd.s32 v0, v44;
	v55 =	vadd.s32 v35, v55  }
0x4da: {  	v62 =	vand.u32 $0xFFFFFF80, v59;
	v50 =	vor.u32 v57, v55;
	v43 =	vmul.f32 $8.000000000e+00, v43  }
0x4db: {  	v63 =	vand.u32 $0x7F, v59;
	v59 =	vadd.s32 v1, v45;
	v52 =	vadd.s32 v33, v62  }
0x4dc: {  	v56 =	vand.u32 $0xFFFFFF80, v60;
	v61 =	vand.u32 $0xFFFFFF80, v59;
	v48 =	vld.idx.msk [tilespmem:v48+s29+$0x0], $0xffff;
	[tilespmem:s10+$0xD0] =	vst v43;
	v43 =	vor.u32 v63, v52  }
0x4dd: {  	v54 =	vand.u32 $0x7F, v59;
	v55 =	vadd.s32 v41, v61;
	v52 =	vadd.s32 v1, v40;
	v39 =	vld.idx.msk [tilespmem:v39+s29+$0x0], $0xffff  }
0x4de: {  	v49 =	vadd.s32 v1, v44;
	v54 =	vor.u32 v54, v55;
	v62 =	vand.u32 $0xFFFFFF80, v52  }
0x4df: {  	s11 =	simm.s32 $0x12B00;
	v36 =	vor.u32 v36, v37;
	v50 =	vld.idx.msk [tilespmem:v50+s29+$0x0], $0xffff;
	v52 =	vand.u32 $0x7F, v52;
	v37 =	vadd.s32 v34, v62  }
0x4e0: {  	[tilespmem:s11+$0x80] =	vst v51;
	v56 =	vadd.s32 v35, v56;
	v51 =	vadd.s32 v2, v44;
	v37 =	vor.u32 v52, v37  }
0x4e1: {  	v58 =	vand.u32 $0x7F, v49;
	v59 =	vand.u32 $0x7F, v60;
	v48 =	vmul.f32 $8.000000000e+00, v48;
	v43 =	vld.idx.msk [tilespmem:v43+s29+$0x0], $0xffff  }
0x4e2: {  	v63 =	vand.u32 $0xFFFFFF80, v49;
	v49 =	vor.u32 v59, v56;
	v39 =	vmul.f32 $8.000000000e+00, v39  }
0x4e3: {  	v6 =	vshll.u32 v22, $0x7;
	v55 =	vadd.s32 v33, v63;
	v62 =	vadd.s32 v2, v45;
	v54 =	vld.idx.msk [tilespmem:v54+s29+$0x0], $0xffff;
	[tilespmem:s11+$0xFFFFFF80] =	vst v48  }
0x4e4: {  	v57 =	vand.u32 $0xFFFFFF80, v62;
	v50 =	vmul.f32 $8.000000000e+00, v50;
	[tilespmem:s10+$0xE0] =	vst v39;
	v39 =	vor.u32 v58, v55  }
0x4e5: {  	v60 =	vadd.s32 v2, v40;
	v57 =	vadd.s32 v41, v57;
	v55 =	vand.u32 $0x7F, v62;
	v37 =	vld.idx.msk [tilespmem:v37+s29+$0x0], $0xffff  }
0x4e6: {  	v61 =	vand.u32 $0xFFFFFF80, v60;
	[tilespmem:s11+$0x0] =	vst v50;
	v55 =	vor.u32 v55, v57;
	v43 =	vmul.f32 $8.000000000e+00, v43  }
0x4e7: {  	v56 =	vadd.s32 v2, v42;
	v52 =	vand.u32 $0x7F, v60;
	v48 =	vadd.s32 v34, v61;
	v61 =	vld.idx.msk [tilespmem:v49+s29+$0x0], $0xffff  }
0x4e8: {  	v63 =	vand.u32 $0xFFFFFF80, v51;
	v48 =	vor.u32 v52, v48;
	v54 =	vmul.f32 $8.000000000e+00, v54;
	[tilespmem:s11+$0xFFFFFF00] =	vst v43  }
0x4e9: {  	v30 =	vadd.s32 v9, v30;
	v59 =	vadd.s32 v33, v63;
	v58 =	vand.u32 $0xFFFFFF80, v56;
	v39 =	vld.idx.msk [tilespmem:v39+s29+$0x0], $0xffff  }
0x4ea: {  	v63 =	vand.u32 $0x7F, v56;
	v60 =	vadd.s32 v35, v58;
	[tilespmem:s11+$0x90] =	vst v54;
	v37 =	vmul.f32 $8.000000000e+00, v37  }
0x4eb: {  	[tilespmem:s9+$0xF0] =	vst v11;
	v45 =	vadd.s32 v3, v45;
	v62 =	vand.u32 $0x7F, v51;
	v57 =	vor.u32 v63, v60;
	v54 =	vld.idx.msk [tilespmem:v55+s29+$0x0], $0xffff  }
0x4ec: {  	v11 =	vld.idx.msk [tilespmem:v38+s29+$0x0], $0xffff;
	v49 =	vor.u32 v62, v59;
	v43 =	vmul.f32 $8.000000000e+00, v61;
	v61 =	vand.u32 $0xFFFFFF80, v45;
	[tilespmem:s11+$0xFFFFFF90] =	vst v37  }
0x4ed: {  	[tilespmem:s9+$0xFFFFFF50] =	vst v24;
	v40 =	vadd.s32 v3, v40;
	v63 =	vand.u32 $0x7F, v45;
	v41 =	vadd.s32 v41, v61;
	v48 =	vld.idx.msk [tilespmem:v48+s29+$0x0], $0xffff  }
0x4ee: {  	v14 =	vld.idx.msk [tilespmem:v14+s29+$0x0], $0xffff;
	v59 =	vand.u32 $0xFFFFFF80, v40;
	v62 =	vmul.f32 $8.000000000e+00, v39;
	v39 =	vor.u32 v63, v41  }
0x4ef: {  	v46 =	vld.idx.msk [tilespmem:v46+s29+$0x0], $0xffff;
	v44 =	vadd.s32 v3, v44;
	v34 =	vadd.s32 v34, v59;
	v45 =	vand.u32 $0x7F, v40;
	[tilespmem:s11+$0x10] =	vst v43  }
0x4f0: {  	v42 =	vadd.s32 v3, v42;
	v34 =	vor.u32 v45, v34;
	v53 =	vld.idx.msk [tilespmem:v57+s29+$0x0], $0xffff;
	v54 =	vmul.f32 $8.000000000e+00, v54;
	[tilespmem:s11+$0xFFFFFF10] =	vst v62  }
0x4f1: {  	v11 =	vmul.f32 $8.000000000e+00, v11;
	v52 =	vand.u32 $0x7F, v42;
	v60 =	vand.u32 $0xFFFFFF80, v42;
	v25 =	vld.idx.msk [tilespmem:v49+s29+$0x0], $0xffff  }
0x4f2: {  	v47 =	vld.idx.msk [tilespmem:v47+s29+$0x0], $0xffff;
	v58 =	vand.u32 $0xFFFFFF80, v44;
	v35 =	vadd.s32 v35, v60;
	[tilespmem:s11+$0xA0] =	vst v54;
	v31 =	vmul.f32 $8.000000000e+00, v48  }
0x4f3: {  	v51 =	vand.u32 $0x7F, v44;
	v33 =	vadd.s32 v33, v58;
	v35 =	vor.u32 v52, v35;
	v24 =	vld.idx.msk [tilespmem:v39+s29+$0x0], $0xffff  }
0x4f4: {  	v5 =	vshll.u32 v23, $0x7;
	v36 =	vld.idx.msk [tilespmem:v36+s29+$0x0], $0xffff;
	v33 =	vor.u32 v51, v33;
	v55 =	vmul.f32 $8.000000000e+00, v46;
	[tilespmem:s11+$0xFFFFFFA0] =	vst v31  }
0x4f5: {  	s28 =	simm.s32 $0x17;
	v29 =	vor.u32 v29, v32;
	v30 =	vor.u32 v20, v30;
	[tilespmem:s10+$0xFFFFFF40] =	vst v11;
	v57 =	vmul.f32 $8.000000000e+00, v53;
	v34 =	vld.idx.msk [tilespmem:v34+s29+$0x0], $0xffff  }
0x4f6: {  	v11 =	vand.u32 $0xFFFFFF80, v15;
	v60 =	vmov s28;
	[tilespmem:s10+$0xFFFFFFC0] =	vst v55;
	v25 =	vmul.f32 $8.000000000e+00, v25  }
0x4f7: {  	v9 =	vadd.s32 v9, v11;
	v56 =	vmul.f32 $8.000000000e+00, v47;
	v58 =	vadd.s32 v2, v18;
	v27 =	vld.idx.msk [tilespmem:v27+s29+$0x0], $0xffff;
	[tilespmem:s11+$0x20] =	vst v57  }
0x4f8: {  	v59 =	vand.u32 $0xFFFFFF80, v28;
	v28 =	vand.u32 $0x7F, v28;
	[tilespmem:s11+$0xFFFFFF20] =	vst v25;
	v25 =	vld.idx.msk [tilespmem:v35+s29+$0x0], $0xffff;
	v24 =	vmul.f32 $8.000000000e+00, v24  }
0x4f9: {  	[tilespmem:s9+$0x60] =	vst v16;
	v18 =	vadd.s32 v3, v18;
	v38 =	vadd.s32 v8, v59;
	v36 =	vmul.f32 $8.000000000e+00, v36;
	v33 =	vld.idx.msk [tilespmem:v33+s29+$0x0], $0xffff  }
0x4fa: {  	v28 =	vor.u32 v28, v38;
	v63 =	vld.idx.msk [tilespmem:v26+s29+$0x0], $0xffff;
	v62 =	vmul.f32 $8.000000000e+00, v14;
	v14 =	vmul.f32 $8.000000000e+00, v34;
	[tilespmem:s11+$0xB0] =	vst v24  }
0x4fb: {  	[tilespmem:s10+$0x40] =	vst v56;
	v61 =	vand.u32 $0x7F, v58;
	v26 =	vand.u32 $0xFFFFFF80, v18;
	v31 =	vand.u32 $0xFFFFFF80, v58;
	v20 =	vld.idx.msk [tilespmem:v60+s6+$0x0], $0xffff  }
0x4fc: {  	v16 =	vmul.f32 $8.000000000e+00, v27;
	v31 =	vadd.s32 v7, v31;
	v7 =	vadd.s32 v7, v26;
	v24 =	vld.idx.msk [tilespmem:v29+s29+$0x0], $0xffff;
	[tilespmem:s11+$0xFFFFFFB0] =	vst v14  }
0x4fd: {  	[tilespmem:s9+$0xFFFFFFE0] =	vst v19;
	v26 =	vshll.u32 v60, $0x7;
	v29 =	vand.u32 $0xFFFFFF80, v17;
	v11 =	vld.idx.msk [tilespmem:v23+s6+$0x0], $0xffff;
	v19 =	vmul.f32 $8.000000000e+00, v25  }
0x4fe: {  	v25 =	vadd.s32 v8, v29;
	v29 =	vld.idx.msk [tilespmem:v12+s29+$0x0], $0xffff;
	v8 =	vand.u32 $0x7F, v15;
	v12 =	vmul.f32 $8.000000000e+00, v33  }
0x4ff: {  	v31 =	vor.u32 v61, v31;
	v15 =	vld.idx.msk [tilespmem:v13+s29+$0x0], $0xffff;
	v13 =	vand.u32 $0x7F, v18;
	v8 =	vor.u32 v8, v9;
	[tilespmem:s11+$0x30] =	vst v19  }
0x500: {  	v14 =	vand.u32 $0x7F, v17;
	v7 =	vor.u32 v13, v7;
	[tilespmem:s11+$0xFFFFFF30] =	vst v12;
	v12 =	vld.idx.msk [tilespmem:v22+s6+$0x0], $0xffff;
	v18 =	vadd.s32 v0, v20  }
0x501: {  	[tilespmem:s9+$0xFFFFFF60] =	vst v62;
	v9 =	vor.u32 v14, v25;
	v17 =	vmul.f32 $8.000000000e+00, v24;
	v13 =	vld.idx.msk [tilespmem:v21+s6+$0x0], $0xffff;
	v14 =	vand.u32 $0xFFFFFF80, v18  }
0x502: {  	[tilespmem:s10+$0xFFFFFFD0] =	vst v16;
	v21 =	vmul.f32 $8.000000000e+00, v63;
	v16 =	vand.u32 $0x7F, v18;
	v18 =	vadd.s32 v26, v14  }
0x503: {  	[tilespmem:s10+$0x50] =	vst v17;
	v17 =	vadd.s32 v2, v11;
	v22 =	vmul.f32 $8.000000000e+00, v29;
	v19 =	vor.u32 v16, v18  }
0x504: {  	[tilespmem:s10+$0xF0] =	vst v36;
	v10 =	vld.idx.msk [tilespmem:v10+s29+$0x0], $0xffff;
	v23 =	vmul.f32 $8.000000000e+00, v15;
	v15 =	vadd.s32 v0, v11;
	v18 =	vadd.s32 v1, v11  }
0x505: {  	v14 =	vld.idx.msk [tilespmem:v30+s29+$0x0], $0xffff;
	[tilespmem:s10+$0xFFFFFF50] =	vst v21;
	v24 =	vand.u32 $0xFFFFFF80, v15;
	v27 =	vand.u32 $0x7F, v15;
	v25 =	vadd.s32 v0, v12  }
0x506: {  	v16 =	vld.idx.msk [tilespmem:v28+s29+$0x0], $0xffff;
	[tilespmem:s9+$0xFFFFFFF0] =	vst v22;
	v28 =	vadd.s32 v5, v24;
	v21 =	vadd.s32 v0, v13;
	v24 =	vand.u32 $0xFFFFFF80, v25  }
0x507: {  	s12 =	simm.s32 $0x8;
	s4 =	simm.s32 $0x18;
	v15 =	vld.idx.msk [tilespmem:v31+s29+$0x0], $0xffff;
	[tilespmem:s9+$0x70] =	vst v23;
	v29 =	vand.u32 $0x7F, v25;
	v22 =	vand.u32 $0xFFFFFF80, v21;
	v30 =	vadd.s32 v6, v24  }
.LBB2_9:
0x508: {  	v23 =	vmov s4;
	s1 =	sadd.s32 $0x2, s4;
	s15 =	sadd.s32 $0x6, s4;
	s12 =	sadd.s32 $0x4, s12;
	v33 =	vand.u32 $0x7F, v21;
	v35 =	vadd.s32 v4, v22;
	v37 =	vld.idx.msk [tilespmem:v19+s29+$0x0], $0xffff  }
0x509: {  	s23 =	sadd.s32 $0x1, s4;
	v19 =	vadd.s32 v1, v20;
	v39 =	vmov s1;
	s1 =	sadd.s32 $0x4, s4;
	v42 =	vmov s15;
	p0 =	slt.u32 s12, $0x3C  }
0x50a: {  	s21 =	smov.u32 s11;
	s15 =	sadd.s32 $0x3, s4;
	v21 =	vand.u32 $0xFFFFFF80, v19;
	v32 =	vshll.u32 v39, $0x7;
	v41 =	vmov s1;
	s1 =	sadd.s32 $0x5, s4  }
0x50b: {  	v22 =	vand.u32 $0x7F, v19;
	v21 =	vadd.s32 v26, v21;
	v34 =	vshll.u32 v41, $0x7  }
0x50c: {  	v31 =	vshll.u32 v23, $0x7;
	v19 =	vmov s23;
	v43 =	vor.u32 v22, v21  }
0x50d: {  	v22 =	vmov s15;
	v21 =	vmov s1;
	v38 =	vld.idx.msk [tilespmem:v23+s6+$0x0], $0xffff;
	v23 =	vshll.u32 v19, $0x7  }
0x50e: {  	v25 =	vshll.u32 v22, $0x7;
	v24 =	vshll.u32 v21, $0x7;
	v37 =	vmul.f32 $8.000000000e+00, v37;
	v36 =	vld.idx.msk [tilespmem:v42+s6+$0x0], $0xffff  }
0x50f: {  	v44 =	vor.u32 v29, v30;
	v40 =	vld.idx.msk [tilespmem:v39+s6+$0x0], $0xffff;
	v39 =	vor.u32 v33, v35;
	v35 =	vor.u32 v27, v28  }
0x510: {  	v30 =	vadd.s32 v1, v12;
	v27 =	vadd.s32 v1, v13;
	v28 =	vand.u32 $0xFFFFFF80, v18;
	v41 =	vld.idx.msk [tilespmem:v41+s6+$0x0], $0xffff;
	[tilespmem:s11+$0xC0] =	vst v37  }
0x511: {  	v33 =	vand.u32 $0xFFFFFF80, v27;
	v29 =	vadd.s32 v5, v28;
	v37 =	vand.u32 $0xFFFFFF80, v30;
	v43 =	vld.idx.msk [tilespmem:v43+s29+$0x0], $0xffff  }
0x512: {  	v28 =	vadd.s32 v4, v33;
	v33 =	vadd.s32 v6, v37;
	v37 =	vadd.s32 v2, v20  }
0x513: {  	v45 =	vadd.s32 v0, v38;
	v46 =	vadd.s32 v1, v38;
	v47 =	vand.u32 $0xFFFFFF80, v37  }
0x514: {  	v49 =	vand.u32 $0x7F, v37;
	v48 =	vadd.s32 v0, v36;
	v47 =	vadd.s32 v26, v47;
	v35 =	vld.idx.msk [tilespmem:v35+s29+$0x0], $0xffff  }
0x515: {  	v42 =	vshll.u32 v42, $0x7;
	v50 =	vand.u32 $0xFFFFFF80, v48;
	v37 =	vld.idx.msk [tilespmem:v44+s29+$0x0], $0xffff;
	v44 =	vor.u32 v49, v47  }
0x516: {  	v48 =	vand.u32 $0x7F, v48;
	v47 =	vadd.s32 v0, v40;
	v49 =	vadd.s32 v42, v50;
	v39 =	vld.idx.msk [tilespmem:v39+s29+$0x0], $0xffff  }
0x517: {  	v50 =	vadd.s32 v0, v41;
	v48 =	vor.u32 v48, v49;
	v43 =	vmul.f32 $8.000000000e+00, v43  }
0x518: {  	v49 =	vand.u32 $0xFFFFFF80, v45;
	v51 =	vand.u32 $0xFFFFFF80, v47;
	v52 =	vand.u32 $0xFFFFFF80, v50  }
0x519: {  	v49 =	vadd.s32 v31, v49;
	v51 =	vadd.s32 v32, v51;
	v52 =	vadd.s32 v34, v52;
	[tilespmem:s11+$0xD0] =	vst v43  }
0x51a: {  	v43 =	vand.u32 $0x7F, v45;
	v45 =	vand.u32 $0x7F, v47;
	v47 =	vand.u32 $0x7F, v50;
	v44 =	vld.idx.msk [tilespmem:v44+s29+$0x0], $0xffff  }
0x51b: {  	v20 =	vadd.s32 v3, v20;
	v45 =	vor.u32 v45, v51;
	v47 =	vor.u32 v47, v52  }
0x51c: {  	v50 =	vand.u32 $0xFFFFFF80, v20;
	v43 =	vor.u32 v43, v49;
	v49 =	vadd.s32 v1, v40;
	v48 =	vld.idx.msk [tilespmem:v48+s29+$0x0], $0xffff  }
0x51d: {  	v20 =	vand.u32 $0x7F, v20;
	v51 =	vadd.s32 v1, v36;
	v26 =	vadd.s32 v26, v50  }
0x51e: {  	v50 =	vadd.s32 v1, v41;
	v52 =	vand.u32 $0xFFFFFF80, v51;
	v20 =	vor.u32 v20, v26  }
0x51f: {  	v26 =	vand.u32 $0xFFFFFF80, v49;
	v51 =	vand.u32 $0x7F, v51;
	v52 =	vadd.s32 v42, v52  }
0x520: {  	v53 =	vand.u32 $0xFFFFFF80, v50;
	v51 =	vor.u32 v51, v52;
	v44 =	vmul.f32 $8.000000000e+00, v44;
	v45 =	vld.idx.msk [tilespmem:v45+s29+$0x0], $0xffff  }
0x521: {  	v26 =	vadd.s32 v32, v26;
	v53 =	vadd.s32 v34, v53;
	v52 =	vand.u32 $0xFFFFFF80, v46;
	v47 =	vld.idx.msk [tilespmem:v47+s29+$0x0], $0xffff  }
0x522: {  	v49 =	vand.u32 $0x7F, v49;
	v52 =	vadd.s32 v31, v52;
	v48 =	vmul.f32 $8.000000000e+00, v48;
	v43 =	vld.idx.msk [tilespmem:v43+s29+$0x0], $0xffff;
	[tilespmem:s11+$0xE0] =	vst v44  }
0x523: {  	v26 =	vor.u32 v49, v26;
	v44 =	vand.u32 $0x7F, v46;
	v46 =	vand.u32 $0x7F, v50;
	s11 =	sadd.s32 $0x200, s11;
	v20 =	vld.idx.msk [tilespmem:v20+s29+$0x0], $0xffff  }
0x524: {  	v49 =	vadd.s32 v2, v40;
	v44 =	vor.u32 v44, v52;
	v46 =	vor.u32 v46, v53;
	[tilespmem:s11+$0x80] =	vst v48  }
0x525: {  	v50 =	vand.u32 $0xFFFFFF80, v49;
	v52 =	vadd.s32 v2, v41;
	v48 =	vadd.s32 v2, v38;
	v51 =	vld.idx.msk [tilespmem:v51+s29+$0x0], $0xffff  }
0x526: {  	v54 =	vadd.s32 v2, v36;
	v53 =	vand.u32 $0xFFFFFF80, v52;
	v45 =	vmul.f32 $8.000000000e+00, v45  }
0x527: {  	v56 =	vand.u32 $0xFFFFFF80, v54;
	v55 =	vand.u32 $0xFFFFFF80, v48;
	v47 =	vmul.f32 $8.000000000e+00, v47  }
0x528: {  	v43 =	vmul.f32 $8.000000000e+00, v43;
	[tilespmem:s11+$0xFFFFFF80] =	vst v45;
	v45 =	vand.u32 $0x7F, v54;
	v54 =	vadd.s32 v42, v56  }
0x529: {  	v50 =	vadd.s32 v32, v50;
	v20 =	vmul.f32 $8.000000000e+00, v20;
	v26 =	vld.idx.msk [tilespmem:v26+s29+$0x0], $0xffff;
	[tilespmem:s11+$0x0] =	vst v47;
	v45 =	vor.u32 v45, v54  }
0x52a: {  	v47 =	vand.u32 $0x7F, v49;
	v49 =	vadd.s32 v34, v53;
	[tilespmem:s11+$0xFFFFFF00] =	vst v43;
	v43 =	vadd.s32 v31, v55;
	v46 =	vld.idx.msk [tilespmem:v46+s29+$0x0], $0xffff  }
0x52b: {  	v52 =	vand.u32 $0x7F, v52;
	v48 =	vand.u32 $0x7F, v48;
	v51 =	vmul.f32 $8.000000000e+00, v51;
	v44 =	vld.idx.msk [tilespmem:v44+s29+$0x0], $0xffff;
	[tilespmem:s21+$0xF0] =	vst v20  }
0x52c: {  	v20 =	vor.u32 v48, v43;
	v43 =	vor.u32 v47, v50;
	v47 =	vor.u32 v52, v49  }
0x52d: {  	v40 =	vadd.s32 v3, v40;
	v41 =	vadd.s32 v3, v41;
	v38 =	vadd.s32 v3, v38;
	[tilespmem:s11+$0x90] =	vst v51  }
0x52e: {  	v48 =	vand.u32 $0xFFFFFF80, v38;
	v49 =	vand.u32 $0xFFFFFF80, v40;
	v50 =	vand.u32 $0xFFFFFF80, v41;
	v45 =	vld.idx.msk [tilespmem:v45+s29+$0x0], $0xffff  }
0x52f: {  	v36 =	vadd.s32 v3, v36;
	v32 =	vadd.s32 v32, v49;
	v26 =	vmul.f32 $8.000000000e+00, v26  }
0x530: {  	v34 =	vadd.s32 v34, v50;
	v49 =	vand.u32 $0xFFFFFF80, v36;
	v46 =	vmul.f32 $8.000000000e+00, v46  }
0x531: {  	v44 =	vmul.f32 $8.000000000e+00, v44;
	[tilespmem:s11+$0xFFFFFF90] =	vst v26;
	v26 =	vand.u32 $0x7F, v36;
	v36 =	vadd.s32 v42, v49  }
0x532: {  	v40 =	vand.u32 $0x7F, v40;
	v31 =	vadd.s32 v31, v48;
	v42 =	vld.idx.msk [tilespmem:v43+s29+$0x0], $0xffff;
	[tilespmem:s11+$0x10] =	vst v46;
	v26 =	vor.u32 v26, v36  }
0x533: {  	v32 =	vor.u32 v40, v32;
	v40 =	vand.u32 $0x7F, v41;
	v36 =	vand.u32 $0x7F, v38;
	[tilespmem:s11+$0xFFFFFF10] =	vst v44;
	v38 =	vld.idx.msk [tilespmem:v47+s29+$0x0], $0xffff  }
0x534: {  	v34 =	vor.u32 v40, v34;
	v31 =	vor.u32 v36, v31;
	v36 =	vmul.f32 $8.000000000e+00, v45;
	v20 =	vld.idx.msk [tilespmem:v20+s29+$0x0], $0xffff  }
0x535: {  	v18 =	vand.u32 $0x7F, v18;
	v35 =	vmul.f32 $8.000000000e+00, v35;
	v37 =	vmul.f32 $8.000000000e+00, v37  }
0x536: {  	v27 =	vand.u32 $0x7F, v27;
	v30 =	vand.u32 $0x7F, v30;
	[tilespmem:s11+$0xA0] =	vst v36;
	v36 =	vmul.f32 $8.000000000e+00, v39  }
0x537: {  	v18 =	vor.u32 v18, v29;
	v29 =	vand.u32 $0xFFFFFF80, v17;
	v30 =	vor.u32 v30, v33;
	v26 =	vld.idx.msk [tilespmem:v26+s29+$0x0], $0xffff;
	[tilespmem:s21+$0xFFFFFFC0] =	vst v35  }
0x538: {  	v27 =	vor.u32 v27, v28;
	v28 =	vadd.s32 v2, v12;
	v33 =	vmul.f32 $8.000000000e+00, v42;
	[tilespmem:s21+$0x40] =	vst v37  }
0x539: {  	v35 =	vmul.f32 $8.000000000e+00, v38;
	v37 =	vand.u32 $0xFFFFFF80, v28;
	[tilespmem:s21+$0xFFFFFF40] =	vst v36;
	v36 =	vadd.s32 v2, v13  }
0x53a: {  	s1 =	sadd.s32 $0x7, s4;
	v29 =	vadd.s32 v5, v29;
	v20 =	vmul.f32 $8.000000000e+00, v20;
	[tilespmem:s11+$0xFFFFFFA0] =	vst v33;
	v33 =	vand.u32 $0xFFFFFF80, v36  }
0x53b: {  	v37 =	vadd.s32 v6, v37;
	v32 =	vld.idx.msk [tilespmem:v32+s29+$0x0], $0xffff;
	[tilespmem:s11+$0x20] =	vst v35;
	v35 =	vmov s1;
	v33 =	vadd.s32 v4, v33  }
0x53c: {  	v17 =	vand.u32 $0x7F, v17;
	v28 =	vand.u32 $0x7F, v28;
	[tilespmem:s11+$0xFFFFFF20] =	vst v20;
	v34 =	vld.idx.msk [tilespmem:v34+s29+$0x0], $0xffff;
	v20 =	vand.u32 $0x7F, v36  }
0x53d: {  	v17 =	vor.u32 v17, v29;
	v28 =	vor.u32 v28, v37;
	v26 =	vmul.f32 $8.000000000e+00, v26;
	v31 =	vld.idx.msk [tilespmem:v31+s29+$0x0], $0xffff  }
0x53e: {  	v11 =	vadd.s32 v3, v11;
	v12 =	vadd.s32 v3, v12;
	v29 =	vor.u32 v20, v33;
	v18 =	vld.idx.msk [tilespmem:v18+s29+$0x0], $0xffff  }
0x53f: {  	v14 =	vmul.f32 $8.000000000e+00, v14;
	v16 =	vmul.f32 $8.000000000e+00, v16;
	v13 =	vadd.s32 v3, v13;
	[tilespmem:s11+$0xB0] =	vst v26;
	v26 =	vld.idx.msk [tilespmem:v30+s29+$0x0], $0xffff  }
0x540: {  	v15 =	vmul.f32 $8.000000000e+00, v15;
	v33 =	vand.u32 $0xFFFFFF80, v12;
	v30 =	vand.u32 $0xFFFFFF80, v11;
	v20 =	vld.idx.msk [tilespmem:v35+s6+$0x0], $0xffff  }
0x541: {  	v36 =	vand.u32 $0xFFFFFF80, v13;
	v32 =	vmul.f32 $8.000000000e+00, v32;
	v30 =	vadd.s32 v5, v30;
	v5 =	vmovc v25;
	v27 =	vld.idx.msk [tilespmem:v27+s29+$0x0], $0xffff;
	[tilespmem:s10+$0xFFFFFFE0] =	vst v14  }
0x542: {  	v33 =	vadd.s32 v6, v33;
	v25 =	vadd.s32 v4, v36;
	v14 =	vmul.f32 $8.000000000e+00, v34;
	v34 =	vld.idx.msk [tilespmem:v8+s29+$0x0], $0xffff;
	[tilespmem:s10+$0x60] =	vst v16  }
0x543: {  	v6 =	vmovc v24;
	v4 =	vmovc v23;
	v16 =	vmul.f32 $8.000000000e+00, v31;
	v8 =	vand.u32 $0x7F, v11;
	v31 =	vand.u32 $0x7F, v12;
	[tilespmem:s11+$0xFFFFFFB0] =	vst v32;
	v32 =	vld.idx.msk [tilespmem:v9+s29+$0x0], $0xffff  }
0x544: {  	v9 =	vand.u32 $0x7F, v13;
	v8 =	vor.u32 v8, v30;
	v11 =	vld.idx.msk [tilespmem:v22+s6+$0x0], $0xffff;
	[tilespmem:s11+$0x30] =	vst v14;
	v14 =	vmul.f32 $8.000000000e+00, v18  }
0x545: {  	v18 =	vor.u32 v9, v25;
	v9 =	vor.u32 v31, v33;
	[tilespmem:s11+$0xFFFFFF30] =	vst v16;
	v12 =	vld.idx.msk [tilespmem:v21+s6+$0x0], $0xffff;
	v16 =	vmul.f32 $8.000000000e+00, v26  }
0x546: {  	v23 =	vmul.f32 $8.000000000e+00, v10;
	v13 =	vld.idx.msk [tilespmem:v19+s6+$0x0], $0xffff;
	v19 =	vadd.s32 v0, v20;
	[tilespmem:s21+$0xFFFFFFD0] =	vst v14  }
0x547: {  	v26 =	vshll.u32 v35, $0x7;
	v21 =	vmul.f32 $8.000000000e+00, v27;
	v10 =	vand.u32 $0xFFFFFF80, v19;
	v14 =	vld.idx.msk [tilespmem:v17+s29+$0x0], $0xffff;
	[tilespmem:s21+$0x50] =	vst v16  }
0x548: {  	v17 =	vand.u32 $0x7F, v19;
	v22 =	vmul.f32 $8.000000000e+00, v34;
	v10 =	vadd.s32 v26, v10;
	v16 =	vld.idx.msk [tilespmem:v28+s29+$0x0], $0xffff;
	[tilespmem:s10+$0xFFFFFF60] =	vst v15  }
.Ltmp3:
0x549: {  	v24 =	vmul.f32 $8.000000000e+00, v32;
	v19 =	vor.u32 v17, v10;
	[tilespmem:s21+$0xFFFFFF50] =	vst v21;
	v10 =	vld.idx.msk [tilespmem:v7+s29+$0x0], $0xffff;
	v7 =	vmov v18;
	(pc) =	sbr.rel @p0 .LBB2_9-.Ltmp3, $4  }
0x54a: {  	v21 =	vadd.s32 v0, v11;
	v18 =	vadd.s32 v1, v11;
	v17 =	vadd.s32 v2, v11;
	v15 =	vld.idx.msk [tilespmem:v29+s29+$0x0], $0xffff  }
0x54b: {  	v25 =	vand.u32 $0xFFFFFF80, v21;
	v27 =	vand.u32 $0x7F, v21;
	v29 =	vadd.s32 v0, v12;
	[tilespmem:s10+$0xFFFFFFF0] =	vst v22  }
0x54c: {  	v21 =	vadd.s32 v0, v13;
	v28 =	vadd.s32 v5, v25;
	v25 =	vand.u32 $0xFFFFFF80, v29;
	[tilespmem:s10+$0x70] =	vst v24  }
0x54d: {  	s4 =	sadd.s32 $0x8, s4;
	v29 =	vand.u32 $0x7F, v29;
	v22 =	vand.u32 $0xFFFFFF80, v21;
	v30 =	vadd.s32 v6, v25;
	[tilespmem:s9+$0xFFFFFF70] =	vst v23;
	s9 =	smov.u32 s10;
	s10 =	smov.u32 s21  }
0x54e: {  	_ =	sdelay $0x3  }
0x54f: {  	v19 =	vld.idx.msk [tilespmem:v19+s29+$0x0], $0xffff;
	v23 =	vadd.s32 v1, v20;
	v25 =	vor.u32 v27, v28;
	v62 =	vor.u32 v29, v30  }
0x550: {  	v21 =	vand.u32 $0x7F, v21;
	v22 =	vadd.s32 v4, v22;
	v24 =	vand.u32 $0xFFFFFF80, v23  }
0x551: {  	v23 =	vand.u32 $0x7F, v23;
	v21 =	vor.u32 v21, v22;
	v24 =	vadd.s32 v26, v24  }
0x552: {  	v23 =	vor.u32 v23, v24  }
0x553: {  	v63 =	vadd.s32 v1, v13  }
0x554: {  	v32 =	vand.u32 $0xFFFFFF80, v18;
	v33 =	vadd.s32 v1, v12;
	v19 =	vmul.f32 $8.000000000e+00, v19;
	v25 =	vld.idx.msk [tilespmem:v25+s29+$0x0], $0xffff  }
0x555: {  	v37 =	vadd.s32 v2, v20;
	v38 =	vand.u32 $0x7F, v18;
	v41 =	vadd.s32 v3, v20;
	v27 =	vld.idx.msk [tilespmem:v62+s29+$0x0], $0xffff  }
0x556: {  	v34 =	vand.u32 $0xFFFFFF80, v63;
	v35 =	vadd.s32 v5, v32;
	v36 =	vand.u32 $0xFFFFFF80, v33;
	v21 =	vld.idx.msk [tilespmem:v21+s29+$0x0], $0xffff;
	[tilespmem:s11+$0xC0] =	vst v19  }
0x557: {  	v28 =	vand.u32 $0x7F, v33;
	v18 =	vor.u32 v38, v35;
	v24 =	vadd.s32 v6, v36;
	v23 =	vld.idx.msk [tilespmem:v23+s29+$0x0], $0xffff  }
0x558: {  	v22 =	vand.u32 $0x7F, v63;
	v29 =	vadd.s32 v4, v34;
	v24 =	vor.u32 v28, v24  }
0x559: {  	v43 =	vand.u32 $0xFFFFFF80, v17;
	v22 =	vor.u32 v22, v29;
	v25 =	vmul.f32 $8.000000000e+00, v25  }
0x55a: {  	v44 =	vadd.s32 v2, v12;
	v45 =	vadd.s32 v2, v13;
	v27 =	vmul.f32 $8.000000000e+00, v27  }
0x55b: {  	v47 =	vand.u32 $0x7F, v17;
	v11 =	vadd.s32 v3, v11;
	v21 =	vmul.f32 $8.000000000e+00, v21;
	[tilespmem:s11+$0xFFFFFFC0] =	vst v25  }
0x55c: {  	v50 =	vadd.s32 v3, v12;
	v31 =	vand.u32 $0xFFFFFF80, v37;
	[tilespmem:s11+$0x40] =	vst v27;
	v23 =	vmul.f32 $8.000000000e+00, v23;
	v18 =	vld.idx.msk [tilespmem:v18+s29+$0x0], $0xffff  }
0x55d: {  	v39 =	vand.u32 $0x7F, v37;
	v46 =	vand.u32 $0xFFFFFF80, v44;
	v40 =	vadd.s32 v26, v31;
	v24 =	vld.idx.msk [tilespmem:v24+s29+$0x0], $0xffff;
	[tilespmem:s11+$0xFFFFFF40] =	vst v21  }
0x55e: {  	v48 =	vand.u32 $0xFFFFFF80, v45;
	v19 =	vor.u32 v39, v40;
	v22 =	vld.idx.msk [tilespmem:v22+s29+$0x0], $0xffff;
	[tilespmem:s11+$0xD0] =	vst v23;
	v23 =	vadd.s32 v5, v43  }
0x55f: {  	v27 =	vand.u32 $0x7F, v44;
	v21 =	vadd.s32 v6, v46;
	v17 =	vor.u32 v47, v23  }
0x560: {  	v49 =	vand.u32 $0x7F, v45;
	v21 =	vor.u32 v27, v21;
	v23 =	vadd.s32 v4, v48  }
0x561: {  	v14 =	vmul.f32 $8.000000000e+00, v14;
	v23 =	vor.u32 v49, v23;
	v18 =	vmul.f32 $8.000000000e+00, v18  }
0x562: {  	v51 =	vadd.s32 v3, v13;
	v16 =	vmul.f32 $8.000000000e+00, v16;
	v24 =	vmul.f32 $8.000000000e+00, v24  }
0x563: {  	v42 =	vand.u32 $0xFFFFFF80, v41;
	v20 =	vand.u32 $0x7F, v41;
	v19 =	vld.idx.msk [tilespmem:v19+s29+$0x0], $0xffff;
	v52 =	vmul.f32 $8.000000000e+00, v22;
	[tilespmem:s11+$0xFFFFFFD0] =	vst v18  }
0x564: {  	v53 =	vand.u32 $0xFFFFFF80, v11;
	v54 =	vand.u32 $0xFFFFFF80, v50;
	v11 =	vand.u32 $0x7F, v11;
	[tilespmem:s11+$0x50] =	vst v24;
	v17 =	vld.idx.msk [tilespmem:v17+s29+$0x0], $0xffff  }
0x565: {  	v12 =	vand.u32 $0x7F, v50;
	v58 =	vand.u32 $0xFFFFFF80, v51;
	v25 =	vadd.s32 v26, v42;
	v21 =	vld.idx.msk [tilespmem:v21+s29+$0x0], $0xffff;
	[tilespmem:s11+$0xFFFFFF50] =	vst v52  }
0x566: {  	v59 =	vand.u32 $0x7F, v51;
	v20 =	vor.u32 v20, v25;
	v5 =	vadd.s32 v5, v53;
	v56 =	vld.idx.msk [tilespmem:v23+s29+$0x0], $0xffff  }
0x567: {  	v55 =	vadd.s32 v6, v54;
	[tilespmem:s10+$0xFFFFFFE0] =	vst v14;
	v62 =	vmul.f32 $8.000000000e+00, v15;
	v5 =	vor.u32 v11, v5  }
0x568: {  	[tilespmem:s10+$0x60] =	vst v16;
	v8 =	vld.idx.msk [tilespmem:v8+s29+$0x0], $0xffff;
	v6 =	vor.u32 v12, v55;
	v4 =	vadd.s32 v4, v58;
	v19 =	vmul.f32 $8.000000000e+00, v19  }
0x569: {  	v9 =	vld.idx.msk [tilespmem:v9+s29+$0x0], $0xffff;
	[tilespmem:s10+$0xFFFFFF60] =	vst v62;
	v4 =	vor.u32 v59, v4;
	v60 =	vmul.f32 $8.000000000e+00, v17  }
0x56a: {  	v7 =	vld.idx.msk [tilespmem:v7+s29+$0x0], $0xffff;
	[tilespmem:s11+$0xE0] =	vst v19;
	v61 =	vmul.f32 $8.000000000e+00, v21  }
0x56b: {  	v57 =	vld.idx.msk [tilespmem:v20+s29+$0x0], $0xffff;
	v11 =	vmul.f32 $8.000000000e+00, v56;
	[tilespmem:s11+$0xFFFFFFE0] =	vst v60  }
0x56c: {  	v10 =	vmul.f32 $8.000000000e+00, v10;
	[tilespmem:s11+$0x60] =	vst v61;
	v5 =	vld.idx.msk [tilespmem:v5+s29+$0x0], $0xffff  }
0x56d: {  	v8 =	vmul.f32 $8.000000000e+00, v8;
	v6 =	vld.idx.msk [tilespmem:v6+s29+$0x0], $0xffff;
	[tilespmem:s11+$0xFFFFFF60] =	vst v11  }
0x56e: {  	[tilespmem:s9+$0xFFFFFF70] =	vst v10;
	v9 =	vmul.f32 $8.000000000e+00, v9;
	v4 =	vld.idx.msk [tilespmem:v4+s29+$0x0], $0xffff  }
0x56f: {  	[tilespmem:s10+$0xFFFFFFF0] =	vst v8;
	v7 =	vmul.f32 $8.000000000e+00, v7  }
0x570: {  	s20 =	sadd.s32 $0x1, s20;
	[tilespmem:s10+$0x70] =	vst v9;
	v63 =	vmul.f32 $8.000000000e+00, v57  }
0x571: {  	p0 =	sne.s32 s20, $0x32;
	[tilespmem:s10+$0xFFFFFF70] =	vst v7;
	v5 =	vmul.f32 $8.000000000e+00, v5  }
.Ltmp4:
0x572: {  	[tilespmem:s11+$0xF0] =	vst v63;
	v6 =	vmul.f32 $8.000000000e+00, v6;
	(pc) =	sbr.rel @p0 .LBB2_2-.Ltmp4, $4  }
0x573: {  	v4 =	vmul.f32 $8.000000000e+00, v4;
	[tilespmem:s11+$0xFFFFFFF0] =	vst v5  }
0x574: {  	s1 =	sshll.u32 s26, $0x3;
	[tilespmem:s11+$0x70] =	vst v6  }
0x575: {  	s4 =	simm.s32 $0x12600;
	s1 =	sadd.s32 s2, s1;
	[tilespmem:s11+$0xFFFFFF70] =	vst v4  }
0x576: {  	[hbm4b:s1+s3] =	stream.linear.scatter [tilespmem:s4], [sflag:$0x6], $0x2000, $0x38;
	[tilespmem:$0x14600] =	vst v63  }
0x577: {  	_ =	swait.ge [sflag:s16], $0x2000  }
0x578: {  	[sflag:s16] =	ssyncset.done $0x0  }
0x579: {  	[sflag:s16] =	ssyncadd.s32 $0xFFFFE000  }
0x57a: {  	_ =	swait.ge [sflag:s13], $0x2000  }
0x57b: {  	s4 =	rddreg [dreg:$0xb]  }
0x57c: {  	s1 =	rddreg [dreg:$0xa];
	s4 =	sadd.s32 $0x1, s4  }
0x57d: {  	p0 =	sne.s32 s4, s1  }
.Ltmp5:
0x57e: {  	_ = 	snop;
	(pc) =	sbr.rel @p0 .LBB2_1-.Ltmp5, $3  }
0x57f: {  	_ =	sdelay $0x1  }
0x580: {  	[sflag:s13] =	ssyncset.done $0x0  }
0x581: {  	[sflag:s13] =	ssyncadd.s32 $0xFFFFE000  }
0x582: {  	_ =	sfence.sel $0x180000  }
0x583: {  	[bflag:$0x0] =	sbarrier.arrive $0xFFFF  }
0x584: {  	_ =	strace $0x90000047  }
0x585: {  	s0 =	stileid.u32;
	[bflag:$0x2] =	sbarrier.arrive $0xFFFF  }
0x586: {  	p0 =	sne.s32 s0, $0x0;
	s0 =	rddreg [dreg:$0x2]  }
0x587: {  	s0 =	sadd.s32 @!p0 $0x100000, s0  }
0x588: {  	[sflag:s0] =	ssyncadd.tile.s32 @!p0 $0x1;
	_ =	shalt  }
.Lfunc_end2:
_tile_overlayer_lowered:
.L_overlay_start_2:
0x589: {  	(tag) =	ssettag $0x2  }
0x58a: {  	s0 =	rddreg [dreg:$0x0];
	s2 =	stileid.u32  }
0x58b: {  	s1 =	rddreg [dreg:$0x1];
	p0 =	sne.s32 s2, $0x0  }
0x58c: {  	s3 =	rddreg [dreg:$0x2];
	[bflag:$0x3] =	sbarrier.arrive $0xFFFF;
	s2 =	simm.s32 @!p0 $0x1C07  }
0x58d: {  	[timem:s3], [sflag:s2] =	dma.local @!p0 [hbm:s0], s1  }
0x58e: {  	s0 =	simm.s32 @!p0 $0x7  }
0x58f: {  	_ =	swait.ge @!p0 [sflag:s0], s1  }
0x590: {  	s1 =	ssub.s32 @!p0 $0x0, s1;
	[sflag:s0] =	ssyncset.done @!p0 $0x0  }
0x591: {  	[sflag:s0] =	ssyncadd.s32 @!p0 s1  }
0x592: {  	[bflag:$0x3] =	sbarrier.arrive $0xFFFF  }
0x593: {  	_ =	shalt  }

// kernel: sparse-core-data-format-call.cloned.1.call-start
scs
called_computation_lowered:
.L_overlay_start_0:
0x0: {  	s2 =	sld [smem:$0x3FD9]  }
0x1: {  	s3 =	sld [smem:$0x3FFE];
	_ =	sdelay $0x1  }
0x2: {  	s1 =	srdreg.scid  }
0x3: {  	s0 =	sand.u32 $0x1, s1  }
0x4: {  	s18 =	sshll.u32 s0, $0xA;
	s2 =	sadd.s32 s3, s2  }
0x5: {  	s2 =	sadd.s32 s2, s18  }
0x6: {  	[smem:$0x3FC6] =	sst s2  }
0x7: {  	_ = 	snop  }
0x8: {  	s2 =	sld [smem:$0x3FD0];
	(tm) =	ssettm $0x1  }
0x9: {  	s19 =	sld [smem:$0x3FFB];
	_ =	sdelay $0x3  }
0xa: {  	_ =	strace s19  }
0xb: {  	s3 =	sld [smem:$0x3FFC];
	_ =	sdelay $0x3  }
0xc: {  	_ =	strace s3  }
0xd: {  	s3 =	sld [smem:$0x3FFD];
	_ =	sdelay $0x3  }
0xe: {  	_ =	strace s3  }
0xf: {  	_ =	strace $0x8FFFFFFF  }
0x10: {  	s20 =	sld [smem:$0x3FDB];
	_ =	sdelay $0x1  }
0x11: {  	s4 =	simm.s32 $_scs_section_size  }
0x12: {  	s5 =	simm.s32 $_size__tile_overlayer_lowered;
	s6 =	simm.s32 $_tile_overlayer_lowered  }
0x13: {  	s23 =	simm.s32 $0x1BFF;
	s22 =	sshll.u32 s6, $0x1;
	s3 =	sadd.s32 s4, s20  }
0x14: {  	s7 =	simm.s32 $0x0;
	s21 =	sshll.u32 s5, $0x1;
	s5 =	sadd.s32 s22, s3  }
0x15: {  	[timem:s7], [sflag:s23] =	dma.local [hbm:s5], s21  }
0x16: {  	_ =	swait.ge [sflag:s23], s21  }
0x17: {  	s4 =	ssub.s32 $0x0, s21;
	[sflag:s23] =	ssyncset.done $0x0  }
0x18: {  	[sflag:s23] =	ssyncadd.s32 s4;
	_ =	sdelay $0x1  }
0x19: {  	s24 =	simm.s32 $0x1B8B  }
0x1a: {  	_ =	swait.ge [sflag:s24], $0x1  }
0x1b: {  	[sflag:s24] =	ssyncset.done $0x0  }
0x1c: {  	s26 =	simm.s32 $0x1B8E;
	s25 =	sld [smem:$0x3FFE];
	[sflag:s24] =	ssyncadd.s32 $0xFFFFFFFF  }
0x1d: {  	s27 =	simm.s32 $execute0_lowered;
	[smem:$0x3FD2] =	sst s26  }
0x1e: {  	s5 =	sshll.u32 s27, $0x1;
	_ =	strace $0x80000049;
	[dreg:$0x1] =	wrdreg $0xFFFFFFFF  }
0x1f: {  	s28 =	simm.s32 $_size_execute0_lowered;
	s3 =	sadd.s32 s3, s5;
	[dreg:$0x0] =	wrdreg $0x0  }
0x20: {  	s5 =	sshll.u32 s28, $0x1;
	[dreg:$0x2] =	wrdreg s3  }
0x21: {  	[dreg:$0x3] =	wrdreg s5  }
0x22: {  	[dreg:$0x4] =	wrdreg $0xC0  }
0x23: {  	_ =	task [dreg:s7], $0x5FFFF  }
0x24: {  	[dreg:$0x1] =	wrdreg $0xFFFFFFFF  }
0x25: {  	[dreg:$0x0] =	wrdreg $0x60  }
0x26: {  	[dreg:$0x2] =	wrdreg s25  }
0x27: {  	[dreg:$0x3] =	wrdreg s2  }
0x28: {  	[dreg:$0x4] =	wrdreg $0x9  }
0x29: {  	_ =	task.clear_ibuf [dreg:s7], $0x5FFFF;
	_ =	strace $0x90000049  }
0x2a: {  	s29 =	simm.s32 $0x9;
	_ =	strace $0x8000004B  }
0x2b: {  	_ =	swait.ge [sflag:s29], $0x1  }
0x2c: {  	[sflag:s29] =	ssyncadd.s32 $0xFFFFFFFF  }
0x2d: {  	_ =	strace $0x9000004B  }
0x2e: {  	_ =	sfence  }
0x2f: {  	s30 =	sld [smem:$0x0];
	_ =	sdelay $0x2  }
0x30: {  	s31 =	sshll.u32 s1, $0xD;
	s1 =	sshrl.u32 s1, $0x2  }
0x31: {  	s3 =	sand.u32 $0x4000, s31;
	s1 =	sadd.s32 s1, s30  }
0x32: {  	s0 =	sor.u32 s3, s0;
	s1 =	sshll.u32 s1, $0x11  }
0x33: {  	s0 =	sor.u32 s1, s0  }
0x34: {  	s0 =	sadd.s32 $0x8F2B, s0  }
0x35: {  	[sflag:s0] =	ssyncadd.remote.s32 $0x1  }
0x36: {  	_ =	sfence.sel $0xFFFF  }
0x37: {  	[dreg:$0x0] =	wrdreg $0xFFFFFFFF;
	(pc) =	sbr.abs _section_cstart, $3  }
0x38: {  	[dreg:$0x1] =	wrdreg $0xFFFFFFFF  }
0x39: {  	_ =	task.clear_ibuf [dreg:s7], $0x2FFFF;
	_ =	strace $0x9FFFFFFF  }
0x3a: {  	(tm) =	ssettm $0x7FFFFFFF  }
0x3b: {  	_ =	shalt  }
tec
execute0_lowered:
.L_overlay_start_1:
0x0: {  	(tag) =	ssettag $0x1  }
0x1: {  	s0 =	srdreg.scid  }
0x2: {  	s1 =	sshll.u32 s0, $0x4  }
0x3: {  	s5 =	rddreg [dreg:$0x0];
	s0 =	stileid.u32;
	s1 =	sand.u32 $0x10, s1  }
0x4: {  	s3 =	rddreg [dreg:$0x1];
	s31 =	simm.s32 $0x2;
	s4 =	sor.u32 s0, s1  }
0x5: {  	s13 =	simm.s32 $0x0;
	s9 =	simm.s32 $0x400;
	s2 =	sshll.u32 s4, $0x7  }
0x6: {  	s10 =	simm.s32 $0x8000;
	s14 =	simm.s32 $0x0;
	s6 =	ssub.s32 $0x1000, s2  }
0x7: {  	s1 =	rddreg [dreg:$0x2];
	_ =	strace $0x8000004A;
	s7 =	sand.u32 $0xF80, s6  }
0x8: {  	s4 =	sshll.u32 s4, $0xB;
	p0 =	sne.s32 s7, $0x0;
	s7 =	simm.s32 $0x1  }
.Ltmp0:
0x9: {  	s6 =	sshrl.u32 s6, $0xC;
	s7 =	simm.s32 @!p0 $0x0;
	(pc) =	sbr.rel .LBB1_1-.Ltmp0, $4  }
0xa: {  	s8 =	sadd.s32 s4, s5;
	s4 =	simm.s32 $0x1;
	s30 =	sadd.s32 s7, s6  }
0xb: {  	s11 =	simm.s32 $0x0;
	[sflag:s4] =	ssyncpa.u1 $0x0;
	s5 =	smul.u32 $0x64, s30  }
0xc: {  	s12 =	simm.s32 $0x0;
	[sflag:s31] =	ssyncpa.u1 $0x0;
	p0 =	por $0x0, $0x0  }
0xd: {  	s6 =	sadd.s32 $0xA00, s8;
	s7 =	sadd.s32 $0x10A00, s8;
	s8 =	sor.u32 $0x1, s5  }
.LBB1_7:
0xe: {  	s15 =	sadd.s32 $0x2, s11  }
0xf: {  	p2 =	sgt.s32 s15, $0xC7  }
0x10: {  	s15 =	simm.s32 @p2 $0x0;
	p2 =	sne.s32 s12, s8  }
.Ltmp1:
0x11: {  	p1 =	slt.u32 s12, $0x2;
	(pc) =	sbr.rel @!p2 .LBB1_8-.Ltmp1, $4  }
0x12: {  	s13 =	simm.s32 @!p1 $0x2  }
0x13: {  	s16 =	sadd.s32 $0x1, s12;
	s14 =	smov.u32 s11;
	_ =	swait.ge @!p1 [sflag:s13], $0x4000  }
0x14: {  	p0 =	por !p0, !p0;
	s12 =	smov.u32 s16;
	[sflag:s13] =	ssyncset.done @!p1 $0x0  }
0x15: {  	s11 =	smov.u32 s15;
	[sflag:s13] =	ssyncadd.s32 @!p1 $0xFFFFC000;
	s13 =	smov.u32 s2  }
.LBB1_1:
0x16: {  	p1 =	sge.u32 s12, s5  }
0x17: {  	s15 =	sxor.u32 @!p1 $0xFFFFFFFF, s12  }
0x18: {  	s16 =	sshll.u32 @!p1 s11, $0x10;
	s18 =	simm.s32 @!p1 $0x40;
	s15 =	sshll.u32 @!p1 s15, $0xE  }
0x19: {  	s19 =	simm.s32 @!p1 $0x80;
	s17 =	sadd.s32 @!p1 s16, s6;
	s15 =	sand.u32 @!p1 $0x4000, s15  }
0x1a: {  	[tilespmem:s15], [sflag:$0x1] =	stream.strided.gather @!p1 [hbm4b:s17+s18], $0x2000, s19, s18, $0x38;
	[tilespmem:$0x10100] =	vst v63  }
0x1b: {  	s31 =	sadd.s32 $0xFFFFFFFF, s12;
	s16 =	sadd.s32 @!p1 s16, s7;
	s15 =	sor.u32 @!p1 $0x2000, s15  }
0x1c: {  	[tilespmem:s15], [sflag:$0x1] =	stream.strided.gather @!p1 [hbm4b:s16+s18], $0x2000, s19, s18, $0x38;
	[tilespmem:$0x10100] =	vst v63  }
0x1d: {  	p1 =	sge.u32 s31, s5  }
.Ltmp2:
0x1e: {  	_ = 	snop;
	(pc) =	sbr.rel @p1 .LBB1_7-.Ltmp2, $1  }
0x1f: {  	_ =	sdelay $0x3  }
0x20: {  	s15 =	simm.s32 $0x1;
	s17 =	sand.u32 $0x1, s12  }
0x21: {  	_ =	swait.ge [sflag:s4], $0x4000;
	s15 =	simm.s32 @!p0 $0x0;
	s17 =	smul.u32 $0x10200, s17  }
0x22: {  	p2 =	por $0x1, $0x1;
	[sflag:s4] =	ssyncset.done $0x0;
	s16 =	smul.u32 $0x10200, s15  }
0x23: {  	s18 =	sshll.u32 s15, $0x10;
	[sflag:s4] =	ssyncadd.s32 $0xFFFFC000;
	s30 =	sshrl.u32 s17, $0x2  }
0x24: {  	s31 =	sshrl.u32 s18, $0x2;
	s18 =	simm.s32 $0x0;
	s16 =	sshrl.u32 s16, $0x2  }
0x25: {  	s15 =	sor.u32 $0x8000, s30;
	s17 =	sadd.s32 $0x20, s31;
	s16 =	sor.u32 $0x8000, s16  }
.LBB1_3:
0x26: {  	s19 =	sshll.u32 s18, $0xD  }
0x27: {  	s19 =	sand.u32 $0x3FFFE000, s19  }
0x28: {  	s21 =	sadd.s32 s19, s17  }
0x29: {  	s31 =	smul.u32 $0x8100, s18;
	v3 =	vld [tilespmem:s21+$0x10]  }
0x2a: {  	v1 =	vld [tilespmem:s21+$0xFFFFFFF0]  }
0x2b: {  	s18 =	sshra.s32 s31, $0x2;
	v0 =	vld [tilespmem:s21+$0x0]  }
0x2c: {  	s18 =	sadd.s32 s18, s16;
	v2 =	vld [tilespmem:s21+$0xFFFFFFE0]  }
0x2d: {  	s19 =	sadd.s32 $0x0, s18  }
0x2e: {  	p1 =	por p2, p2;
	s20 =	simm.s32 $0x4;
	s21 =	sadd.s32 $0x40, s21;
	[tilespmem:s19+$0x1830 ss:$0x81] =	vst.msk $0xffff, v3  }
.LBB1_4:
0x2f: {  	v3 =	vld [tilespmem:s21+$0x10];
	p2 =	sne.s32 s20, $0x1FC;
	[tilespmem:s19+$0x810 ss:$0x81] =	vst.msk $0xffff, v1;
	s22 =	smov.u32 s20;
	s20 =	sadd.s32 $0x4, s20  }
.Ltmp3:
0x30: {  	v1 =	vld [tilespmem:s21+$0xFFFFFFF0];
	[tilespmem:s19+$0x1020 ss:$0x81] =	vst.msk $0xffff, v0;
	(pc) =	sbr.rel @p2 .LBB1_4-.Ltmp3, $4  }
0x31: {  	v0 =	vld [tilespmem:s21+$0x0];
	[tilespmem:s19+$0x0 ss:$0x81] =	vst.msk $0xffff, v2  }
0x32: {  	s19 =	sshra.s32 s22, $0x2;
	v2 =	vld [tilespmem:s21+$0xFFFFFFE0]  }
0x33: {  	s19 =	sadd.s32 s19, s18  }
0x34: {  	s21 =	sadd.s32 $0x40, s21;
	[tilespmem:s19+$0x1830 ss:$0x81] =	vst.msk $0xffff, v3  }
.Ltmp4:
0x35: {  	(pc) =	sbr.rel @p1 .LBB1_3-.Ltmp4, $4  }
0x36: {  	_ = 	snop  }
0x37: {  	[tilespmem:s19+$0x810 ss:$0x81] =	vst.msk $0xffff, v1  }
0x38: {  	[tilespmem:s19+$0x1020 ss:$0x81] =	vst.msk $0xffff, v0  }
0x39: {  	s18 =	simm.s32 $0x1;
	p2 =	por $0x0, $0x0;
	[tilespmem:s19+$0x0 ss:$0x81] =	vst.msk $0xffff, v2  }
.Ltmp5:
0x3a: {  	(pc) =	sbr.rel .LBB1_7-.Ltmp5, $4  }
0x3b: {  	s14 =	sshll.u32 s14, $0xF  }
0x3c: {  	s14 =	sadd.s32 s3, s14  }
0x3d: {  	s13 =	sadd.s32 s13, s14  }
0x3e: {  	[hbm4b:s13+s9] =	stream.strided.scatter [tilespmem:s15], [sflag:$0x2], $0x4000, s10, s9, $0x20;
	[tilespmem:$0x10100] =	vst v63  }
.LBB1_8:
0x3f: {  	_ =	sfence.sel $0x180000  }
0x40: {  	s2 =	simm.s32 $0x1;
	[bflag:$0x0] =	sbarrier.arrive $0xFFFF  }
0x41: {  	s31 =	simm.s32 $0x2;
	[sflag:s2] =	ssyncpa.u1 $0x1  }
0x42: {  	[sflag:s31] =	ssyncpa.u1 $0x1  }
0x43: {  	p0 =	sne.s32 s0, $0x0;
	_ =	strace $0x9000004A  }
0x44: {  	s0 =	sadd.s32 @!p0 $0x100000, s1;
	[bflag:$0x2] =	sbarrier.arrive $0xFFFF  }
0x45: {  	[sflag:s0] =	ssyncadd.tile.s32 @!p0 $0x1;
	_ =	shalt  }
.Lfunc_end1:
_tile_overlayer_lowered:
.L_overlay_start_2:
0x46: {  	(tag) =	ssettag $0x2  }
0x47: {  	s0 =	rddreg [dreg:$0x0];
	s2 =	stileid.u32  }
0x48: {  	s1 =	rddreg [dreg:$0x1];
	p0 =	sne.s32 s2, $0x0  }
0x49: {  	s3 =	rddreg [dreg:$0x2];
	[bflag:$0x3] =	sbarrier.arrive $0xFFFF;
	s2 =	simm.s32 @!p0 $0x1C01  }
0x4a: {  	[timem:s3], [sflag:s2] =	dma.local @!p0 [hbm:s0], s1  }
0x4b: {  	s0 =	simm.s32 @!p0 $0x1  }
0x4c: {  	_ =	swait.ge @!p0 [sflag:s0], s1  }
0x4d: {  	s1 =	ssub.s32 @!p0 $0x0, s1;
	[sflag:s0] =	ssyncset.done @!p0 $0x0  }
0x4e: {  	[sflag:s0] =	ssyncadd.s32 @!p0 s1  }
0x4f: {  	[bflag:$0x3] =	sbarrier.arrive $0xFFFF  }
0x50: {  	_ =	shalt  }

</sc_bundles>
